<compile_context>
chip_gen: v7x
topology: tpu7x:2x2x1
jax: 0.10.2.dev20260603
libtpu: 0.0.44.dev20260713+nightly
codegen_flags: <defaults>
</compile_context>

<pallas_src>
import jax
import jax.numpy as jnp
from jax import lax
from jax.experimental import pallas as pl
from jax.experimental.pallas import tpu as pltpu
from jax.experimental.pallas import tpu_sc as plsc

B = 16384
S = 50
D = 32
NC = 2
NS = 16
NW = NC * NS
PW = B // NW
CB = 32
NCHUNK = PW // CB
NPAIR = NCHUNK // 2
L = 16
FLAT = CB * S
FPAD = 1664
NROW = B // CB
GROUP = 8
NG = CB // GROUP
NV = GROUP * S // L


def _pack_body(ids_hbm, out_hbm, stage_v, flat_v):
    wid = lax.axis_index("s") * NC + lax.axis_index("c")
    iota = lax.iota(jnp.int32, L)

    def row_body(jj, carry):
        j = wid * NCHUNK + jj
        pltpu.sync_copy(ids_hbm.at[pl.ds(j * CB, CB), :], stage_v)
        for k in range(NG):
            for t in range(NV):
                q0 = 16 * t
                r0, c0 = q0 // S, q0 % S
                cut = S - c0
                if cut >= L:
                    r = jnp.full((L,), r0 + GROUP * k, jnp.int32)
                    c = iota + c0
                else:
                    ge = (iota >= cut).astype(jnp.int32)
                    r = ge + (r0 + GROUP * k)
                    c = iota + c0 - S * ge
                v = plsc.load_gather(stage_v, [r, c])
                flat_v[pl.ds(k * GROUP * S + 16 * t, L)] = v
        for z in range(FLAT, FPAD, L):
            flat_v[pl.ds(z, L)] = iota + z
        pltpu.sync_copy(flat_v, out_hbm.at[pl.ds(j * FPAD, FPAD)])
        return carry

    lax.fori_loop(0, NCHUNK, row_body, 0)


def _pool_body(ids2_hbm, table_hbm, out_hbm,
               idx0, idx1, rows0, rows1, acc0, acc1, sem0, sem1):
    wid = lax.axis_index("s") * NC + lax.axis_index("c")
    inv = jnp.float32(1.0 / S)

    def stage_and_fire(c, idx_v, rows_v, sem):
        j = wid * NCHUNK + c
        pltpu.sync_copy(ids2_hbm.at[pl.ds(j * FPAD, FPAD)], idx_v)
        pltpu.async_copy(table_hbm.at[idx_v], rows_v, sem)

    def pool(c, idx_v, rows_v, acc_v, sem):
        pltpu.make_async_copy(table_hbm.at[idx_v], rows_v, sem).wait()

        def row_body(g, carry2):
            r = g * S
            a0 = rows_v[r, pl.ds(0, L)]
            a1 = rows_v[r, pl.ds(L, L)]
            for s in range(1, S):
                a0 = a0 + rows_v[r + s, pl.ds(0, L)]
                a1 = a1 + rows_v[r + s, pl.ds(L, L)]
            acc_v[g, pl.ds(0, L)] = a0 * inv
            acc_v[g, pl.ds(L, L)] = a1 * inv
            return carry2

        lax.fori_loop(0, CB, row_body, 0)
        base_rows = wid * PW + c * CB
        pltpu.sync_copy(acc_v, out_hbm.at[pl.ds(base_rows, CB)])

    stage_and_fire(0, idx0, rows0, sem0)

    def pair_body(i, carry):
        c0 = 2 * i
        stage_and_fire(c0 + 1, idx1, rows1, sem1)
        pool(c0, idx0, rows0, acc0, sem0)

        @pl.when(i + 1 < NPAIR)
        def _():
            stage_and_fire(c0 + 2, idx0, rows0, sem0)

        pool(c0 + 1, idx1, rows1, acc1, sem1)
        return carry

    lax.fori_loop(0, NPAIR, pair_body, 0)


@jax.jit
def _encode(ids, table):
    mesh = plsc.VectorSubcoreMesh(core_axis_name="c", subcore_axis_name="s")
    ids2 = pl.kernel(
        _pack_body,
        out_type=jax.ShapeDtypeStruct((NROW * FPAD,), jnp.int32),
        mesh=mesh,
        scratch_types=[
            pltpu.VMEM((CB, S), jnp.int32),
            pltpu.VMEM((FPAD,), jnp.int32),
        ],
        compiler_params=pltpu.CompilerParams(
            use_tc_tiling_on_sc=True, needs_layout_passes=False),
    )(ids)
    return pl.kernel(
        _pool_body,
        out_type=jax.ShapeDtypeStruct((B, D), jnp.float32),
        mesh=mesh,
        scratch_types=[
            pltpu.VMEM((FPAD,), jnp.int32),
            pltpu.VMEM((FPAD,), jnp.int32),
            pltpu.VMEM((FPAD, D), jnp.float32),
            pltpu.VMEM((FPAD, D), jnp.float32),
            pltpu.VMEM((CB, D), jnp.float32),
            pltpu.VMEM((CB, D), jnp.float32),
            pltpu.SemaphoreType.DMA,
            pltpu.SemaphoreType.DMA,
        ],
        compiler_params=pltpu.CompilerParams(use_tc_tiling_on_sc=False),
    )(ids2, table)


def kernel(prompt_ids, table):
    return _encode(prompt_ids.astype(jnp.int32), table)

# --- scband reference (transcript-rebuilt; emitter-appended) ---
"""Pipeline reference for scband-prompt-encoder-4475355922872 (READ-ONLY COPY).

The authoritative reference and input builder live on the scoring server;
editing this copy changes nothing except your own understanding.
"""

import jax, jax.numpy as jnp
import numpy as np

VOCAB = 1000000
EMBED = 32
BATCH = 16384
SEQ = 50

def setup_inputs(seed: int = 0) -> dict:
    key = jax.random.key(seed)
    k1, k2 = jax.random.split(key)
    prompt_ids = jax.random.randint(k1, (BATCH, SEQ), 0, VOCAB, dtype=jnp.int64 if jax.config.jax_enable_x64 else jnp.int32)
    table = jax.random.normal(k2, (VOCAB, EMBED), dtype=jnp.float32)
    return {"prompt_ids": prompt_ids, "table": table}

def reference(prompt_ids, table):
    # embeds = embedding(prompt_ids); return embeds.mean(dim=1)
    embeds = jnp.take(table, prompt_ids, axis=0)  # [B, S, D]
    return embeds.mean(axis=1)  # [B, D]

if __name__ == "__main__":
    import jax
    _d = setup_inputs()
    print(jax.jit(kernel)(*tuple(_d.values())))

</pallas_src>

<mosaic_0001>
#map = affine_map<(d0, d1) -> (0, 0)>
#map1 = affine_map<(d0, d1) -> (0)>
module attributes {stable_mosaic.version = 14 : i64} {
  func.func @_pack_body(%arg0: i32, %arg1: i32, %arg2: memref<16384x50xi32, #tpu.memory_space<hbm>>, %arg3: memref<851968xi32, #tpu.memory_space<hbm>>, %arg4: memref<32x50xi32, #tpu.memory_space<vmem>>, %arg5: memref<1664xi32, #tpu.memory_space<vmem>>) attributes {dimension_semantics = [#tpu.dimension_semantics<core_parallel>, #tpu.dimension_semantics<subcore_parallel>], iteration_bounds = array<i64: 2, 16>, scalar_prefetch = 0 : i64, scratch_operands = 2 : i64, tpu.core_type = #tpu.core_type<sc_vector_subcore>, window_params = [{transform_indices = #map}, {transform_indices = #map1}]} {
    %mul3A = arith.constant 2 : i32
    %mul3A_0 = arith.muli %arg1, %mul3A : i32
    %add3A = arith.addi %mul3A_0, %arg0 : i32
    %iota3A = tpu.iota {dimensions = array<i32: 0>} : vector<16xi32>
    %scan3A = arith.constant 0 : i32
    %scan3A_1 = arith.constant 0 : i32
    %scan3A_2 = arith.constant 16 : i32
    %scan3A_3 = arith.addi %scan3A_1, %scan3A_2 : i32
    %scan3A_4 = arith.constant 1 : i32
    scf.for %scan3A_6 = %scan3A_1 to %scan3A_3 step %scan3A_4  : i32 {
      %mul3A_7 = arith.constant 16 : i32
      %mul3A_8 = arith.muli %add3A, %mul3A_7 : i32
      %add3A_9 = arith.addi %mul3A_8, %scan3A_6 : i32
      %mul3A_10 = arith.constant 32 : i32
      %mul3A_11 = arith.muli %add3A_9, %mul3A_10 : i32
      "tpu.region"() ({
        %run_scoped3A = tpu.sem_alloc : memref<!tpu.dma_semaphore, #tpu.memory_space<semaphore_mem>>
        %dma_start3A = arith.constant 0 : i32
        %dma_start3A_1080 = tpu.memref_slice %arg2[%mul3A_11, %dma_start3A] : memref<16384x50xi32, #tpu.memory_space<hbm>> -> memref<32x50xi32, #tpu.memory_space<hbm>>
        %dma_start3A_1081 = arith.constant 0 : i32
        %dma_start3A_1082 = tpu.memref_slice %arg2[%mul3A_11, %dma_start3A_1081] : memref<16384x50xi32, #tpu.memory_space<hbm>> -> memref<32x50xi32, #tpu.memory_space<hbm>>
        tpu.enqueue_dma source(%dma_start3A_1082 : memref<32x50xi32, #tpu.memory_space<hbm>>) target(%arg4 : memref<32x50xi32, #tpu.memory_space<vmem>>) target_semaphore(%run_scoped3A : memref<!tpu.dma_semaphore, #tpu.memory_space<semaphore_mem>>)
        %dma_wait3A = arith.constant 0 : i32
        %dma_wait3A_1083 = tpu.memref_slice %arg2[%mul3A_11, %dma_wait3A] : memref<16384x50xi32, #tpu.memory_space<hbm>> -> memref<32x50xi32, #tpu.memory_space<hbm>>
        %dma_wait3A_1084 = arith.constant 0 : i32
        %dma_wait3A_1085 = tpu.memref_slice %arg2[%mul3A_11, %dma_wait3A_1084] : memref<16384x50xi32, #tpu.memory_space<hbm>> -> memref<32x50xi32, #tpu.memory_space<hbm>>
        tpu.wait_dma2 semaphore(%run_scoped3A : memref<!tpu.dma_semaphore, #tpu.memory_space<semaphore_mem>>) src(%dma_wait3A_1085 : memref<32x50xi32, #tpu.memory_space<hbm>>) dst(%arg4 : memref<32x50xi32, #tpu.memory_space<vmem>>)
        tpu.yield
      }) : () -> ()
      %broadcast_in_dim3A = arith.constant 0 : i32
      %broadcast_in_dim3A_12 = vector.broadcast %broadcast_in_dim3A : i32 to vector<16xi32>
      %add3A_13 = arith.constant 0 : i32
      %add3A_14 = vector.broadcast %add3A_13 : i32 to vector<16xi32>
      %add3A_15 = arith.addi %iota3A, %add3A_14 : vector<16xi32>
      %gather3A = tpu.vector_load_idx %arg4[%broadcast_in_dim3A_12, %add3A_15] : memref<32x50xi32, #tpu.memory_space<vmem>>[vector<16xi32>, vector<16xi32>], vector<16xi32>,
      %swap3A = arith.constant 0 : index
      %swap3A_16 = tpu.vector_load %arg5[%swap3A] {strides = array<i32>} : memref<1664xi32, #tpu.memory_space<vmem>>, vector<16xi32>,
      tpu.vector_store %arg5[%swap3A], %gather3A {strides = array<i32>} : memref<1664xi32, #tpu.memory_space<vmem>>, vector<16xi32>,
      %broadcast_in_dim3A_17 = arith.constant 0 : i32
      %broadcast_in_dim3A_18 = vector.broadcast %broadcast_in_dim3A_17 : i32 to vector<16xi32>
      %add3A_19 = arith.constant 16 : i32
      %add3A_20 = vector.broadcast %add3A_19 : i32 to vector<16xi32>
      %add3A_21 = arith.addi %iota3A, %add3A_20 : vector<16xi32>
      %gather3A_22 = tpu.vector_load_idx %arg4[%broadcast_in_dim3A_18, %add3A_21] : memref<32x50xi32, #tpu.memory_space<vmem>>[vector<16xi32>, vector<16xi32>], vector<16xi32>,
      %swap3A_23 = arith.constant 16 : index
      %swap3A_24 = tpu.vector_load %arg5[%swap3A_23] {strides = array<i32>} : memref<1664xi32, #tpu.memory_space<vmem>>, vector<16xi32>,
      tpu.vector_store %arg5[%swap3A_23], %gather3A_22 {strides = array<i32>} : memref<1664xi32, #tpu.memory_space<vmem>>, vector<16xi32>,
      %broadcast_in_dim3A_25 = arith.constant 0 : i32
      %broadcast_in_dim3A_26 = vector.broadcast %broadcast_in_dim3A_25 : i32 to vector<16xi32>
      %add3A_27 = arith.constant 32 : i32
      %add3A_28 = vector.broadcast %add3A_27 : i32 to vector<16xi32>
      %add3A_29 = arith.addi %iota3A, %add3A_28 : vector<16xi32>
      %gather3A_30 = tpu.vector_load_idx %arg4[%broadcast_in_dim3A_26, %add3A_29] : memref<32x50xi32, #tpu.memory_space<vmem>>[vector<16xi32>, vector<16xi32>], vector<16xi32>,
      %swap3A_31 = arith.constant 32 : index
      %swap3A_32 = tpu.vector_load %arg5[%swap3A_31] {strides = array<i32>} : memref<1664xi32, #tpu.memory_space<vmem>>, vector<16xi32>,
      tpu.vector_store %arg5[%swap3A_31], %gather3A_30 {strides = array<i32>} : memref<1664xi32, #tpu.memory_space<vmem>>, vector<16xi32>,
      %ge3A = arith.constant 2 : i32
      %ge3A_33 = vector.broadcast %ge3A : i32 to vector<16xi32>
      %ge3A_34 = arith.cmpi sge, %iota3A, %ge3A_33 : vector<16xi32>
      %convert_element_type3A = arith.extui %ge3A_34 : vector<16xi1> to vector<16xi32>
      %add3A_35 = arith.constant 0 : i32
      %add3A_36 = vector.broadcast %add3A_35 : i32 to vector<16xi32>
      %add3A_37 = arith.addi %convert_element_type3A, %add3A_36 : vector<16xi32>
      %add3A_38 = arith.constant 48 : i32
      %add3A_39 = vector.broadcast %add3A_38 : i32 to vector<16xi32>
      %add3A_40 = arith.addi %iota3A, %add3A_39 : vector<16xi32>
      %mul3A_41 = arith.constant 50 : i32
      %mul3A_42 = vector.broadcast %mul3A_41 : i32 to vector<16xi32>
      %mul3A_43 = arith.muli %mul3A_42, %convert_element_type3A : vector<16xi32>
      %sub3A = arith.subi %add3A_40, %mul3A_43 : vector<16xi32>
      %gather3A_44 = tpu.vector_load_idx %arg4[%add3A_37, %sub3A] : memref<32x50xi32, #tpu.memory_space<vmem>>[vector<16xi32>, vector<16xi32>], vector<16xi32>,
      %swap3A_45 = arith.constant 48 : index
      %swap3A_46 = tpu.vector_load %arg5[%swap3A_45] {strides = array<i32>} : memref<1664xi32, #tpu.memory_space<vmem>>, vector<16xi32>,
      tpu.vector_store %arg5[%swap3A_45], %gather3A_44 {strides = array<i32>} : memref<1664xi32, #tpu.memory_space<vmem>>, vector<16xi32>,
      %broadcast_in_dim3A_47 = arith.constant 1 : i32
      %broadcast_in_dim3A_48 = vector.broadcast %broadcast_in_dim3A_47 : i32 to vector<16xi32>
      %add3A_49 = arith.constant 14 : i32
      %add3A_50 = vector.broadcast %add3A_49 : i32 to vector<16xi32>
      %add3A_51 = arith.addi %iota3A, %add3A_50 : vector<16xi32>
      %gather3A_52 = tpu.vector_load_idx %arg4[%broadcast_in_dim3A_48, %add3A_51] : memref<32x50xi32, #tpu.memory_space<vmem>>[vector<16xi32>, vector<16xi32>], vector<16xi32>,
      %swap3A_53 = arith.constant 64 : index
      %swap3A_54 = tpu.vector_load %arg5[%swap3A_53] {strides = array<i32>} : memref<1664xi32, #tpu.memory_space<vmem>>, vector<16xi32>,
      tpu.vector_store %arg5[%swap3A_53], %gather3A_52 {strides = array<i32>} : memref<1664xi32, #tpu.memory_space<vmem>>, vector<16xi32>,
      %broadcast_in_dim3A_55 = arith.constant 1 : i32
      %broadcast_in_dim3A_56 = vector.broadcast %broadcast_in_dim3A_55 : i32 to vector<16xi32>
      %add3A_57 = arith.constant 30 : i32
      %add3A_58 = vector.broadcast %add3A_57 : i32 to vector<16xi32>
      %add3A_59 = arith.addi %iota3A, %add3A_58 : vector<16xi32>
      %gather3A_60 = tpu.vector_load_idx %arg4[%broadcast_in_dim3A_56, %add3A_59] : memref<32x50xi32, #tpu.memory_space<vmem>>[vector<16xi32>, vector<16xi32>], vector<16xi32>,
      %swap3A_61 = arith.constant 80 : index
      %swap3A_62 = tpu.vector_load %arg5[%swap3A_61] {strides = array<i32>} : memref<1664xi32, #tpu.memory_space<vmem>>, vector<16xi32>,
      tpu.vector_store %arg5[%swap3A_61], %gather3A_60 {strides = array<i32>} : memref<1664xi32, #tpu.memory_space<vmem>>, vector<16xi32>,
      %ge3A_63 = arith.constant 4 : i32
      %ge3A_64 = vector.broadcast %ge3A_63 : i32 to vector<16xi32>
      %ge3A_65 = arith.cmpi sge, %iota3A, %ge3A_64 : vector<16xi32>
      %convert_element_type3A_66 = arith.extui %ge3A_65 : vector<16xi1> to vector<16xi32>
      %add3A_67 = arith.constant 1 : i32
      %add3A_68 = vector.broadcast %add3A_67 : i32 to vector<16xi32>
      %add3A_69 = arith.addi %convert_element_type3A_66, %add3A_68 : vector<16xi32>
      %add3A_70 = arith.constant 46 : i32
      %add3A_71 = vector.broadcast %add3A_70 : i32 to vector<16xi32>
      %add3A_72 = arith.addi %iota3A, %add3A_71 : vector<16xi32>
      %mul3A_73 = arith.constant 50 : i32
      %mul3A_74 = vector.broadcast %mul3A_73 : i32 to vector<16xi32>
      %mul3A_75 = arith.muli %mul3A_74, %convert_element_type3A_66 : vector<16xi32>
      %sub3A_76 = arith.subi %add3A_72, %mul3A_75 : vector<16xi32>
      %gather3A_77 = tpu.vector_load_idx %arg4[%add3A_69, %sub3A_76] : memref<32x50xi32, #tpu.memory_space<vmem>>[vector<16xi32>, vector<16xi32>], vector<16xi32>,
      %swap3A_78 = arith.constant 96 : index
      %swap3A_79 = tpu.vector_load %arg5[%swap3A_78] {strides = array<i32>} : memref<1664xi32, #tpu.memory_space<vmem>>, vector<16xi32>,
      tpu.vector_store %arg5[%swap3A_78], %gather3A_77 {strides = array<i32>} : memref<1664xi32, #tpu.memory_space<vmem>>, vector<16xi32>,
      %broadcast_in_dim3A_80 = arith.constant 2 : i32
      %broadcast_in_dim3A_81 = vector.broadcast %broadcast_in_dim3A_80 : i32 to vector<16xi32>
      %add3A_82 = arith.constant 12 : i32
      %add3A_83 = vector.broadcast %add3A_82 : i32 to vector<16xi32>
      %add3A_84 = arith.addi %iota3A, %add3A_83 : vector<16xi32>
      %gather3A_85 = tpu.vector_load_idx %arg4[%broadcast_in_dim3A_81, %add3A_84] : memref<32x50xi32, #tpu.memory_space<vmem>>[vector<16xi32>, vector<16xi32>], vector<16xi32>,
      %swap3A_86 = arith.constant 112 : index
      %swap3A_87 = tpu.vector_load %arg5[%swap3A_86] {strides = array<i32>} : memref<1664xi32, #tpu.memory_space<vmem>>, vector<16xi32>,
      tpu.vector_store %arg5[%swap3A_86], %gather3A_85 {strides = array<i32>} : memref<1664xi32, #tpu.memory_space<vmem>>, vector<16xi32>,
      %broadcast_in_dim3A_88 = arith.constant 2 : i32
      %broadcast_in_dim3A_89 = vector.broadcast %broadcast_in_dim3A_88 : i32 to vector<16xi32>
      %add3A_90 = arith.constant 28 : i32
      %add3A_91 = vector.broadcast %add3A_90 : i32 to vector<16xi32>
      %add3A_92 = arith.addi %iota3A, %add3A_91 : vector<16xi32>
      %gather3A_93 = tpu.vector_load_idx %arg4[%broadcast_in_dim3A_89, %add3A_92] : memref<32x50xi32, #tpu.memory_space<vmem>>[vector<16xi32>, vector<16xi32>], vector<16xi32>,
      %swap3A_94 = arith.constant 128 : index
      %swap3A_95 = tpu.vector_load %arg5[%swap3A_94] {strides = array<i32>} : memref<1664xi32, #tpu.memory_space<vmem>>, vector<16xi32>,
      tpu.vector_store %arg5[%swap3A_94], %gather3A_93 {strides = array<i32>} : memref<1664xi32, #tpu.memory_space<vmem>>, vector<16xi32>,
      %ge3A_96 = arith.constant 6 : i32
      %ge3A_97 = vector.broadcast %ge3A_96 : i32 to vector<16xi32>
      %ge3A_98 = arith.cmpi sge, %iota3A, %ge3A_97 : vector<16xi32>
      %convert_element_type3A_99 = arith.extui %ge3A_98 : vector<16xi1> to vector<16xi32>
      %add3A_100 = arith.constant 2 : i32
      %add3A_101 = vector.broadcast %add3A_100 : i32 to vector<16xi32>
      %add3A_102 = arith.addi %convert_element_type3A_99, %add3A_101 : vector<16xi32>
      %add3A_103 = arith.constant 44 : i32
      %add3A_104 = vector.broadcast %add3A_103 : i32 to vector<16xi32>
      %add3A_105 = arith.addi %iota3A, %add3A_104 : vector<16xi32>
      %mul3A_106 = arith.constant 50 : i32
      %mul3A_107 = vector.broadcast %mul3A_106 : i32 to vector<16xi32>
      %mul3A_108 = arith.muli %mul3A_107, %convert_element_type3A_99 : vector<16xi32>
      %sub3A_109 = arith.subi %add3A_105, %mul3A_108 : vector<16xi32>
      %gather3A_110 = tpu.vector_load_idx %arg4[%add3A_102, %sub3A_109] : memref<32x50xi32, #tpu.memory_space<vmem>>[vector<16xi32>, vector<16xi32>], vector<16xi32>,
      %swap3A_111 = arith.constant 144 : index
      %swap3A_112 = tpu.vector_load %arg5[%swap3A_111] {strides = array<i32>} : memref<1664xi32, #tpu.memory_space<vmem>>, vector<16xi32>,
      tpu.vector_store %arg5[%swap3A_111], %gather3A_110 {strides = array<i32>} : memref<1664xi32, #tpu.memory_space<vmem>>, vector<16xi32>,
      %broadcast_in_dim3A_113 = arith.constant 3 : i32
      %broadcast_in_dim3A_114 = vector.broadcast %broadcast_in_dim3A_113 : i32 to vector<16xi32>
      %add3A_115 = arith.constant 10 : i32
      %add3A_116 = vector.broadcast %add3A_115 : i32 to vector<16xi32>
      %add3A_117 = arith.addi %iota3A, %add3A_116 : vector<16xi32>
      %gather3A_118 = tpu.vector_load_idx %arg4[%broadcast_in_dim3A_114, %add3A_117] : memref<32x50xi32, #tpu.memory_space<vmem>>[vector<16xi32>, vector<16xi32>], vector<16xi32>,
      %swap3A_119 = arith.constant 160 : index
      %swap3A_120 = tpu.vector_load %arg5[%swap3A_119] {strides = array<i32>} : memref<1664xi32, #tpu.memory_space<vmem>>, vector<16xi32>,
      tpu.vector_store %arg5[%swap3A_119], %gather3A_118 {strides = array<i32>} : memref<1664xi32, #tpu.memory_space<vmem>>, vector<16xi32>,
      %broadcast_in_dim3A_121 = arith.constant 3 : i32
      %broadcast_in_dim3A_122 = vector.broadcast %broadcast_in_dim3A_121 : i32 to vector<16xi32>
      %add3A_123 = arith.constant 26 : i32
      %add3A_124 = vector.broadcast %add3A_123 : i32 to vector<16xi32>
      %add3A_125 = arith.addi %iota3A, %add3A_124 : vector<16xi32>
      %gather3A_126 = tpu.vector_load_idx %arg4[%broadcast_in_dim3A_122, %add3A_125] : memref<32x50xi32, #tpu.memory_space<vmem>>[vector<16xi32>, vector<16xi32>], vector<16xi32>,
      %swap3A_127 = arith.constant 176 : index
      %swap3A_128 = tpu.vector_load %arg5[%swap3A_127] {strides = array<i32>} : memref<1664xi32, #tpu.memory_space<vmem>>, vector<16xi32>,
      tpu.vector_store %arg5[%swap3A_127], %gather3A_126 {strides = array<i32>} : memref<1664xi32, #tpu.memory_space<vmem>>, vector<16xi32>,
      %ge3A_129 = arith.constant 8 : i32
      %ge3A_130 = vector.broadcast %ge3A_129 : i32 to vector<16xi32>
      %ge3A_131 = arith.cmpi sge, %iota3A, %ge3A_130 : vector<16xi32>
      %convert_element_type3A_132 = arith.extui %ge3A_131 : vector<16xi1> to vector<16xi32>
      %add3A_133 = arith.constant 3 : i32
      %add3A_134 = vector.broadcast %add3A_133 : i32 to vector<16xi32>
      %add3A_135 = arith.addi %convert_element_type3A_132, %add3A_134 : vector<16xi32>
      %add3A_136 = arith.constant 42 : i32
      %add3A_137 = vector.broadcast %add3A_136 : i32 to vector<16xi32>
      %add3A_138 = arith.addi %iota3A, %add3A_137 : vector<16xi32>
      %mul3A_139 = arith.constant 50 : i32
      %mul3A_140 = vector.broadcast %mul3A_139 : i32 to vector<16xi32>
      %mul3A_141 = arith.muli %mul3A_140, %convert_element_type3A_132 : vector<16xi32>
      %sub3A_142 = arith.subi %add3A_138, %mul3A_141 : vector<16xi32>
      %gather3A_143 = tpu.vector_load_idx %arg4[%add3A_135, %sub3A_142] : memref<32x50xi32, #tpu.memory_space<vmem>>[vector<16xi32>, vector<16xi32>], vector<16xi32>,
      %swap3A_144 = arith.constant 192 : index
      %swap3A_145 = tpu.vector_load %arg5[%swap3A_144] {strides = array<i32>} : memref<1664xi32, #tpu.memory_space<vmem>>, vector<16xi32>,
      tpu.vector_store %arg5[%swap3A_144], %gather3A_143 {strides = array<i32>} : memref<1664xi32, #tpu.memory_space<vmem>>, vector<16xi32>,
      %broadcast_in_dim3A_146 = arith.constant 4 : i32
      %broadcast_in_dim3A_147 = vector.broadcast %broadcast_in_dim3A_146 : i32 to vector<16xi32>
      %add3A_148 = arith.constant 8 : i32
      %add3A_149 = vector.broadcast %add3A_148 : i32 to vector<16xi32>
      %add3A_150 = arith.addi %iota3A, %add3A_149 : vector<16xi32>
      %gather3A_151 = tpu.vector_load_idx %arg4[%broadcast_in_dim3A_147, %add3A_150] : memref<32x50xi32, #tpu.memory_space<vmem>>[vector<16xi32>, vector<16xi32>], vector<16xi32>,
      %swap3A_152 = arith.constant 208 : index
      %swap3A_153 = tpu.vector_load %arg5[%swap3A_152] {strides = array<i32>} : memref<1664xi32, #tpu.memory_space<vmem>>, vector<16xi32>,
      tpu.vector_store %arg5[%swap3A_152], %gather3A_151 {strides = array<i32>} : memref<1664xi32, #tpu.memory_space<vmem>>, vector<16xi32>,
      %broadcast_in_dim3A_154 = arith.constant 4 : i32
      %broadcast_in_dim3A_155 = vector.broadcast %broadcast_in_dim3A_154 : i32 to vector<16xi32>
      %add3A_156 = arith.constant 24 : i32
      %add3A_157 = vector.broadcast %add3A_156 : i32 to vector<16xi32>
      %add3A_158 = arith.addi %iota3A, %add3A_157 : vector<16xi32>
      %gather3A_159 = tpu.vector_load_idx %arg4[%broadcast_in_dim3A_155, %add3A_158] : memref<32x50xi32, #tpu.memory_space<vmem>>[vector<16xi32>, vector<16xi32>], vector<16xi32>,
      %swap3A_160 = arith.constant 224 : index
      %swap3A_161 = tpu.vector_load %arg5[%swap3A_160] {strides = array<i32>} : memref<1664xi32, #tpu.memory_space<vmem>>, vector<16xi32>,
      tpu.vector_store %arg5[%swap3A_160], %gather3A_159 {strides = array<i32>} : memref<1664xi32, #tpu.memory_space<vmem>>, vector<16xi32>,
      %ge3A_162 = arith.constant 10 : i32
      %ge3A_163 = vector.broadcast %ge3A_162 : i32 to vector<16xi32>
      %ge3A_164 = arith.cmpi sge, %iota3A, %ge3A_163 : vector<16xi32>
      %convert_element_type3A_165 = arith.extui %ge3A_164 : vector<16xi1> to vector<16xi32>
      %add3A_166 = arith.constant 4 : i32
      %add3A_167 = vector.broadcast %add3A_166 : i32 to vector<16xi32>
      %add3A_168 = arith.addi %convert_element_type3A_165, %add3A_167 : vector<16xi32>
      %add3A_169 = arith.constant 40 : i32
      %add3A_170 = vector.broadcast %add3A_169 : i32 to vector<16xi32>
      %add3A_171 = arith.addi %iota3A, %add3A_170 : vector<16xi32>
      %mul3A_172 = arith.constant 50 : i32
      %mul3A_173 = vector.broadcast %mul3A_172 : i32 to vector<16xi32>
      %mul3A_174 = arith.muli %mul3A_173, %convert_element_type3A_165 : vector<16xi32>
      %sub3A_175 = arith.subi %add3A_171, %mul3A_174 : vector<16xi32>
      %gather3A_176 = tpu.vector_load_idx %arg4[%add3A_168, %sub3A_175] : memref<32x50xi32, #tpu.memory_space<vmem>>[vector<16xi32>, vector<16xi32>], vector<16xi32>,
      %swap3A_177 = arith.constant 240 : index
      %swap3A_178 = tpu.vector_load %arg5[%swap3A_177] {strides = array<i32>} : memref<1664xi32, #tpu.memory_space<vmem>>, vector<16xi32>,
      tpu.vector_store %arg5[%swap3A_177], %gather3A_176 {strides = array<i32>} : memref<1664xi32, #tpu.memory_space<vmem>>, vector<16xi32>,
      %broadcast_in_dim3A_179 = arith.constant 5 : i32
      %broadcast_in_dim3A_180 = vector.broadcast %broadcast_in_dim3A_179 : i32 to vector<16xi32>
      %add3A_181 = arith.constant 6 : i32
      %add3A_182 = vector.broadcast %add3A_181 : i32 to vector<16xi32>
      %add3A_183 = arith.addi %iota3A, %add3A_182 : vector<16xi32>
      %gather3A_184 = tpu.vector_load_idx %arg4[%broadcast_in_dim3A_180, %add3A_183] : memref<32x50xi32, #tpu.memory_space<vmem>>[vector<16xi32>, vector<16xi32>], vector<16xi32>,
      %swap3A_185 = arith.constant 256 : index
      %swap3A_186 = tpu.vector_load %arg5[%swap3A_185] {strides = array<i32>} : memref<1664xi32, #tpu.memory_space<vmem>>, vector<16xi32>,
      tpu.vector_store %arg5[%swap3A_185], %gather3A_184 {strides = array<i32>} : memref<1664xi32, #tpu.memory_space<vmem>>, vector<16xi32>,
      %broadcast_in_dim3A_187 = arith.constant 5 : i32
      %broadcast_in_dim3A_188 = vector.broadcast %broadcast_in_dim3A_187 : i32 to vector<16xi32>
      %add3A_189 = arith.constant 22 : i32
      %add3A_190 = vector.broadcast %add3A_189 : i32 to vector<16xi32>
      %add3A_191 = arith.addi %iota3A, %add3A_190 : vector<16xi32>
      %gather3A_192 = tpu.vector_load_idx %arg4[%broadcast_in_dim3A_188, %add3A_191] : memref<32x50xi32, #tpu.memory_space<vmem>>[vector<16xi32>, vector<16xi32>], vector<16xi32>,
      %swap3A_193 = arith.constant 272 : index
      %swap3A_194 = tpu.vector_load %arg5[%swap3A_193] {strides = array<i32>} : memref<1664xi32, #tpu.memory_space<vmem>>, vector<16xi32>,
      tpu.vector_store %arg5[%swap3A_193], %gather3A_192 {strides = array<i32>} : memref<1664xi32, #tpu.memory_space<vmem>>, vector<16xi32>,
      %ge3A_195 = arith.constant 12 : i32
      %ge3A_196 = vector.broadcast %ge3A_195 : i32 to vector<16xi32>
      %ge3A_197 = arith.cmpi sge, %iota3A, %ge3A_196 : vector<16xi32>
      %convert_element_type3A_198 = arith.extui %ge3A_197 : vector<16xi1> to vector<16xi32>
      %add3A_199 = arith.constant 5 : i32
      %add3A_200 = vector.broadcast %add3A_199 : i32 to vector<16xi32>
      %add3A_201 = arith.addi %convert_element_type3A_198, %add3A_200 : vector<16xi32>
      %add3A_202 = arith.constant 38 : i32
      %add3A_203 = vector.broadcast %add3A_202 : i32 to vector<16xi32>
      %add3A_204 = arith.addi %iota3A, %add3A_203 : vector<16xi32>
      %mul3A_205 = arith.constant 50 : i32
      %mul3A_206 = vector.broadcast %mul3A_205 : i32 to vector<16xi32>
      %mul3A_207 = arith.muli %mul3A_206, %convert_element_type3A_198 : vector<16xi32>
      %sub3A_208 = arith.subi %add3A_204, %mul3A_207 : vector<16xi32>
      %gather3A_209 = tpu.vector_load_idx %arg4[%add3A_201, %sub3A_208] : memref<32x50xi32, #tpu.memory_space<vmem>>[vector<16xi32>, vector<16xi32>], vector<16xi32>,
      %swap3A_210 = arith.constant 288 : index
      %swap3A_211 = tpu.vector_load %arg5[%swap3A_210] {strides = array<i32>} : memref<1664xi32, #tpu.memory_space<vmem>>, vector<16xi32>,
      tpu.vector_store %arg5[%swap3A_210], %gather3A_209 {strides = array<i32>} : memref<1664xi32, #tpu.memory_space<vmem>>, vector<16xi32>,
      %broadcast_in_dim3A_212 = arith.constant 6 : i32
      %broadcast_in_dim3A_213 = vector.broadcast %broadcast_in_dim3A_212 : i32 to vector<16xi32>
      %add3A_214 = arith.constant 4 : i32
      %add3A_215 = vector.broadcast %add3A_214 : i32 to vector<16xi32>
      %add3A_216 = arith.addi %iota3A, %add3A_215 : vector<16xi32>
      %gather3A_217 = tpu.vector_load_idx %arg4[%broadcast_in_dim3A_213, %add3A_216] : memref<32x50xi32, #tpu.memory_space<vmem>>[vector<16xi32>, vector<16xi32>], vector<16xi32>,
      %swap3A_218 = arith.constant 304 : index
      %swap3A_219 = tpu.vector_load %arg5[%swap3A_218] {strides = array<i32>} : memref<1664xi32, #tpu.memory_space<vmem>>, vector<16xi32>,
      tpu.vector_store %arg5[%swap3A_218], %gather3A_217 {strides = array<i32>} : memref<1664xi32, #tpu.memory_space<vmem>>, vector<16xi32>,
      %broadcast_in_dim3A_220 = arith.constant 6 : i32
      %broadcast_in_dim3A_221 = vector.broadcast %broadcast_in_dim3A_220 : i32 to vector<16xi32>
      %add3A_222 = arith.constant 20 : i32
      %add3A_223 = vector.broadcast %add3A_222 : i32 to vector<16xi32>
      %add3A_224 = arith.addi %iota3A, %add3A_223 : vector<16xi32>
      %gather3A_225 = tpu.vector_load_idx %arg4[%broadcast_in_dim3A_221, %add3A_224] : memref<32x50xi32, #tpu.memory_space<vmem>>[vector<16xi32>, vector<16xi32>], vector<16xi32>,
      %swap3A_226 = arith.constant 320 : index
      %swap3A_227 = tpu.vector_load %arg5[%swap3A_226] {strides = array<i32>} : memref<1664xi32, #tpu.memory_space<vmem>>, vector<16xi32>,
      tpu.vector_store %arg5[%swap3A_226], %gather3A_225 {strides = array<i32>} : memref<1664xi32, #tpu.memory_space<vmem>>, vector<16xi32>,
      %ge3A_228 = arith.constant 14 : i32
      %ge3A_229 = vector.broadcast %ge3A_228 : i32 to vector<16xi32>
      %ge3A_230 = arith.cmpi sge, %iota3A, %ge3A_229 : vector<16xi32>
      %convert_element_type3A_231 = arith.extui %ge3A_230 : vector<16xi1> to vector<16xi32>
      %add3A_232 = arith.constant 6 : i32
      %add3A_233 = vector.broadcast %add3A_232 : i32 to vector<16xi32>
      %add3A_234 = arith.addi %convert_element_type3A_231, %add3A_233 : vector<16xi32>
      %add3A_235 = arith.constant 36 : i32
      %add3A_236 = vector.broadcast %add3A_235 : i32 to vector<16xi32>
      %add3A_237 = arith.addi %iota3A, %add3A_236 : vector<16xi32>
      %mul3A_238 = arith.constant 50 : i32
      %mul3A_239 = vector.broadcast %mul3A_238 : i32 to vector<16xi32>
      %mul3A_240 = arith.muli %mul3A_239, %convert_element_type3A_231 : vector<16xi32>
      %sub3A_241 = arith.subi %add3A_237, %mul3A_240 : vector<16xi32>
      %gather3A_242 = tpu.vector_load_idx %arg4[%add3A_234, %sub3A_241] : memref<32x50xi32, #tpu.memory_space<vmem>>[vector<16xi32>, vector<16xi32>], vector<16xi32>,
      %swap3A_243 = arith.constant 336 : index
      %swap3A_244 = tpu.vector_load %arg5[%swap3A_243] {strides = array<i32>} : memref<1664xi32, #tpu.memory_space<vmem>>, vector<16xi32>,
      tpu.vector_store %arg5[%swap3A_243], %gather3A_242 {strides = array<i32>} : memref<1664xi32, #tpu.memory_space<vmem>>, vector<16xi32>,
      %broadcast_in_dim3A_245 = arith.constant 7 : i32
      %broadcast_in_dim3A_246 = vector.broadcast %broadcast_in_dim3A_245 : i32 to vector<16xi32>
      %add3A_247 = arith.constant 2 : i32
      %add3A_248 = vector.broadcast %add3A_247 : i32 to vector<16xi32>
      %add3A_249 = arith.addi %iota3A, %add3A_248 : vector<16xi32>
      %gather3A_250 = tpu.vector_load_idx %arg4[%broadcast_in_dim3A_246, %add3A_249] : memref<32x50xi32, #tpu.memory_space<vmem>>[vector<16xi32>, vector<16xi32>], vector<16xi32>,
      %swap3A_251 = arith.constant 352 : index
      %swap3A_252 = tpu.vector_load %arg5[%swap3A_251] {strides = array<i32>} : memref<1664xi32, #tpu.memory_space<vmem>>, vector<16xi32>,
      tpu.vector_store %arg5[%swap3A_251], %gather3A_250 {strides = array<i32>} : memref<1664xi32, #tpu.memory_space<vmem>>, vector<16xi32>,
      %broadcast_in_dim3A_253 = arith.constant 7 : i32
      %broadcast_in_dim3A_254 = vector.broadcast %broadcast_in_dim3A_253 : i32 to vector<16xi32>
      %add3A_255 = arith.constant 18 : i32
      %add3A_256 = vector.broadcast %add3A_255 : i32 to vector<16xi32>
      %add3A_257 = arith.addi %iota3A, %add3A_256 : vector<16xi32>
      %gather3A_258 = tpu.vector_load_idx %arg4[%broadcast_in_dim3A_254, %add3A_257] : memref<32x50xi32, #tpu.memory_space<vmem>>[vector<16xi32>, vector<16xi32>], vector<16xi32>,
      %swap3A_259 = arith.constant 368 : index
      %swap3A_260 = tpu.vector_load %arg5[%swap3A_259] {strides = array<i32>} : memref<1664xi32, #tpu.memory_space<vmem>>, vector<16xi32>,
      tpu.vector_store %arg5[%swap3A_259], %gather3A_258 {strides = array<i32>} : memref<1664xi32, #tpu.memory_space<vmem>>, vector<16xi32>,
      %broadcast_in_dim3A_261 = arith.constant 7 : i32
      %broadcast_in_dim3A_262 = vector.broadcast %broadcast_in_dim3A_261 : i32 to vector<16xi32>
      %add3A_263 = arith.constant 34 : i32
      %add3A_264 = vector.broadcast %add3A_263 : i32 to vector<16xi32>
      %add3A_265 = arith.addi %iota3A, %add3A_264 : vector<16xi32>
      %gather3A_266 = tpu.vector_load_idx %arg4[%broadcast_in_dim3A_262, %add3A_265] : memref<32x50xi32, #tpu.memory_space<vmem>>[vector<16xi32>, vector<16xi32>], vector<16xi32>,
      %swap3A_267 = arith.constant 384 : index
      %swap3A_268 = tpu.vector_load %arg5[%swap3A_267] {strides = array<i32>} : memref<1664xi32, #tpu.memory_space<vmem>>, vector<16xi32>,
      tpu.vector_store %arg5[%swap3A_267], %gather3A_266 {strides = array<i32>} : memref<1664xi32, #tpu.memory_space<vmem>>, vector<16xi32>,
      %broadcast_in_dim3A_269 = arith.constant 8 : i32
      %broadcast_in_dim3A_270 = vector.broadcast %broadcast_in_dim3A_269 : i32 to vector<16xi32>
      %add3A_271 = arith.constant 0 : i32
      %add3A_272 = vector.broadcast %add3A_271 : i32 to vector<16xi32>
      %add3A_273 = arith.addi %iota3A, %add3A_272 : vector<16xi32>
      %gather3A_274 = tpu.vector_load_idx %arg4[%broadcast_in_dim3A_270, %add3A_273] : memref<32x50xi32, #tpu.memory_space<vmem>>[vector<16xi32>, vector<16xi32>], vector<16xi32>,
      %swap3A_275 = arith.constant 400 : index
      %swap3A_276 = tpu.vector_load %arg5[%swap3A_275] {strides = array<i32>} : memref<1664xi32, #tpu.memory_space<vmem>>, vector<16xi32>,
      tpu.vector_store %arg5[%swap3A_275], %gather3A_274 {strides = array<i32>} : memref<1664xi32, #tpu.memory_space<vmem>>, vector<16xi32>,
      %broadcast_in_dim3A_277 = arith.constant 8 : i32
      %broadcast_in_dim3A_278 = vector.broadcast %broadcast_in_dim3A_277 : i32 to vector<16xi32>
      %add3A_279 = arith.constant 16 : i32
      %add3A_280 = vector.broadcast %add3A_279 : i32 to vector<16xi32>
      %add3A_281 = arith.addi %iota3A, %add3A_280 : vector<16xi32>
      %gather3A_282 = tpu.vector_load_idx %arg4[%broadcast_in_dim3A_278, %add3A_281] : memref<32x50xi32, #tpu.memory_space<vmem>>[vector<16xi32>, vector<16xi32>], vector<16xi32>,
      %swap3A_283 = arith.constant 416 : index
      %swap3A_284 = tpu.vector_load %arg5[%swap3A_283] {strides = array<i32>} : memref<1664xi32, #tpu.memory_space<vmem>>, vector<16xi32>,
      tpu.vector_store %arg5[%swap3A_283], %gather3A_282 {strides = array<i32>} : memref<1664xi32, #tpu.memory_space<vmem>>, vector<16xi32>,
      %broadcast_in_dim3A_285 = arith.constant 8 : i32
      %broadcast_in_dim3A_286 = vector.broadcast %broadcast_in_dim3A_285 : i32 to vector<16xi32>
      %add3A_287 = arith.constant 32 : i32
      %add3A_288 = vector.broadcast %add3A_287 : i32 to vector<16xi32>
      %add3A_289 = arith.addi %iota3A, %add3A_288 : vector<16xi32>
      %gather3A_290 = tpu.vector_load_idx %arg4[%broadcast_in_dim3A_286, %add3A_289] : memref<32x50xi32, #tpu.memory_space<vmem>>[vector<16xi32>, vector<16xi32>], vector<16xi32>,
      %swap3A_291 = arith.constant 432 : index
      %swap3A_292 = tpu.vector_load %arg5[%swap3A_291] {strides = array<i32>} : memref<1664xi32, #tpu.memory_space<vmem>>, vector<16xi32>,
      tpu.vector_store %arg5[%swap3A_291], %gather3A_290 {strides = array<i32>} : memref<1664xi32, #tpu.memory_space<vmem>>, vector<16xi32>,
      %ge3A_293 = arith.constant 2 : i32
      %ge3A_294 = vector.broadcast %ge3A_293 : i32 to vector<16xi32>
      %ge3A_295 = arith.cmpi sge, %iota3A, %ge3A_294 : vector<16xi32>
      %convert_element_type3A_296 = arith.extui %ge3A_295 : vector<16xi1> to vector<16xi32>
      %add3A_297 = arith.constant 8 : i32
      %add3A_298 = vector.broadcast %add3A_297 : i32 to vector<16xi32>
      %add3A_299 = arith.addi %convert_element_type3A_296, %add3A_298 : vector<16xi32>
      %add3A_300 = arith.constant 48 : i32
      %add3A_301 = vector.broadcast %add3A_300 : i32 to vector<16xi32>
      %add3A_302 = arith.addi %iota3A, %add3A_301 : vector<16xi32>
      %mul3A_303 = arith.constant 50 : i32
      %mul3A_304 = vector.broadcast %mul3A_303 : i32 to vector<16xi32>
      %mul3A_305 = arith.muli %mul3A_304, %convert_element_type3A_296 : vector<16xi32>
      %sub3A_306 = arith.subi %add3A_302, %mul3A_305 : vector<16xi32>
      %gather3A_307 = tpu.vector_load_idx %arg4[%add3A_299, %sub3A_306] : memref<32x50xi32, #tpu.memory_space<vmem>>[vector<16xi32>, vector<16xi32>], vector<16xi32>,
      %swap3A_308 = arith.constant 448 : index
      %swap3A_309 = tpu.vector_load %arg5[%swap3A_308] {strides = array<i32>} : memref<1664xi32, #tpu.memory_space<vmem>>, vector<16xi32>,
      tpu.vector_store %arg5[%swap3A_308], %gather3A_307 {strides = array<i32>} : memref<1664xi32, #tpu.memory_space<vmem>>, vector<16xi32>,
      %broadcast_in_dim3A_310 = arith.constant 9 : i32
      %broadcast_in_dim3A_311 = vector.broadcast %broadcast_in_dim3A_310 : i32 to vector<16xi32>
      %add3A_312 = arith.constant 14 : i32
      %add3A_313 = vector.broadcast %add3A_312 : i32 to vector<16xi32>
      %add3A_314 = arith.addi %iota3A, %add3A_313 : vector<16xi32>
      %gather3A_315 = tpu.vector_load_idx %arg4[%broadcast_in_dim3A_311, %add3A_314] : memref<32x50xi32, #tpu.memory_space<vmem>>[vector<16xi32>, vector<16xi32>], vector<16xi32>,
      %swap3A_316 = arith.constant 464 : index
      %swap3A_317 = tpu.vector_load %arg5[%swap3A_316] {strides = array<i32>} : memref<1664xi32, #tpu.memory_space<vmem>>, vector<16xi32>,
      tpu.vector_store %arg5[%swap3A_316], %gather3A_315 {strides = array<i32>} : memref<1664xi32, #tpu.memory_space<vmem>>, vector<16xi32>,
      %broadcast_in_dim3A_318 = arith.constant 9 : i32
      %broadcast_in_dim3A_319 = vector.broadcast %broadcast_in_dim3A_318 : i32 to vector<16xi32>
      %add3A_320 = arith.constant 30 : i32
      %add3A_321 = vector.broadcast %add3A_320 : i32 to vector<16xi32>
      %add3A_322 = arith.addi %iota3A, %add3A_321 : vector<16xi32>
      %gather3A_323 = tpu.vector_load_idx %arg4[%broadcast_in_dim3A_319, %add3A_322] : memref<32x50xi32, #tpu.memory_space<vmem>>[vector<16xi32>, vector<16xi32>], vector<16xi32>,
      %swap3A_324 = arith.constant 480 : index
      %swap3A_325 = tpu.vector_load %arg5[%swap3A_324] {strides = array<i32>} : memref<1664xi32, #tpu.memory_space<vmem>>, vector<16xi32>,
      tpu.vector_store %arg5[%swap3A_324], %gather3A_323 {strides = array<i32>} : memref<1664xi32, #tpu.memory_space<vmem>>, vector<16xi32>,
      %ge3A_326 = arith.constant 4 : i32
      %ge3A_327 = vector.broadcast %ge3A_326 : i32 to vector<16xi32>
      %ge3A_328 = arith.cmpi sge, %iota3A, %ge3A_327 : vector<16xi32>
      %convert_element_type3A_329 = arith.extui %ge3A_328 : vector<16xi1> to vector<16xi32>
      %add3A_330 = arith.constant 9 : i32
      %add3A_331 = vector.broadcast %add3A_330 : i32 to vector<16xi32>
      %add3A_332 = arith.addi %convert_element_type3A_329, %add3A_331 : vector<16xi32>
      %add3A_333 = arith.constant 46 : i32
      %add3A_334 = vector.broadcast %add3A_333 : i32 to vector<16xi32>
      %add3A_335 = arith.addi %iota3A, %add3A_334 : vector<16xi32>
      %mul3A_336 = arith.constant 50 : i32
      %mul3A_337 = vector.broadcast %mul3A_336 : i32 to vector<16xi32>
      %mul3A_338 = arith.muli %mul3A_337, %convert_element_type3A_329 : vector<16xi32>
      %sub3A_339 = arith.subi %add3A_335, %mul3A_338 : vector<16xi32>
      %gather3A_340 = tpu.vector_load_idx %arg4[%add3A_332, %sub3A_339] : memref<32x50xi32, #tpu.memory_space<vmem>>[vector<16xi32>, vector<16xi32>], vector<16xi32>,
      %swap3A_341 = arith.constant 496 : index
      %swap3A_342 = tpu.vector_load %arg5[%swap3A_341] {strides = array<i32>} : memref<1664xi32, #tpu.memory_space<vmem>>, vector<16xi32>,
      tpu.vector_store %arg5[%swap3A_341], %gather3A_340 {strides = array<i32>} : memref<1664xi32, #tpu.memory_space<vmem>>, vector<16xi32>,
      %broadcast_in_dim3A_343 = arith.constant 10 : i32
      %broadcast_in_dim3A_344 = vector.broadcast %broadcast_in_dim3A_343 : i32 to vector<16xi32>
      %add3A_345 = arith.constant 12 : i32
      %add3A_346 = vector.broadcast %add3A_345 : i32 to vector<16xi32>
      %add3A_347 = arith.addi %iota3A, %add3A_346 : vector<16xi32>
      %gather3A_348 = tpu.vector_load_idx %arg4[%broadcast_in_dim3A_344, %add3A_347] : memref<32x50xi32, #tpu.memory_space<vmem>>[vector<16xi32>, vector<16xi32>], vector<16xi32>,
      %swap3A_349 = arith.constant 512 : index
      %swap3A_350 = tpu.vector_load %arg5[%swap3A_349] {strides = array<i32>} : memref<1664xi32, #tpu.memory_space<vmem>>, vector<16xi32>,
      tpu.vector_store %arg5[%swap3A_349], %gather3A_348 {strides = array<i32>} : memref<1664xi32, #tpu.memory_space<vmem>>, vector<16xi32>,
      %broadcast_in_dim3A_351 = arith.constant 10 : i32
      %broadcast_in_dim3A_352 = vector.broadcast %broadcast_in_dim3A_351 : i32 to vector<16xi32>
      %add3A_353 = arith.constant 28 : i32
      %add3A_354 = vector.broadcast %add3A_353 : i32 to vector<16xi32>
      %add3A_355 = arith.addi %iota3A, %add3A_354 : vector<16xi32>
      %gather3A_356 = tpu.vector_load_idx %arg4[%broadcast_in_dim3A_352, %add3A_355] : memref<32x50xi32, #tpu.memory_space<vmem>>[vector<16xi32>, vector<16xi32>], vector<16xi32>,
      %swap3A_357 = arith.constant 528 : index
      %swap3A_358 = tpu.vector_load %arg5[%swap3A_357] {strides = array<i32>} : memref<1664xi32, #tpu.memory_space<vmem>>, vector<16xi32>,
      tpu.vector_store %arg5[%swap3A_357], %gather3A_356 {strides = array<i32>} : memref<1664xi32, #tpu.memory_space<vmem>>, vector<16xi32>,
      %ge3A_359 = arith.constant 6 : i32
      %ge3A_360 = vector.broadcast %ge3A_359 : i32 to vector<16xi32>
      %ge3A_361 = arith.cmpi sge, %iota3A, %ge3A_360 : vector<16xi32>
      %convert_element_type3A_362 = arith.extui %ge3A_361 : vector<16xi1> to vector<16xi32>
      %add3A_363 = arith.constant 10 : i32
      %add3A_364 = vector.broadcast %add3A_363 : i32 to vector<16xi32>
      %add3A_365 = arith.addi %convert_element_type3A_362, %add3A_364 : vector<16xi32>
      %add3A_366 = arith.constant 44 : i32
      %add3A_367 = vector.broadcast %add3A_366 : i32 to vector<16xi32>
      %add3A_368 = arith.addi %iota3A, %add3A_367 : vector<16xi32>
      %mul3A_369 = arith.constant 50 : i32
      %mul3A_370 = vector.broadcast %mul3A_369 : i32 to vector<16xi32>
      %mul3A_371 = arith.muli %mul3A_370, %convert_element_type3A_362 : vector<16xi32>
      %sub3A_372 = arith.subi %add3A_368, %mul3A_371 : vector<16xi32>
      %gather3A_373 = tpu.vector_load_idx %arg4[%add3A_365, %sub3A_372] : memref<32x50xi32, #tpu.memory_space<vmem>>[vector<16xi32>, vector<16xi32>], vector<16xi32>,
      %swap3A_374 = arith.constant 544 : index
      %swap3A_375 = tpu.vector_load %arg5[%swap3A_374] {strides = array<i32>} : memref<1664xi32, #tpu.memory_space<vmem>>, vector<16xi32>,
      tpu.vector_store %arg5[%swap3A_374], %gather3A_373 {strides = array<i32>} : memref<1664xi32, #tpu.memory_space<vmem>>, vector<16xi32>,
      %broadcast_in_dim3A_376 = arith.constant 11 : i32
      %broadcast_in_dim3A_377 = vector.broadcast %broadcast_in_dim3A_376 : i32 to vector<16xi32>
      %add3A_378 = arith.constant 10 : i32
      %add3A_379 = vector.broadcast %add3A_378 : i32 to vector<16xi32>
      %add3A_380 = arith.addi %iota3A, %add3A_379 : vector<16xi32>
      %gather3A_381 = tpu.vector_load_idx %arg4[%broadcast_in_dim3A_377, %add3A_380] : memref<32x50xi32, #tpu.memory_space<vmem>>[vector<16xi32>, vector<16xi32>], vector<16xi32>,
      %swap3A_382 = arith.constant 560 : index
      %swap3A_383 = tpu.vector_load %arg5[%swap3A_382] {strides = array<i32>} : memref<1664xi32, #tpu.memory_space<vmem>>, vector<16xi32>,
      tpu.vector_store %arg5[%swap3A_382], %gather3A_381 {strides = array<i32>} : memref<1664xi32, #tpu.memory_space<vmem>>, vector<16xi32>,
      %broadcast_in_dim3A_384 = arith.constant 11 : i32
      %broadcast_in_dim3A_385 = vector.broadcast %broadcast_in_dim3A_384 : i32 to vector<16xi32>
      %add3A_386 = arith.constant 26 : i32
      %add3A_387 = vector.broadcast %add3A_386 : i32 to vector<16xi32>
      %add3A_388 = arith.addi %iota3A, %add3A_387 : vector<16xi32>
      %gather3A_389 = tpu.vector_load_idx %arg4[%broadcast_in_dim3A_385, %add3A_388] : memref<32x50xi32, #tpu.memory_space<vmem>>[vector<16xi32>, vector<16xi32>], vector<16xi32>,
      %swap3A_390 = arith.constant 576 : index
      %swap3A_391 = tpu.vector_load %arg5[%swap3A_390] {strides = array<i32>} : memref<1664xi32, #tpu.memory_space<vmem>>, vector<16xi32>,
      tpu.vector_store %arg5[%swap3A_390], %gather3A_389 {strides = array<i32>} : memref<1664xi32, #tpu.memory_space<vmem>>, vector<16xi32>,
      %ge3A_392 = arith.constant 8 : i32
      %ge3A_393 = vector.broadcast %ge3A_392 : i32 to vector<16xi32>
      %ge3A_394 = arith.cmpi sge, %iota3A, %ge3A_393 : vector<16xi32>
      %convert_element_type3A_395 = arith.extui %ge3A_394 : vector<16xi1> to vector<16xi32>
      %add3A_396 = arith.constant 11 : i32
      %add3A_397 = vector.broadcast %add3A_396 : i32 to vector<16xi32>
      %add3A_398 = arith.addi %convert_element_type3A_395, %add3A_397 : vector<16xi32>
      %add3A_399 = arith.constant 42 : i32
      %add3A_400 = vector.broadcast %add3A_399 : i32 to vector<16xi32>
      %add3A_401 = arith.addi %iota3A, %add3A_400 : vector<16xi32>
      %mul3A_402 = arith.constant 50 : i32
      %mul3A_403 = vector.broadcast %mul3A_402 : i32 to vector<16xi32>
      %mul3A_404 = arith.muli %mul3A_403, %convert_element_type3A_395 : vector<16xi32>
      %sub3A_405 = arith.subi %add3A_401, %mul3A_404 : vector<16xi32>
      %gather3A_406 = tpu.vector_load_idx %arg4[%add3A_398, %sub3A_405] : memref<32x50xi32, #tpu.memory_space<vmem>>[vector<16xi32>, vector<16xi32>], vector<16xi32>,
      %swap3A_407 = arith.constant 592 : index
      %swap3A_408 = tpu.vector_load %arg5[%swap3A_407] {strides = array<i32>} : memref<1664xi32, #tpu.memory_space<vmem>>, vector<16xi32>,
      tpu.vector_store %arg5[%swap3A_407], %gather3A_406 {strides = array<i32>} : memref<1664xi32, #tpu.memory_space<vmem>>, vector<16xi32>,
      %broadcast_in_dim3A_409 = arith.constant 12 : i32
      %broadcast_in_dim3A_410 = vector.broadcast %broadcast_in_dim3A_409 : i32 to vector<16xi32>
      %add3A_411 = arith.constant 8 : i32
      %add3A_412 = vector.broadcast %add3A_411 : i32 to vector<16xi32>
      %add3A_413 = arith.addi %iota3A, %add3A_412 : vector<16xi32>
      %gather3A_414 = tpu.vector_load_idx %arg4[%broadcast_in_dim3A_410, %add3A_413] : memref<32x50xi32, #tpu.memory_space<vmem>>[vector<16xi32>, vector<16xi32>], vector<16xi32>,
      %swap3A_415 = arith.constant 608 : index
      %swap3A_416 = tpu.vector_load %arg5[%swap3A_415] {strides = array<i32>} : memref<1664xi32, #tpu.memory_space<vmem>>, vector<16xi32>,
      tpu.vector_store %arg5[%swap3A_415], %gather3A_414 {strides = array<i32>} : memref<1664xi32, #tpu.memory_space<vmem>>, vector<16xi32>,
      %broadcast_in_dim3A_417 = arith.constant 12 : i32
      %broadcast_in_dim3A_418 = vector.broadcast %broadcast_in_dim3A_417 : i32 to vector<16xi32>
      %add3A_419 = arith.constant 24 : i32
      %add3A_420 = vector.broadcast %add3A_419 : i32 to vector<16xi32>
      %add3A_421 = arith.addi %iota3A, %add3A_420 : vector<16xi32>
      %gather3A_422 = tpu.vector_load_idx %arg4[%broadcast_in_dim3A_418, %add3A_421] : memref<32x50xi32, #tpu.memory_space<vmem>>[vector<16xi32>, vector<16xi32>], vector<16xi32>,
      %swap3A_423 = arith.constant 624 : index
      %swap3A_424 = tpu.vector_load %arg5[%swap3A_423] {strides = array<i32>} : memref<1664xi32, #tpu.memory_space<vmem>>, vector<16xi32>,
      tpu.vector_store %arg5[%swap3A_423], %gather3A_422 {strides = array<i32>} : memref<1664xi32, #tpu.memory_space<vmem>>, vector<16xi32>,
      %ge3A_425 = arith.constant 10 : i32
      %ge3A_426 = vector.broadcast %ge3A_425 : i32 to vector<16xi32>
      %ge3A_427 = arith.cmpi sge, %iota3A, %ge3A_426 : vector<16xi32>
      %convert_element_type3A_428 = arith.extui %ge3A_427 : vector<16xi1> to vector<16xi32>
      %add3A_429 = arith.constant 12 : i32
      %add3A_430 = vector.broadcast %add3A_429 : i32 to vector<16xi32>
      %add3A_431 = arith.addi %convert_element_type3A_428, %add3A_430 : vector<16xi32>
      %add3A_432 = arith.constant 40 : i32
      %add3A_433 = vector.broadcast %add3A_432 : i32 to vector<16xi32>
      %add3A_434 = arith.addi %iota3A, %add3A_433 : vector<16xi32>
      %mul3A_435 = arith.constant 50 : i32
      %mul3A_436 = vector.broadcast %mul3A_435 : i32 to vector<16xi32>
      %mul3A_437 = arith.muli %mul3A_436, %convert_element_type3A_428 : vector<16xi32>
      %sub3A_438 = arith.subi %add3A_434, %mul3A_437 : vector<16xi32>
      %gather3A_439 = tpu.vector_load_idx %arg4[%add3A_431, %sub3A_438] : memref<32x50xi32, #tpu.memory_space<vmem>>[vector<16xi32>, vector<16xi32>], vector<16xi32>,
      %swap3A_440 = arith.constant 640 : index
      %swap3A_441 = tpu.vector_load %arg5[%swap3A_440] {strides = array<i32>} : memref<1664xi32, #tpu.memory_space<vmem>>, vector<16xi32>,
      tpu.vector_store %arg5[%swap3A_440], %gather3A_439 {strides = array<i32>} : memref<1664xi32, #tpu.memory_space<vmem>>, vector<16xi32>,
      %broadcast_in_dim3A_442 = arith.constant 13 : i32
      %broadcast_in_dim3A_443 = vector.broadcast %broadcast_in_dim3A_442 : i32 to vector<16xi32>
      %add3A_444 = arith.constant 6 : i32
      %add3A_445 = vector.broadcast %add3A_444 : i32 to vector<16xi32>
      %add3A_446 = arith.addi %iota3A, %add3A_445 : vector<16xi32>
      %gather3A_447 = tpu.vector_load_idx %arg4[%broadcast_in_dim3A_443, %add3A_446] : memref<32x50xi32, #tpu.memory_space<vmem>>[vector<16xi32>, vector<16xi32>], vector<16xi32>,
      %swap3A_448 = arith.constant 656 : index
      %swap3A_449 = tpu.vector_load %arg5[%swap3A_448] {strides = array<i32>} : memref<1664xi32, #tpu.memory_space<vmem>>, vector<16xi32>,
      tpu.vector_store %arg5[%swap3A_448], %gather3A_447 {strides = array<i32>} : memref<1664xi32, #tpu.memory_space<vmem>>, vector<16xi32>,
      %broadcast_in_dim3A_450 = arith.constant 13 : i32
      %broadcast_in_dim3A_451 = vector.broadcast %broadcast_in_dim3A_450 : i32 to vector<16xi32>
      %add3A_452 = arith.constant 22 : i32
      %add3A_453 = vector.broadcast %add3A_452 : i32 to vector<16xi32>
      %add3A_454 = arith.addi %iota3A, %add3A_453 : vector<16xi32>
      %gather3A_455 = tpu.vector_load_idx %arg4[%broadcast_in_dim3A_451, %add3A_454] : memref<32x50xi32, #tpu.memory_space<vmem>>[vector<16xi32>, vector<16xi32>], vector<16xi32>,
      %swap3A_456 = arith.constant 672 : index
      %swap3A_457 = tpu.vector_load %arg5[%swap3A_456] {strides = array<i32>} : memref<1664xi32, #tpu.memory_space<vmem>>, vector<16xi32>,
      tpu.vector_store %arg5[%swap3A_456], %gather3A_455 {strides = array<i32>} : memref<1664xi32, #tpu.memory_space<vmem>>, vector<16xi32>,
      %ge3A_458 = arith.constant 12 : i32
      %ge3A_459 = vector.broadcast %ge3A_458 : i32 to vector<16xi32>
      %ge3A_460 = arith.cmpi sge, %iota3A, %ge3A_459 : vector<16xi32>
      %convert_element_type3A_461 = arith.extui %ge3A_460 : vector<16xi1> to vector<16xi32>
      %add3A_462 = arith.constant 13 : i32
      %add3A_463 = vector.broadcast %add3A_462 : i32 to vector<16xi32>
      %add3A_464 = arith.addi %convert_element_type3A_461, %add3A_463 : vector<16xi32>
      %add3A_465 = arith.constant 38 : i32
      %add3A_466 = vector.broadcast %add3A_465 : i32 to vector<16xi32>
      %add3A_467 = arith.addi %iota3A, %add3A_466 : vector<16xi32>
      %mul3A_468 = arith.constant 50 : i32
      %mul3A_469 = vector.broadcast %mul3A_468 : i32 to vector<16xi32>
      %mul3A_470 = arith.muli %mul3A_469, %convert_element_type3A_461 : vector<16xi32>
      %sub3A_471 = arith.subi %add3A_467, %mul3A_470 : vector<16xi32>
      %gather3A_472 = tpu.vector_load_idx %arg4[%add3A_464, %sub3A_471] : memref<32x50xi32, #tpu.memory_space<vmem>>[vector<16xi32>, vector<16xi32>], vector<16xi32>,
      %swap3A_473 = arith.constant 688 : index
      %swap3A_474 = tpu.vector_load %arg5[%swap3A_473] {strides = array<i32>} : memref<1664xi32, #tpu.memory_space<vmem>>, vector<16xi32>,
      tpu.vector_store %arg5[%swap3A_473], %gather3A_472 {strides = array<i32>} : memref<1664xi32, #tpu.memory_space<vmem>>, vector<16xi32>,
      %broadcast_in_dim3A_475 = arith.constant 14 : i32
      %broadcast_in_dim3A_476 = vector.broadcast %broadcast_in_dim3A_475 : i32 to vector<16xi32>
      %add3A_477 = arith.constant 4 : i32
      %add3A_478 = vector.broadcast %add3A_477 : i32 to vector<16xi32>
      %add3A_479 = arith.addi %iota3A, %add3A_478 : vector<16xi32>
      %gather3A_480 = tpu.vector_load_idx %arg4[%broadcast_in_dim3A_476, %add3A_479] : memref<32x50xi32, #tpu.memory_space<vmem>>[vector<16xi32>, vector<16xi32>], vector<16xi32>,
      %swap3A_481 = arith.constant 704 : index
      %swap3A_482 = tpu.vector_load %arg5[%swap3A_481] {strides = array<i32>} : memref<1664xi32, #tpu.memory_space<vmem>>, vector<16xi32>,
      tpu.vector_store %arg5[%swap3A_481], %gather3A_480 {strides = array<i32>} : memref<1664xi32, #tpu.memory_space<vmem>>, vector<16xi32>,
      %broadcast_in_dim3A_483 = arith.constant 14 : i32
      %broadcast_in_dim3A_484 = vector.broadcast %broadcast_in_dim3A_483 : i32 to vector<16xi32>
      %add3A_485 = arith.constant 20 : i32
      %add3A_486 = vector.broadcast %add3A_485 : i32 to vector<16xi32>
      %add3A_487 = arith.addi %iota3A, %add3A_486 : vector<16xi32>
      %gather3A_488 = tpu.vector_load_idx %arg4[%broadcast_in_dim3A_484, %add3A_487] : memref<32x50xi32, #tpu.memory_space<vmem>>[vector<16xi32>, vector<16xi32>], vector<16xi32>,
      %swap3A_489 = arith.constant 720 : index
      %swap3A_490 = tpu.vector_load %arg5[%swap3A_489] {strides = array<i32>} : memref<1664xi32, #tpu.memory_space<vmem>>, vector<16xi32>,
      tpu.vector_store %arg5[%swap3A_489], %gather3A_488 {strides = array<i32>} : memref<1664xi32, #tpu.memory_space<vmem>>, vector<16xi32>,
      %ge3A_491 = arith.constant 14 : i32
      %ge3A_492 = vector.broadcast %ge3A_491 : i32 to vector<16xi32>
      %ge3A_493 = arith.cmpi sge, %iota3A, %ge3A_492 : vector<16xi32>
      %convert_element_type3A_494 = arith.extui %ge3A_493 : vector<16xi1> to vector<16xi32>
      %add3A_495 = arith.constant 14 : i32
      %add3A_496 = vector.broadcast %add3A_495 : i32 to vector<16xi32>
      %add3A_497 = arith.addi %convert_element_type3A_494, %add3A_496 : vector<16xi32>
      %add3A_498 = arith.constant 36 : i32
      %add3A_499 = vector.broadcast %add3A_498 : i32 to vector<16xi32>
      %add3A_500 = arith.addi %iota3A, %add3A_499 : vector<16xi32>
      %mul3A_501 = arith.constant 50 : i32
      %mul3A_502 = vector.broadcast %mul3A_501 : i32 to vector<16xi32>
      %mul3A_503 = arith.muli %mul3A_502, %convert_element_type3A_494 : vector<16xi32>
      %sub3A_504 = arith.subi %add3A_500, %mul3A_503 : vector<16xi32>
      %gather3A_505 = tpu.vector_load_idx %arg4[%add3A_497, %sub3A_504] : memref<32x50xi32, #tpu.memory_space<vmem>>[vector<16xi32>, vector<16xi32>], vector<16xi32>,
      %swap3A_506 = arith.constant 736 : index
      %swap3A_507 = tpu.vector_load %arg5[%swap3A_506] {strides = array<i32>} : memref<1664xi32, #tpu.memory_space<vmem>>, vector<16xi32>,
      tpu.vector_store %arg5[%swap3A_506], %gather3A_505 {strides = array<i32>} : memref<1664xi32, #tpu.memory_space<vmem>>, vector<16xi32>,
      %broadcast_in_dim3A_508 = arith.constant 15 : i32
      %broadcast_in_dim3A_509 = vector.broadcast %broadcast_in_dim3A_508 : i32 to vector<16xi32>
      %add3A_510 = arith.constant 2 : i32
      %add3A_511 = vector.broadcast %add3A_510 : i32 to vector<16xi32>
      %add3A_512 = arith.addi %iota3A, %add3A_511 : vector<16xi32>
      %gather3A_513 = tpu.vector_load_idx %arg4[%broadcast_in_dim3A_509, %add3A_512] : memref<32x50xi32, #tpu.memory_space<vmem>>[vector<16xi32>, vector<16xi32>], vector<16xi32>,
      %swap3A_514 = arith.constant 752 : index
      %swap3A_515 = tpu.vector_load %arg5[%swap3A_514] {strides = array<i32>} : memref<1664xi32, #tpu.memory_space<vmem>>, vector<16xi32>,
      tpu.vector_store %arg5[%swap3A_514], %gather3A_513 {strides = array<i32>} : memref<1664xi32, #tpu.memory_space<vmem>>, vector<16xi32>,
      %broadcast_in_dim3A_516 = arith.constant 15 : i32
      %broadcast_in_dim3A_517 = vector.broadcast %broadcast_in_dim3A_516 : i32 to vector<16xi32>
      %add3A_518 = arith.constant 18 : i32
      %add3A_519 = vector.broadcast %add3A_518 : i32 to vector<16xi32>
      %add3A_520 = arith.addi %iota3A, %add3A_519 : vector<16xi32>
      %gather3A_521 = tpu.vector_load_idx %arg4[%broadcast_in_dim3A_517, %add3A_520] : memref<32x50xi32, #tpu.memory_space<vmem>>[vector<16xi32>, vector<16xi32>], vector<16xi32>,
      %swap3A_522 = arith.constant 768 : index
      %swap3A_523 = tpu.vector_load %arg5[%swap3A_522] {strides = array<i32>} : memref<1664xi32, #tpu.memory_space<vmem>>, vector<16xi32>,
      tpu.vector_store %arg5[%swap3A_522], %gather3A_521 {strides = array<i32>} : memref<1664xi32, #tpu.memory_space<vmem>>, vector<16xi32>,
      %broadcast_in_dim3A_524 = arith.constant 15 : i32
      %broadcast_in_dim3A_525 = vector.broadcast %broadcast_in_dim3A_524 : i32 to vector<16xi32>
      %add3A_526 = arith.constant 34 : i32
      %add3A_527 = vector.broadcast %add3A_526 : i32 to vector<16xi32>
      %add3A_528 = arith.addi %iota3A, %add3A_527 : vector<16xi32>
      %gather3A_529 = tpu.vector_load_idx %arg4[%broadcast_in_dim3A_525, %add3A_528] : memref<32x50xi32, #tpu.memory_space<vmem>>[vector<16xi32>, vector<16xi32>], vector<16xi32>,
      %swap3A_530 = arith.constant 784 : index
      %swap3A_531 = tpu.vector_load %arg5[%swap3A_530] {strides = array<i32>} : memref<1664xi32, #tpu.memory_space<vmem>>, vector<16xi32>,
      tpu.vector_store %arg5[%swap3A_530], %gather3A_529 {strides = array<i32>} : memref<1664xi32, #tpu.memory_space<vmem>>, vector<16xi32>,
      %broadcast_in_dim3A_532 = arith.constant 16 : i32
      %broadcast_in_dim3A_533 = vector.broadcast %broadcast_in_dim3A_532 : i32 to vector<16xi32>
      %add3A_534 = arith.constant 0 : i32
      %add3A_535 = vector.broadcast %add3A_534 : i32 to vector<16xi32>
      %add3A_536 = arith.addi %iota3A, %add3A_535 : vector<16xi32>
      %gather3A_537 = tpu.vector_load_idx %arg4[%broadcast_in_dim3A_533, %add3A_536] : memref<32x50xi32, #tpu.memory_space<vmem>>[vector<16xi32>, vector<16xi32>], vector<16xi32>,
      %swap3A_538 = arith.constant 800 : index
      %swap3A_539 = tpu.vector_load %arg5[%swap3A_538] {strides = array<i32>} : memref<1664xi32, #tpu.memory_space<vmem>>, vector<16xi32>,
      tpu.vector_store %arg5[%swap3A_538], %gather3A_537 {strides = array<i32>} : memref<1664xi32, #tpu.memory_space<vmem>>, vector<16xi32>,
      %broadcast_in_dim3A_540 = arith.constant 16 : i32
      %broadcast_in_dim3A_541 = vector.broadcast %broadcast_in_dim3A_540 : i32 to vector<16xi32>
      %add3A_542 = arith.constant 16 : i32
      %add3A_543 = vector.broadcast %add3A_542 : i32 to vector<16xi32>
      %add3A_544 = arith.addi %iota3A, %add3A_543 : vector<16xi32>
      %gather3A_545 = tpu.vector_load_idx %arg4[%broadcast_in_dim3A_541, %add3A_544] : memref<32x50xi32, #tpu.memory_space<vmem>>[vector<16xi32>, vector<16xi32>], vector<16xi32>,
      %swap3A_546 = arith.constant 816 : index
      %swap3A_547 = tpu.vector_load %arg5[%swap3A_546] {strides = array<i32>} : memref<1664xi32, #tpu.memory_space<vmem>>, vector<16xi32>,
      tpu.vector_store %arg5[%swap3A_546], %gather3A_545 {strides = array<i32>} : memref<1664xi32, #tpu.memory_space<vmem>>, vector<16xi32>,
      %broadcast_in_dim3A_548 = arith.constant 16 : i32
      %broadcast_in_dim3A_549 = vector.broadcast %broadcast_in_dim3A_548 : i32 to vector<16xi32>
      %add3A_550 = arith.constant 32 : i32
      %add3A_551 = vector.broadcast %add3A_550 : i32 to vector<16xi32>
      %add3A_552 = arith.addi %iota3A, %add3A_551 : vector<16xi32>
      %gather3A_553 = tpu.vector_load_idx %arg4[%broadcast_in_dim3A_549, %add3A_552] : memref<32x50xi32, #tpu.memory_space<vmem>>[vector<16xi32>, vector<16xi32>], vector<16xi32>,
      %swap3A_554 = arith.constant 832 : index
      %swap3A_555 = tpu.vector_load %arg5[%swap3A_554] {strides = array<i32>} : memref<1664xi32, #tpu.memory_space<vmem>>, vector<16xi32>,
      tpu.vector_store %arg5[%swap3A_554], %gather3A_553 {strides = array<i32>} : memref<1664xi32, #tpu.memory_space<vmem>>, vector<16xi32>,
      %ge3A_556 = arith.constant 2 : i32
      %ge3A_557 = vector.broadcast %ge3A_556 : i32 to vector<16xi32>
      %ge3A_558 = arith.cmpi sge, %iota3A, %ge3A_557 : vector<16xi32>
      %convert_element_type3A_559 = arith.extui %ge3A_558 : vector<16xi1> to vector<16xi32>
      %add3A_560 = arith.constant 16 : i32
      %add3A_561 = vector.broadcast %add3A_560 : i32 to vector<16xi32>
      %add3A_562 = arith.addi %convert_element_type3A_559, %add3A_561 : vector<16xi32>
      %add3A_563 = arith.constant 48 : i32
      %add3A_564 = vector.broadcast %add3A_563 : i32 to vector<16xi32>
      %add3A_565 = arith.addi %iota3A, %add3A_564 : vector<16xi32>
      %mul3A_566 = arith.constant 50 : i32
      %mul3A_567 = vector.broadcast %mul3A_566 : i32 to vector<16xi32>
      %mul3A_568 = arith.muli %mul3A_567, %convert_element_type3A_559 : vector<16xi32>
      %sub3A_569 = arith.subi %add3A_565, %mul3A_568 : vector<16xi32>
      %gather3A_570 = tpu.vector_load_idx %arg4[%add3A_562, %sub3A_569] : memref<32x50xi32, #tpu.memory_space<vmem>>[vector<16xi32>, vector<16xi32>], vector<16xi32>,
      %swap3A_571 = arith.constant 848 : index
      %swap3A_572 = tpu.vector_load %arg5[%swap3A_571] {strides = array<i32>} : memref<1664xi32, #tpu.memory_space<vmem>>, vector<16xi32>,
      tpu.vector_store %arg5[%swap3A_571], %gather3A_570 {strides = array<i32>} : memref<1664xi32, #tpu.memory_space<vmem>>, vector<16xi32>,
      %broadcast_in_dim3A_573 = arith.constant 17 : i32
      %broadcast_in_dim3A_574 = vector.broadcast %broadcast_in_dim3A_573 : i32 to vector<16xi32>
      %add3A_575 = arith.constant 14 : i32
      %add3A_576 = vector.broadcast %add3A_575 : i32 to vector<16xi32>
      %add3A_577 = arith.addi %iota3A, %add3A_576 : vector<16xi32>
      %gather3A_578 = tpu.vector_load_idx %arg4[%broadcast_in_dim3A_574, %add3A_577] : memref<32x50xi32, #tpu.memory_space<vmem>>[vector<16xi32>, vector<16xi32>], vector<16xi32>,
      %swap3A_579 = arith.constant 864 : index
      %swap3A_580 = tpu.vector_load %arg5[%swap3A_579] {strides = array<i32>} : memref<1664xi32, #tpu.memory_space<vmem>>, vector<16xi32>,
      tpu.vector_store %arg5[%swap3A_579], %gather3A_578 {strides = array<i32>} : memref<1664xi32, #tpu.memory_space<vmem>>, vector<16xi32>,
      %broadcast_in_dim3A_581 = arith.constant 17 : i32
      %broadcast_in_dim3A_582 = vector.broadcast %broadcast_in_dim3A_581 : i32 to vector<16xi32>
      %add3A_583 = arith.constant 30 : i32
      %add3A_584 = vector.broadcast %add3A_583 : i32 to vector<16xi32>
      %add3A_585 = arith.addi %iota3A, %add3A_584 : vector<16xi32>
      %gather3A_586 = tpu.vector_load_idx %arg4[%broadcast_in_dim3A_582, %add3A_585] : memref<32x50xi32, #tpu.memory_space<vmem>>[vector<16xi32>, vector<16xi32>], vector<16xi32>,
      %swap3A_587 = arith.constant 880 : index
      %swap3A_588 = tpu.vector_load %arg5[%swap3A_587] {strides = array<i32>} : memref<1664xi32, #tpu.memory_space<vmem>>, vector<16xi32>,
      tpu.vector_store %arg5[%swap3A_587], %gather3A_586 {strides = array<i32>} : memref<1664xi32, #tpu.memory_space<vmem>>, vector<16xi32>,
      %ge3A_589 = arith.constant 4 : i32
      %ge3A_590 = vector.broadcast %ge3A_589 : i32 to vector<16xi32>
      %ge3A_591 = arith.cmpi sge, %iota3A, %ge3A_590 : vector<16xi32>
      %convert_element_type3A_592 = arith.extui %ge3A_591 : vector<16xi1> to vector<16xi32>
      %add3A_593 = arith.constant 17 : i32
      %add3A_594 = vector.broadcast %add3A_593 : i32 to vector<16xi32>
      %add3A_595 = arith.addi %convert_element_type3A_592, %add3A_594 : vector<16xi32>
      %add3A_596 = arith.constant 46 : i32
      %add3A_597 = vector.broadcast %add3A_596 : i32 to vector<16xi32>
      %add3A_598 = arith.addi %iota3A, %add3A_597 : vector<16xi32>
      %mul3A_599 = arith.constant 50 : i32
      %mul3A_600 = vector.broadcast %mul3A_599 : i32 to vector<16xi32>
      %mul3A_601 = arith.muli %mul3A_600, %convert_element_type3A_592 : vector<16xi32>
      %sub3A_602 = arith.subi %add3A_598, %mul3A_601 : vector<16xi32>
      %gather3A_603 = tpu.vector_load_idx %arg4[%add3A_595, %sub3A_602] : memref<32x50xi32, #tpu.memory_space<vmem>>[vector<16xi32>, vector<16xi32>], vector<16xi32>,
      %swap3A_604 = arith.constant 896 : index
      %swap3A_605 = tpu.vector_load %arg5[%swap3A_604] {strides = array<i32>} : memref<1664xi32, #tpu.memory_space<vmem>>, vector<16xi32>,
      tpu.vector_store %arg5[%swap3A_604], %gather3A_603 {strides = array<i32>} : memref<1664xi32, #tpu.memory_space<vmem>>, vector<16xi32>,
      %broadcast_in_dim3A_606 = arith.constant 18 : i32
      %broadcast_in_dim3A_607 = vector.broadcast %broadcast_in_dim3A_606 : i32 to vector<16xi32>
      %add3A_608 = arith.constant 12 : i32
      %add3A_609 = vector.broadcast %add3A_608 : i32 to vector<16xi32>
      %add3A_610 = arith.addi %iota3A, %add3A_609 : vector<16xi32>
      %gather3A_611 = tpu.vector_load_idx %arg4[%broadcast_in_dim3A_607, %add3A_610] : memref<32x50xi32, #tpu.memory_space<vmem>>[vector<16xi32>, vector<16xi32>], vector<16xi32>,
      %swap3A_612 = arith.constant 912 : index
      %swap3A_613 = tpu.vector_load %arg5[%swap3A_612] {strides = array<i32>} : memref<1664xi32, #tpu.memory_space<vmem>>, vector<16xi32>,
      tpu.vector_store %arg5[%swap3A_612], %gather3A_611 {strides = array<i32>} : memref<1664xi32, #tpu.memory_space<vmem>>, vector<16xi32>,
      %broadcast_in_dim3A_614 = arith.constant 18 : i32
      %broadcast_in_dim3A_615 = vector.broadcast %broadcast_in_dim3A_614 : i32 to vector<16xi32>
      %add3A_616 = arith.constant 28 : i32
      %add3A_617 = vector.broadcast %add3A_616 : i32 to vector<16xi32>
      %add3A_618 = arith.addi %iota3A, %add3A_617 : vector<16xi32>
      %gather3A_619 = tpu.vector_load_idx %arg4[%broadcast_in_dim3A_615, %add3A_618] : memref<32x50xi32, #tpu.memory_space<vmem>>[vector<16xi32>, vector<16xi32>], vector<16xi32>,
      %swap3A_620 = arith.constant 928 : index
      %swap3A_621 = tpu.vector_load %arg5[%swap3A_620] {strides = array<i32>} : memref<1664xi32, #tpu.memory_space<vmem>>, vector<16xi32>,
      tpu.vector_store %arg5[%swap3A_620], %gather3A_619 {strides = array<i32>} : memref<1664xi32, #tpu.memory_space<vmem>>, vector<16xi32>,
      %ge3A_622 = arith.constant 6 : i32
      %ge3A_623 = vector.broadcast %ge3A_622 : i32 to vector<16xi32>
      %ge3A_624 = arith.cmpi sge, %iota3A, %ge3A_623 : vector<16xi32>
      %convert_element_type3A_625 = arith.extui %ge3A_624 : vector<16xi1> to vector<16xi32>
      %add3A_626 = arith.constant 18 : i32
      %add3A_627 = vector.broadcast %add3A_626 : i32 to vector<16xi32>
      %add3A_628 = arith.addi %convert_element_type3A_625, %add3A_627 : vector<16xi32>
      %add3A_629 = arith.constant 44 : i32
      %add3A_630 = vector.broadcast %add3A_629 : i32 to vector<16xi32>
      %add3A_631 = arith.addi %iota3A, %add3A_630 : vector<16xi32>
      %mul3A_632 = arith.constant 50 : i32
      %mul3A_633 = vector.broadcast %mul3A_632 : i32 to vector<16xi32>
      %mul3A_634 = arith.muli %mul3A_633, %convert_element_type3A_625 : vector<16xi32>
      %sub3A_635 = arith.subi %add3A_631, %mul3A_634 : vector<16xi32>
      %gather3A_636 = tpu.vector_load_idx %arg4[%add3A_628, %sub3A_635] : memref<32x50xi32, #tpu.memory_space<vmem>>[vector<16xi32>, vector<16xi32>], vector<16xi32>,
      %swap3A_637 = arith.constant 944 : index
      %swap3A_638 = tpu.vector_load %arg5[%swap3A_637] {strides = array<i32>} : memref<1664xi32, #tpu.memory_space<vmem>>, vector<16xi32>,
      tpu.vector_store %arg5[%swap3A_637], %gather3A_636 {strides = array<i32>} : memref<1664xi32, #tpu.memory_space<vmem>>, vector<16xi32>,
      %broadcast_in_dim3A_639 = arith.constant 19 : i32
      %broadcast_in_dim3A_640 = vector.broadcast %broadcast_in_dim3A_639 : i32 to vector<16xi32>
      %add3A_641 = arith.constant 10 : i32
      %add3A_642 = vector.broadcast %add3A_641 : i32 to vector<16xi32>
      %add3A_643 = arith.addi %iota3A, %add3A_642 : vector<16xi32>
      %gather3A_644 = tpu.vector_load_idx %arg4[%broadcast_in_dim3A_640, %add3A_643] : memref<32x50xi32, #tpu.memory_space<vmem>>[vector<16xi32>, vector<16xi32>], vector<16xi32>,
      %swap3A_645 = arith.constant 960 : index
      %swap3A_646 = tpu.vector_load %arg5[%swap3A_645] {strides = array<i32>} : memref<1664xi32, #tpu.memory_space<vmem>>, vector<16xi32>,
      tpu.vector_store %arg5[%swap3A_645], %gather3A_644 {strides = array<i32>} : memref<1664xi32, #tpu.memory_space<vmem>>, vector<16xi32>,
      %broadcast_in_dim3A_647 = arith.constant 19 : i32
      %broadcast_in_dim3A_648 = vector.broadcast %broadcast_in_dim3A_647 : i32 to vector<16xi32>
      %add3A_649 = arith.constant 26 : i32
      %add3A_650 = vector.broadcast %add3A_649 : i32 to vector<16xi32>
      %add3A_651 = arith.addi %iota3A, %add3A_650 : vector<16xi32>
      %gather3A_652 = tpu.vector_load_idx %arg4[%broadcast_in_dim3A_648, %add3A_651] : memref<32x50xi32, #tpu.memory_space<vmem>>[vector<16xi32>, vector<16xi32>], vector<16xi32>,
      %swap3A_653 = arith.constant 976 : index
      %swap3A_654 = tpu.vector_load %arg5[%swap3A_653] {strides = array<i32>} : memref<1664xi32, #tpu.memory_space<vmem>>, vector<16xi32>,
      tpu.vector_store %arg5[%swap3A_653], %gather3A_652 {strides = array<i32>} : memref<1664xi32, #tpu.memory_space<vmem>>, vector<16xi32>,
      %ge3A_655 = arith.constant 8 : i32
      %ge3A_656 = vector.broadcast %ge3A_655 : i32 to vector<16xi32>
      %ge3A_657 = arith.cmpi sge, %iota3A, %ge3A_656 : vector<16xi32>
      %convert_element_type3A_658 = arith.extui %ge3A_657 : vector<16xi1> to vector<16xi32>
      %add3A_659 = arith.constant 19 : i32
      %add3A_660 = vector.broadcast %add3A_659 : i32 to vector<16xi32>
      %add3A_661 = arith.addi %convert_element_type3A_658, %add3A_660 : vector<16xi32>
      %add3A_662 = arith.constant 42 : i32
      %add3A_663 = vector.broadcast %add3A_662 : i32 to vector<16xi32>
      %add3A_664 = arith.addi %iota3A, %add3A_663 : vector<16xi32>
      %mul3A_665 = arith.constant 50 : i32
      %mul3A_666 = vector.broadcast %mul3A_665 : i32 to vector<16xi32>
      %mul3A_667 = arith.muli %mul3A_666, %convert_element_type3A_658 : vector<16xi32>
      %sub3A_668 = arith.subi %add3A_664, %mul3A_667 : vector<16xi32>
      %gather3A_669 = tpu.vector_load_idx %arg4[%add3A_661, %sub3A_668] : memref<32x50xi32, #tpu.memory_space<vmem>>[vector<16xi32>, vector<16xi32>], vector<16xi32>,
      %swap3A_670 = arith.constant 992 : index
      %swap3A_671 = tpu.vector_load %arg5[%swap3A_670] {strides = array<i32>} : memref<1664xi32, #tpu.memory_space<vmem>>, vector<16xi32>,
      tpu.vector_store %arg5[%swap3A_670], %gather3A_669 {strides = array<i32>} : memref<1664xi32, #tpu.memory_space<vmem>>, vector<16xi32>,
      %broadcast_in_dim3A_672 = arith.constant 20 : i32
      %broadcast_in_dim3A_673 = vector.broadcast %broadcast_in_dim3A_672 : i32 to vector<16xi32>
      %add3A_674 = arith.constant 8 : i32
      %add3A_675 = vector.broadcast %add3A_674 : i32 to vector<16xi32>
      %add3A_676 = arith.addi %iota3A, %add3A_675 : vector<16xi32>
      %gather3A_677 = tpu.vector_load_idx %arg4[%broadcast_in_dim3A_673, %add3A_676] : memref<32x50xi32, #tpu.memory_space<vmem>>[vector<16xi32>, vector<16xi32>], vector<16xi32>,
      %swap3A_678 = arith.constant 1008 : index
      %swap3A_679 = tpu.vector_load %arg5[%swap3A_678] {strides = array<i32>} : memref<1664xi32, #tpu.memory_space<vmem>>, vector<16xi32>,
      tpu.vector_store %arg5[%swap3A_678], %gather3A_677 {strides = array<i32>} : memref<1664xi32, #tpu.memory_space<vmem>>, vector<16xi32>,
      %broadcast_in_dim3A_680 = arith.constant 20 : i32
      %broadcast_in_dim3A_681 = vector.broadcast %broadcast_in_dim3A_680 : i32 to vector<16xi32>
      %add3A_682 = arith.constant 24 : i32
      %add3A_683 = vector.broadcast %add3A_682 : i32 to vector<16xi32>
      %add3A_684 = arith.addi %iota3A, %add3A_683 : vector<16xi32>
      %gather3A_685 = tpu.vector_load_idx %arg4[%broadcast_in_dim3A_681, %add3A_684] : memref<32x50xi32, #tpu.memory_space<vmem>>[vector<16xi32>, vector<16xi32>], vector<16xi32>,
      %swap3A_686 = arith.constant 1024 : index
      %swap3A_687 = tpu.vector_load %arg5[%swap3A_686] {strides = array<i32>} : memref<1664xi32, #tpu.memory_space<vmem>>, vector<16xi32>,
      tpu.vector_store %arg5[%swap3A_686], %gather3A_685 {strides = array<i32>} : memref<1664xi32, #tpu.memory_space<vmem>>, vector<16xi32>,
      %ge3A_688 = arith.constant 10 : i32
      %ge3A_689 = vector.broadcast %ge3A_688 : i32 to vector<16xi32>
      %ge3A_690 = arith.cmpi sge, %iota3A, %ge3A_689 : vector<16xi32>
      %convert_element_type3A_691 = arith.extui %ge3A_690 : vector<16xi1> to vector<16xi32>
      %add3A_692 = arith.constant 20 : i32
      %add3A_693 = vector.broadcast %add3A_692 : i32 to vector<16xi32>
      %add3A_694 = arith.addi %convert_element_type3A_691, %add3A_693 : vector<16xi32>
      %add3A_695 = arith.constant 40 : i32
      %add3A_696 = vector.broadcast %add3A_695 : i32 to vector<16xi32>
      %add3A_697 = arith.addi %iota3A, %add3A_696 : vector<16xi32>
      %mul3A_698 = arith.constant 50 : i32
      %mul3A_699 = vector.broadcast %mul3A_698 : i32 to vector<16xi32>
      %mul3A_700 = arith.muli %mul3A_699, %convert_element_type3A_691 : vector<16xi32>
      %sub3A_701 = arith.subi %add3A_697, %mul3A_700 : vector<16xi32>
      %gather3A_702 = tpu.vector_load_idx %arg4[%add3A_694, %sub3A_701] : memref<32x50xi32, #tpu.memory_space<vmem>>[vector<16xi32>, vector<16xi32>], vector<16xi32>,
      %swap3A_703 = arith.constant 1040 : index
      %swap3A_704 = tpu.vector_load %arg5[%swap3A_703] {strides = array<i32>} : memref<1664xi32, #tpu.memory_space<vmem>>, vector<16xi32>,
      tpu.vector_store %arg5[%swap3A_703], %gather3A_702 {strides = array<i32>} : memref<1664xi32, #tpu.memory_space<vmem>>, vector<16xi32>,
      %broadcast_in_dim3A_705 = arith.constant 21 : i32
      %broadcast_in_dim3A_706 = vector.broadcast %broadcast_in_dim3A_705 : i32 to vector<16xi32>
      %add3A_707 = arith.constant 6 : i32
      %add3A_708 = vector.broadcast %add3A_707 : i32 to vector<16xi32>
      %add3A_709 = arith.addi %iota3A, %add3A_708 : vector<16xi32>
      %gather3A_710 = tpu.vector_load_idx %arg4[%broadcast_in_dim3A_706, %add3A_709] : memref<32x50xi32, #tpu.memory_space<vmem>>[vector<16xi32>, vector<16xi32>], vector<16xi32>,
      %swap3A_711 = arith.constant 1056 : index
      %swap3A_712 = tpu.vector_load %arg5[%swap3A_711] {strides = array<i32>} : memref<1664xi32, #tpu.memory_space<vmem>>, vector<16xi32>,
      tpu.vector_store %arg5[%swap3A_711], %gather3A_710 {strides = array<i32>} : memref<1664xi32, #tpu.memory_space<vmem>>, vector<16xi32>,
      %broadcast_in_dim3A_713 = arith.constant 21 : i32
      %broadcast_in_dim3A_714 = vector.broadcast %broadcast_in_dim3A_713 : i32 to vector<16xi32>
      %add3A_715 = arith.constant 22 : i32
      %add3A_716 = vector.broadcast %add3A_715 : i32 to vector<16xi32>
      %add3A_717 = arith.addi %iota3A, %add3A_716 : vector<16xi32>
      %gather3A_718 = tpu.vector_load_idx %arg4[%broadcast_in_dim3A_714, %add3A_717] : memref<32x50xi32, #tpu.memory_space<vmem>>[vector<16xi32>, vector<16xi32>], vector<16xi32>,
      %swap3A_719 = arith.constant 1072 : index
      %swap3A_720 = tpu.vector_load %arg5[%swap3A_719] {strides = array<i32>} : memref<1664xi32, #tpu.memory_space<vmem>>, vector<16xi32>,
      tpu.vector_store %arg5[%swap3A_719], %gather3A_718 {strides = array<i32>} : memref<1664xi32, #tpu.memory_space<vmem>>, vector<16xi32>,
      %ge3A_721 = arith.constant 12 : i32
      %ge3A_722 = vector.broadcast %ge3A_721 : i32 to vector<16xi32>
      %ge3A_723 = arith.cmpi sge, %iota3A, %ge3A_722 : vector<16xi32>
      %convert_element_type3A_724 = arith.extui %ge3A_723 : vector<16xi1> to vector<16xi32>
      %add3A_725 = arith.constant 21 : i32
      %add3A_726 = vector.broadcast %add3A_725 : i32 to vector<16xi32>
      %add3A_727 = arith.addi %convert_element_type3A_724, %add3A_726 : vector<16xi32>
      %add3A_728 = arith.constant 38 : i32
      %add3A_729 = vector.broadcast %add3A_728 : i32 to vector<16xi32>
      %add3A_730 = arith.addi %iota3A, %add3A_729 : vector<16xi32>
      %mul3A_731 = arith.constant 50 : i32
      %mul3A_732 = vector.broadcast %mul3A_731 : i32 to vector<16xi32>
      %mul3A_733 = arith.muli %mul3A_732, %convert_element_type3A_724 : vector<16xi32>
      %sub3A_734 = arith.subi %add3A_730, %mul3A_733 : vector<16xi32>
      %gather3A_735 = tpu.vector_load_idx %arg4[%add3A_727, %sub3A_734] : memref<32x50xi32, #tpu.memory_space<vmem>>[vector<16xi32>, vector<16xi32>], vector<16xi32>,
      %swap3A_736 = arith.constant 1088 : index
      %swap3A_737 = tpu.vector_load %arg5[%swap3A_736] {strides = array<i32>} : memref<1664xi32, #tpu.memory_space<vmem>>, vector<16xi32>,
      tpu.vector_store %arg5[%swap3A_736], %gather3A_735 {strides = array<i32>} : memref<1664xi32, #tpu.memory_space<vmem>>, vector<16xi32>,
      %broadcast_in_dim3A_738 = arith.constant 22 : i32
      %broadcast_in_dim3A_739 = vector.broadcast %broadcast_in_dim3A_738 : i32 to vector<16xi32>
      %add3A_740 = arith.constant 4 : i32
      %add3A_741 = vector.broadcast %add3A_740 : i32 to vector<16xi32>
      %add3A_742 = arith.addi %iota3A, %add3A_741 : vector<16xi32>
      %gather3A_743 = tpu.vector_load_idx %arg4[%broadcast_in_dim3A_739, %add3A_742] : memref<32x50xi32, #tpu.memory_space<vmem>>[vector<16xi32>, vector<16xi32>], vector<16xi32>,
      %swap3A_744 = arith.constant 1104 : index
      %swap3A_745 = tpu.vector_load %arg5[%swap3A_744] {strides = array<i32>} : memref<1664xi32, #tpu.memory_space<vmem>>, vector<16xi32>,
      tpu.vector_store %arg5[%swap3A_744], %gather3A_743 {strides = array<i32>} : memref<1664xi32, #tpu.memory_space<vmem>>, vector<16xi32>,
      %broadcast_in_dim3A_746 = arith.constant 22 : i32
      %broadcast_in_dim3A_747 = vector.broadcast %broadcast_in_dim3A_746 : i32 to vector<16xi32>
      %add3A_748 = arith.constant 20 : i32
      %add3A_749 = vector.broadcast %add3A_748 : i32 to vector<16xi32>
      %add3A_750 = arith.addi %iota3A, %add3A_749 : vector<16xi32>
      %gather3A_751 = tpu.vector_load_idx %arg4[%broadcast_in_dim3A_747, %add3A_750] : memref<32x50xi32, #tpu.memory_space<vmem>>[vector<16xi32>, vector<16xi32>], vector<16xi32>,
      %swap3A_752 = arith.constant 1120 : index
      %swap3A_753 = tpu.vector_load %arg5[%swap3A_752] {strides = array<i32>} : memref<1664xi32, #tpu.memory_space<vmem>>, vector<16xi32>,
      tpu.vector_store %arg5[%swap3A_752], %gather3A_751 {strides = array<i32>} : memref<1664xi32, #tpu.memory_space<vmem>>, vector<16xi32>,
      %ge3A_754 = arith.constant 14 : i32
      %ge3A_755 = vector.broadcast %ge3A_754 : i32 to vector<16xi32>
      %ge3A_756 = arith.cmpi sge, %iota3A, %ge3A_755 : vector<16xi32>
      %convert_element_type3A_757 = arith.extui %ge3A_756 : vector<16xi1> to vector<16xi32>
      %add3A_758 = arith.constant 22 : i32
      %add3A_759 = vector.broadcast %add3A_758 : i32 to vector<16xi32>
      %add3A_760 = arith.addi %convert_element_type3A_757, %add3A_759 : vector<16xi32>
      %add3A_761 = arith.constant 36 : i32
      %add3A_762 = vector.broadcast %add3A_761 : i32 to vector<16xi32>
      %add3A_763 = arith.addi %iota3A, %add3A_762 : vector<16xi32>
      %mul3A_764 = arith.constant 50 : i32
      %mul3A_765 = vector.broadcast %mul3A_764 : i32 to vector<16xi32>
      %mul3A_766 = arith.muli %mul3A_765, %convert_element_type3A_757 : vector<16xi32>
      %sub3A_767 = arith.subi %add3A_763, %mul3A_766 : vector<16xi32>
      %gather3A_768 = tpu.vector_load_idx %arg4[%add3A_760, %sub3A_767] : memref<32x50xi32, #tpu.memory_space<vmem>>[vector<16xi32>, vector<16xi32>], vector<16xi32>,
      %swap3A_769 = arith.constant 1136 : index
      %swap3A_770 = tpu.vector_load %arg5[%swap3A_769] {strides = array<i32>} : memref<1664xi32, #tpu.memory_space<vmem>>, vector<16xi32>,
      tpu.vector_store %arg5[%swap3A_769], %gather3A_768 {strides = array<i32>} : memref<1664xi32, #tpu.memory_space<vmem>>, vector<16xi32>,
      %broadcast_in_dim3A_771 = arith.constant 23 : i32
      %broadcast_in_dim3A_772 = vector.broadcast %broadcast_in_dim3A_771 : i32 to vector<16xi32>
      %add3A_773 = arith.constant 2 : i32
      %add3A_774 = vector.broadcast %add3A_773 : i32 to vector<16xi32>
      %add3A_775 = arith.addi %iota3A, %add3A_774 : vector<16xi32>
      %gather3A_776 = tpu.vector_load_idx %arg4[%broadcast_in_dim3A_772, %add3A_775] : memref<32x50xi32, #tpu.memory_space<vmem>>[vector<16xi32>, vector<16xi32>], vector<16xi32>,
      %swap3A_777 = arith.constant 1152 : index
      %swap3A_778 = tpu.vector_load %arg5[%swap3A_777] {strides = array<i32>} : memref<1664xi32, #tpu.memory_space<vmem>>, vector<16xi32>,
      tpu.vector_store %arg5[%swap3A_777], %gather3A_776 {strides = array<i32>} : memref<1664xi32, #tpu.memory_space<vmem>>, vector<16xi32>,
      %broadcast_in_dim3A_779 = arith.constant 23 : i32
      %broadcast_in_dim3A_780 = vector.broadcast %broadcast_in_dim3A_779 : i32 to vector<16xi32>
      %add3A_781 = arith.constant 18 : i32
      %add3A_782 = vector.broadcast %add3A_781 : i32 to vector<16xi32>
      %add3A_783 = arith.addi %iota3A, %add3A_782 : vector<16xi32>
      %gather3A_784 = tpu.vector_load_idx %arg4[%broadcast_in_dim3A_780, %add3A_783] : memref<32x50xi32, #tpu.memory_space<vmem>>[vector<16xi32>, vector<16xi32>], vector<16xi32>,
      %swap3A_785 = arith.constant 1168 : index
      %swap3A_786 = tpu.vector_load %arg5[%swap3A_785] {strides = array<i32>} : memref<1664xi32, #tpu.memory_space<vmem>>, vector<16xi32>,
      tpu.vector_store %arg5[%swap3A_785], %gather3A_784 {strides = array<i32>} : memref<1664xi32, #tpu.memory_space<vmem>>, vector<16xi32>,
      %broadcast_in_dim3A_787 = arith.constant 23 : i32
      %broadcast_in_dim3A_788 = vector.broadcast %broadcast_in_dim3A_787 : i32 to vector<16xi32>
      %add3A_789 = arith.constant 34 : i32
      %add3A_790 = vector.broadcast %add3A_789 : i32 to vector<16xi32>
      %add3A_791 = arith.addi %iota3A, %add3A_790 : vector<16xi32>
      %gather3A_792 = tpu.vector_load_idx %arg4[%broadcast_in_dim3A_788, %add3A_791] : memref<32x50xi32, #tpu.memory_space<vmem>>[vector<16xi32>, vector<16xi32>], vector<16xi32>,
      %swap3A_793 = arith.constant 1184 : index
      %swap3A_794 = tpu.vector_load %arg5[%swap3A_793] {strides = array<i32>} : memref<1664xi32, #tpu.memory_space<vmem>>, vector<16xi32>,
      tpu.vector_store %arg5[%swap3A_793], %gather3A_792 {strides = array<i32>} : memref<1664xi32, #tpu.memory_space<vmem>>, vector<16xi32>,
      %broadcast_in_dim3A_795 = arith.constant 24 : i32
      %broadcast_in_dim3A_796 = vector.broadcast %broadcast_in_dim3A_795 : i32 to vector<16xi32>
      %add3A_797 = arith.constant 0 : i32
      %add3A_798 = vector.broadcast %add3A_797 : i32 to vector<16xi32>
      %add3A_799 = arith.addi %iota3A, %add3A_798 : vector<16xi32>
      %gather3A_800 = tpu.vector_load_idx %arg4[%broadcast_in_dim3A_796, %add3A_799] : memref<32x50xi32, #tpu.memory_space<vmem>>[vector<16xi32>, vector<16xi32>], vector<16xi32>,
      %swap3A_801 = arith.constant 1200 : index
      %swap3A_802 = tpu.vector_load %arg5[%swap3A_801] {strides = array<i32>} : memref<1664xi32, #tpu.memory_space<vmem>>, vector<16xi32>,
      tpu.vector_store %arg5[%swap3A_801], %gather3A_800 {strides = array<i32>} : memref<1664xi32, #tpu.memory_space<vmem>>, vector<16xi32>,
      %broadcast_in_dim3A_803 = arith.constant 24 : i32
      %broadcast_in_dim3A_804 = vector.broadcast %broadcast_in_dim3A_803 : i32 to vector<16xi32>
      %add3A_805 = arith.constant 16 : i32
      %add3A_806 = vector.broadcast %add3A_805 : i32 to vector<16xi32>
      %add3A_807 = arith.addi %iota3A, %add3A_806 : vector<16xi32>
      %gather3A_808 = tpu.vector_load_idx %arg4[%broadcast_in_dim3A_804, %add3A_807] : memref<32x50xi32, #tpu.memory_space<vmem>>[vector<16xi32>, vector<16xi32>], vector<16xi32>,
      %swap3A_809 = arith.constant 1216 : index
      %swap3A_810 = tpu.vector_load %arg5[%swap3A_809] {strides = array<i32>} : memref<1664xi32, #tpu.memory_space<vmem>>, vector<16xi32>,
      tpu.vector_store %arg5[%swap3A_809], %gather3A_808 {strides = array<i32>} : memref<1664xi32, #tpu.memory_space<vmem>>, vector<16xi32>,
      %broadcast_in_dim3A_811 = arith.constant 24 : i32
      %broadcast_in_dim3A_812 = vector.broadcast %broadcast_in_dim3A_811 : i32 to vector<16xi32>
      %add3A_813 = arith.constant 32 : i32
      %add3A_814 = vector.broadcast %add3A_813 : i32 to vector<16xi32>
      %add3A_815 = arith.addi %iota3A, %add3A_814 : vector<16xi32>
      %gather3A_816 = tpu.vector_load_idx %arg4[%broadcast_in_dim3A_812, %add3A_815] : memref<32x50xi32, #tpu.memory_space<vmem>>[vector<16xi32>, vector<16xi32>], vector<16xi32>,
      %swap3A_817 = arith.constant 1232 : index
      %swap3A_818 = tpu.vector_load %arg5[%swap3A_817] {strides = array<i32>} : memref<1664xi32, #tpu.memory_space<vmem>>, vector<16xi32>,
      tpu.vector_store %arg5[%swap3A_817], %gather3A_816 {strides = array<i32>} : memref<1664xi32, #tpu.memory_space<vmem>>, vector<16xi32>,
      %ge3A_819 = arith.constant 2 : i32
      %ge3A_820 = vector.broadcast %ge3A_819 : i32 to vector<16xi32>
      %ge3A_821 = arith.cmpi sge, %iota3A, %ge3A_820 : vector<16xi32>
      %convert_element_type3A_822 = arith.extui %ge3A_821 : vector<16xi1> to vector<16xi32>
      %add3A_823 = arith.constant 24 : i32
      %add3A_824 = vector.broadcast %add3A_823 : i32 to vector<16xi32>
      %add3A_825 = arith.addi %convert_element_type3A_822, %add3A_824 : vector<16xi32>
      %add3A_826 = arith.constant 48 : i32
      %add3A_827 = vector.broadcast %add3A_826 : i32 to vector<16xi32>
      %add3A_828 = arith.addi %iota3A, %add3A_827 : vector<16xi32>
      %mul3A_829 = arith.constant 50 : i32
      %mul3A_830 = vector.broadcast %mul3A_829 : i32 to vector<16xi32>
      %mul3A_831 = arith.muli %mul3A_830, %convert_element_type3A_822 : vector<16xi32>
      %sub3A_832 = arith.subi %add3A_828, %mul3A_831 : vector<16xi32>
      %gather3A_833 = tpu.vector_load_idx %arg4[%add3A_825, %sub3A_832] : memref<32x50xi32, #tpu.memory_space<vmem>>[vector<16xi32>, vector<16xi32>], vector<16xi32>,
      %swap3A_834 = arith.constant 1248 : index
      %swap3A_835 = tpu.vector_load %arg5[%swap3A_834] {strides = array<i32>} : memref<1664xi32, #tpu.memory_space<vmem>>, vector<16xi32>,
      tpu.vector_store %arg5[%swap3A_834], %gather3A_833 {strides = array<i32>} : memref<1664xi32, #tpu.memory_space<vmem>>, vector<16xi32>,
      %broadcast_in_dim3A_836 = arith.constant 25 : i32
      %broadcast_in_dim3A_837 = vector.broadcast %broadcast_in_dim3A_836 : i32 to vector<16xi32>
      %add3A_838 = arith.constant 14 : i32
      %add3A_839 = vector.broadcast %add3A_838 : i32 to vector<16xi32>
      %add3A_840 = arith.addi %iota3A, %add3A_839 : vector<16xi32>
      %gather3A_841 = tpu.vector_load_idx %arg4[%broadcast_in_dim3A_837, %add3A_840] : memref<32x50xi32, #tpu.memory_space<vmem>>[vector<16xi32>, vector<16xi32>], vector<16xi32>,
      %swap3A_842 = arith.constant 1264 : index
      %swap3A_843 = tpu.vector_load %arg5[%swap3A_842] {strides = array<i32>} : memref<1664xi32, #tpu.memory_space<vmem>>, vector<16xi32>,
      tpu.vector_store %arg5[%swap3A_842], %gather3A_841 {strides = array<i32>} : memref<1664xi32, #tpu.memory_space<vmem>>, vector<16xi32>,
      %broadcast_in_dim3A_844 = arith.constant 25 : i32
      %broadcast_in_dim3A_845 = vector.broadcast %broadcast_in_dim3A_844 : i32 to vector<16xi32>
      %add3A_846 = arith.constant 30 : i32
      %add3A_847 = vector.broadcast %add3A_846 : i32 to vector<16xi32>
      %add3A_848 = arith.addi %iota3A, %add3A_847 : vector<16xi32>
      %gather3A_849 = tpu.vector_load_idx %arg4[%broadcast_in_dim3A_845, %add3A_848] : memref<32x50xi32, #tpu.memory_space<vmem>>[vector<16xi32>, vector<16xi32>], vector<16xi32>,
      %swap3A_850 = arith.constant 1280 : index
      %swap3A_851 = tpu.vector_load %arg5[%swap3A_850] {strides = array<i32>} : memref<1664xi32, #tpu.memory_space<vmem>>, vector<16xi32>,
      tpu.vector_store %arg5[%swap3A_850], %gather3A_849 {strides = array<i32>} : memref<1664xi32, #tpu.memory_space<vmem>>, vector<16xi32>,
      %ge3A_852 = arith.constant 4 : i32
      %ge3A_853 = vector.broadcast %ge3A_852 : i32 to vector<16xi32>
      %ge3A_854 = arith.cmpi sge, %iota3A, %ge3A_853 : vector<16xi32>
      %convert_element_type3A_855 = arith.extui %ge3A_854 : vector<16xi1> to vector<16xi32>
      %add3A_856 = arith.constant 25 : i32
      %add3A_857 = vector.broadcast %add3A_856 : i32 to vector<16xi32>
      %add3A_858 = arith.addi %convert_element_type3A_855, %add3A_857 : vector<16xi32>
      %add3A_859 = arith.constant 46 : i32
      %add3A_860 = vector.broadcast %add3A_859 : i32 to vector<16xi32>
      %add3A_861 = arith.addi %iota3A, %add3A_860 : vector<16xi32>
      %mul3A_862 = arith.constant 50 : i32
      %mul3A_863 = vector.broadcast %mul3A_862 : i32 to vector<16xi32>
      %mul3A_864 = arith.muli %mul3A_863, %convert_element_type3A_855 : vector<16xi32>
      %sub3A_865 = arith.subi %add3A_861, %mul3A_864 : vector<16xi32>
      %gather3A_866 = tpu.vector_load_idx %arg4[%add3A_858, %sub3A_865] : memref<32x50xi32, #tpu.memory_space<vmem>>[vector<16xi32>, vector<16xi32>], vector<16xi32>,
      %swap3A_867 = arith.constant 1296 : index
      %swap3A_868 = tpu.vector_load %arg5[%swap3A_867] {strides = array<i32>} : memref<1664xi32, #tpu.memory_space<vmem>>, vector<16xi32>,
      tpu.vector_store %arg5[%swap3A_867], %gather3A_866 {strides = array<i32>} : memref<1664xi32, #tpu.memory_space<vmem>>, vector<16xi32>,
      %broadcast_in_dim3A_869 = arith.constant 26 : i32
      %broadcast_in_dim3A_870 = vector.broadcast %broadcast_in_dim3A_869 : i32 to vector<16xi32>
      %add3A_871 = arith.constant 12 : i32
      %add3A_872 = vector.broadcast %add3A_871 : i32 to vector<16xi32>
      %add3A_873 = arith.addi %iota3A, %add3A_872 : vector<16xi32>
      %gather3A_874 = tpu.vector_load_idx %arg4[%broadcast_in_dim3A_870, %add3A_873] : memref<32x50xi32, #tpu.memory_space<vmem>>[vector<16xi32>, vector<16xi32>], vector<16xi32>,
      %swap3A_875 = arith.constant 1312 : index
      %swap3A_876 = tpu.vector_load %arg5[%swap3A_875] {strides = array<i32>} : memref<1664xi32, #tpu.memory_space<vmem>>, vector<16xi32>,
      tpu.vector_store %arg5[%swap3A_875], %gather3A_874 {strides = array<i32>} : memref<1664xi32, #tpu.memory_space<vmem>>, vector<16xi32>,
      %broadcast_in_dim3A_877 = arith.constant 26 : i32
      %broadcast_in_dim3A_878 = vector.broadcast %broadcast_in_dim3A_877 : i32 to vector<16xi32>
      %add3A_879 = arith.constant 28 : i32
      %add3A_880 = vector.broadcast %add3A_879 : i32 to vector<16xi32>
      %add3A_881 = arith.addi %iota3A, %add3A_880 : vector<16xi32>
      %gather3A_882 = tpu.vector_load_idx %arg4[%broadcast_in_dim3A_878, %add3A_881] : memref<32x50xi32, #tpu.memory_space<vmem>>[vector<16xi32>, vector<16xi32>], vector<16xi32>,
      %swap3A_883 = arith.constant 1328 : index
      %swap3A_884 = tpu.vector_load %arg5[%swap3A_883] {strides = array<i32>} : memref<1664xi32, #tpu.memory_space<vmem>>, vector<16xi32>,
      tpu.vector_store %arg5[%swap3A_883], %gather3A_882 {strides = array<i32>} : memref<1664xi32, #tpu.memory_space<vmem>>, vector<16xi32>,
      %ge3A_885 = arith.constant 6 : i32
      %ge3A_886 = vector.broadcast %ge3A_885 : i32 to vector<16xi32>
      %ge3A_887 = arith.cmpi sge, %iota3A, %ge3A_886 : vector<16xi32>
      %convert_element_type3A_888 = arith.extui %ge3A_887 : vector<16xi1> to vector<16xi32>
      %add3A_889 = arith.constant 26 : i32
      %add3A_890 = vector.broadcast %add3A_889 : i32 to vector<16xi32>
      %add3A_891 = arith.addi %convert_element_type3A_888, %add3A_890 : vector<16xi32>
      %add3A_892 = arith.constant 44 : i32
      %add3A_893 = vector.broadcast %add3A_892 : i32 to vector<16xi32>
      %add3A_894 = arith.addi %iota3A, %add3A_893 : vector<16xi32>
      %mul3A_895 = arith.constant 50 : i32
      %mul3A_896 = vector.broadcast %mul3A_895 : i32 to vector<16xi32>
      %mul3A_897 = arith.muli %mul3A_896, %convert_element_type3A_888 : vector<16xi32>
      %sub3A_898 = arith.subi %add3A_894, %mul3A_897 : vector<16xi32>
      %gather3A_899 = tpu.vector_load_idx %arg4[%add3A_891, %sub3A_898] : memref<32x50xi32, #tpu.memory_space<vmem>>[vector<16xi32>, vector<16xi32>], vector<16xi32>,
      %swap3A_900 = arith.constant 1344 : index
      %swap3A_901 = tpu.vector_load %arg5[%swap3A_900] {strides = array<i32>} : memref<1664xi32, #tpu.memory_space<vmem>>, vector<16xi32>,
      tpu.vector_store %arg5[%swap3A_900], %gather3A_899 {strides = array<i32>} : memref<1664xi32, #tpu.memory_space<vmem>>, vector<16xi32>,
      %broadcast_in_dim3A_902 = arith.constant 27 : i32
      %broadcast_in_dim3A_903 = vector.broadcast %broadcast_in_dim3A_902 : i32 to vector<16xi32>
      %add3A_904 = arith.constant 10 : i32
      %add3A_905 = vector.broadcast %add3A_904 : i32 to vector<16xi32>
      %add3A_906 = arith.addi %iota3A, %add3A_905 : vector<16xi32>
      %gather3A_907 = tpu.vector_load_idx %arg4[%broadcast_in_dim3A_903, %add3A_906] : memref<32x50xi32, #tpu.memory_space<vmem>>[vector<16xi32>, vector<16xi32>], vector<16xi32>,
      %swap3A_908 = arith.constant 1360 : index
      %swap3A_909 = tpu.vector_load %arg5[%swap3A_908] {strides = array<i32>} : memref<1664xi32, #tpu.memory_space<vmem>>, vector<16xi32>,
      tpu.vector_store %arg5[%swap3A_908], %gather3A_907 {strides = array<i32>} : memref<1664xi32, #tpu.memory_space<vmem>>, vector<16xi32>,
      %broadcast_in_dim3A_910 = arith.constant 27 : i32
      %broadcast_in_dim3A_911 = vector.broadcast %broadcast_in_dim3A_910 : i32 to vector<16xi32>
      %add3A_912 = arith.constant 26 : i32
      %add3A_913 = vector.broadcast %add3A_912 : i32 to vector<16xi32>
      %add3A_914 = arith.addi %iota3A, %add3A_913 : vector<16xi32>
      %gather3A_915 = tpu.vector_load_idx %arg4[%broadcast_in_dim3A_911, %add3A_914] : memref<32x50xi32, #tpu.memory_space<vmem>>[vector<16xi32>, vector<16xi32>], vector<16xi32>,
      %swap3A_916 = arith.constant 1376 : index
      %swap3A_917 = tpu.vector_load %arg5[%swap3A_916] {strides = array<i32>} : memref<1664xi32, #tpu.memory_space<vmem>>, vector<16xi32>,
      tpu.vector_store %arg5[%swap3A_916], %gather3A_915 {strides = array<i32>} : memref<1664xi32, #tpu.memory_space<vmem>>, vector<16xi32>,
      %ge3A_918 = arith.constant 8 : i32
      %ge3A_919 = vector.broadcast %ge3A_918 : i32 to vector<16xi32>
      %ge3A_920 = arith.cmpi sge, %iota3A, %ge3A_919 : vector<16xi32>
      %convert_element_type3A_921 = arith.extui %ge3A_920 : vector<16xi1> to vector<16xi32>
      %add3A_922 = arith.constant 27 : i32
      %add3A_923 = vector.broadcast %add3A_922 : i32 to vector<16xi32>
      %add3A_924 = arith.addi %convert_element_type3A_921, %add3A_923 : vector<16xi32>
      %add3A_925 = arith.constant 42 : i32
      %add3A_926 = vector.broadcast %add3A_925 : i32 to vector<16xi32>
      %add3A_927 = arith.addi %iota3A, %add3A_926 : vector<16xi32>
      %mul3A_928 = arith.constant 50 : i32
      %mul3A_929 = vector.broadcast %mul3A_928 : i32 to vector<16xi32>
      %mul3A_930 = arith.muli %mul3A_929, %convert_element_type3A_921 : vector<16xi32>
      %sub3A_931 = arith.subi %add3A_927, %mul3A_930 : vector<16xi32>
      %gather3A_932 = tpu.vector_load_idx %arg4[%add3A_924, %sub3A_931] : memref<32x50xi32, #tpu.memory_space<vmem>>[vector<16xi32>, vector<16xi32>], vector<16xi32>,
      %swap3A_933 = arith.constant 1392 : index
      %swap3A_934 = tpu.vector_load %arg5[%swap3A_933] {strides = array<i32>} : memref<1664xi32, #tpu.memory_space<vmem>>, vector<16xi32>,
      tpu.vector_store %arg5[%swap3A_933], %gather3A_932 {strides = array<i32>} : memref<1664xi32, #tpu.memory_space<vmem>>, vector<16xi32>,
      %broadcast_in_dim3A_935 = arith.constant 28 : i32
      %broadcast_in_dim3A_936 = vector.broadcast %broadcast_in_dim3A_935 : i32 to vector<16xi32>
      %add3A_937 = arith.constant 8 : i32
      %add3A_938 = vector.broadcast %add3A_937 : i32 to vector<16xi32>
      %add3A_939 = arith.addi %iota3A, %add3A_938 : vector<16xi32>
      %gather3A_940 = tpu.vector_load_idx %arg4[%broadcast_in_dim3A_936, %add3A_939] : memref<32x50xi32, #tpu.memory_space<vmem>>[vector<16xi32>, vector<16xi32>], vector<16xi32>,
      %swap3A_941 = arith.constant 1408 : index
      %swap3A_942 = tpu.vector_load %arg5[%swap3A_941] {strides = array<i32>} : memref<1664xi32, #tpu.memory_space<vmem>>, vector<16xi32>,
      tpu.vector_store %arg5[%swap3A_941], %gather3A_940 {strides = array<i32>} : memref<1664xi32, #tpu.memory_space<vmem>>, vector<16xi32>,
      %broadcast_in_dim3A_943 = arith.constant 28 : i32
      %broadcast_in_dim3A_944 = vector.broadcast %broadcast_in_dim3A_943 : i32 to vector<16xi32>
      %add3A_945 = arith.constant 24 : i32
      %add3A_946 = vector.broadcast %add3A_945 : i32 to vector<16xi32>
      %add3A_947 = arith.addi %iota3A, %add3A_946 : vector<16xi32>
      %gather3A_948 = tpu.vector_load_idx %arg4[%broadcast_in_dim3A_944, %add3A_947] : memref<32x50xi32, #tpu.memory_space<vmem>>[vector<16xi32>, vector<16xi32>], vector<16xi32>,
      %swap3A_949 = arith.constant 1424 : index
      %swap3A_950 = tpu.vector_load %arg5[%swap3A_949] {strides = array<i32>} : memref<1664xi32, #tpu.memory_space<vmem>>, vector<16xi32>,
      tpu.vector_store %arg5[%swap3A_949], %gather3A_948 {strides = array<i32>} : memref<1664xi32, #tpu.memory_space<vmem>>, vector<16xi32>,
      %ge3A_951 = arith.constant 10 : i32
      %ge3A_952 = vector.broadcast %ge3A_951 : i32 to vector<16xi32>
      %ge3A_953 = arith.cmpi sge, %iota3A, %ge3A_952 : vector<16xi32>
      %convert_element_type3A_954 = arith.extui %ge3A_953 : vector<16xi1> to vector<16xi32>
      %add3A_955 = arith.constant 28 : i32
      %add3A_956 = vector.broadcast %add3A_955 : i32 to vector<16xi32>
      %add3A_957 = arith.addi %convert_element_type3A_954, %add3A_956 : vector<16xi32>
      %add3A_958 = arith.constant 40 : i32
      %add3A_959 = vector.broadcast %add3A_958 : i32 to vector<16xi32>
      %add3A_960 = arith.addi %iota3A, %add3A_959 : vector<16xi32>
      %mul3A_961 = arith.constant 50 : i32
      %mul3A_962 = vector.broadcast %mul3A_961 : i32 to vector<16xi32>
      %mul3A_963 = arith.muli %mul3A_962, %convert_element_type3A_954 : vector<16xi32>
      %sub3A_964 = arith.subi %add3A_960, %mul3A_963 : vector<16xi32>
      %gather3A_965 = tpu.vector_load_idx %arg4[%add3A_957, %sub3A_964] : memref<32x50xi32, #tpu.memory_space<vmem>>[vector<16xi32>, vector<16xi32>], vector<16xi32>,
      %swap3A_966 = arith.constant 1440 : index
      %swap3A_967 = tpu.vector_load %arg5[%swap3A_966] {strides = array<i32>} : memref<1664xi32, #tpu.memory_space<vmem>>, vector<16xi32>,
      tpu.vector_store %arg5[%swap3A_966], %gather3A_965 {strides = array<i32>} : memref<1664xi32, #tpu.memory_space<vmem>>, vector<16xi32>,
      %broadcast_in_dim3A_968 = arith.constant 29 : i32
      %broadcast_in_dim3A_969 = vector.broadcast %broadcast_in_dim3A_968 : i32 to vector<16xi32>
      %add3A_970 = arith.constant 6 : i32
      %add3A_971 = vector.broadcast %add3A_970 : i32 to vector<16xi32>
      %add3A_972 = arith.addi %iota3A, %add3A_971 : vector<16xi32>
      %gather3A_973 = tpu.vector_load_idx %arg4[%broadcast_in_dim3A_969, %add3A_972] : memref<32x50xi32, #tpu.memory_space<vmem>>[vector<16xi32>, vector<16xi32>], vector<16xi32>,
      %swap3A_974 = arith.constant 1456 : index
      %swap3A_975 = tpu.vector_load %arg5[%swap3A_974] {strides = array<i32>} : memref<1664xi32, #tpu.memory_space<vmem>>, vector<16xi32>,
      tpu.vector_store %arg5[%swap3A_974], %gather3A_973 {strides = array<i32>} : memref<1664xi32, #tpu.memory_space<vmem>>, vector<16xi32>,
      %broadcast_in_dim3A_976 = arith.constant 29 : i32
      %broadcast_in_dim3A_977 = vector.broadcast %broadcast_in_dim3A_976 : i32 to vector<16xi32>
      %add3A_978 = arith.constant 22 : i32
      %add3A_979 = vector.broadcast %add3A_978 : i32 to vector<16xi32>
      %add3A_980 = arith.addi %iota3A, %add3A_979 : vector<16xi32>
      %gather3A_981 = tpu.vector_load_idx %arg4[%broadcast_in_dim3A_977, %add3A_980] : memref<32x50xi32, #tpu.memory_space<vmem>>[vector<16xi32>, vector<16xi32>], vector<16xi32>,
      %swap3A_982 = arith.constant 1472 : index
      %swap3A_983 = tpu.vector_load %arg5[%swap3A_982] {strides = array<i32>} : memref<1664xi32, #tpu.memory_space<vmem>>, vector<16xi32>,
      tpu.vector_store %arg5[%swap3A_982], %gather3A_981 {strides = array<i32>} : memref<1664xi32, #tpu.memory_space<vmem>>, vector<16xi32>,
      %ge3A_984 = arith.constant 12 : i32
      %ge3A_985 = vector.broadcast %ge3A_984 : i32 to vector<16xi32>
      %ge3A_986 = arith.cmpi sge, %iota3A, %ge3A_985 : vector<16xi32>
      %convert_element_type3A_987 = arith.extui %ge3A_986 : vector<16xi1> to vector<16xi32>
      %add3A_988 = arith.constant 29 : i32
      %add3A_989 = vector.broadcast %add3A_988 : i32 to vector<16xi32>
      %add3A_990 = arith.addi %convert_element_type3A_987, %add3A_989 : vector<16xi32>
      %add3A_991 = arith.constant 38 : i32
      %add3A_992 = vector.broadcast %add3A_991 : i32 to vector<16xi32>
      %add3A_993 = arith.addi %iota3A, %add3A_992 : vector<16xi32>
      %mul3A_994 = arith.constant 50 : i32
      %mul3A_995 = vector.broadcast %mul3A_994 : i32 to vector<16xi32>
      %mul3A_996 = arith.muli %mul3A_995, %convert_element_type3A_987 : vector<16xi32>
      %sub3A_997 = arith.subi %add3A_993, %mul3A_996 : vector<16xi32>
      %gather3A_998 = tpu.vector_load_idx %arg4[%add3A_990, %sub3A_997] : memref<32x50xi32, #tpu.memory_space<vmem>>[vector<16xi32>, vector<16xi32>], vector<16xi32>,
      %swap3A_999 = arith.constant 1488 : index
      %swap3A_1000 = tpu.vector_load %arg5[%swap3A_999] {strides = array<i32>} : memref<1664xi32, #tpu.memory_space<vmem>>, vector<16xi32>,
      tpu.vector_store %arg5[%swap3A_999], %gather3A_998 {strides = array<i32>} : memref<1664xi32, #tpu.memory_space<vmem>>, vector<16xi32>,
      %broadcast_in_dim3A_1001 = arith.constant 30 : i32
      %broadcast_in_dim3A_1002 = vector.broadcast %broadcast_in_dim3A_1001 : i32 to vector<16xi32>
      %add3A_1003 = arith.constant 4 : i32
      %add3A_1004 = vector.broadcast %add3A_1003 : i32 to vector<16xi32>
      %add3A_1005 = arith.addi %iota3A, %add3A_1004 : vector<16xi32>
      %gather3A_1006 = tpu.vector_load_idx %arg4[%broadcast_in_dim3A_1002, %add3A_1005] : memref<32x50xi32, #tpu.memory_space<vmem>>[vector<16xi32>, vector<16xi32>], vector<16xi32>,
      %swap3A_1007 = arith.constant 1504 : index
      %swap3A_1008 = tpu.vector_load %arg5[%swap3A_1007] {strides = array<i32>} : memref<1664xi32, #tpu.memory_space<vmem>>, vector<16xi32>,
      tpu.vector_store %arg5[%swap3A_1007], %gather3A_1006 {strides = array<i32>} : memref<1664xi32, #tpu.memory_space<vmem>>, vector<16xi32>,
      %broadcast_in_dim3A_1009 = arith.constant 30 : i32
      %broadcast_in_dim3A_1010 = vector.broadcast %broadcast_in_dim3A_1009 : i32 to vector<16xi32>
      %add3A_1011 = arith.constant 20 : i32
      %add3A_1012 = vector.broadcast %add3A_1011 : i32 to vector<16xi32>
      %add3A_1013 = arith.addi %iota3A, %add3A_1012 : vector<16xi32>
      %gather3A_1014 = tpu.vector_load_idx %arg4[%broadcast_in_dim3A_1010, %add3A_1013] : memref<32x50xi32, #tpu.memory_space<vmem>>[vector<16xi32>, vector<16xi32>], vector<16xi32>,
      %swap3A_1015 = arith.constant 1520 : index
      %swap3A_1016 = tpu.vector_load %arg5[%swap3A_1015] {strides = array<i32>} : memref<1664xi32, #tpu.memory_space<vmem>>, vector<16xi32>,
      tpu.vector_store %arg5[%swap3A_1015], %gather3A_1014 {strides = array<i32>} : memref<1664xi32, #tpu.memory_space<vmem>>, vector<16xi32>,
      %ge3A_1017 = arith.constant 14 : i32
      %ge3A_1018 = vector.broadcast %ge3A_1017 : i32 to vector<16xi32>
      %ge3A_1019 = arith.cmpi sge, %iota3A, %ge3A_1018 : vector<16xi32>
      %convert_element_type3A_1020 = arith.extui %ge3A_1019 : vector<16xi1> to vector<16xi32>
      %add3A_1021 = arith.constant 30 : i32
      %add3A_1022 = vector.broadcast %add3A_1021 : i32 to vector<16xi32>
      %add3A_1023 = arith.addi %convert_element_type3A_1020, %add3A_1022 : vector<16xi32>
      %add3A_1024 = arith.constant 36 : i32
      %add3A_1025 = vector.broadcast %add3A_1024 : i32 to vector<16xi32>
      %add3A_1026 = arith.addi %iota3A, %add3A_1025 : vector<16xi32>
      %mul3A_1027 = arith.constant 50 : i32
      %mul3A_1028 = vector.broadcast %mul3A_1027 : i32 to vector<16xi32>
      %mul3A_1029 = arith.muli %mul3A_1028, %convert_element_type3A_1020 : vector<16xi32>
      %sub3A_1030 = arith.subi %add3A_1026, %mul3A_1029 : vector<16xi32>
      %gather3A_1031 = tpu.vector_load_idx %arg4[%add3A_1023, %sub3A_1030] : memref<32x50xi32, #tpu.memory_space<vmem>>[vector<16xi32>, vector<16xi32>], vector<16xi32>,
      %swap3A_1032 = arith.constant 1536 : index
      %swap3A_1033 = tpu.vector_load %arg5[%swap3A_1032] {strides = array<i32>} : memref<1664xi32, #tpu.memory_space<vmem>>, vector<16xi32>,
      tpu.vector_store %arg5[%swap3A_1032], %gather3A_1031 {strides = array<i32>} : memref<1664xi32, #tpu.memory_space<vmem>>, vector<16xi32>,
      %broadcast_in_dim3A_1034 = arith.constant 31 : i32
      %broadcast_in_dim3A_1035 = vector.broadcast %broadcast_in_dim3A_1034 : i32 to vector<16xi32>
      %add3A_1036 = arith.constant 2 : i32
      %add3A_1037 = vector.broadcast %add3A_1036 : i32 to vector<16xi32>
      %add3A_1038 = arith.addi %iota3A, %add3A_1037 : vector<16xi32>
      %gather3A_1039 = tpu.vector_load_idx %arg4[%broadcast_in_dim3A_1035, %add3A_1038] : memref<32x50xi32, #tpu.memory_space<vmem>>[vector<16xi32>, vector<16xi32>], vector<16xi32>,
      %swap3A_1040 = arith.constant 1552 : index
      %swap3A_1041 = tpu.vector_load %arg5[%swap3A_1040] {strides = array<i32>} : memref<1664xi32, #tpu.memory_space<vmem>>, vector<16xi32>,
      tpu.vector_store %arg5[%swap3A_1040], %gather3A_1039 {strides = array<i32>} : memref<1664xi32, #tpu.memory_space<vmem>>, vector<16xi32>,
      %broadcast_in_dim3A_1042 = arith.constant 31 : i32
      %broadcast_in_dim3A_1043 = vector.broadcast %broadcast_in_dim3A_1042 : i32 to vector<16xi32>
      %add3A_1044 = arith.constant 18 : i32
      %add3A_1045 = vector.broadcast %add3A_1044 : i32 to vector<16xi32>
      %add3A_1046 = arith.addi %iota3A, %add3A_1045 : vector<16xi32>
      %gather3A_1047 = tpu.vector_load_idx %arg4[%broadcast_in_dim3A_1043, %add3A_1046] : memref<32x50xi32, #tpu.memory_space<vmem>>[vector<16xi32>, vector<16xi32>], vector<16xi32>,
      %swap3A_1048 = arith.constant 1568 : index
      %swap3A_1049 = tpu.vector_load %arg5[%swap3A_1048] {strides = array<i32>} : memref<1664xi32, #tpu.memory_space<vmem>>, vector<16xi32>,
      tpu.vector_store %arg5[%swap3A_1048], %gather3A_1047 {strides = array<i32>} : memref<1664xi32, #tpu.memory_space<vmem>>, vector<16xi32>,
      %broadcast_in_dim3A_1050 = arith.constant 31 : i32
      %broadcast_in_dim3A_1051 = vector.broadcast %broadcast_in_dim3A_1050 : i32 to vector<16xi32>
      %add3A_1052 = arith.constant 34 : i32
      %add3A_1053 = vector.broadcast %add3A_1052 : i32 to vector<16xi32>
      %add3A_1054 = arith.addi %iota3A, %add3A_1053 : vector<16xi32>
      %gather3A_1055 = tpu.vector_load_idx %arg4[%broadcast_in_dim3A_1051, %add3A_1054] : memref<32x50xi32, #tpu.memory_space<vmem>>[vector<16xi32>, vector<16xi32>], vector<16xi32>,
      %swap3A_1056 = arith.constant 1584 : index
      %swap3A_1057 = tpu.vector_load %arg5[%swap3A_1056] {strides = array<i32>} : memref<1664xi32, #tpu.memory_space<vmem>>, vector<16xi32>,
      tpu.vector_store %arg5[%swap3A_1056], %gather3A_1055 {strides = array<i32>} : memref<1664xi32, #tpu.memory_space<vmem>>, vector<16xi32>,
      %add3A_1058 = arith.constant 1600 : i32
      %add3A_1059 = vector.broadcast %add3A_1058 : i32 to vector<16xi32>
      %add3A_1060 = arith.addi %iota3A, %add3A_1059 : vector<16xi32>
      %swap3A_1061 = arith.constant 1600 : index
      %swap3A_1062 = tpu.vector_load %arg5[%swap3A_1061] {strides = array<i32>} : memref<1664xi32, #tpu.memory_space<vmem>>, vector<16xi32>,
      tpu.vector_store %arg5[%swap3A_1061], %add3A_1060 {strides = array<i32>} : memref<1664xi32, #tpu.memory_space<vmem>>, vector<16xi32>,
      %add3A_1063 = arith.constant 1616 : i32
      %add3A_1064 = vector.broadcast %add3A_1063 : i32 to vector<16xi32>
      %add3A_1065 = arith.addi %iota3A, %add3A_1064 : vector<16xi32>
      %swap3A_1066 = arith.constant 1616 : index
      %swap3A_1067 = tpu.vector_load %arg5[%swap3A_1066] {strides = array<i32>} : memref<1664xi32, #tpu.memory_space<vmem>>, vector<16xi32>,
      tpu.vector_store %arg5[%swap3A_1066], %add3A_1065 {strides = array<i32>} : memref<1664xi32, #tpu.memory_space<vmem>>, vector<16xi32>,
      %add3A_1068 = arith.constant 1632 : i32
      %add3A_1069 = vector.broadcast %add3A_1068 : i32 to vector<16xi32>
      %add3A_1070 = arith.addi %iota3A, %add3A_1069 : vector<16xi32>
      %swap3A_1071 = arith.constant 1632 : index
      %swap3A_1072 = tpu.vector_load %arg5[%swap3A_1071] {strides = array<i32>} : memref<1664xi32, #tpu.memory_space<vmem>>, vector<16xi32>,
      tpu.vector_store %arg5[%swap3A_1071], %add3A_1070 {strides = array<i32>} : memref<1664xi32, #tpu.memory_space<vmem>>, vector<16xi32>,
      %add3A_1073 = arith.constant 1648 : i32
      %add3A_1074 = vector.broadcast %add3A_1073 : i32 to vector<16xi32>
      %add3A_1075 = arith.addi %iota3A, %add3A_1074 : vector<16xi32>
      %swap3A_1076 = arith.constant 1648 : index
      %swap3A_1077 = tpu.vector_load %arg5[%swap3A_1076] {strides = array<i32>} : memref<1664xi32, #tpu.memory_space<vmem>>, vector<16xi32>,
      tpu.vector_store %arg5[%swap3A_1076], %add3A_1075 {strides = array<i32>} : memref<1664xi32, #tpu.memory_space<vmem>>, vector<16xi32>,
      %mul3A_1078 = arith.constant 1664 : i32
      %mul3A_1079 = arith.muli %add3A_9, %mul3A_1078 : i32
      "tpu.region"() ({
        %run_scoped3A = tpu.sem_alloc : memref<!tpu.dma_semaphore, #tpu.memory_space<semaphore_mem>>
        %dma_start3A = tpu.memref_slice %arg3[%mul3A_1079] : memref<851968xi32, #tpu.memory_space<hbm>> -> memref<1664xi32, #tpu.memory_space<hbm>>
        %dma_start3A_1080 = tpu.memref_slice %arg3[%mul3A_1079] : memref<851968xi32, #tpu.memory_space<hbm>> -> memref<1664xi32, #tpu.memory_space<hbm>>
        tpu.enqueue_dma source(%arg5 : memref<1664xi32, #tpu.memory_space<vmem>>) target(%dma_start3A_1080 : memref<1664xi32, #tpu.memory_space<hbm>>) target_semaphore(%run_scoped3A : memref<!tpu.dma_semaphore, #tpu.memory_space<semaphore_mem>>)
        %dma_wait3A = tpu.memref_slice %arg3[%mul3A_1079] : memref<851968xi32, #tpu.memory_space<hbm>> -> memref<1664xi32, #tpu.memory_space<hbm>>
        %dma_wait3A_1081 = tpu.memref_slice %arg3[%mul3A_1079] : memref<851968xi32, #tpu.memory_space<hbm>> -> memref<1664xi32, #tpu.memory_space<hbm>>
        tpu.wait_dma2 semaphore(%run_scoped3A : memref<!tpu.dma_semaphore, #tpu.memory_space<semaphore_mem>>) src(%arg5 : memref<1664xi32, #tpu.memory_space<vmem>>) dst(%dma_wait3A_1081 : memref<1664xi32, #tpu.memory_space<hbm>>)
        tpu.yield
      }) : () -> ()
    }
    %scan3A_5 = arith.constant 16 : i32
    return
  }
}

#map = affine_map<(d0, d1) -> (0)>
#map1 = affine_map<(d0, d1) -> (0, 0)>
module attributes {stable_mosaic.version = 14 : i64} {
  func.func @_pool_body(%arg0: i32, %arg1: i32, %arg2: memref<851968xi32, #tpu.memory_space<hbm>>, %arg3: memref<1000000x32xf32, #tpu.memory_space<hbm>>, %arg4: memref<16384x32xf32, #tpu.memory_space<hbm>>, %arg5: memref<1664xi32, #tpu.memory_space<vmem>>, %arg6: memref<1664xi32, #tpu.memory_space<vmem>>, %arg7: memref<1664x32xf32, #tpu.memory_space<vmem>>, %arg8: memref<1664x32xf32, #tpu.memory_space<vmem>>, %arg9: memref<32x32xf32, #tpu.memory_space<vmem>>, %arg10: memref<32x32xf32, #tpu.memory_space<vmem>>, %arg11: memref<!tpu.dma_semaphore, #tpu.memory_space<semaphore_mem>>, %arg12: memref<!tpu.dma_semaphore, #tpu.memory_space<semaphore_mem>>) attributes {dimension_semantics = [#tpu.dimension_semantics<core_parallel>, #tpu.dimension_semantics<subcore_parallel>], iteration_bounds = array<i64: 2, 16>, scalar_prefetch = 0 : i64, scratch_operands = 8 : i64, tpu.core_type = #tpu.core_type<sc_vector_subcore>, window_params = [{transform_indices = #map}, {transform_indices = #map1}, {transform_indices = #map1}]} {
    %mul3A = arith.constant 2 : i32
    %mul3A_0 = arith.muli %arg1, %mul3A : i32
    %add3A = arith.addi %mul3A_0, %arg0 : i32
    %mul3A_1 = arith.constant 16 : i32
    %mul3A_2 = arith.muli %add3A, %mul3A_1 : i32
    %add3A_3 = arith.constant 0 : i32
    %add3A_4 = arith.addi %mul3A_2, %add3A_3 : i32
    %mul3A_5 = arith.constant 1664 : i32
    %mul3A_6 = arith.muli %add3A_4, %mul3A_5 : i32
    "tpu.region"() ({
      %run_scoped3A = tpu.sem_alloc : memref<!tpu.dma_semaphore, #tpu.memory_space<semaphore_mem>>
      %dma_start3A_15 = tpu.memref_slice %arg2[%mul3A_6] : memref<851968xi32, #tpu.memory_space<hbm>> -> memref<1664xi32, #tpu.memory_space<hbm>>
      %dma_start3A_16 = tpu.memref_slice %arg2[%mul3A_6] : memref<851968xi32, #tpu.memory_space<hbm>> -> memref<1664xi32, #tpu.memory_space<hbm>>
      tpu.enqueue_dma source(%dma_start3A_16 : memref<1664xi32, #tpu.memory_space<hbm>>) target(%arg5 : memref<1664xi32, #tpu.memory_space<vmem>>) target_semaphore(%run_scoped3A : memref<!tpu.dma_semaphore, #tpu.memory_space<semaphore_mem>>)
      %dma_wait3A = tpu.memref_slice %arg2[%mul3A_6] : memref<851968xi32, #tpu.memory_space<hbm>> -> memref<1664xi32, #tpu.memory_space<hbm>>
      %dma_wait3A_17 = tpu.memref_slice %arg2[%mul3A_6] : memref<851968xi32, #tpu.memory_space<hbm>> -> memref<1664xi32, #tpu.memory_space<hbm>>
      tpu.wait_dma2 semaphore(%run_scoped3A : memref<!tpu.dma_semaphore, #tpu.memory_space<semaphore_mem>>) src(%dma_wait3A_17 : memref<1664xi32, #tpu.memory_space<hbm>>) dst(%arg5 : memref<1664xi32, #tpu.memory_space<vmem>>)
      tpu.yield
    }) : () -> ()
    %dma_start3A = arith.constant 0 : i32
    %dma_start3A_7 = arith.constant 0 : i32
    %dma_start3A_8 = tpu.memref_slice %arg3[%dma_start3A, %dma_start3A_7] : memref<1000000x32xf32, #tpu.memory_space<hbm>> -> memref<1000000x32xf32, #tpu.memory_space<hbm>>
    tpu.enqueue_indirect_dma source(%dma_start3A_8 : memref<1000000x32xf32, #tpu.memory_space<hbm>>) target(%arg7 : memref<1664x32xf32, #tpu.memory_space<vmem>>) offsets(%arg5 : memref<1664xi32, #tpu.memory_space<vmem>>) semaphore(%arg11 : memref<!tpu.dma_semaphore, #tpu.memory_space<semaphore_mem>>)
    %scan3A = arith.constant 0 : i32
    %scan3A_9 = arith.constant 2.000000e-02 : f32
    %scan3A_10 = arith.constant 0 : i32
    %scan3A_11 = arith.constant 8 : i32
    %scan3A_12 = arith.addi %scan3A_10, %scan3A_11 : i32
    %scan3A_13 = arith.constant 1 : i32
    scf.for %scan3A_15 = %scan3A_10 to %scan3A_12 step %scan3A_13  : i32 {
      %mul3A_16 = arith.constant 2 : i32
      %mul3A_17 = arith.muli %mul3A_16, %scan3A_15 : i32
      %add3A_18 = arith.constant 1 : i32
      %add3A_19 = arith.addi %mul3A_17, %add3A_18 : i32
      %mul3A_20 = arith.constant 16 : i32
      %mul3A_21 = arith.muli %add3A, %mul3A_20 : i32
      %add3A_22 = arith.addi %mul3A_21, %add3A_19 : i32
      %mul3A_23 = arith.constant 1664 : i32
      %mul3A_24 = arith.muli %add3A_22, %mul3A_23 : i32
      "tpu.region"() ({
        %run_scoped3A = tpu.sem_alloc : memref<!tpu.dma_semaphore, #tpu.memory_space<semaphore_mem>>
        %dma_start3A_61 = tpu.memref_slice %arg2[%mul3A_24] : memref<851968xi32, #tpu.memory_space<hbm>> -> memref<1664xi32, #tpu.memory_space<hbm>>
        %dma_start3A_62 = tpu.memref_slice %arg2[%mul3A_24] : memref<851968xi32, #tpu.memory_space<hbm>> -> memref<1664xi32, #tpu.memory_space<hbm>>
        tpu.enqueue_dma source(%dma_start3A_62 : memref<1664xi32, #tpu.memory_space<hbm>>) target(%arg6 : memref<1664xi32, #tpu.memory_space<vmem>>) target_semaphore(%run_scoped3A : memref<!tpu.dma_semaphore, #tpu.memory_space<semaphore_mem>>)
        %dma_wait3A_63 = tpu.memref_slice %arg2[%mul3A_24] : memref<851968xi32, #tpu.memory_space<hbm>> -> memref<1664xi32, #tpu.memory_space<hbm>>
        %dma_wait3A_64 = tpu.memref_slice %arg2[%mul3A_24] : memref<851968xi32, #tpu.memory_space<hbm>> -> memref<1664xi32, #tpu.memory_space<hbm>>
        tpu.wait_dma2 semaphore(%run_scoped3A : memref<!tpu.dma_semaphore, #tpu.memory_space<semaphore_mem>>) src(%dma_wait3A_64 : memref<1664xi32, #tpu.memory_space<hbm>>) dst(%arg6 : memref<1664xi32, #tpu.memory_space<vmem>>)
        tpu.yield
      }) : () -> ()
      %dma_start3A_25 = arith.constant 0 : i32
      %dma_start3A_26 = arith.constant 0 : i32
      %dma_start3A_27 = tpu.memref_slice %arg3[%dma_start3A_25, %dma_start3A_26] : memref<1000000x32xf32, #tpu.memory_space<hbm>> -> memref<1000000x32xf32, #tpu.memory_space<hbm>>
      tpu.enqueue_indirect_dma source(%dma_start3A_27 : memref<1000000x32xf32, #tpu.memory_space<hbm>>) target(%arg8 : memref<1664x32xf32, #tpu.memory_space<vmem>>) offsets(%arg6 : memref<1664xi32, #tpu.memory_space<vmem>>) semaphore(%arg12 : memref<!tpu.dma_semaphore, #tpu.memory_space<semaphore_mem>>)
      %dma_wait3A = arith.constant 0 : i32
      %dma_wait3A_28 = arith.constant 0 : i32
      %dma_wait3A_29 = tpu.memref_slice %arg3[%dma_wait3A, %dma_wait3A_28] : memref<1000000x32xf32, #tpu.memory_space<hbm>> -> memref<1000000x32xf32, #tpu.memory_space<hbm>>
      tpu.wait_indirect_dma semaphore(%arg11 : memref<!tpu.dma_semaphore, #tpu.memory_space<semaphore_mem>>) src(%dma_wait3A_29 : memref<1000000x32xf32, #tpu.memory_space<hbm>>) dst(%arg7 : memref<1664x32xf32, #tpu.memory_space<vmem>>)
      %scan3A_30 = arith.constant 0 : i32
      %scan3A_31 = arith.constant 0 : i32
      %scan3A_32 = arith.constant 32 : i32
      %scan3A_33 = arith.addi %scan3A_31, %scan3A_32 : i32
      %scan3A_34 = arith.constant 1 : i32
      scf.for %scan3A_61 = %scan3A_31 to %scan3A_33 step %scan3A_34  : i32 {
        %mul3A_62 = arith.constant 50 : i32
        %mul3A_63 = arith.muli %scan3A_61, %mul3A_62 : i32
        %get3A = arith.index_cast %mul3A_63 : i32 to index
        %get3A_64 = arith.constant 0 : index
        %get3A_65 = tpu.vector_load %arg7[%get3A, %get3A_64] {strides = array<i32>} : memref<1664x32xf32, #tpu.memory_space<vmem>>, vector<1x16xf32>,
        %get3A_66 = vector.shape_cast %get3A_65 : vector<1x16xf32> to vector<16xf32>
        %get3A_67 = arith.index_cast %mul3A_63 : i32 to index
        %get3A_68 = arith.constant 16 : index
        %get3A_69 = tpu.vector_load %arg7[%get3A_67, %get3A_68] {strides = array<i32>} : memref<1664x32xf32, #tpu.memory_space<vmem>>, vector<1x16xf32>,
        %get3A_70 = vector.shape_cast %get3A_69 : vector<1x16xf32> to vector<16xf32>
        %add3A_71 = arith.constant 1 : i32
        %add3A_72 = arith.addi %mul3A_63, %add3A_71 : i32
        %get3A_73 = arith.index_cast %add3A_72 : i32 to index
        %get3A_74 = arith.constant 0 : index
        %get3A_75 = tpu.vector_load %arg7[%get3A_73, %get3A_74] {strides = array<i32>} : memref<1664x32xf32, #tpu.memory_space<vmem>>, vector<1x16xf32>,
        %get3A_76 = vector.shape_cast %get3A_75 : vector<1x16xf32> to vector<16xf32>
        %add3A_77 = arith.addf %get3A_66, %get3A_76 : vector<16xf32>
        %add3A_78 = arith.constant 1 : i32
        %add3A_79 = arith.addi %mul3A_63, %add3A_78 : i32
        %get3A_80 = arith.index_cast %add3A_79 : i32 to index
        %get3A_81 = arith.constant 16 : index
        %get3A_82 = tpu.vector_load %arg7[%get3A_80, %get3A_81] {strides = array<i32>} : memref<1664x32xf32, #tpu.memory_space<vmem>>, vector<1x16xf32>,
        %get3A_83 = vector.shape_cast %get3A_82 : vector<1x16xf32> to vector<16xf32>
        %add3A_84 = arith.addf %get3A_70, %get3A_83 : vector<16xf32>
        %add3A_85 = arith.constant 2 : i32
        %add3A_86 = arith.addi %mul3A_63, %add3A_85 : i32
        %get3A_87 = arith.index_cast %add3A_86 : i32 to index
        %get3A_88 = arith.constant 0 : index
        %get3A_89 = tpu.vector_load %arg7[%get3A_87, %get3A_88] {strides = array<i32>} : memref<1664x32xf32, #tpu.memory_space<vmem>>, vector<1x16xf32>,
        %get3A_90 = vector.shape_cast %get3A_89 : vector<1x16xf32> to vector<16xf32>
        %add3A_91 = arith.addf %add3A_77, %get3A_90 : vector<16xf32>
        %add3A_92 = arith.constant 2 : i32
        %add3A_93 = arith.addi %mul3A_63, %add3A_92 : i32
        %get3A_94 = arith.index_cast %add3A_93 : i32 to index
        %get3A_95 = arith.constant 16 : index
        %get3A_96 = tpu.vector_load %arg7[%get3A_94, %get3A_95] {strides = array<i32>} : memref<1664x32xf32, #tpu.memory_space<vmem>>, vector<1x16xf32>,
        %get3A_97 = vector.shape_cast %get3A_96 : vector<1x16xf32> to vector<16xf32>
        %add3A_98 = arith.addf %add3A_84, %get3A_97 : vector<16xf32>
        %add3A_99 = arith.constant 3 : i32
        %add3A_100 = arith.addi %mul3A_63, %add3A_99 : i32
        %get3A_101 = arith.index_cast %add3A_100 : i32 to index
        %get3A_102 = arith.constant 0 : index
        %get3A_103 = tpu.vector_load %arg7[%get3A_101, %get3A_102] {strides = array<i32>} : memref<1664x32xf32, #tpu.memory_space<vmem>>, vector<1x16xf32>,
        %get3A_104 = vector.shape_cast %get3A_103 : vector<1x16xf32> to vector<16xf32>
        %add3A_105 = arith.addf %add3A_91, %get3A_104 : vector<16xf32>
        %add3A_106 = arith.constant 3 : i32
        %add3A_107 = arith.addi %mul3A_63, %add3A_106 : i32
        %get3A_108 = arith.index_cast %add3A_107 : i32 to index
        %get3A_109 = arith.constant 16 : index
        %get3A_110 = tpu.vector_load %arg7[%get3A_108, %get3A_109] {strides = array<i32>} : memref<1664x32xf32, #tpu.memory_space<vmem>>, vector<1x16xf32>,
        %get3A_111 = vector.shape_cast %get3A_110 : vector<1x16xf32> to vector<16xf32>
        %add3A_112 = arith.addf %add3A_98, %get3A_111 : vector<16xf32>
        %add3A_113 = arith.constant 4 : i32
        %add3A_114 = arith.addi %mul3A_63, %add3A_113 : i32
        %get3A_115 = arith.index_cast %add3A_114 : i32 to index
        %get3A_116 = arith.constant 0 : index
        %get3A_117 = tpu.vector_load %arg7[%get3A_115, %get3A_116] {strides = array<i32>} : memref<1664x32xf32, #tpu.memory_space<vmem>>, vector<1x16xf32>,
        %get3A_118 = vector.shape_cast %get3A_117 : vector<1x16xf32> to vector<16xf32>
        %add3A_119 = arith.addf %add3A_105, %get3A_118 : vector<16xf32>
        %add3A_120 = arith.constant 4 : i32
        %add3A_121 = arith.addi %mul3A_63, %add3A_120 : i32
        %get3A_122 = arith.index_cast %add3A_121 : i32 to index
        %get3A_123 = arith.constant 16 : index
        %get3A_124 = tpu.vector_load %arg7[%get3A_122, %get3A_123] {strides = array<i32>} : memref<1664x32xf32, #tpu.memory_space<vmem>>, vector<1x16xf32>,
        %get3A_125 = vector.shape_cast %get3A_124 : vector<1x16xf32> to vector<16xf32>
        %add3A_126 = arith.addf %add3A_112, %get3A_125 : vector<16xf32>
        %add3A_127 = arith.constant 5 : i32
        %add3A_128 = arith.addi %mul3A_63, %add3A_127 : i32
        %get3A_129 = arith.index_cast %add3A_128 : i32 to index
        %get3A_130 = arith.constant 0 : index
        %get3A_131 = tpu.vector_load %arg7[%get3A_129, %get3A_130] {strides = array<i32>} : memref<1664x32xf32, #tpu.memory_space<vmem>>, vector<1x16xf32>,
        %get3A_132 = vector.shape_cast %get3A_131 : vector<1x16xf32> to vector<16xf32>
        %add3A_133 = arith.addf %add3A_119, %get3A_132 : vector<16xf32>
        %add3A_134 = arith.constant 5 : i32
        %add3A_135 = arith.addi %mul3A_63, %add3A_134 : i32
        %get3A_136 = arith.index_cast %add3A_135 : i32 to index
        %get3A_137 = arith.constant 16 : index
        %get3A_138 = tpu.vector_load %arg7[%get3A_136, %get3A_137] {strides = array<i32>} : memref<1664x32xf32, #tpu.memory_space<vmem>>, vector<1x16xf32>,
        %get3A_139 = vector.shape_cast %get3A_138 : vector<1x16xf32> to vector<16xf32>
        %add3A_140 = arith.addf %add3A_126, %get3A_139 : vector<16xf32>
        %add3A_141 = arith.constant 6 : i32
        %add3A_142 = arith.addi %mul3A_63, %add3A_141 : i32
        %get3A_143 = arith.index_cast %add3A_142 : i32 to index
        %get3A_144 = arith.constant 0 : index
        %get3A_145 = tpu.vector_load %arg7[%get3A_143, %get3A_144] {strides = array<i32>} : memref<1664x32xf32, #tpu.memory_space<vmem>>, vector<1x16xf32>,
        %get3A_146 = vector.shape_cast %get3A_145 : vector<1x16xf32> to vector<16xf32>
        %add3A_147 = arith.addf %add3A_133, %get3A_146 : vector<16xf32>
        %add3A_148 = arith.constant 6 : i32
        %add3A_149 = arith.addi %mul3A_63, %add3A_148 : i32
        %get3A_150 = arith.index_cast %add3A_149 : i32 to index
        %get3A_151 = arith.constant 16 : index
        %get3A_152 = tpu.vector_load %arg7[%get3A_150, %get3A_151] {strides = array<i32>} : memref<1664x32xf32, #tpu.memory_space<vmem>>, vector<1x16xf32>,
        %get3A_153 = vector.shape_cast %get3A_152 : vector<1x16xf32> to vector<16xf32>
        %add3A_154 = arith.addf %add3A_140, %get3A_153 : vector<16xf32>
        %add3A_155 = arith.constant 7 : i32
        %add3A_156 = arith.addi %mul3A_63, %add3A_155 : i32
        %get3A_157 = arith.index_cast %add3A_156 : i32 to index
        %get3A_158 = arith.constant 0 : index
        %get3A_159 = tpu.vector_load %arg7[%get3A_157, %get3A_158] {strides = array<i32>} : memref<1664x32xf32, #tpu.memory_space<vmem>>, vector<1x16xf32>,
        %get3A_160 = vector.shape_cast %get3A_159 : vector<1x16xf32> to vector<16xf32>
        %add3A_161 = arith.addf %add3A_147, %get3A_160 : vector<16xf32>
        %add3A_162 = arith.constant 7 : i32
        %add3A_163 = arith.addi %mul3A_63, %add3A_162 : i32
        %get3A_164 = arith.index_cast %add3A_163 : i32 to index
        %get3A_165 = arith.constant 16 : index
        %get3A_166 = tpu.vector_load %arg7[%get3A_164, %get3A_165] {strides = array<i32>} : memref<1664x32xf32, #tpu.memory_space<vmem>>, vector<1x16xf32>,
        %get3A_167 = vector.shape_cast %get3A_166 : vector<1x16xf32> to vector<16xf32>
        %add3A_168 = arith.addf %add3A_154, %get3A_167 : vector<16xf32>
        %add3A_169 = arith.constant 8 : i32
        %add3A_170 = arith.addi %mul3A_63, %add3A_169 : i32
        %get3A_171 = arith.index_cast %add3A_170 : i32 to index
        %get3A_172 = arith.constant 0 : index
        %get3A_173 = tpu.vector_load %arg7[%get3A_171, %get3A_172] {strides = array<i32>} : memref<1664x32xf32, #tpu.memory_space<vmem>>, vector<1x16xf32>,
        %get3A_174 = vector.shape_cast %get3A_173 : vector<1x16xf32> to vector<16xf32>
        %add3A_175 = arith.addf %add3A_161, %get3A_174 : vector<16xf32>
        %add3A_176 = arith.constant 8 : i32
        %add3A_177 = arith.addi %mul3A_63, %add3A_176 : i32
        %get3A_178 = arith.index_cast %add3A_177 : i32 to index
        %get3A_179 = arith.constant 16 : index
        %get3A_180 = tpu.vector_load %arg7[%get3A_178, %get3A_179] {strides = array<i32>} : memref<1664x32xf32, #tpu.memory_space<vmem>>, vector<1x16xf32>,
        %get3A_181 = vector.shape_cast %get3A_180 : vector<1x16xf32> to vector<16xf32>
        %add3A_182 = arith.addf %add3A_168, %get3A_181 : vector<16xf32>
        %add3A_183 = arith.constant 9 : i32
        %add3A_184 = arith.addi %mul3A_63, %add3A_183 : i32
        %get3A_185 = arith.index_cast %add3A_184 : i32 to index
        %get3A_186 = arith.constant 0 : index
        %get3A_187 = tpu.vector_load %arg7[%get3A_185, %get3A_186] {strides = array<i32>} : memref<1664x32xf32, #tpu.memory_space<vmem>>, vector<1x16xf32>,
        %get3A_188 = vector.shape_cast %get3A_187 : vector<1x16xf32> to vector<16xf32>
        %add3A_189 = arith.addf %add3A_175, %get3A_188 : vector<16xf32>
        %add3A_190 = arith.constant 9 : i32
        %add3A_191 = arith.addi %mul3A_63, %add3A_190 : i32
        %get3A_192 = arith.index_cast %add3A_191 : i32 to index
        %get3A_193 = arith.constant 16 : index
        %get3A_194 = tpu.vector_load %arg7[%get3A_192, %get3A_193] {strides = array<i32>} : memref<1664x32xf32, #tpu.memory_space<vmem>>, vector<1x16xf32>,
        %get3A_195 = vector.shape_cast %get3A_194 : vector<1x16xf32> to vector<16xf32>
        %add3A_196 = arith.addf %add3A_182, %get3A_195 : vector<16xf32>
        %add3A_197 = arith.constant 10 : i32
        %add3A_198 = arith.addi %mul3A_63, %add3A_197 : i32
        %get3A_199 = arith.index_cast %add3A_198 : i32 to index
        %get3A_200 = arith.constant 0 : index
        %get3A_201 = tpu.vector_load %arg7[%get3A_199, %get3A_200] {strides = array<i32>} : memref<1664x32xf32, #tpu.memory_space<vmem>>, vector<1x16xf32>,
        %get3A_202 = vector.shape_cast %get3A_201 : vector<1x16xf32> to vector<16xf32>
        %add3A_203 = arith.addf %add3A_189, %get3A_202 : vector<16xf32>
        %add3A_204 = arith.constant 10 : i32
        %add3A_205 = arith.addi %mul3A_63, %add3A_204 : i32
        %get3A_206 = arith.index_cast %add3A_205 : i32 to index
        %get3A_207 = arith.constant 16 : index
        %get3A_208 = tpu.vector_load %arg7[%get3A_206, %get3A_207] {strides = array<i32>} : memref<1664x32xf32, #tpu.memory_space<vmem>>, vector<1x16xf32>,
        %get3A_209 = vector.shape_cast %get3A_208 : vector<1x16xf32> to vector<16xf32>
        %add3A_210 = arith.addf %add3A_196, %get3A_209 : vector<16xf32>
        %add3A_211 = arith.constant 11 : i32
        %add3A_212 = arith.addi %mul3A_63, %add3A_211 : i32
        %get3A_213 = arith.index_cast %add3A_212 : i32 to index
        %get3A_214 = arith.constant 0 : index
        %get3A_215 = tpu.vector_load %arg7[%get3A_213, %get3A_214] {strides = array<i32>} : memref<1664x32xf32, #tpu.memory_space<vmem>>, vector<1x16xf32>,
        %get3A_216 = vector.shape_cast %get3A_215 : vector<1x16xf32> to vector<16xf32>
        %add3A_217 = arith.addf %add3A_203, %get3A_216 : vector<16xf32>
        %add3A_218 = arith.constant 11 : i32
        %add3A_219 = arith.addi %mul3A_63, %add3A_218 : i32
        %get3A_220 = arith.index_cast %add3A_219 : i32 to index
        %get3A_221 = arith.constant 16 : index
        %get3A_222 = tpu.vector_load %arg7[%get3A_220, %get3A_221] {strides = array<i32>} : memref<1664x32xf32, #tpu.memory_space<vmem>>, vector<1x16xf32>,
        %get3A_223 = vector.shape_cast %get3A_222 : vector<1x16xf32> to vector<16xf32>
        %add3A_224 = arith.addf %add3A_210, %get3A_223 : vector<16xf32>
        %add3A_225 = arith.constant 12 : i32
        %add3A_226 = arith.addi %mul3A_63, %add3A_225 : i32
        %get3A_227 = arith.index_cast %add3A_226 : i32 to index
        %get3A_228 = arith.constant 0 : index
        %get3A_229 = tpu.vector_load %arg7[%get3A_227, %get3A_228] {strides = array<i32>} : memref<1664x32xf32, #tpu.memory_space<vmem>>, vector<1x16xf32>,
        %get3A_230 = vector.shape_cast %get3A_229 : vector<1x16xf32> to vector<16xf32>
        %add3A_231 = arith.addf %add3A_217, %get3A_230 : vector<16xf32>
        %add3A_232 = arith.constant 12 : i32
        %add3A_233 = arith.addi %mul3A_63, %add3A_232 : i32
        %get3A_234 = arith.index_cast %add3A_233 : i32 to index
        %get3A_235 = arith.constant 16 : index
        %get3A_236 = tpu.vector_load %arg7[%get3A_234, %get3A_235] {strides = array<i32>} : memref<1664x32xf32, #tpu.memory_space<vmem>>, vector<1x16xf32>,
        %get3A_237 = vector.shape_cast %get3A_236 : vector<1x16xf32> to vector<16xf32>
        %add3A_238 = arith.addf %add3A_224, %get3A_237 : vector<16xf32>
        %add3A_239 = arith.constant 13 : i32
        %add3A_240 = arith.addi %mul3A_63, %add3A_239 : i32
        %get3A_241 = arith.index_cast %add3A_240 : i32 to index
        %get3A_242 = arith.constant 0 : index
        %get3A_243 = tpu.vector_load %arg7[%get3A_241, %get3A_242] {strides = array<i32>} : memref<1664x32xf32, #tpu.memory_space<vmem>>, vector<1x16xf32>,
        %get3A_244 = vector.shape_cast %get3A_243 : vector<1x16xf32> to vector<16xf32>
        %add3A_245 = arith.addf %add3A_231, %get3A_244 : vector<16xf32>
        %add3A_246 = arith.constant 13 : i32
        %add3A_247 = arith.addi %mul3A_63, %add3A_246 : i32
        %get3A_248 = arith.index_cast %add3A_247 : i32 to index
        %get3A_249 = arith.constant 16 : index
        %get3A_250 = tpu.vector_load %arg7[%get3A_248, %get3A_249] {strides = array<i32>} : memref<1664x32xf32, #tpu.memory_space<vmem>>, vector<1x16xf32>,
        %get3A_251 = vector.shape_cast %get3A_250 : vector<1x16xf32> to vector<16xf32>
        %add3A_252 = arith.addf %add3A_238, %get3A_251 : vector<16xf32>
        %add3A_253 = arith.constant 14 : i32
        %add3A_254 = arith.addi %mul3A_63, %add3A_253 : i32
        %get3A_255 = arith.index_cast %add3A_254 : i32 to index
        %get3A_256 = arith.constant 0 : index
        %get3A_257 = tpu.vector_load %arg7[%get3A_255, %get3A_256] {strides = array<i32>} : memref<1664x32xf32, #tpu.memory_space<vmem>>, vector<1x16xf32>,
        %get3A_258 = vector.shape_cast %get3A_257 : vector<1x16xf32> to vector<16xf32>
        %add3A_259 = arith.addf %add3A_245, %get3A_258 : vector<16xf32>
        %add3A_260 = arith.constant 14 : i32
        %add3A_261 = arith.addi %mul3A_63, %add3A_260 : i32
        %get3A_262 = arith.index_cast %add3A_261 : i32 to index
        %get3A_263 = arith.constant 16 : index
        %get3A_264 = tpu.vector_load %arg7[%get3A_262, %get3A_263] {strides = array<i32>} : memref<1664x32xf32, #tpu.memory_space<vmem>>, vector<1x16xf32>,
        %get3A_265 = vector.shape_cast %get3A_264 : vector<1x16xf32> to vector<16xf32>
        %add3A_266 = arith.addf %add3A_252, %get3A_265 : vector<16xf32>
        %add3A_267 = arith.constant 15 : i32
        %add3A_268 = arith.addi %mul3A_63, %add3A_267 : i32
        %get3A_269 = arith.index_cast %add3A_268 : i32 to index
        %get3A_270 = arith.constant 0 : index
        %get3A_271 = tpu.vector_load %arg7[%get3A_269, %get3A_270] {strides = array<i32>} : memref<1664x32xf32, #tpu.memory_space<vmem>>, vector<1x16xf32>,
        %get3A_272 = vector.shape_cast %get3A_271 : vector<1x16xf32> to vector<16xf32>
        %add3A_273 = arith.addf %add3A_259, %get3A_272 : vector<16xf32>
        %add3A_274 = arith.constant 15 : i32
        %add3A_275 = arith.addi %mul3A_63, %add3A_274 : i32
        %get3A_276 = arith.index_cast %add3A_275 : i32 to index
        %get3A_277 = arith.constant 16 : index
        %get3A_278 = tpu.vector_load %arg7[%get3A_276, %get3A_277] {strides = array<i32>} : memref<1664x32xf32, #tpu.memory_space<vmem>>, vector<1x16xf32>,
        %get3A_279 = vector.shape_cast %get3A_278 : vector<1x16xf32> to vector<16xf32>
        %add3A_280 = arith.addf %add3A_266, %get3A_279 : vector<16xf32>
        %add3A_281 = arith.constant 16 : i32
        %add3A_282 = arith.addi %mul3A_63, %add3A_281 : i32
        %get3A_283 = arith.index_cast %add3A_282 : i32 to index
        %get3A_284 = arith.constant 0 : index
        %get3A_285 = tpu.vector_load %arg7[%get3A_283, %get3A_284] {strides = array<i32>} : memref<1664x32xf32, #tpu.memory_space<vmem>>, vector<1x16xf32>,
        %get3A_286 = vector.shape_cast %get3A_285 : vector<1x16xf32> to vector<16xf32>
        %add3A_287 = arith.addf %add3A_273, %get3A_286 : vector<16xf32>
        %add3A_288 = arith.constant 16 : i32
        %add3A_289 = arith.addi %mul3A_63, %add3A_288 : i32
        %get3A_290 = arith.index_cast %add3A_289 : i32 to index
        %get3A_291 = arith.constant 16 : index
        %get3A_292 = tpu.vector_load %arg7[%get3A_290, %get3A_291] {strides = array<i32>} : memref<1664x32xf32, #tpu.memory_space<vmem>>, vector<1x16xf32>,
        %get3A_293 = vector.shape_cast %get3A_292 : vector<1x16xf32> to vector<16xf32>
        %add3A_294 = arith.addf %add3A_280, %get3A_293 : vector<16xf32>
        %add3A_295 = arith.constant 17 : i32
        %add3A_296 = arith.addi %mul3A_63, %add3A_295 : i32
        %get3A_297 = arith.index_cast %add3A_296 : i32 to index
        %get3A_298 = arith.constant 0 : index
        %get3A_299 = tpu.vector_load %arg7[%get3A_297, %get3A_298] {strides = array<i32>} : memref<1664x32xf32, #tpu.memory_space<vmem>>, vector<1x16xf32>,
        %get3A_300 = vector.shape_cast %get3A_299 : vector<1x16xf32> to vector<16xf32>
        %add3A_301 = arith.addf %add3A_287, %get3A_300 : vector<16xf32>
        %add3A_302 = arith.constant 17 : i32
        %add3A_303 = arith.addi %mul3A_63, %add3A_302 : i32
        %get3A_304 = arith.index_cast %add3A_303 : i32 to index
        %get3A_305 = arith.constant 16 : index
        %get3A_306 = tpu.vector_load %arg7[%get3A_304, %get3A_305] {strides = array<i32>} : memref<1664x32xf32, #tpu.memory_space<vmem>>, vector<1x16xf32>,
        %get3A_307 = vector.shape_cast %get3A_306 : vector<1x16xf32> to vector<16xf32>
        %add3A_308 = arith.addf %add3A_294, %get3A_307 : vector<16xf32>
        %add3A_309 = arith.constant 18 : i32
        %add3A_310 = arith.addi %mul3A_63, %add3A_309 : i32
        %get3A_311 = arith.index_cast %add3A_310 : i32 to index
        %get3A_312 = arith.constant 0 : index
        %get3A_313 = tpu.vector_load %arg7[%get3A_311, %get3A_312] {strides = array<i32>} : memref<1664x32xf32, #tpu.memory_space<vmem>>, vector<1x16xf32>,
        %get3A_314 = vector.shape_cast %get3A_313 : vector<1x16xf32> to vector<16xf32>
        %add3A_315 = arith.addf %add3A_301, %get3A_314 : vector<16xf32>
        %add3A_316 = arith.constant 18 : i32
        %add3A_317 = arith.addi %mul3A_63, %add3A_316 : i32
        %get3A_318 = arith.index_cast %add3A_317 : i32 to index
        %get3A_319 = arith.constant 16 : index
        %get3A_320 = tpu.vector_load %arg7[%get3A_318, %get3A_319] {strides = array<i32>} : memref<1664x32xf32, #tpu.memory_space<vmem>>, vector<1x16xf32>,
        %get3A_321 = vector.shape_cast %get3A_320 : vector<1x16xf32> to vector<16xf32>
        %add3A_322 = arith.addf %add3A_308, %get3A_321 : vector<16xf32>
        %add3A_323 = arith.constant 19 : i32
        %add3A_324 = arith.addi %mul3A_63, %add3A_323 : i32
        %get3A_325 = arith.index_cast %add3A_324 : i32 to index
        %get3A_326 = arith.constant 0 : index
        %get3A_327 = tpu.vector_load %arg7[%get3A_325, %get3A_326] {strides = array<i32>} : memref<1664x32xf32, #tpu.memory_space<vmem>>, vector<1x16xf32>,
        %get3A_328 = vector.shape_cast %get3A_327 : vector<1x16xf32> to vector<16xf32>
        %add3A_329 = arith.addf %add3A_315, %get3A_328 : vector<16xf32>
        %add3A_330 = arith.constant 19 : i32
        %add3A_331 = arith.addi %mul3A_63, %add3A_330 : i32
        %get3A_332 = arith.index_cast %add3A_331 : i32 to index
        %get3A_333 = arith.constant 16 : index
        %get3A_334 = tpu.vector_load %arg7[%get3A_332, %get3A_333] {strides = array<i32>} : memref<1664x32xf32, #tpu.memory_space<vmem>>, vector<1x16xf32>,
        %get3A_335 = vector.shape_cast %get3A_334 : vector<1x16xf32> to vector<16xf32>
        %add3A_336 = arith.addf %add3A_322, %get3A_335 : vector<16xf32>
        %add3A_337 = arith.constant 20 : i32
        %add3A_338 = arith.addi %mul3A_63, %add3A_337 : i32
        %get3A_339 = arith.index_cast %add3A_338 : i32 to index
        %get3A_340 = arith.constant 0 : index
        %get3A_341 = tpu.vector_load %arg7[%get3A_339, %get3A_340] {strides = array<i32>} : memref<1664x32xf32, #tpu.memory_space<vmem>>, vector<1x16xf32>,
        %get3A_342 = vector.shape_cast %get3A_341 : vector<1x16xf32> to vector<16xf32>
        %add3A_343 = arith.addf %add3A_329, %get3A_342 : vector<16xf32>
        %add3A_344 = arith.constant 20 : i32
        %add3A_345 = arith.addi %mul3A_63, %add3A_344 : i32
        %get3A_346 = arith.index_cast %add3A_345 : i32 to index
        %get3A_347 = arith.constant 16 : index
        %get3A_348 = tpu.vector_load %arg7[%get3A_346, %get3A_347] {strides = array<i32>} : memref<1664x32xf32, #tpu.memory_space<vmem>>, vector<1x16xf32>,
        %get3A_349 = vector.shape_cast %get3A_348 : vector<1x16xf32> to vector<16xf32>
        %add3A_350 = arith.addf %add3A_336, %get3A_349 : vector<16xf32>
        %add3A_351 = arith.constant 21 : i32
        %add3A_352 = arith.addi %mul3A_63, %add3A_351 : i32
        %get3A_353 = arith.index_cast %add3A_352 : i32 to index
        %get3A_354 = arith.constant 0 : index
        %get3A_355 = tpu.vector_load %arg7[%get3A_353, %get3A_354] {strides = array<i32>} : memref<1664x32xf32, #tpu.memory_space<vmem>>, vector<1x16xf32>,
        %get3A_356 = vector.shape_cast %get3A_355 : vector<1x16xf32> to vector<16xf32>
        %add3A_357 = arith.addf %add3A_343, %get3A_356 : vector<16xf32>
        %add3A_358 = arith.constant 21 : i32
        %add3A_359 = arith.addi %mul3A_63, %add3A_358 : i32
        %get3A_360 = arith.index_cast %add3A_359 : i32 to index
        %get3A_361 = arith.constant 16 : index
        %get3A_362 = tpu.vector_load %arg7[%get3A_360, %get3A_361] {strides = array<i32>} : memref<1664x32xf32, #tpu.memory_space<vmem>>, vector<1x16xf32>,
        %get3A_363 = vector.shape_cast %get3A_362 : vector<1x16xf32> to vector<16xf32>
        %add3A_364 = arith.addf %add3A_350, %get3A_363 : vector<16xf32>
        %add3A_365 = arith.constant 22 : i32
        %add3A_366 = arith.addi %mul3A_63, %add3A_365 : i32
        %get3A_367 = arith.index_cast %add3A_366 : i32 to index
        %get3A_368 = arith.constant 0 : index
        %get3A_369 = tpu.vector_load %arg7[%get3A_367, %get3A_368] {strides = array<i32>} : memref<1664x32xf32, #tpu.memory_space<vmem>>, vector<1x16xf32>,
        %get3A_370 = vector.shape_cast %get3A_369 : vector<1x16xf32> to vector<16xf32>
        %add3A_371 = arith.addf %add3A_357, %get3A_370 : vector<16xf32>
        %add3A_372 = arith.constant 22 : i32
        %add3A_373 = arith.addi %mul3A_63, %add3A_372 : i32
        %get3A_374 = arith.index_cast %add3A_373 : i32 to index
        %get3A_375 = arith.constant 16 : index
        %get3A_376 = tpu.vector_load %arg7[%get3A_374, %get3A_375] {strides = array<i32>} : memref<1664x32xf32, #tpu.memory_space<vmem>>, vector<1x16xf32>,
        %get3A_377 = vector.shape_cast %get3A_376 : vector<1x16xf32> to vector<16xf32>
        %add3A_378 = arith.addf %add3A_364, %get3A_377 : vector<16xf32>
        %add3A_379 = arith.constant 23 : i32
        %add3A_380 = arith.addi %mul3A_63, %add3A_379 : i32
        %get3A_381 = arith.index_cast %add3A_380 : i32 to index
        %get3A_382 = arith.constant 0 : index
        %get3A_383 = tpu.vector_load %arg7[%get3A_381, %get3A_382] {strides = array<i32>} : memref<1664x32xf32, #tpu.memory_space<vmem>>, vector<1x16xf32>,
        %get3A_384 = vector.shape_cast %get3A_383 : vector<1x16xf32> to vector<16xf32>
        %add3A_385 = arith.addf %add3A_371, %get3A_384 : vector<16xf32>
        %add3A_386 = arith.constant 23 : i32
        %add3A_387 = arith.addi %mul3A_63, %add3A_386 : i32
        %get3A_388 = arith.index_cast %add3A_387 : i32 to index
        %get3A_389 = arith.constant 16 : index
        %get3A_390 = tpu.vector_load %arg7[%get3A_388, %get3A_389] {strides = array<i32>} : memref<1664x32xf32, #tpu.memory_space<vmem>>, vector<1x16xf32>,
        %get3A_391 = vector.shape_cast %get3A_390 : vector<1x16xf32> to vector<16xf32>
        %add3A_392 = arith.addf %add3A_378, %get3A_391 : vector<16xf32>
        %add3A_393 = arith.constant 24 : i32
        %add3A_394 = arith.addi %mul3A_63, %add3A_393 : i32
        %get3A_395 = arith.index_cast %add3A_394 : i32 to index
        %get3A_396 = arith.constant 0 : index
        %get3A_397 = tpu.vector_load %arg7[%get3A_395, %get3A_396] {strides = array<i32>} : memref<1664x32xf32, #tpu.memory_space<vmem>>, vector<1x16xf32>,
        %get3A_398 = vector.shape_cast %get3A_397 : vector<1x16xf32> to vector<16xf32>
        %add3A_399 = arith.addf %add3A_385, %get3A_398 : vector<16xf32>
        %add3A_400 = arith.constant 24 : i32
        %add3A_401 = arith.addi %mul3A_63, %add3A_400 : i32
        %get3A_402 = arith.index_cast %add3A_401 : i32 to index
        %get3A_403 = arith.constant 16 : index
        %get3A_404 = tpu.vector_load %arg7[%get3A_402, %get3A_403] {strides = array<i32>} : memref<1664x32xf32, #tpu.memory_space<vmem>>, vector<1x16xf32>,
        %get3A_405 = vector.shape_cast %get3A_404 : vector<1x16xf32> to vector<16xf32>
        %add3A_406 = arith.addf %add3A_392, %get3A_405 : vector<16xf32>
        %add3A_407 = arith.constant 25 : i32
        %add3A_408 = arith.addi %mul3A_63, %add3A_407 : i32
        %get3A_409 = arith.index_cast %add3A_408 : i32 to index
        %get3A_410 = arith.constant 0 : index
        %get3A_411 = tpu.vector_load %arg7[%get3A_409, %get3A_410] {strides = array<i32>} : memref<1664x32xf32, #tpu.memory_space<vmem>>, vector<1x16xf32>,
        %get3A_412 = vector.shape_cast %get3A_411 : vector<1x16xf32> to vector<16xf32>
        %add3A_413 = arith.addf %add3A_399, %get3A_412 : vector<16xf32>
        %add3A_414 = arith.constant 25 : i32
        %add3A_415 = arith.addi %mul3A_63, %add3A_414 : i32
        %get3A_416 = arith.index_cast %add3A_415 : i32 to index
        %get3A_417 = arith.constant 16 : index
        %get3A_418 = tpu.vector_load %arg7[%get3A_416, %get3A_417] {strides = array<i32>} : memref<1664x32xf32, #tpu.memory_space<vmem>>, vector<1x16xf32>,
        %get3A_419 = vector.shape_cast %get3A_418 : vector<1x16xf32> to vector<16xf32>
        %add3A_420 = arith.addf %add3A_406, %get3A_419 : vector<16xf32>
        %add3A_421 = arith.constant 26 : i32
        %add3A_422 = arith.addi %mul3A_63, %add3A_421 : i32
        %get3A_423 = arith.index_cast %add3A_422 : i32 to index
        %get3A_424 = arith.constant 0 : index
        %get3A_425 = tpu.vector_load %arg7[%get3A_423, %get3A_424] {strides = array<i32>} : memref<1664x32xf32, #tpu.memory_space<vmem>>, vector<1x16xf32>,
        %get3A_426 = vector.shape_cast %get3A_425 : vector<1x16xf32> to vector<16xf32>
        %add3A_427 = arith.addf %add3A_413, %get3A_426 : vector<16xf32>
        %add3A_428 = arith.constant 26 : i32
        %add3A_429 = arith.addi %mul3A_63, %add3A_428 : i32
        %get3A_430 = arith.index_cast %add3A_429 : i32 to index
        %get3A_431 = arith.constant 16 : index
        %get3A_432 = tpu.vector_load %arg7[%get3A_430, %get3A_431] {strides = array<i32>} : memref<1664x32xf32, #tpu.memory_space<vmem>>, vector<1x16xf32>,
        %get3A_433 = vector.shape_cast %get3A_432 : vector<1x16xf32> to vector<16xf32>
        %add3A_434 = arith.addf %add3A_420, %get3A_433 : vector<16xf32>
        %add3A_435 = arith.constant 27 : i32
        %add3A_436 = arith.addi %mul3A_63, %add3A_435 : i32
        %get3A_437 = arith.index_cast %add3A_436 : i32 to index
        %get3A_438 = arith.constant 0 : index
        %get3A_439 = tpu.vector_load %arg7[%get3A_437, %get3A_438] {strides = array<i32>} : memref<1664x32xf32, #tpu.memory_space<vmem>>, vector<1x16xf32>,
        %get3A_440 = vector.shape_cast %get3A_439 : vector<1x16xf32> to vector<16xf32>
        %add3A_441 = arith.addf %add3A_427, %get3A_440 : vector<16xf32>
        %add3A_442 = arith.constant 27 : i32
        %add3A_443 = arith.addi %mul3A_63, %add3A_442 : i32
        %get3A_444 = arith.index_cast %add3A_443 : i32 to index
        %get3A_445 = arith.constant 16 : index
        %get3A_446 = tpu.vector_load %arg7[%get3A_444, %get3A_445] {strides = array<i32>} : memref<1664x32xf32, #tpu.memory_space<vmem>>, vector<1x16xf32>,
        %get3A_447 = vector.shape_cast %get3A_446 : vector<1x16xf32> to vector<16xf32>
        %add3A_448 = arith.addf %add3A_434, %get3A_447 : vector<16xf32>
        %add3A_449 = arith.constant 28 : i32
        %add3A_450 = arith.addi %mul3A_63, %add3A_449 : i32
        %get3A_451 = arith.index_cast %add3A_450 : i32 to index
        %get3A_452 = arith.constant 0 : index
        %get3A_453 = tpu.vector_load %arg7[%get3A_451, %get3A_452] {strides = array<i32>} : memref<1664x32xf32, #tpu.memory_space<vmem>>, vector<1x16xf32>,
        %get3A_454 = vector.shape_cast %get3A_453 : vector<1x16xf32> to vector<16xf32>
        %add3A_455 = arith.addf %add3A_441, %get3A_454 : vector<16xf32>
        %add3A_456 = arith.constant 28 : i32
        %add3A_457 = arith.addi %mul3A_63, %add3A_456 : i32
        %get3A_458 = arith.index_cast %add3A_457 : i32 to index
        %get3A_459 = arith.constant 16 : index
        %get3A_460 = tpu.vector_load %arg7[%get3A_458, %get3A_459] {strides = array<i32>} : memref<1664x32xf32, #tpu.memory_space<vmem>>, vector<1x16xf32>,
        %get3A_461 = vector.shape_cast %get3A_460 : vector<1x16xf32> to vector<16xf32>
        %add3A_462 = arith.addf %add3A_448, %get3A_461 : vector<16xf32>
        %add3A_463 = arith.constant 29 : i32
        %add3A_464 = arith.addi %mul3A_63, %add3A_463 : i32
        %get3A_465 = arith.index_cast %add3A_464 : i32 to index
        %get3A_466 = arith.constant 0 : index
        %get3A_467 = tpu.vector_load %arg7[%get3A_465, %get3A_466] {strides = array<i32>} : memref<1664x32xf32, #tpu.memory_space<vmem>>, vector<1x16xf32>,
        %get3A_468 = vector.shape_cast %get3A_467 : vector<1x16xf32> to vector<16xf32>
        %add3A_469 = arith.addf %add3A_455, %get3A_468 : vector<16xf32>
        %add3A_470 = arith.constant 29 : i32
        %add3A_471 = arith.addi %mul3A_63, %add3A_470 : i32
        %get3A_472 = arith.index_cast %add3A_471 : i32 to index
        %get3A_473 = arith.constant 16 : index
        %get3A_474 = tpu.vector_load %arg7[%get3A_472, %get3A_473] {strides = array<i32>} : memref<1664x32xf32, #tpu.memory_space<vmem>>, vector<1x16xf32>,
        %get3A_475 = vector.shape_cast %get3A_474 : vector<1x16xf32> to vector<16xf32>
        %add3A_476 = arith.addf %add3A_462, %get3A_475 : vector<16xf32>
        %add3A_477 = arith.constant 30 : i32
        %add3A_478 = arith.addi %mul3A_63, %add3A_477 : i32
        %get3A_479 = arith.index_cast %add3A_478 : i32 to index
        %get3A_480 = arith.constant 0 : index
        %get3A_481 = tpu.vector_load %arg7[%get3A_479, %get3A_480] {strides = array<i32>} : memref<1664x32xf32, #tpu.memory_space<vmem>>, vector<1x16xf32>,
        %get3A_482 = vector.shape_cast %get3A_481 : vector<1x16xf32> to vector<16xf32>
        %add3A_483 = arith.addf %add3A_469, %get3A_482 : vector<16xf32>
        %add3A_484 = arith.constant 30 : i32
        %add3A_485 = arith.addi %mul3A_63, %add3A_484 : i32
        %get3A_486 = arith.index_cast %add3A_485 : i32 to index
        %get3A_487 = arith.constant 16 : index
        %get3A_488 = tpu.vector_load %arg7[%get3A_486, %get3A_487] {strides = array<i32>} : memref<1664x32xf32, #tpu.memory_space<vmem>>, vector<1x16xf32>,
        %get3A_489 = vector.shape_cast %get3A_488 : vector<1x16xf32> to vector<16xf32>
        %add3A_490 = arith.addf %add3A_476, %get3A_489 : vector<16xf32>
        %add3A_491 = arith.constant 31 : i32
        %add3A_492 = arith.addi %mul3A_63, %add3A_491 : i32
        %get3A_493 = arith.index_cast %add3A_492 : i32 to index
        %get3A_494 = arith.constant 0 : index
        %get3A_495 = tpu.vector_load %arg7[%get3A_493, %get3A_494] {strides = array<i32>} : memref<1664x32xf32, #tpu.memory_space<vmem>>, vector<1x16xf32>,
        %get3A_496 = vector.shape_cast %get3A_495 : vector<1x16xf32> to vector<16xf32>
        %add3A_497 = arith.addf %add3A_483, %get3A_496 : vector<16xf32>
        %add3A_498 = arith.constant 31 : i32
        %add3A_499 = arith.addi %mul3A_63, %add3A_498 : i32
        %get3A_500 = arith.index_cast %add3A_499 : i32 to index
        %get3A_501 = arith.constant 16 : index
        %get3A_502 = tpu.vector_load %arg7[%get3A_500, %get3A_501] {strides = array<i32>} : memref<1664x32xf32, #tpu.memory_space<vmem>>, vector<1x16xf32>,
        %get3A_503 = vector.shape_cast %get3A_502 : vector<1x16xf32> to vector<16xf32>
        %add3A_504 = arith.addf %add3A_490, %get3A_503 : vector<16xf32>
        %add3A_505 = arith.constant 32 : i32
        %add3A_506 = arith.addi %mul3A_63, %add3A_505 : i32
        %get3A_507 = arith.index_cast %add3A_506 : i32 to index
        %get3A_508 = arith.constant 0 : index
        %get3A_509 = tpu.vector_load %arg7[%get3A_507, %get3A_508] {strides = array<i32>} : memref<1664x32xf32, #tpu.memory_space<vmem>>, vector<1x16xf32>,
        %get3A_510 = vector.shape_cast %get3A_509 : vector<1x16xf32> to vector<16xf32>
        %add3A_511 = arith.addf %add3A_497, %get3A_510 : vector<16xf32>
        %add3A_512 = arith.constant 32 : i32
        %add3A_513 = arith.addi %mul3A_63, %add3A_512 : i32
        %get3A_514 = arith.index_cast %add3A_513 : i32 to index
        %get3A_515 = arith.constant 16 : index
        %get3A_516 = tpu.vector_load %arg7[%get3A_514, %get3A_515] {strides = array<i32>} : memref<1664x32xf32, #tpu.memory_space<vmem>>, vector<1x16xf32>,
        %get3A_517 = vector.shape_cast %get3A_516 : vector<1x16xf32> to vector<16xf32>
        %add3A_518 = arith.addf %add3A_504, %get3A_517 : vector<16xf32>
        %add3A_519 = arith.constant 33 : i32
        %add3A_520 = arith.addi %mul3A_63, %add3A_519 : i32
        %get3A_521 = arith.index_cast %add3A_520 : i32 to index
        %get3A_522 = arith.constant 0 : index
        %get3A_523 = tpu.vector_load %arg7[%get3A_521, %get3A_522] {strides = array<i32>} : memref<1664x32xf32, #tpu.memory_space<vmem>>, vector<1x16xf32>,
        %get3A_524 = vector.shape_cast %get3A_523 : vector<1x16xf32> to vector<16xf32>
        %add3A_525 = arith.addf %add3A_511, %get3A_524 : vector<16xf32>
        %add3A_526 = arith.constant 33 : i32
        %add3A_527 = arith.addi %mul3A_63, %add3A_526 : i32
        %get3A_528 = arith.index_cast %add3A_527 : i32 to index
        %get3A_529 = arith.constant 16 : index
        %get3A_530 = tpu.vector_load %arg7[%get3A_528, %get3A_529] {strides = array<i32>} : memref<1664x32xf32, #tpu.memory_space<vmem>>, vector<1x16xf32>,
        %get3A_531 = vector.shape_cast %get3A_530 : vector<1x16xf32> to vector<16xf32>
        %add3A_532 = arith.addf %add3A_518, %get3A_531 : vector<16xf32>
        %add3A_533 = arith.constant 34 : i32
        %add3A_534 = arith.addi %mul3A_63, %add3A_533 : i32
        %get3A_535 = arith.index_cast %add3A_534 : i32 to index
        %get3A_536 = arith.constant 0 : index
        %get3A_537 = tpu.vector_load %arg7[%get3A_535, %get3A_536] {strides = array<i32>} : memref<1664x32xf32, #tpu.memory_space<vmem>>, vector<1x16xf32>,
        %get3A_538 = vector.shape_cast %get3A_537 : vector<1x16xf32> to vector<16xf32>
        %add3A_539 = arith.addf %add3A_525, %get3A_538 : vector<16xf32>
        %add3A_540 = arith.constant 34 : i32
        %add3A_541 = arith.addi %mul3A_63, %add3A_540 : i32
        %get3A_542 = arith.index_cast %add3A_541 : i32 to index
        %get3A_543 = arith.constant 16 : index
        %get3A_544 = tpu.vector_load %arg7[%get3A_542, %get3A_543] {strides = array<i32>} : memref<1664x32xf32, #tpu.memory_space<vmem>>, vector<1x16xf32>,
        %get3A_545 = vector.shape_cast %get3A_544 : vector<1x16xf32> to vector<16xf32>
        %add3A_546 = arith.addf %add3A_532, %get3A_545 : vector<16xf32>
        %add3A_547 = arith.constant 35 : i32
        %add3A_548 = arith.addi %mul3A_63, %add3A_547 : i32
        %get3A_549 = arith.index_cast %add3A_548 : i32 to index
        %get3A_550 = arith.constant 0 : index
        %get3A_551 = tpu.vector_load %arg7[%get3A_549, %get3A_550] {strides = array<i32>} : memref<1664x32xf32, #tpu.memory_space<vmem>>, vector<1x16xf32>,
        %get3A_552 = vector.shape_cast %get3A_551 : vector<1x16xf32> to vector<16xf32>
        %add3A_553 = arith.addf %add3A_539, %get3A_552 : vector<16xf32>
        %add3A_554 = arith.constant 35 : i32
        %add3A_555 = arith.addi %mul3A_63, %add3A_554 : i32
        %get3A_556 = arith.index_cast %add3A_555 : i32 to index
        %get3A_557 = arith.constant 16 : index
        %get3A_558 = tpu.vector_load %arg7[%get3A_556, %get3A_557] {strides = array<i32>} : memref<1664x32xf32, #tpu.memory_space<vmem>>, vector<1x16xf32>,
        %get3A_559 = vector.shape_cast %get3A_558 : vector<1x16xf32> to vector<16xf32>
        %add3A_560 = arith.addf %add3A_546, %get3A_559 : vector<16xf32>
        %add3A_561 = arith.constant 36 : i32
        %add3A_562 = arith.addi %mul3A_63, %add3A_561 : i32
        %get3A_563 = arith.index_cast %add3A_562 : i32 to index
        %get3A_564 = arith.constant 0 : index
        %get3A_565 = tpu.vector_load %arg7[%get3A_563, %get3A_564] {strides = array<i32>} : memref<1664x32xf32, #tpu.memory_space<vmem>>, vector<1x16xf32>,
        %get3A_566 = vector.shape_cast %get3A_565 : vector<1x16xf32> to vector<16xf32>
        %add3A_567 = arith.addf %add3A_553, %get3A_566 : vector<16xf32>
        %add3A_568 = arith.constant 36 : i32
        %add3A_569 = arith.addi %mul3A_63, %add3A_568 : i32
        %get3A_570 = arith.index_cast %add3A_569 : i32 to index
        %get3A_571 = arith.constant 16 : index
        %get3A_572 = tpu.vector_load %arg7[%get3A_570, %get3A_571] {strides = array<i32>} : memref<1664x32xf32, #tpu.memory_space<vmem>>, vector<1x16xf32>,
        %get3A_573 = vector.shape_cast %get3A_572 : vector<1x16xf32> to vector<16xf32>
        %add3A_574 = arith.addf %add3A_560, %get3A_573 : vector<16xf32>
        %add3A_575 = arith.constant 37 : i32
        %add3A_576 = arith.addi %mul3A_63, %add3A_575 : i32
        %get3A_577 = arith.index_cast %add3A_576 : i32 to index
        %get3A_578 = arith.constant 0 : index
        %get3A_579 = tpu.vector_load %arg7[%get3A_577, %get3A_578] {strides = array<i32>} : memref<1664x32xf32, #tpu.memory_space<vmem>>, vector<1x16xf32>,
        %get3A_580 = vector.shape_cast %get3A_579 : vector<1x16xf32> to vector<16xf32>
        %add3A_581 = arith.addf %add3A_567, %get3A_580 : vector<16xf32>
        %add3A_582 = arith.constant 37 : i32
        %add3A_583 = arith.addi %mul3A_63, %add3A_582 : i32
        %get3A_584 = arith.index_cast %add3A_583 : i32 to index
        %get3A_585 = arith.constant 16 : index
        %get3A_586 = tpu.vector_load %arg7[%get3A_584, %get3A_585] {strides = array<i32>} : memref<1664x32xf32, #tpu.memory_space<vmem>>, vector<1x16xf32>,
        %get3A_587 = vector.shape_cast %get3A_586 : vector<1x16xf32> to vector<16xf32>
        %add3A_588 = arith.addf %add3A_574, %get3A_587 : vector<16xf32>
        %add3A_589 = arith.constant 38 : i32
        %add3A_590 = arith.addi %mul3A_63, %add3A_589 : i32
        %get3A_591 = arith.index_cast %add3A_590 : i32 to index
        %get3A_592 = arith.constant 0 : index
        %get3A_593 = tpu.vector_load %arg7[%get3A_591, %get3A_592] {strides = array<i32>} : memref<1664x32xf32, #tpu.memory_space<vmem>>, vector<1x16xf32>,
        %get3A_594 = vector.shape_cast %get3A_593 : vector<1x16xf32> to vector<16xf32>
        %add3A_595 = arith.addf %add3A_581, %get3A_594 : vector<16xf32>
        %add3A_596 = arith.constant 38 : i32
        %add3A_597 = arith.addi %mul3A_63, %add3A_596 : i32
        %get3A_598 = arith.index_cast %add3A_597 : i32 to index
        %get3A_599 = arith.constant 16 : index
        %get3A_600 = tpu.vector_load %arg7[%get3A_598, %get3A_599] {strides = array<i32>} : memref<1664x32xf32, #tpu.memory_space<vmem>>, vector<1x16xf32>,
        %get3A_601 = vector.shape_cast %get3A_600 : vector<1x16xf32> to vector<16xf32>
        %add3A_602 = arith.addf %add3A_588, %get3A_601 : vector<16xf32>
        %add3A_603 = arith.constant 39 : i32
        %add3A_604 = arith.addi %mul3A_63, %add3A_603 : i32
        %get3A_605 = arith.index_cast %add3A_604 : i32 to index
        %get3A_606 = arith.constant 0 : index
        %get3A_607 = tpu.vector_load %arg7[%get3A_605, %get3A_606] {strides = array<i32>} : memref<1664x32xf32, #tpu.memory_space<vmem>>, vector<1x16xf32>,
        %get3A_608 = vector.shape_cast %get3A_607 : vector<1x16xf32> to vector<16xf32>
        %add3A_609 = arith.addf %add3A_595, %get3A_608 : vector<16xf32>
        %add3A_610 = arith.constant 39 : i32
        %add3A_611 = arith.addi %mul3A_63, %add3A_610 : i32
        %get3A_612 = arith.index_cast %add3A_611 : i32 to index
        %get3A_613 = arith.constant 16 : index
        %get3A_614 = tpu.vector_load %arg7[%get3A_612, %get3A_613] {strides = array<i32>} : memref<1664x32xf32, #tpu.memory_space<vmem>>, vector<1x16xf32>,
        %get3A_615 = vector.shape_cast %get3A_614 : vector<1x16xf32> to vector<16xf32>
        %add3A_616 = arith.addf %add3A_602, %get3A_615 : vector<16xf32>
        %add3A_617 = arith.constant 40 : i32
        %add3A_618 = arith.addi %mul3A_63, %add3A_617 : i32
        %get3A_619 = arith.index_cast %add3A_618 : i32 to index
        %get3A_620 = arith.constant 0 : index
        %get3A_621 = tpu.vector_load %arg7[%get3A_619, %get3A_620] {strides = array<i32>} : memref<1664x32xf32, #tpu.memory_space<vmem>>, vector<1x16xf32>,
        %get3A_622 = vector.shape_cast %get3A_621 : vector<1x16xf32> to vector<16xf32>
        %add3A_623 = arith.addf %add3A_609, %get3A_622 : vector<16xf32>
        %add3A_624 = arith.constant 40 : i32
        %add3A_625 = arith.addi %mul3A_63, %add3A_624 : i32
        %get3A_626 = arith.index_cast %add3A_625 : i32 to index
        %get3A_627 = arith.constant 16 : index
        %get3A_628 = tpu.vector_load %arg7[%get3A_626, %get3A_627] {strides = array<i32>} : memref<1664x32xf32, #tpu.memory_space<vmem>>, vector<1x16xf32>,
        %get3A_629 = vector.shape_cast %get3A_628 : vector<1x16xf32> to vector<16xf32>
        %add3A_630 = arith.addf %add3A_616, %get3A_629 : vector<16xf32>
        %add3A_631 = arith.constant 41 : i32
        %add3A_632 = arith.addi %mul3A_63, %add3A_631 : i32
        %get3A_633 = arith.index_cast %add3A_632 : i32 to index
        %get3A_634 = arith.constant 0 : index
        %get3A_635 = tpu.vector_load %arg7[%get3A_633, %get3A_634] {strides = array<i32>} : memref<1664x32xf32, #tpu.memory_space<vmem>>, vector<1x16xf32>,
        %get3A_636 = vector.shape_cast %get3A_635 : vector<1x16xf32> to vector<16xf32>
        %add3A_637 = arith.addf %add3A_623, %get3A_636 : vector<16xf32>
        %add3A_638 = arith.constant 41 : i32
        %add3A_639 = arith.addi %mul3A_63, %add3A_638 : i32
        %get3A_640 = arith.index_cast %add3A_639 : i32 to index
        %get3A_641 = arith.constant 16 : index
        %get3A_642 = tpu.vector_load %arg7[%get3A_640, %get3A_641] {strides = array<i32>} : memref<1664x32xf32, #tpu.memory_space<vmem>>, vector<1x16xf32>,
        %get3A_643 = vector.shape_cast %get3A_642 : vector<1x16xf32> to vector<16xf32>
        %add3A_644 = arith.addf %add3A_630, %get3A_643 : vector<16xf32>
        %add3A_645 = arith.constant 42 : i32
        %add3A_646 = arith.addi %mul3A_63, %add3A_645 : i32
        %get3A_647 = arith.index_cast %add3A_646 : i32 to index
        %get3A_648 = arith.constant 0 : index
        %get3A_649 = tpu.vector_load %arg7[%get3A_647, %get3A_648] {strides = array<i32>} : memref<1664x32xf32, #tpu.memory_space<vmem>>, vector<1x16xf32>,
        %get3A_650 = vector.shape_cast %get3A_649 : vector<1x16xf32> to vector<16xf32>
        %add3A_651 = arith.addf %add3A_637, %get3A_650 : vector<16xf32>
        %add3A_652 = arith.constant 42 : i32
        %add3A_653 = arith.addi %mul3A_63, %add3A_652 : i32
        %get3A_654 = arith.index_cast %add3A_653 : i32 to index
        %get3A_655 = arith.constant 16 : index
        %get3A_656 = tpu.vector_load %arg7[%get3A_654, %get3A_655] {strides = array<i32>} : memref<1664x32xf32, #tpu.memory_space<vmem>>, vector<1x16xf32>,
        %get3A_657 = vector.shape_cast %get3A_656 : vector<1x16xf32> to vector<16xf32>
        %add3A_658 = arith.addf %add3A_644, %get3A_657 : vector<16xf32>
        %add3A_659 = arith.constant 43 : i32
        %add3A_660 = arith.addi %mul3A_63, %add3A_659 : i32
        %get3A_661 = arith.index_cast %add3A_660 : i32 to index
        %get3A_662 = arith.constant 0 : index
        %get3A_663 = tpu.vector_load %arg7[%get3A_661, %get3A_662] {strides = array<i32>} : memref<1664x32xf32, #tpu.memory_space<vmem>>, vector<1x16xf32>,
        %get3A_664 = vector.shape_cast %get3A_663 : vector<1x16xf32> to vector<16xf32>
        %add3A_665 = arith.addf %add3A_651, %get3A_664 : vector<16xf32>
        %add3A_666 = arith.constant 43 : i32
        %add3A_667 = arith.addi %mul3A_63, %add3A_666 : i32
        %get3A_668 = arith.index_cast %add3A_667 : i32 to index
        %get3A_669 = arith.constant 16 : index
        %get3A_670 = tpu.vector_load %arg7[%get3A_668, %get3A_669] {strides = array<i32>} : memref<1664x32xf32, #tpu.memory_space<vmem>>, vector<1x16xf32>,
        %get3A_671 = vector.shape_cast %get3A_670 : vector<1x16xf32> to vector<16xf32>
        %add3A_672 = arith.addf %add3A_658, %get3A_671 : vector<16xf32>
        %add3A_673 = arith.constant 44 : i32
        %add3A_674 = arith.addi %mul3A_63, %add3A_673 : i32
        %get3A_675 = arith.index_cast %add3A_674 : i32 to index
        %get3A_676 = arith.constant 0 : index
        %get3A_677 = tpu.vector_load %arg7[%get3A_675, %get3A_676] {strides = array<i32>} : memref<1664x32xf32, #tpu.memory_space<vmem>>, vector<1x16xf32>,
        %get3A_678 = vector.shape_cast %get3A_677 : vector<1x16xf32> to vector<16xf32>
        %add3A_679 = arith.addf %add3A_665, %get3A_678 : vector<16xf32>
        %add3A_680 = arith.constant 44 : i32
        %add3A_681 = arith.addi %mul3A_63, %add3A_680 : i32
        %get3A_682 = arith.index_cast %add3A_681 : i32 to index
        %get3A_683 = arith.constant 16 : index
        %get3A_684 = tpu.vector_load %arg7[%get3A_682, %get3A_683] {strides = array<i32>} : memref<1664x32xf32, #tpu.memory_space<vmem>>, vector<1x16xf32>,
        %get3A_685 = vector.shape_cast %get3A_684 : vector<1x16xf32> to vector<16xf32>
        %add3A_686 = arith.addf %add3A_672, %get3A_685 : vector<16xf32>
        %add3A_687 = arith.constant 45 : i32
        %add3A_688 = arith.addi %mul3A_63, %add3A_687 : i32
        %get3A_689 = arith.index_cast %add3A_688 : i32 to index
        %get3A_690 = arith.constant 0 : index
        %get3A_691 = tpu.vector_load %arg7[%get3A_689, %get3A_690] {strides = array<i32>} : memref<1664x32xf32, #tpu.memory_space<vmem>>, vector<1x16xf32>,
        %get3A_692 = vector.shape_cast %get3A_691 : vector<1x16xf32> to vector<16xf32>
        %add3A_693 = arith.addf %add3A_679, %get3A_692 : vector<16xf32>
        %add3A_694 = arith.constant 45 : i32
        %add3A_695 = arith.addi %mul3A_63, %add3A_694 : i32
        %get3A_696 = arith.index_cast %add3A_695 : i32 to index
        %get3A_697 = arith.constant 16 : index
        %get3A_698 = tpu.vector_load %arg7[%get3A_696, %get3A_697] {strides = array<i32>} : memref<1664x32xf32, #tpu.memory_space<vmem>>, vector<1x16xf32>,
        %get3A_699 = vector.shape_cast %get3A_698 : vector<1x16xf32> to vector<16xf32>
        %add3A_700 = arith.addf %add3A_686, %get3A_699 : vector<16xf32>
        %add3A_701 = arith.constant 46 : i32
        %add3A_702 = arith.addi %mul3A_63, %add3A_701 : i32
        %get3A_703 = arith.index_cast %add3A_702 : i32 to index
        %get3A_704 = arith.constant 0 : index
        %get3A_705 = tpu.vector_load %arg7[%get3A_703, %get3A_704] {strides = array<i32>} : memref<1664x32xf32, #tpu.memory_space<vmem>>, vector<1x16xf32>,
        %get3A_706 = vector.shape_cast %get3A_705 : vector<1x16xf32> to vector<16xf32>
        %add3A_707 = arith.addf %add3A_693, %get3A_706 : vector<16xf32>
        %add3A_708 = arith.constant 46 : i32
        %add3A_709 = arith.addi %mul3A_63, %add3A_708 : i32
        %get3A_710 = arith.index_cast %add3A_709 : i32 to index
        %get3A_711 = arith.constant 16 : index
        %get3A_712 = tpu.vector_load %arg7[%get3A_710, %get3A_711] {strides = array<i32>} : memref<1664x32xf32, #tpu.memory_space<vmem>>, vector<1x16xf32>,
        %get3A_713 = vector.shape_cast %get3A_712 : vector<1x16xf32> to vector<16xf32>
        %add3A_714 = arith.addf %add3A_700, %get3A_713 : vector<16xf32>
        %add3A_715 = arith.constant 47 : i32
        %add3A_716 = arith.addi %mul3A_63, %add3A_715 : i32
        %get3A_717 = arith.index_cast %add3A_716 : i32 to index
        %get3A_718 = arith.constant 0 : index
        %get3A_719 = tpu.vector_load %arg7[%get3A_717, %get3A_718] {strides = array<i32>} : memref<1664x32xf32, #tpu.memory_space<vmem>>, vector<1x16xf32>,
        %get3A_720 = vector.shape_cast %get3A_719 : vector<1x16xf32> to vector<16xf32>
        %add3A_721 = arith.addf %add3A_707, %get3A_720 : vector<16xf32>
        %add3A_722 = arith.constant 47 : i32
        %add3A_723 = arith.addi %mul3A_63, %add3A_722 : i32
        %get3A_724 = arith.index_cast %add3A_723 : i32 to index
        %get3A_725 = arith.constant 16 : index
        %get3A_726 = tpu.vector_load %arg7[%get3A_724, %get3A_725] {strides = array<i32>} : memref<1664x32xf32, #tpu.memory_space<vmem>>, vector<1x16xf32>,
        %get3A_727 = vector.shape_cast %get3A_726 : vector<1x16xf32> to vector<16xf32>
        %add3A_728 = arith.addf %add3A_714, %get3A_727 : vector<16xf32>
        %add3A_729 = arith.constant 48 : i32
        %add3A_730 = arith.addi %mul3A_63, %add3A_729 : i32
        %get3A_731 = arith.index_cast %add3A_730 : i32 to index
        %get3A_732 = arith.constant 0 : index
        %get3A_733 = tpu.vector_load %arg7[%get3A_731, %get3A_732] {strides = array<i32>} : memref<1664x32xf32, #tpu.memory_space<vmem>>, vector<1x16xf32>,
        %get3A_734 = vector.shape_cast %get3A_733 : vector<1x16xf32> to vector<16xf32>
        %add3A_735 = arith.addf %add3A_721, %get3A_734 : vector<16xf32>
        %add3A_736 = arith.constant 48 : i32
        %add3A_737 = arith.addi %mul3A_63, %add3A_736 : i32
        %get3A_738 = arith.index_cast %add3A_737 : i32 to index
        %get3A_739 = arith.constant 16 : index
        %get3A_740 = tpu.vector_load %arg7[%get3A_738, %get3A_739] {strides = array<i32>} : memref<1664x32xf32, #tpu.memory_space<vmem>>, vector<1x16xf32>,
        %get3A_741 = vector.shape_cast %get3A_740 : vector<1x16xf32> to vector<16xf32>
        %add3A_742 = arith.addf %add3A_728, %get3A_741 : vector<16xf32>
        %add3A_743 = arith.constant 49 : i32
        %add3A_744 = arith.addi %mul3A_63, %add3A_743 : i32
        %get3A_745 = arith.index_cast %add3A_744 : i32 to index
        %get3A_746 = arith.constant 0 : index
        %get3A_747 = tpu.vector_load %arg7[%get3A_745, %get3A_746] {strides = array<i32>} : memref<1664x32xf32, #tpu.memory_space<vmem>>, vector<1x16xf32>,
        %get3A_748 = vector.shape_cast %get3A_747 : vector<1x16xf32> to vector<16xf32>
        %add3A_749 = arith.addf %add3A_735, %get3A_748 : vector<16xf32>
        %add3A_750 = arith.constant 49 : i32
        %add3A_751 = arith.addi %mul3A_63, %add3A_750 : i32
        %get3A_752 = arith.index_cast %add3A_751 : i32 to index
        %get3A_753 = arith.constant 16 : index
        %get3A_754 = tpu.vector_load %arg7[%get3A_752, %get3A_753] {strides = array<i32>} : memref<1664x32xf32, #tpu.memory_space<vmem>>, vector<1x16xf32>,
        %get3A_755 = vector.shape_cast %get3A_754 : vector<1x16xf32> to vector<16xf32>
        %add3A_756 = arith.addf %add3A_742, %get3A_755 : vector<16xf32>
        %mul3A_757 = vector.broadcast %scan3A_9 : f32 to vector<16xf32>
        %mul3A_758 = arith.mulf %add3A_749, %mul3A_757 : vector<16xf32>
        %swap3A = arith.index_cast %scan3A_61 : i32 to index
        %swap3A_759 = arith.constant 0 : index
        %swap3A_760 = tpu.vector_load %arg9[%swap3A, %swap3A_759] {strides = array<i32>} : memref<32x32xf32, #tpu.memory_space<vmem>>, vector<1x16xf32>,
        %swap3A_761 = vector.shape_cast %swap3A_760 : vector<1x16xf32> to vector<16xf32>
        %swap3A_762 = vector.shape_cast %mul3A_758 : vector<16xf32> to vector<1x16xf32>
        tpu.vector_store %arg9[%swap3A, %swap3A_759], %swap3A_762 {strides = array<i32>} : memref<32x32xf32, #tpu.memory_space<vmem>>, vector<1x16xf32>,
        %mul3A_763 = vector.broadcast %scan3A_9 : f32 to vector<16xf32>
        %mul3A_764 = arith.mulf %add3A_756, %mul3A_763 : vector<16xf32>
        %swap3A_765 = arith.index_cast %scan3A_61 : i32 to index
        %swap3A_766 = arith.constant 16 : index
        %swap3A_767 = tpu.vector_load %arg9[%swap3A_765, %swap3A_766] {strides = array<i32>} : memref<32x32xf32, #tpu.memory_space<vmem>>, vector<1x16xf32>,
        %swap3A_768 = vector.shape_cast %swap3A_767 : vector<1x16xf32> to vector<16xf32>
        %swap3A_769 = vector.shape_cast %mul3A_764 : vector<16xf32> to vector<1x16xf32>
        tpu.vector_store %arg9[%swap3A_765, %swap3A_766], %swap3A_769 {strides = array<i32>} : memref<32x32xf32, #tpu.memory_space<vmem>>, vector<1x16xf32>,
      }
      %scan3A_35 = arith.constant 32 : i32
      %mul3A_36 = arith.constant 512 : i32
      %mul3A_37 = arith.muli %add3A, %mul3A_36 : i32
      %mul3A_38 = arith.constant 32 : i32
      %mul3A_39 = arith.muli %mul3A_17, %mul3A_38 : i32
      %add3A_40 = arith.addi %mul3A_37, %mul3A_39 : i32
      "tpu.region"() ({
        %run_scoped3A = tpu.sem_alloc : memref<!tpu.dma_semaphore, #tpu.memory_space<semaphore_mem>>
        %dma_start3A_61 = arith.constant 0 : i32
        %dma_start3A_62 = tpu.memref_slice %arg4[%add3A_40, %dma_start3A_61] : memref<16384x32xf32, #tpu.memory_space<hbm>> -> memref<32x32xf32, #tpu.memory_space<hbm>>
        %dma_start3A_63 = arith.constant 0 : i32
        %dma_start3A_64 = tpu.memref_slice %arg4[%add3A_40, %dma_start3A_63] : memref<16384x32xf32, #tpu.memory_space<hbm>> -> memref<32x32xf32, #tpu.memory_space<hbm>>
        tpu.enqueue_dma source(%arg9 : memref<32x32xf32, #tpu.memory_space<vmem>>) target(%dma_start3A_64 : memref<32x32xf32, #tpu.memory_space<hbm>>) target_semaphore(%run_scoped3A : memref<!tpu.dma_semaphore, #tpu.memory_space<semaphore_mem>>)
        %dma_wait3A_65 = arith.constant 0 : i32
        %dma_wait3A_66 = tpu.memref_slice %arg4[%add3A_40, %dma_wait3A_65] : memref<16384x32xf32, #tpu.memory_space<hbm>> -> memref<32x32xf32, #tpu.memory_space<hbm>>
        %dma_wait3A_67 = arith.constant 0 : i32
        %dma_wait3A_68 = tpu.memref_slice %arg4[%add3A_40, %dma_wait3A_67] : memref<16384x32xf32, #tpu.memory_space<hbm>> -> memref<32x32xf32, #tpu.memory_space<hbm>>
        tpu.wait_dma2 semaphore(%run_scoped3A : memref<!tpu.dma_semaphore, #tpu.memory_space<semaphore_mem>>) src(%arg9 : memref<32x32xf32, #tpu.memory_space<vmem>>) dst(%dma_wait3A_68 : memref<32x32xf32, #tpu.memory_space<hbm>>)
        tpu.yield
      }) : () -> ()
      %add3A_41 = arith.constant 1 : i32
      %add3A_42 = arith.addi %scan3A_15, %add3A_41 : i32
      %lt3A = arith.constant 8 : i32
      %lt3A_43 = arith.cmpi slt, %add3A_42, %lt3A : i32
      %convert_element_type3A = arith.extui %lt3A_43 : i1 to i32
      %cond3A = arith.constant 0 : i32
      %cond3A_44 = arith.cmpi ne, %convert_element_type3A, %cond3A : i32
      scf.if %cond3A_44 {
        %add3A_61 = arith.constant 2 : i32
        %add3A_62 = arith.addi %mul3A_17, %add3A_61 : i32
        %mul3A_63 = arith.constant 16 : i32
        %mul3A_64 = arith.muli %add3A, %mul3A_63 : i32
        %add3A_65 = arith.addi %mul3A_64, %add3A_62 : i32
        %mul3A_66 = arith.constant 1664 : i32
        %mul3A_67 = arith.muli %add3A_65, %mul3A_66 : i32
        "tpu.region"() ({
          %run_scoped3A = tpu.sem_alloc : memref<!tpu.dma_semaphore, #tpu.memory_space<semaphore_mem>>
          %dma_start3A_71 = tpu.memref_slice %arg2[%mul3A_67] : memref<851968xi32, #tpu.memory_space<hbm>> -> memref<1664xi32, #tpu.memory_space<hbm>>
          %dma_start3A_72 = tpu.memref_slice %arg2[%mul3A_67] : memref<851968xi32, #tpu.memory_space<hbm>> -> memref<1664xi32, #tpu.memory_space<hbm>>
          tpu.enqueue_dma source(%dma_start3A_72 : memref<1664xi32, #tpu.memory_space<hbm>>) target(%arg5 : memref<1664xi32, #tpu.memory_space<vmem>>) target_semaphore(%run_scoped3A : memref<!tpu.dma_semaphore, #tpu.memory_space<semaphore_mem>>)
          %dma_wait3A_73 = tpu.memref_slice %arg2[%mul3A_67] : memref<851968xi32, #tpu.memory_space<hbm>> -> memref<1664xi32, #tpu.memory_space<hbm>>
          %dma_wait3A_74 = tpu.memref_slice %arg2[%mul3A_67] : memref<851968xi32, #tpu.memory_space<hbm>> -> memref<1664xi32, #tpu.memory_space<hbm>>
          tpu.wait_dma2 semaphore(%run_scoped3A : memref<!tpu.dma_semaphore, #tpu.memory_space<semaphore_mem>>) src(%dma_wait3A_74 : memref<1664xi32, #tpu.memory_space<hbm>>) dst(%arg5 : memref<1664xi32, #tpu.memory_space<vmem>>)
          tpu.yield
        }) : () -> ()
        %dma_start3A_68 = arith.constant 0 : i32
        %dma_start3A_69 = arith.constant 0 : i32
        %dma_start3A_70 = tpu.memref_slice %arg3[%dma_start3A_68, %dma_start3A_69] : memref<1000000x32xf32, #tpu.memory_space<hbm>> -> memref<1000000x32xf32, #tpu.memory_space<hbm>>
        tpu.enqueue_indirect_dma source(%dma_start3A_70 : memref<1000000x32xf32, #tpu.memory_space<hbm>>) target(%arg7 : memref<1664x32xf32, #tpu.memory_space<vmem>>) offsets(%arg5 : memref<1664xi32, #tpu.memory_space<vmem>>) semaphore(%arg11 : memref<!tpu.dma_semaphore, #tpu.memory_space<semaphore_mem>>)
      } else {
      }
      %add3A_45 = arith.constant 1 : i32
      %add3A_46 = arith.addi %mul3A_17, %add3A_45 : i32
      %dma_wait3A_47 = arith.constant 0 : i32
      %dma_wait3A_48 = arith.constant 0 : i32
      %dma_wait3A_49 = tpu.memref_slice %arg3[%dma_wait3A_47, %dma_wait3A_48] : memref<1000000x32xf32, #tpu.memory_space<hbm>> -> memref<1000000x32xf32, #tpu.memory_space<hbm>>
      tpu.wait_indirect_dma semaphore(%arg12 : memref<!tpu.dma_semaphore, #tpu.memory_space<semaphore_mem>>) src(%dma_wait3A_49 : memref<1000000x32xf32, #tpu.memory_space<hbm>>) dst(%arg8 : memref<1664x32xf32, #tpu.memory_space<vmem>>)
      %scan3A_50 = arith.constant 0 : i32
      %scan3A_51 = arith.constant 0 : i32
      %scan3A_52 = arith.constant 32 : i32
      %scan3A_53 = arith.addi %scan3A_51, %scan3A_52 : i32
      %scan3A_54 = arith.constant 1 : i32
      scf.for %scan3A_61 = %scan3A_51 to %scan3A_53 step %scan3A_54  : i32 {
        %mul3A_62 = arith.constant 50 : i32
        %mul3A_63 = arith.muli %scan3A_61, %mul3A_62 : i32
        %get3A = arith.index_cast %mul3A_63 : i32 to index
        %get3A_64 = arith.constant 0 : index
        %get3A_65 = tpu.vector_load %arg8[%get3A, %get3A_64] {strides = array<i32>} : memref<1664x32xf32, #tpu.memory_space<vmem>>, vector<1x16xf32>,
        %get3A_66 = vector.shape_cast %get3A_65 : vector<1x16xf32> to vector<16xf32>
        %get3A_67 = arith.index_cast %mul3A_63 : i32 to index
        %get3A_68 = arith.constant 16 : index
        %get3A_69 = tpu.vector_load %arg8[%get3A_67, %get3A_68] {strides = array<i32>} : memref<1664x32xf32, #tpu.memory_space<vmem>>, vector<1x16xf32>,
        %get3A_70 = vector.shape_cast %get3A_69 : vector<1x16xf32> to vector<16xf32>
        %add3A_71 = arith.constant 1 : i32
        %add3A_72 = arith.addi %mul3A_63, %add3A_71 : i32
        %get3A_73 = arith.index_cast %add3A_72 : i32 to index
        %get3A_74 = arith.constant 0 : index
        %get3A_75 = tpu.vector_load %arg8[%get3A_73, %get3A_74] {strides = array<i32>} : memref<1664x32xf32, #tpu.memory_space<vmem>>, vector<1x16xf32>,
        %get3A_76 = vector.shape_cast %get3A_75 : vector<1x16xf32> to vector<16xf32>
        %add3A_77 = arith.addf %get3A_66, %get3A_76 : vector<16xf32>
        %add3A_78 = arith.constant 1 : i32
        %add3A_79 = arith.addi %mul3A_63, %add3A_78 : i32
        %get3A_80 = arith.index_cast %add3A_79 : i32 to index
        %get3A_81 = arith.constant 16 : index
        %get3A_82 = tpu.vector_load %arg8[%get3A_80, %get3A_81] {strides = array<i32>} : memref<1664x32xf32, #tpu.memory_space<vmem>>, vector<1x16xf32>,
        %get3A_83 = vector.shape_cast %get3A_82 : vector<1x16xf32> to vector<16xf32>
        %add3A_84 = arith.addf %get3A_70, %get3A_83 : vector<16xf32>
        %add3A_85 = arith.constant 2 : i32
        %add3A_86 = arith.addi %mul3A_63, %add3A_85 : i32
        %get3A_87 = arith.index_cast %add3A_86 : i32 to index
        %get3A_88 = arith.constant 0 : index
        %get3A_89 = tpu.vector_load %arg8[%get3A_87, %get3A_88] {strides = array<i32>} : memref<1664x32xf32, #tpu.memory_space<vmem>>, vector<1x16xf32>,
        %get3A_90 = vector.shape_cast %get3A_89 : vector<1x16xf32> to vector<16xf32>
        %add3A_91 = arith.addf %add3A_77, %get3A_90 : vector<16xf32>
        %add3A_92 = arith.constant 2 : i32
        %add3A_93 = arith.addi %mul3A_63, %add3A_92 : i32
        %get3A_94 = arith.index_cast %add3A_93 : i32 to index
        %get3A_95 = arith.constant 16 : index
        %get3A_96 = tpu.vector_load %arg8[%get3A_94, %get3A_95] {strides = array<i32>} : memref<1664x32xf32, #tpu.memory_space<vmem>>, vector<1x16xf32>,
        %get3A_97 = vector.shape_cast %get3A_96 : vector<1x16xf32> to vector<16xf32>
        %add3A_98 = arith.addf %add3A_84, %get3A_97 : vector<16xf32>
        %add3A_99 = arith.constant 3 : i32
        %add3A_100 = arith.addi %mul3A_63, %add3A_99 : i32
        %get3A_101 = arith.index_cast %add3A_100 : i32 to index
        %get3A_102 = arith.constant 0 : index
        %get3A_103 = tpu.vector_load %arg8[%get3A_101, %get3A_102] {strides = array<i32>} : memref<1664x32xf32, #tpu.memory_space<vmem>>, vector<1x16xf32>,
        %get3A_104 = vector.shape_cast %get3A_103 : vector<1x16xf32> to vector<16xf32>
        %add3A_105 = arith.addf %add3A_91, %get3A_104 : vector<16xf32>
        %add3A_106 = arith.constant 3 : i32
        %add3A_107 = arith.addi %mul3A_63, %add3A_106 : i32
        %get3A_108 = arith.index_cast %add3A_107 : i32 to index
        %get3A_109 = arith.constant 16 : index
        %get3A_110 = tpu.vector_load %arg8[%get3A_108, %get3A_109] {strides = array<i32>} : memref<1664x32xf32, #tpu.memory_space<vmem>>, vector<1x16xf32>,
        %get3A_111 = vector.shape_cast %get3A_110 : vector<1x16xf32> to vector<16xf32>
        %add3A_112 = arith.addf %add3A_98, %get3A_111 : vector<16xf32>
        %add3A_113 = arith.constant 4 : i32
        %add3A_114 = arith.addi %mul3A_63, %add3A_113 : i32
        %get3A_115 = arith.index_cast %add3A_114 : i32 to index
        %get3A_116 = arith.constant 0 : index
        %get3A_117 = tpu.vector_load %arg8[%get3A_115, %get3A_116] {strides = array<i32>} : memref<1664x32xf32, #tpu.memory_space<vmem>>, vector<1x16xf32>,
        %get3A_118 = vector.shape_cast %get3A_117 : vector<1x16xf32> to vector<16xf32>
        %add3A_119 = arith.addf %add3A_105, %get3A_118 : vector<16xf32>
        %add3A_120 = arith.constant 4 : i32
        %add3A_121 = arith.addi %mul3A_63, %add3A_120 : i32
        %get3A_122 = arith.index_cast %add3A_121 : i32 to index
        %get3A_123 = arith.constant 16 : index
        %get3A_124 = tpu.vector_load %arg8[%get3A_122, %get3A_123] {strides = array<i32>} : memref<1664x32xf32, #tpu.memory_space<vmem>>, vector<1x16xf32>,
        %get3A_125 = vector.shape_cast %get3A_124 : vector<1x16xf32> to vector<16xf32>
        %add3A_126 = arith.addf %add3A_112, %get3A_125 : vector<16xf32>
        %add3A_127 = arith.constant 5 : i32
        %add3A_128 = arith.addi %mul3A_63, %add3A_127 : i32
        %get3A_129 = arith.index_cast %add3A_128 : i32 to index
        %get3A_130 = arith.constant 0 : index
        %get3A_131 = tpu.vector_load %arg8[%get3A_129, %get3A_130] {strides = array<i32>} : memref<1664x32xf32, #tpu.memory_space<vmem>>, vector<1x16xf32>,
        %get3A_132 = vector.shape_cast %get3A_131 : vector<1x16xf32> to vector<16xf32>
        %add3A_133 = arith.addf %add3A_119, %get3A_132 : vector<16xf32>
        %add3A_134 = arith.constant 5 : i32
        %add3A_135 = arith.addi %mul3A_63, %add3A_134 : i32
        %get3A_136 = arith.index_cast %add3A_135 : i32 to index
        %get3A_137 = arith.constant 16 : index
        %get3A_138 = tpu.vector_load %arg8[%get3A_136, %get3A_137] {strides = array<i32>} : memref<1664x32xf32, #tpu.memory_space<vmem>>, vector<1x16xf32>,
        %get3A_139 = vector.shape_cast %get3A_138 : vector<1x16xf32> to vector<16xf32>
        %add3A_140 = arith.addf %add3A_126, %get3A_139 : vector<16xf32>
        %add3A_141 = arith.constant 6 : i32
        %add3A_142 = arith.addi %mul3A_63, %add3A_141 : i32
        %get3A_143 = arith.index_cast %add3A_142 : i32 to index
        %get3A_144 = arith.constant 0 : index
        %get3A_145 = tpu.vector_load %arg8[%get3A_143, %get3A_144] {strides = array<i32>} : memref<1664x32xf32, #tpu.memory_space<vmem>>, vector<1x16xf32>,
        %get3A_146 = vector.shape_cast %get3A_145 : vector<1x16xf32> to vector<16xf32>
        %add3A_147 = arith.addf %add3A_133, %get3A_146 : vector<16xf32>
        %add3A_148 = arith.constant 6 : i32
        %add3A_149 = arith.addi %mul3A_63, %add3A_148 : i32
        %get3A_150 = arith.index_cast %add3A_149 : i32 to index
        %get3A_151 = arith.constant 16 : index
        %get3A_152 = tpu.vector_load %arg8[%get3A_150, %get3A_151] {strides = array<i32>} : memref<1664x32xf32, #tpu.memory_space<vmem>>, vector<1x16xf32>,
        %get3A_153 = vector.shape_cast %get3A_152 : vector<1x16xf32> to vector<16xf32>
        %add3A_154 = arith.addf %add3A_140, %get3A_153 : vector<16xf32>
        %add3A_155 = arith.constant 7 : i32
        %add3A_156 = arith.addi %mul3A_63, %add3A_155 : i32
        %get3A_157 = arith.index_cast %add3A_156 : i32 to index
        %get3A_158 = arith.constant 0 : index
        %get3A_159 = tpu.vector_load %arg8[%get3A_157, %get3A_158] {strides = array<i32>} : memref<1664x32xf32, #tpu.memory_space<vmem>>, vector<1x16xf32>,
        %get3A_160 = vector.shape_cast %get3A_159 : vector<1x16xf32> to vector<16xf32>
        %add3A_161 = arith.addf %add3A_147, %get3A_160 : vector<16xf32>
        %add3A_162 = arith.constant 7 : i32
        %add3A_163 = arith.addi %mul3A_63, %add3A_162 : i32
        %get3A_164 = arith.index_cast %add3A_163 : i32 to index
        %get3A_165 = arith.constant 16 : index
        %get3A_166 = tpu.vector_load %arg8[%get3A_164, %get3A_165] {strides = array<i32>} : memref<1664x32xf32, #tpu.memory_space<vmem>>, vector<1x16xf32>,
        %get3A_167 = vector.shape_cast %get3A_166 : vector<1x16xf32> to vector<16xf32>
        %add3A_168 = arith.addf %add3A_154, %get3A_167 : vector<16xf32>
        %add3A_169 = arith.constant 8 : i32
        %add3A_170 = arith.addi %mul3A_63, %add3A_169 : i32
        %get3A_171 = arith.index_cast %add3A_170 : i32 to index
        %get3A_172 = arith.constant 0 : index
        %get3A_173 = tpu.vector_load %arg8[%get3A_171, %get3A_172] {strides = array<i32>} : memref<1664x32xf32, #tpu.memory_space<vmem>>, vector<1x16xf32>,
        %get3A_174 = vector.shape_cast %get3A_173 : vector<1x16xf32> to vector<16xf32>
        %add3A_175 = arith.addf %add3A_161, %get3A_174 : vector<16xf32>
        %add3A_176 = arith.constant 8 : i32
        %add3A_177 = arith.addi %mul3A_63, %add3A_176 : i32
        %get3A_178 = arith.index_cast %add3A_177 : i32 to index
        %get3A_179 = arith.constant 16 : index
        %get3A_180 = tpu.vector_load %arg8[%get3A_178, %get3A_179] {strides = array<i32>} : memref<1664x32xf32, #tpu.memory_space<vmem>>, vector<1x16xf32>,
        %get3A_181 = vector.shape_cast %get3A_180 : vector<1x16xf32> to vector<16xf32>
        %add3A_182 = arith.addf %add3A_168, %get3A_181 : vector<16xf32>
        %add3A_183 = arith.constant 9 : i32
        %add3A_184 = arith.addi %mul3A_63, %add3A_183 : i32
        %get3A_185 = arith.index_cast %add3A_184 : i32 to index
        %get3A_186 = arith.constant 0 : index
        %get3A_187 = tpu.vector_load %arg8[%get3A_185, %get3A_186] {strides = array<i32>} : memref<1664x32xf32, #tpu.memory_space<vmem>>, vector<1x16xf32>,
        %get3A_188 = vector.shape_cast %get3A_187 : vector<1x16xf32> to vector<16xf32>
        %add3A_189 = arith.addf %add3A_175, %get3A_188 : vector<16xf32>
        %add3A_190 = arith.constant 9 : i32
        %add3A_191 = arith.addi %mul3A_63, %add3A_190 : i32
        %get3A_192 = arith.index_cast %add3A_191 : i32 to index
        %get3A_193 = arith.constant 16 : index
        %get3A_194 = tpu.vector_load %arg8[%get3A_192, %get3A_193] {strides = array<i32>} : memref<1664x32xf32, #tpu.memory_space<vmem>>, vector<1x16xf32>,
        %get3A_195 = vector.shape_cast %get3A_194 : vector<1x16xf32> to vector<16xf32>
        %add3A_196 = arith.addf %add3A_182, %get3A_195 : vector<16xf32>
        %add3A_197 = arith.constant 10 : i32
        %add3A_198 = arith.addi %mul3A_63, %add3A_197 : i32
        %get3A_199 = arith.index_cast %add3A_198 : i32 to index
        %get3A_200 = arith.constant 0 : index
        %get3A_201 = tpu.vector_load %arg8[%get3A_199, %get3A_200] {strides = array<i32>} : memref<1664x32xf32, #tpu.memory_space<vmem>>, vector<1x16xf32>,
        %get3A_202 = vector.shape_cast %get3A_201 : vector<1x16xf32> to vector<16xf32>
        %add3A_203 = arith.addf %add3A_189, %get3A_202 : vector<16xf32>
        %add3A_204 = arith.constant 10 : i32
        %add3A_205 = arith.addi %mul3A_63, %add3A_204 : i32
        %get3A_206 = arith.index_cast %add3A_205 : i32 to index
        %get3A_207 = arith.constant 16 : index
        %get3A_208 = tpu.vector_load %arg8[%get3A_206, %get3A_207] {strides = array<i32>} : memref<1664x32xf32, #tpu.memory_space<vmem>>, vector<1x16xf32>,
        %get3A_209 = vector.shape_cast %get3A_208 : vector<1x16xf32> to vector<16xf32>
        %add3A_210 = arith.addf %add3A_196, %get3A_209 : vector<16xf32>
        %add3A_211 = arith.constant 11 : i32
        %add3A_212 = arith.addi %mul3A_63, %add3A_211 : i32
        %get3A_213 = arith.index_cast %add3A_212 : i32 to index
        %get3A_214 = arith.constant 0 : index
        %get3A_215 = tpu.vector_load %arg8[%get3A_213, %get3A_214] {strides = array<i32>} : memref<1664x32xf32, #tpu.memory_space<vmem>>, vector<1x16xf32>,
        %get3A_216 = vector.shape_cast %get3A_215 : vector<1x16xf32> to vector<16xf32>
        %add3A_217 = arith.addf %add3A_203, %get3A_216 : vector<16xf32>
        %add3A_218 = arith.constant 11 : i32
        %add3A_219 = arith.addi %mul3A_63, %add3A_218 : i32
        %get3A_220 = arith.index_cast %add3A_219 : i32 to index
        %get3A_221 = arith.constant 16 : index
        %get3A_222 = tpu.vector_load %arg8[%get3A_220, %get3A_221] {strides = array<i32>} : memref<1664x32xf32, #tpu.memory_space<vmem>>, vector<1x16xf32>,
        %get3A_223 = vector.shape_cast %get3A_222 : vector<1x16xf32> to vector<16xf32>
        %add3A_224 = arith.addf %add3A_210, %get3A_223 : vector<16xf32>
        %add3A_225 = arith.constant 12 : i32
        %add3A_226 = arith.addi %mul3A_63, %add3A_225 : i32
        %get3A_227 = arith.index_cast %add3A_226 : i32 to index
        %get3A_228 = arith.constant 0 : index
        %get3A_229 = tpu.vector_load %arg8[%get3A_227, %get3A_228] {strides = array<i32>} : memref<1664x32xf32, #tpu.memory_space<vmem>>, vector<1x16xf32>,
        %get3A_230 = vector.shape_cast %get3A_229 : vector<1x16xf32> to vector<16xf32>
        %add3A_231 = arith.addf %add3A_217, %get3A_230 : vector<16xf32>
        %add3A_232 = arith.constant 12 : i32
        %add3A_233 = arith.addi %mul3A_63, %add3A_232 : i32
        %get3A_234 = arith.index_cast %add3A_233 : i32 to index
        %get3A_235 = arith.constant 16 : index
        %get3A_236 = tpu.vector_load %arg8[%get3A_234, %get3A_235] {strides = array<i32>} : memref<1664x32xf32, #tpu.memory_space<vmem>>, vector<1x16xf32>,
        %get3A_237 = vector.shape_cast %get3A_236 : vector<1x16xf32> to vector<16xf32>
        %add3A_238 = arith.addf %add3A_224, %get3A_237 : vector<16xf32>
        %add3A_239 = arith.constant 13 : i32
        %add3A_240 = arith.addi %mul3A_63, %add3A_239 : i32
        %get3A_241 = arith.index_cast %add3A_240 : i32 to index
        %get3A_242 = arith.constant 0 : index
        %get3A_243 = tpu.vector_load %arg8[%get3A_241, %get3A_242] {strides = array<i32>} : memref<1664x32xf32, #tpu.memory_space<vmem>>, vector<1x16xf32>,
        %get3A_244 = vector.shape_cast %get3A_243 : vector<1x16xf32> to vector<16xf32>
        %add3A_245 = arith.addf %add3A_231, %get3A_244 : vector<16xf32>
        %add3A_246 = arith.constant 13 : i32
        %add3A_247 = arith.addi %mul3A_63, %add3A_246 : i32
        %get3A_248 = arith.index_cast %add3A_247 : i32 to index
        %get3A_249 = arith.constant 16 : index
        %get3A_250 = tpu.vector_load %arg8[%get3A_248, %get3A_249] {strides = array<i32>} : memref<1664x32xf32, #tpu.memory_space<vmem>>, vector<1x16xf32>,
        %get3A_251 = vector.shape_cast %get3A_250 : vector<1x16xf32> to vector<16xf32>
        %add3A_252 = arith.addf %add3A_238, %get3A_251 : vector<16xf32>
        %add3A_253 = arith.constant 14 : i32
        %add3A_254 = arith.addi %mul3A_63, %add3A_253 : i32
        %get3A_255 = arith.index_cast %add3A_254 : i32 to index
        %get3A_256 = arith.constant 0 : index
        %get3A_257 = tpu.vector_load %arg8[%get3A_255, %get3A_256] {strides = array<i32>} : memref<1664x32xf32, #tpu.memory_space<vmem>>, vector<1x16xf32>,
        %get3A_258 = vector.shape_cast %get3A_257 : vector<1x16xf32> to vector<16xf32>
        %add3A_259 = arith.addf %add3A_245, %get3A_258 : vector<16xf32>
        %add3A_260 = arith.constant 14 : i32
        %add3A_261 = arith.addi %mul3A_63, %add3A_260 : i32
        %get3A_262 = arith.index_cast %add3A_261 : i32 to index
        %get3A_263 = arith.constant 16 : index
        %get3A_264 = tpu.vector_load %arg8[%get3A_262, %get3A_263] {strides = array<i32>} : memref<1664x32xf32, #tpu.memory_space<vmem>>, vector<1x16xf32>,
        %get3A_265 = vector.shape_cast %get3A_264 : vector<1x16xf32> to vector<16xf32>
        %add3A_266 = arith.addf %add3A_252, %get3A_265 : vector<16xf32>
        %add3A_267 = arith.constant 15 : i32
        %add3A_268 = arith.addi %mul3A_63, %add3A_267 : i32
        %get3A_269 = arith.index_cast %add3A_268 : i32 to index
        %get3A_270 = arith.constant 0 : index
        %get3A_271 = tpu.vector_load %arg8[%get3A_269, %get3A_270] {strides = array<i32>} : memref<1664x32xf32, #tpu.memory_space<vmem>>, vector<1x16xf32>,
        %get3A_272 = vector.shape_cast %get3A_271 : vector<1x16xf32> to vector<16xf32>
        %add3A_273 = arith.addf %add3A_259, %get3A_272 : vector<16xf32>
        %add3A_274 = arith.constant 15 : i32
        %add3A_275 = arith.addi %mul3A_63, %add3A_274 : i32
        %get3A_276 = arith.index_cast %add3A_275 : i32 to index
        %get3A_277 = arith.constant 16 : index
        %get3A_278 = tpu.vector_load %arg8[%get3A_276, %get3A_277] {strides = array<i32>} : memref<1664x32xf32, #tpu.memory_space<vmem>>, vector<1x16xf32>,
        %get3A_279 = vector.shape_cast %get3A_278 : vector<1x16xf32> to vector<16xf32>
        %add3A_280 = arith.addf %add3A_266, %get3A_279 : vector<16xf32>
        %add3A_281 = arith.constant 16 : i32
        %add3A_282 = arith.addi %mul3A_63, %add3A_281 : i32
        %get3A_283 = arith.index_cast %add3A_282 : i32 to index
        %get3A_284 = arith.constant 0 : index
        %get3A_285 = tpu.vector_load %arg8[%get3A_283, %get3A_284] {strides = array<i32>} : memref<1664x32xf32, #tpu.memory_space<vmem>>, vector<1x16xf32>,
        %get3A_286 = vector.shape_cast %get3A_285 : vector<1x16xf32> to vector<16xf32>
        %add3A_287 = arith.addf %add3A_273, %get3A_286 : vector<16xf32>
        %add3A_288 = arith.constant 16 : i32
        %add3A_289 = arith.addi %mul3A_63, %add3A_288 : i32
        %get3A_290 = arith.index_cast %add3A_289 : i32 to index
        %get3A_291 = arith.constant 16 : index
        %get3A_292 = tpu.vector_load %arg8[%get3A_290, %get3A_291] {strides = array<i32>} : memref<1664x32xf32, #tpu.memory_space<vmem>>, vector<1x16xf32>,
        %get3A_293 = vector.shape_cast %get3A_292 : vector<1x16xf32> to vector<16xf32>
        %add3A_294 = arith.addf %add3A_280, %get3A_293 : vector<16xf32>
        %add3A_295 = arith.constant 17 : i32
        %add3A_296 = arith.addi %mul3A_63, %add3A_295 : i32
        %get3A_297 = arith.index_cast %add3A_296 : i32 to index
        %get3A_298 = arith.constant 0 : index
        %get3A_299 = tpu.vector_load %arg8[%get3A_297, %get3A_298] {strides = array<i32>} : memref<1664x32xf32, #tpu.memory_space<vmem>>, vector<1x16xf32>,
        %get3A_300 = vector.shape_cast %get3A_299 : vector<1x16xf32> to vector<16xf32>
        %add3A_301 = arith.addf %add3A_287, %get3A_300 : vector<16xf32>
        %add3A_302 = arith.constant 17 : i32
        %add3A_303 = arith.addi %mul3A_63, %add3A_302 : i32
        %get3A_304 = arith.index_cast %add3A_303 : i32 to index
        %get3A_305 = arith.constant 16 : index
        %get3A_306 = tpu.vector_load %arg8[%get3A_304, %get3A_305] {strides = array<i32>} : memref<1664x32xf32, #tpu.memory_space<vmem>>, vector<1x16xf32>,
        %get3A_307 = vector.shape_cast %get3A_306 : vector<1x16xf32> to vector<16xf32>
        %add3A_308 = arith.addf %add3A_294, %get3A_307 : vector<16xf32>
        %add3A_309 = arith.constant 18 : i32
        %add3A_310 = arith.addi %mul3A_63, %add3A_309 : i32
        %get3A_311 = arith.index_cast %add3A_310 : i32 to index
        %get3A_312 = arith.constant 0 : index
        %get3A_313 = tpu.vector_load %arg8[%get3A_311, %get3A_312] {strides = array<i32>} : memref<1664x32xf32, #tpu.memory_space<vmem>>, vector<1x16xf32>,
        %get3A_314 = vector.shape_cast %get3A_313 : vector<1x16xf32> to vector<16xf32>
        %add3A_315 = arith.addf %add3A_301, %get3A_314 : vector<16xf32>
        %add3A_316 = arith.constant 18 : i32
        %add3A_317 = arith.addi %mul3A_63, %add3A_316 : i32
        %get3A_318 = arith.index_cast %add3A_317 : i32 to index
        %get3A_319 = arith.constant 16 : index
        %get3A_320 = tpu.vector_load %arg8[%get3A_318, %get3A_319] {strides = array<i32>} : memref<1664x32xf32, #tpu.memory_space<vmem>>, vector<1x16xf32>,
        %get3A_321 = vector.shape_cast %get3A_320 : vector<1x16xf32> to vector<16xf32>
        %add3A_322 = arith.addf %add3A_308, %get3A_321 : vector<16xf32>
        %add3A_323 = arith.constant 19 : i32
        %add3A_324 = arith.addi %mul3A_63, %add3A_323 : i32
        %get3A_325 = arith.index_cast %add3A_324 : i32 to index
        %get3A_326 = arith.constant 0 : index
        %get3A_327 = tpu.vector_load %arg8[%get3A_325, %get3A_326] {strides = array<i32>} : memref<1664x32xf32, #tpu.memory_space<vmem>>, vector<1x16xf32>,
        %get3A_328 = vector.shape_cast %get3A_327 : vector<1x16xf32> to vector<16xf32>
        %add3A_329 = arith.addf %add3A_315, %get3A_328 : vector<16xf32>
        %add3A_330 = arith.constant 19 : i32
        %add3A_331 = arith.addi %mul3A_63, %add3A_330 : i32
        %get3A_332 = arith.index_cast %add3A_331 : i32 to index
        %get3A_333 = arith.constant 16 : index
        %get3A_334 = tpu.vector_load %arg8[%get3A_332, %get3A_333] {strides = array<i32>} : memref<1664x32xf32, #tpu.memory_space<vmem>>, vector<1x16xf32>,
        %get3A_335 = vector.shape_cast %get3A_334 : vector<1x16xf32> to vector<16xf32>
        %add3A_336 = arith.addf %add3A_322, %get3A_335 : vector<16xf32>
        %add3A_337 = arith.constant 20 : i32
        %add3A_338 = arith.addi %mul3A_63, %add3A_337 : i32
        %get3A_339 = arith.index_cast %add3A_338 : i32 to index
        %get3A_340 = arith.constant 0 : index
        %get3A_341 = tpu.vector_load %arg8[%get3A_339, %get3A_340] {strides = array<i32>} : memref<1664x32xf32, #tpu.memory_space<vmem>>, vector<1x16xf32>,
        %get3A_342 = vector.shape_cast %get3A_341 : vector<1x16xf32> to vector<16xf32>
        %add3A_343 = arith.addf %add3A_329, %get3A_342 : vector<16xf32>
        %add3A_344 = arith.constant 20 : i32
        %add3A_345 = arith.addi %mul3A_63, %add3A_344 : i32
        %get3A_346 = arith.index_cast %add3A_345 : i32 to index
        %get3A_347 = arith.constant 16 : index
        %get3A_348 = tpu.vector_load %arg8[%get3A_346, %get3A_347] {strides = array<i32>} : memref<1664x32xf32, #tpu.memory_space<vmem>>, vector<1x16xf32>,
        %get3A_349 = vector.shape_cast %get3A_348 : vector<1x16xf32> to vector<16xf32>
        %add3A_350 = arith.addf %add3A_336, %get3A_349 : vector<16xf32>
        %add3A_351 = arith.constant 21 : i32
        %add3A_352 = arith.addi %mul3A_63, %add3A_351 : i32
        %get3A_353 = arith.index_cast %add3A_352 : i32 to index
        %get3A_354 = arith.constant 0 : index
        %get3A_355 = tpu.vector_load %arg8[%get3A_353, %get3A_354] {strides = array<i32>} : memref<1664x32xf32, #tpu.memory_space<vmem>>, vector<1x16xf32>,
        %get3A_356 = vector.shape_cast %get3A_355 : vector<1x16xf32> to vector<16xf32>
        %add3A_357 = arith.addf %add3A_343, %get3A_356 : vector<16xf32>
        %add3A_358 = arith.constant 21 : i32
        %add3A_359 = arith.addi %mul3A_63, %add3A_358 : i32
        %get3A_360 = arith.index_cast %add3A_359 : i32 to index
        %get3A_361 = arith.constant 16 : index
        %get3A_362 = tpu.vector_load %arg8[%get3A_360, %get3A_361] {strides = array<i32>} : memref<1664x32xf32, #tpu.memory_space<vmem>>, vector<1x16xf32>,
        %get3A_363 = vector.shape_cast %get3A_362 : vector<1x16xf32> to vector<16xf32>
        %add3A_364 = arith.addf %add3A_350, %get3A_363 : vector<16xf32>
        %add3A_365 = arith.constant 22 : i32
        %add3A_366 = arith.addi %mul3A_63, %add3A_365 : i32
        %get3A_367 = arith.index_cast %add3A_366 : i32 to index
        %get3A_368 = arith.constant 0 : index
        %get3A_369 = tpu.vector_load %arg8[%get3A_367, %get3A_368] {strides = array<i32>} : memref<1664x32xf32, #tpu.memory_space<vmem>>, vector<1x16xf32>,
        %get3A_370 = vector.shape_cast %get3A_369 : vector<1x16xf32> to vector<16xf32>
        %add3A_371 = arith.addf %add3A_357, %get3A_370 : vector<16xf32>
        %add3A_372 = arith.constant 22 : i32
        %add3A_373 = arith.addi %mul3A_63, %add3A_372 : i32
        %get3A_374 = arith.index_cast %add3A_373 : i32 to index
        %get3A_375 = arith.constant 16 : index
        %get3A_376 = tpu.vector_load %arg8[%get3A_374, %get3A_375] {strides = array<i32>} : memref<1664x32xf32, #tpu.memory_space<vmem>>, vector<1x16xf32>,
        %get3A_377 = vector.shape_cast %get3A_376 : vector<1x16xf32> to vector<16xf32>
        %add3A_378 = arith.addf %add3A_364, %get3A_377 : vector<16xf32>
        %add3A_379 = arith.constant 23 : i32
        %add3A_380 = arith.addi %mul3A_63, %add3A_379 : i32
        %get3A_381 = arith.index_cast %add3A_380 : i32 to index
        %get3A_382 = arith.constant 0 : index
        %get3A_383 = tpu.vector_load %arg8[%get3A_381, %get3A_382] {strides = array<i32>} : memref<1664x32xf32, #tpu.memory_space<vmem>>, vector<1x16xf32>,
        %get3A_384 = vector.shape_cast %get3A_383 : vector<1x16xf32> to vector<16xf32>
        %add3A_385 = arith.addf %add3A_371, %get3A_384 : vector<16xf32>
        %add3A_386 = arith.constant 23 : i32
        %add3A_387 = arith.addi %mul3A_63, %add3A_386 : i32
        %get3A_388 = arith.index_cast %add3A_387 : i32 to index
        %get3A_389 = arith.constant 16 : index
        %get3A_390 = tpu.vector_load %arg8[%get3A_388, %get3A_389] {strides = array<i32>} : memref<1664x32xf32, #tpu.memory_space<vmem>>, vector<1x16xf32>,
        %get3A_391 = vector.shape_cast %get3A_390 : vector<1x16xf32> to vector<16xf32>
        %add3A_392 = arith.addf %add3A_378, %get3A_391 : vector<16xf32>
        %add3A_393 = arith.constant 24 : i32
        %add3A_394 = arith.addi %mul3A_63, %add3A_393 : i32
        %get3A_395 = arith.index_cast %add3A_394 : i32 to index
        %get3A_396 = arith.constant 0 : index
        %get3A_397 = tpu.vector_load %arg8[%get3A_395, %get3A_396] {strides = array<i32>} : memref<1664x32xf32, #tpu.memory_space<vmem>>, vector<1x16xf32>,
        %get3A_398 = vector.shape_cast %get3A_397 : vector<1x16xf32> to vector<16xf32>
        %add3A_399 = arith.addf %add3A_385, %get3A_398 : vector<16xf32>
        %add3A_400 = arith.constant 24 : i32
        %add3A_401 = arith.addi %mul3A_63, %add3A_400 : i32
        %get3A_402 = arith.index_cast %add3A_401 : i32 to index
        %get3A_403 = arith.constant 16 : index
        %get3A_404 = tpu.vector_load %arg8[%get3A_402, %get3A_403] {strides = array<i32>} : memref<1664x32xf32, #tpu.memory_space<vmem>>, vector<1x16xf32>,
        %get3A_405 = vector.shape_cast %get3A_404 : vector<1x16xf32> to vector<16xf32>
        %add3A_406 = arith.addf %add3A_392, %get3A_405 : vector<16xf32>
        %add3A_407 = arith.constant 25 : i32
        %add3A_408 = arith.addi %mul3A_63, %add3A_407 : i32
        %get3A_409 = arith.index_cast %add3A_408 : i32 to index
        %get3A_410 = arith.constant 0 : index
        %get3A_411 = tpu.vector_load %arg8[%get3A_409, %get3A_410] {strides = array<i32>} : memref<1664x32xf32, #tpu.memory_space<vmem>>, vector<1x16xf32>,
        %get3A_412 = vector.shape_cast %get3A_411 : vector<1x16xf32> to vector<16xf32>
        %add3A_413 = arith.addf %add3A_399, %get3A_412 : vector<16xf32>
        %add3A_414 = arith.constant 25 : i32
        %add3A_415 = arith.addi %mul3A_63, %add3A_414 : i32
        %get3A_416 = arith.index_cast %add3A_415 : i32 to index
        %get3A_417 = arith.constant 16 : index
        %get3A_418 = tpu.vector_load %arg8[%get3A_416, %get3A_417] {strides = array<i32>} : memref<1664x32xf32, #tpu.memory_space<vmem>>, vector<1x16xf32>,
        %get3A_419 = vector.shape_cast %get3A_418 : vector<1x16xf32> to vector<16xf32>
        %add3A_420 = arith.addf %add3A_406, %get3A_419 : vector<16xf32>
        %add3A_421 = arith.constant 26 : i32
        %add3A_422 = arith.addi %mul3A_63, %add3A_421 : i32
        %get3A_423 = arith.index_cast %add3A_422 : i32 to index
        %get3A_424 = arith.constant 0 : index
        %get3A_425 = tpu.vector_load %arg8[%get3A_423, %get3A_424] {strides = array<i32>} : memref<1664x32xf32, #tpu.memory_space<vmem>>, vector<1x16xf32>,
        %get3A_426 = vector.shape_cast %get3A_425 : vector<1x16xf32> to vector<16xf32>
        %add3A_427 = arith.addf %add3A_413, %get3A_426 : vector<16xf32>
        %add3A_428 = arith.constant 26 : i32
        %add3A_429 = arith.addi %mul3A_63, %add3A_428 : i32
        %get3A_430 = arith.index_cast %add3A_429 : i32 to index
        %get3A_431 = arith.constant 16 : index
        %get3A_432 = tpu.vector_load %arg8[%get3A_430, %get3A_431] {strides = array<i32>} : memref<1664x32xf32, #tpu.memory_space<vmem>>, vector<1x16xf32>,
        %get3A_433 = vector.shape_cast %get3A_432 : vector<1x16xf32> to vector<16xf32>
        %add3A_434 = arith.addf %add3A_420, %get3A_433 : vector<16xf32>
        %add3A_435 = arith.constant 27 : i32
        %add3A_436 = arith.addi %mul3A_63, %add3A_435 : i32
        %get3A_437 = arith.index_cast %add3A_436 : i32 to index
        %get3A_438 = arith.constant 0 : index
        %get3A_439 = tpu.vector_load %arg8[%get3A_437, %get3A_438] {strides = array<i32>} : memref<1664x32xf32, #tpu.memory_space<vmem>>, vector<1x16xf32>,
        %get3A_440 = vector.shape_cast %get3A_439 : vector<1x16xf32> to vector<16xf32>
        %add3A_441 = arith.addf %add3A_427, %get3A_440 : vector<16xf32>
        %add3A_442 = arith.constant 27 : i32
        %add3A_443 = arith.addi %mul3A_63, %add3A_442 : i32
        %get3A_444 = arith.index_cast %add3A_443 : i32 to index
        %get3A_445 = arith.constant 16 : index
        %get3A_446 = tpu.vector_load %arg8[%get3A_444, %get3A_445] {strides = array<i32>} : memref<1664x32xf32, #tpu.memory_space<vmem>>, vector<1x16xf32>,
        %get3A_447 = vector.shape_cast %get3A_446 : vector<1x16xf32> to vector<16xf32>
        %add3A_448 = arith.addf %add3A_434, %get3A_447 : vector<16xf32>
        %add3A_449 = arith.constant 28 : i32
        %add3A_450 = arith.addi %mul3A_63, %add3A_449 : i32
        %get3A_451 = arith.index_cast %add3A_450 : i32 to index
        %get3A_452 = arith.constant 0 : index
        %get3A_453 = tpu.vector_load %arg8[%get3A_451, %get3A_452] {strides = array<i32>} : memref<1664x32xf32, #tpu.memory_space<vmem>>, vector<1x16xf32>,
        %get3A_454 = vector.shape_cast %get3A_453 : vector<1x16xf32> to vector<16xf32>
        %add3A_455 = arith.addf %add3A_441, %get3A_454 : vector<16xf32>
        %add3A_456 = arith.constant 28 : i32
        %add3A_457 = arith.addi %mul3A_63, %add3A_456 : i32
        %get3A_458 = arith.index_cast %add3A_457 : i32 to index
        %get3A_459 = arith.constant 16 : index
        %get3A_460 = tpu.vector_load %arg8[%get3A_458, %get3A_459] {strides = array<i32>} : memref<1664x32xf32, #tpu.memory_space<vmem>>, vector<1x16xf32>,
        %get3A_461 = vector.shape_cast %get3A_460 : vector<1x16xf32> to vector<16xf32>
        %add3A_462 = arith.addf %add3A_448, %get3A_461 : vector<16xf32>
        %add3A_463 = arith.constant 29 : i32
        %add3A_464 = arith.addi %mul3A_63, %add3A_463 : i32
        %get3A_465 = arith.index_cast %add3A_464 : i32 to index
        %get3A_466 = arith.constant 0 : index
        %get3A_467 = tpu.vector_load %arg8[%get3A_465, %get3A_466] {strides = array<i32>} : memref<1664x32xf32, #tpu.memory_space<vmem>>, vector<1x16xf32>,
        %get3A_468 = vector.shape_cast %get3A_467 : vector<1x16xf32> to vector<16xf32>
        %add3A_469 = arith.addf %add3A_455, %get3A_468 : vector<16xf32>
        %add3A_470 = arith.constant 29 : i32
        %add3A_471 = arith.addi %mul3A_63, %add3A_470 : i32
        %get3A_472 = arith.index_cast %add3A_471 : i32 to index
        %get3A_473 = arith.constant 16 : index
        %get3A_474 = tpu.vector_load %arg8[%get3A_472, %get3A_473] {strides = array<i32>} : memref<1664x32xf32, #tpu.memory_space<vmem>>, vector<1x16xf32>,
        %get3A_475 = vector.shape_cast %get3A_474 : vector<1x16xf32> to vector<16xf32>
        %add3A_476 = arith.addf %add3A_462, %get3A_475 : vector<16xf32>
        %add3A_477 = arith.constant 30 : i32
        %add3A_478 = arith.addi %mul3A_63, %add3A_477 : i32
        %get3A_479 = arith.index_cast %add3A_478 : i32 to index
        %get3A_480 = arith.constant 0 : index
        %get3A_481 = tpu.vector_load %arg8[%get3A_479, %get3A_480] {strides = array<i32>} : memref<1664x32xf32, #tpu.memory_space<vmem>>, vector<1x16xf32>,
        %get3A_482 = vector.shape_cast %get3A_481 : vector<1x16xf32> to vector<16xf32>
        %add3A_483 = arith.addf %add3A_469, %get3A_482 : vector<16xf32>
        %add3A_484 = arith.constant 30 : i32
        %add3A_485 = arith.addi %mul3A_63, %add3A_484 : i32
        %get3A_486 = arith.index_cast %add3A_485 : i32 to index
        %get3A_487 = arith.constant 16 : index
        %get3A_488 = tpu.vector_load %arg8[%get3A_486, %get3A_487] {strides = array<i32>} : memref<1664x32xf32, #tpu.memory_space<vmem>>, vector<1x16xf32>,
        %get3A_489 = vector.shape_cast %get3A_488 : vector<1x16xf32> to vector<16xf32>
        %add3A_490 = arith.addf %add3A_476, %get3A_489 : vector<16xf32>
        %add3A_491 = arith.constant 31 : i32
        %add3A_492 = arith.addi %mul3A_63, %add3A_491 : i32
        %get3A_493 = arith.index_cast %add3A_492 : i32 to index
        %get3A_494 = arith.constant 0 : index
        %get3A_495 = tpu.vector_load %arg8[%get3A_493, %get3A_494] {strides = array<i32>} : memref<1664x32xf32, #tpu.memory_space<vmem>>, vector<1x16xf32>,
        %get3A_496 = vector.shape_cast %get3A_495 : vector<1x16xf32> to vector<16xf32>
        %add3A_497 = arith.addf %add3A_483, %get3A_496 : vector<16xf32>
        %add3A_498 = arith.constant 31 : i32
        %add3A_499 = arith.addi %mul3A_63, %add3A_498 : i32
        %get3A_500 = arith.index_cast %add3A_499 : i32 to index
        %get3A_501 = arith.constant 16 : index
        %get3A_502 = tpu.vector_load %arg8[%get3A_500, %get3A_501] {strides = array<i32>} : memref<1664x32xf32, #tpu.memory_space<vmem>>, vector<1x16xf32>,
        %get3A_503 = vector.shape_cast %get3A_502 : vector<1x16xf32> to vector<16xf32>
        %add3A_504 = arith.addf %add3A_490, %get3A_503 : vector<16xf32>
        %add3A_505 = arith.constant 32 : i32
        %add3A_506 = arith.addi %mul3A_63, %add3A_505 : i32
        %get3A_507 = arith.index_cast %add3A_506 : i32 to index
        %get3A_508 = arith.constant 0 : index
        %get3A_509 = tpu.vector_load %arg8[%get3A_507, %get3A_508] {strides = array<i32>} : memref<1664x32xf32, #tpu.memory_space<vmem>>, vector<1x16xf32>,
        %get3A_510 = vector.shape_cast %get3A_509 : vector<1x16xf32> to vector<16xf32>
        %add3A_511 = arith.addf %add3A_497, %get3A_510 : vector<16xf32>
        %add3A_512 = arith.constant 32 : i32
        %add3A_513 = arith.addi %mul3A_63, %add3A_512 : i32
        %get3A_514 = arith.index_cast %add3A_513 : i32 to index
        %get3A_515 = arith.constant 16 : index
        %get3A_516 = tpu.vector_load %arg8[%get3A_514, %get3A_515] {strides = array<i32>} : memref<1664x32xf32, #tpu.memory_space<vmem>>, vector<1x16xf32>,
        %get3A_517 = vector.shape_cast %get3A_516 : vector<1x16xf32> to vector<16xf32>
        %add3A_518 = arith.addf %add3A_504, %get3A_517 : vector<16xf32>
        %add3A_519 = arith.constant 33 : i32
        %add3A_520 = arith.addi %mul3A_63, %add3A_519 : i32
        %get3A_521 = arith.index_cast %add3A_520 : i32 to index
        %get3A_522 = arith.constant 0 : index
        %get3A_523 = tpu.vector_load %arg8[%get3A_521, %get3A_522] {strides = array<i32>} : memref<1664x32xf32, #tpu.memory_space<vmem>>, vector<1x16xf32>,
        %get3A_524 = vector.shape_cast %get3A_523 : vector<1x16xf32> to vector<16xf32>
        %add3A_525 = arith.addf %add3A_511, %get3A_524 : vector<16xf32>
        %add3A_526 = arith.constant 33 : i32
        %add3A_527 = arith.addi %mul3A_63, %add3A_526 : i32
        %get3A_528 = arith.index_cast %add3A_527 : i32 to index
        %get3A_529 = arith.constant 16 : index
        %get3A_530 = tpu.vector_load %arg8[%get3A_528, %get3A_529] {strides = array<i32>} : memref<1664x32xf32, #tpu.memory_space<vmem>>, vector<1x16xf32>,
        %get3A_531 = vector.shape_cast %get3A_530 : vector<1x16xf32> to vector<16xf32>
        %add3A_532 = arith.addf %add3A_518, %get3A_531 : vector<16xf32>
        %add3A_533 = arith.constant 34 : i32
        %add3A_534 = arith.addi %mul3A_63, %add3A_533 : i32
        %get3A_535 = arith.index_cast %add3A_534 : i32 to index
        %get3A_536 = arith.constant 0 : index
        %get3A_537 = tpu.vector_load %arg8[%get3A_535, %get3A_536] {strides = array<i32>} : memref<1664x32xf32, #tpu.memory_space<vmem>>, vector<1x16xf32>,
        %get3A_538 = vector.shape_cast %get3A_537 : vector<1x16xf32> to vector<16xf32>
        %add3A_539 = arith.addf %add3A_525, %get3A_538 : vector<16xf32>
        %add3A_540 = arith.constant 34 : i32
        %add3A_541 = arith.addi %mul3A_63, %add3A_540 : i32
        %get3A_542 = arith.index_cast %add3A_541 : i32 to index
        %get3A_543 = arith.constant 16 : index
        %get3A_544 = tpu.vector_load %arg8[%get3A_542, %get3A_543] {strides = array<i32>} : memref<1664x32xf32, #tpu.memory_space<vmem>>, vector<1x16xf32>,
        %get3A_545 = vector.shape_cast %get3A_544 : vector<1x16xf32> to vector<16xf32>
        %add3A_546 = arith.addf %add3A_532, %get3A_545 : vector<16xf32>
        %add3A_547 = arith.constant 35 : i32
        %add3A_548 = arith.addi %mul3A_63, %add3A_547 : i32
        %get3A_549 = arith.index_cast %add3A_548 : i32 to index
        %get3A_550 = arith.constant 0 : index
        %get3A_551 = tpu.vector_load %arg8[%get3A_549, %get3A_550] {strides = array<i32>} : memref<1664x32xf32, #tpu.memory_space<vmem>>, vector<1x16xf32>,
        %get3A_552 = vector.shape_cast %get3A_551 : vector<1x16xf32> to vector<16xf32>
        %add3A_553 = arith.addf %add3A_539, %get3A_552 : vector<16xf32>
        %add3A_554 = arith.constant 35 : i32
        %add3A_555 = arith.addi %mul3A_63, %add3A_554 : i32
        %get3A_556 = arith.index_cast %add3A_555 : i32 to index
        %get3A_557 = arith.constant 16 : index
        %get3A_558 = tpu.vector_load %arg8[%get3A_556, %get3A_557] {strides = array<i32>} : memref<1664x32xf32, #tpu.memory_space<vmem>>, vector<1x16xf32>,
        %get3A_559 = vector.shape_cast %get3A_558 : vector<1x16xf32> to vector<16xf32>
        %add3A_560 = arith.addf %add3A_546, %get3A_559 : vector<16xf32>
        %add3A_561 = arith.constant 36 : i32
        %add3A_562 = arith.addi %mul3A_63, %add3A_561 : i32
        %get3A_563 = arith.index_cast %add3A_562 : i32 to index
        %get3A_564 = arith.constant 0 : index
        %get3A_565 = tpu.vector_load %arg8[%get3A_563, %get3A_564] {strides = array<i32>} : memref<1664x32xf32, #tpu.memory_space<vmem>>, vector<1x16xf32>,
        %get3A_566 = vector.shape_cast %get3A_565 : vector<1x16xf32> to vector<16xf32>
        %add3A_567 = arith.addf %add3A_553, %get3A_566 : vector<16xf32>
        %add3A_568 = arith.constant 36 : i32
        %add3A_569 = arith.addi %mul3A_63, %add3A_568 : i32
        %get3A_570 = arith.index_cast %add3A_569 : i32 to index
        %get3A_571 = arith.constant 16 : index
        %get3A_572 = tpu.vector_load %arg8[%get3A_570, %get3A_571] {strides = array<i32>} : memref<1664x32xf32, #tpu.memory_space<vmem>>, vector<1x16xf32>,
        %get3A_573 = vector.shape_cast %get3A_572 : vector<1x16xf32> to vector<16xf32>
        %add3A_574 = arith.addf %add3A_560, %get3A_573 : vector<16xf32>
        %add3A_575 = arith.constant 37 : i32
        %add3A_576 = arith.addi %mul3A_63, %add3A_575 : i32
        %get3A_577 = arith.index_cast %add3A_576 : i32 to index
        %get3A_578 = arith.constant 0 : index
        %get3A_579 = tpu.vector_load %arg8[%get3A_577, %get3A_578] {strides = array<i32>} : memref<1664x32xf32, #tpu.memory_space<vmem>>, vector<1x16xf32>,
        %get3A_580 = vector.shape_cast %get3A_579 : vector<1x16xf32> to vector<16xf32>
        %add3A_581 = arith.addf %add3A_567, %get3A_580 : vector<16xf32>
        %add3A_582 = arith.constant 37 : i32
        %add3A_583 = arith.addi %mul3A_63, %add3A_582 : i32
        %get3A_584 = arith.index_cast %add3A_583 : i32 to index
        %get3A_585 = arith.constant 16 : index
        %get3A_586 = tpu.vector_load %arg8[%get3A_584, %get3A_585] {strides = array<i32>} : memref<1664x32xf32, #tpu.memory_space<vmem>>, vector<1x16xf32>,
        %get3A_587 = vector.shape_cast %get3A_586 : vector<1x16xf32> to vector<16xf32>
        %add3A_588 = arith.addf %add3A_574, %get3A_587 : vector<16xf32>
        %add3A_589 = arith.constant 38 : i32
        %add3A_590 = arith.addi %mul3A_63, %add3A_589 : i32
        %get3A_591 = arith.index_cast %add3A_590 : i32 to index
        %get3A_592 = arith.constant 0 : index
        %get3A_593 = tpu.vector_load %arg8[%get3A_591, %get3A_592] {strides = array<i32>} : memref<1664x32xf32, #tpu.memory_space<vmem>>, vector<1x16xf32>,
        %get3A_594 = vector.shape_cast %get3A_593 : vector<1x16xf32> to vector<16xf32>
        %add3A_595 = arith.addf %add3A_581, %get3A_594 : vector<16xf32>
        %add3A_596 = arith.constant 38 : i32
        %add3A_597 = arith.addi %mul3A_63, %add3A_596 : i32
        %get3A_598 = arith.index_cast %add3A_597 : i32 to index
        %get3A_599 = arith.constant 16 : index
        %get3A_600 = tpu.vector_load %arg8[%get3A_598, %get3A_599] {strides = array<i32>} : memref<1664x32xf32, #tpu.memory_space<vmem>>, vector<1x16xf32>,
        %get3A_601 = vector.shape_cast %get3A_600 : vector<1x16xf32> to vector<16xf32>
        %add3A_602 = arith.addf %add3A_588, %get3A_601 : vector<16xf32>
        %add3A_603 = arith.constant 39 : i32
        %add3A_604 = arith.addi %mul3A_63, %add3A_603 : i32
        %get3A_605 = arith.index_cast %add3A_604 : i32 to index
        %get3A_606 = arith.constant 0 : index
        %get3A_607 = tpu.vector_load %arg8[%get3A_605, %get3A_606] {strides = array<i32>} : memref<1664x32xf32, #tpu.memory_space<vmem>>, vector<1x16xf32>,
        %get3A_608 = vector.shape_cast %get3A_607 : vector<1x16xf32> to vector<16xf32>
        %add3A_609 = arith.addf %add3A_595, %get3A_608 : vector<16xf32>
        %add3A_610 = arith.constant 39 : i32
        %add3A_611 = arith.addi %mul3A_63, %add3A_610 : i32
        %get3A_612 = arith.index_cast %add3A_611 : i32 to index
        %get3A_613 = arith.constant 16 : index
        %get3A_614 = tpu.vector_load %arg8[%get3A_612, %get3A_613] {strides = array<i32>} : memref<1664x32xf32, #tpu.memory_space<vmem>>, vector<1x16xf32>,
        %get3A_615 = vector.shape_cast %get3A_614 : vector<1x16xf32> to vector<16xf32>
        %add3A_616 = arith.addf %add3A_602, %get3A_615 : vector<16xf32>
        %add3A_617 = arith.constant 40 : i32
        %add3A_618 = arith.addi %mul3A_63, %add3A_617 : i32
        %get3A_619 = arith.index_cast %add3A_618 : i32 to index
        %get3A_620 = arith.constant 0 : index
        %get3A_621 = tpu.vector_load %arg8[%get3A_619, %get3A_620] {strides = array<i32>} : memref<1664x32xf32, #tpu.memory_space<vmem>>, vector<1x16xf32>,
        %get3A_622 = vector.shape_cast %get3A_621 : vector<1x16xf32> to vector<16xf32>
        %add3A_623 = arith.addf %add3A_609, %get3A_622 : vector<16xf32>
        %add3A_624 = arith.constant 40 : i32
        %add3A_625 = arith.addi %mul3A_63, %add3A_624 : i32
        %get3A_626 = arith.index_cast %add3A_625 : i32 to index
        %get3A_627 = arith.constant 16 : index
        %get3A_628 = tpu.vector_load %arg8[%get3A_626, %get3A_627] {strides = array<i32>} : memref<1664x32xf32, #tpu.memory_space<vmem>>, vector<1x16xf32>,
        %get3A_629 = vector.shape_cast %get3A_628 : vector<1x16xf32> to vector<16xf32>
        %add3A_630 = arith.addf %add3A_616, %get3A_629 : vector<16xf32>
        %add3A_631 = arith.constant 41 : i32
        %add3A_632 = arith.addi %mul3A_63, %add3A_631 : i32
        %get3A_633 = arith.index_cast %add3A_632 : i32 to index
        %get3A_634 = arith.constant 0 : index
        %get3A_635 = tpu.vector_load %arg8[%get3A_633, %get3A_634] {strides = array<i32>} : memref<1664x32xf32, #tpu.memory_space<vmem>>, vector<1x16xf32>,
        %get3A_636 = vector.shape_cast %get3A_635 : vector<1x16xf32> to vector<16xf32>
        %add3A_637 = arith.addf %add3A_623, %get3A_636 : vector<16xf32>
        %add3A_638 = arith.constant 41 : i32
        %add3A_639 = arith.addi %mul3A_63, %add3A_638 : i32
        %get3A_640 = arith.index_cast %add3A_639 : i32 to index
        %get3A_641 = arith.constant 16 : index
        %get3A_642 = tpu.vector_load %arg8[%get3A_640, %get3A_641] {strides = array<i32>} : memref<1664x32xf32, #tpu.memory_space<vmem>>, vector<1x16xf32>,
        %get3A_643 = vector.shape_cast %get3A_642 : vector<1x16xf32> to vector<16xf32>
        %add3A_644 = arith.addf %add3A_630, %get3A_643 : vector<16xf32>
        %add3A_645 = arith.constant 42 : i32
        %add3A_646 = arith.addi %mul3A_63, %add3A_645 : i32
        %get3A_647 = arith.index_cast %add3A_646 : i32 to index
        %get3A_648 = arith.constant 0 : index
        %get3A_649 = tpu.vector_load %arg8[%get3A_647, %get3A_648] {strides = array<i32>} : memref<1664x32xf32, #tpu.memory_space<vmem>>, vector<1x16xf32>,
        %get3A_650 = vector.shape_cast %get3A_649 : vector<1x16xf32> to vector<16xf32>
        %add3A_651 = arith.addf %add3A_637, %get3A_650 : vector<16xf32>
        %add3A_652 = arith.constant 42 : i32
        %add3A_653 = arith.addi %mul3A_63, %add3A_652 : i32
        %get3A_654 = arith.index_cast %add3A_653 : i32 to index
        %get3A_655 = arith.constant 16 : index
        %get3A_656 = tpu.vector_load %arg8[%get3A_654, %get3A_655] {strides = array<i32>} : memref<1664x32xf32, #tpu.memory_space<vmem>>, vector<1x16xf32>,
        %get3A_657 = vector.shape_cast %get3A_656 : vector<1x16xf32> to vector<16xf32>
        %add3A_658 = arith.addf %add3A_644, %get3A_657 : vector<16xf32>
        %add3A_659 = arith.constant 43 : i32
        %add3A_660 = arith.addi %mul3A_63, %add3A_659 : i32
        %get3A_661 = arith.index_cast %add3A_660 : i32 to index
        %get3A_662 = arith.constant 0 : index
        %get3A_663 = tpu.vector_load %arg8[%get3A_661, %get3A_662] {strides = array<i32>} : memref<1664x32xf32, #tpu.memory_space<vmem>>, vector<1x16xf32>,
        %get3A_664 = vector.shape_cast %get3A_663 : vector<1x16xf32> to vector<16xf32>
        %add3A_665 = arith.addf %add3A_651, %get3A_664 : vector<16xf32>
        %add3A_666 = arith.constant 43 : i32
        %add3A_667 = arith.addi %mul3A_63, %add3A_666 : i32
        %get3A_668 = arith.index_cast %add3A_667 : i32 to index
        %get3A_669 = arith.constant 16 : index
        %get3A_670 = tpu.vector_load %arg8[%get3A_668, %get3A_669] {strides = array<i32>} : memref<1664x32xf32, #tpu.memory_space<vmem>>, vector<1x16xf32>,
        %get3A_671 = vector.shape_cast %get3A_670 : vector<1x16xf32> to vector<16xf32>
        %add3A_672 = arith.addf %add3A_658, %get3A_671 : vector<16xf32>
        %add3A_673 = arith.constant 44 : i32
        %add3A_674 = arith.addi %mul3A_63, %add3A_673 : i32
        %get3A_675 = arith.index_cast %add3A_674 : i32 to index
        %get3A_676 = arith.constant 0 : index
        %get3A_677 = tpu.vector_load %arg8[%get3A_675, %get3A_676] {strides = array<i32>} : memref<1664x32xf32, #tpu.memory_space<vmem>>, vector<1x16xf32>,
        %get3A_678 = vector.shape_cast %get3A_677 : vector<1x16xf32> to vector<16xf32>
        %add3A_679 = arith.addf %add3A_665, %get3A_678 : vector<16xf32>
        %add3A_680 = arith.constant 44 : i32
        %add3A_681 = arith.addi %mul3A_63, %add3A_680 : i32
        %get3A_682 = arith.index_cast %add3A_681 : i32 to index
        %get3A_683 = arith.constant 16 : index
        %get3A_684 = tpu.vector_load %arg8[%get3A_682, %get3A_683] {strides = array<i32>} : memref<1664x32xf32, #tpu.memory_space<vmem>>, vector<1x16xf32>,
        %get3A_685 = vector.shape_cast %get3A_684 : vector<1x16xf32> to vector<16xf32>
        %add3A_686 = arith.addf %add3A_672, %get3A_685 : vector<16xf32>
        %add3A_687 = arith.constant 45 : i32
        %add3A_688 = arith.addi %mul3A_63, %add3A_687 : i32
        %get3A_689 = arith.index_cast %add3A_688 : i32 to index
        %get3A_690 = arith.constant 0 : index
        %get3A_691 = tpu.vector_load %arg8[%get3A_689, %get3A_690] {strides = array<i32>} : memref<1664x32xf32, #tpu.memory_space<vmem>>, vector<1x16xf32>,
        %get3A_692 = vector.shape_cast %get3A_691 : vector<1x16xf32> to vector<16xf32>
        %add3A_693 = arith.addf %add3A_679, %get3A_692 : vector<16xf32>
        %add3A_694 = arith.constant 45 : i32
        %add3A_695 = arith.addi %mul3A_63, %add3A_694 : i32
        %get3A_696 = arith.index_cast %add3A_695 : i32 to index
        %get3A_697 = arith.constant 16 : index
        %get3A_698 = tpu.vector_load %arg8[%get3A_696, %get3A_697] {strides = array<i32>} : memref<1664x32xf32, #tpu.memory_space<vmem>>, vector<1x16xf32>,
        %get3A_699 = vector.shape_cast %get3A_698 : vector<1x16xf32> to vector<16xf32>
        %add3A_700 = arith.addf %add3A_686, %get3A_699 : vector<16xf32>
        %add3A_701 = arith.constant 46 : i32
        %add3A_702 = arith.addi %mul3A_63, %add3A_701 : i32
        %get3A_703 = arith.index_cast %add3A_702 : i32 to index
        %get3A_704 = arith.constant 0 : index
        %get3A_705 = tpu.vector_load %arg8[%get3A_703, %get3A_704] {strides = array<i32>} : memref<1664x32xf32, #tpu.memory_space<vmem>>, vector<1x16xf32>,
        %get3A_706 = vector.shape_cast %get3A_705 : vector<1x16xf32> to vector<16xf32>
        %add3A_707 = arith.addf %add3A_693, %get3A_706 : vector<16xf32>
        %add3A_708 = arith.constant 46 : i32
        %add3A_709 = arith.addi %mul3A_63, %add3A_708 : i32
        %get3A_710 = arith.index_cast %add3A_709 : i32 to index
        %get3A_711 = arith.constant 16 : index
        %get3A_712 = tpu.vector_load %arg8[%get3A_710, %get3A_711] {strides = array<i32>} : memref<1664x32xf32, #tpu.memory_space<vmem>>, vector<1x16xf32>,
        %get3A_713 = vector.shape_cast %get3A_712 : vector<1x16xf32> to vector<16xf32>
        %add3A_714 = arith.addf %add3A_700, %get3A_713 : vector<16xf32>
        %add3A_715 = arith.constant 47 : i32
        %add3A_716 = arith.addi %mul3A_63, %add3A_715 : i32
        %get3A_717 = arith.index_cast %add3A_716 : i32 to index
        %get3A_718 = arith.constant 0 : index
        %get3A_719 = tpu.vector_load %arg8[%get3A_717, %get3A_718] {strides = array<i32>} : memref<1664x32xf32, #tpu.memory_space<vmem>>, vector<1x16xf32>,
        %get3A_720 = vector.shape_cast %get3A_719 : vector<1x16xf32> to vector<16xf32>
        %add3A_721 = arith.addf %add3A_707, %get3A_720 : vector<16xf32>
        %add3A_722 = arith.constant 47 : i32
        %add3A_723 = arith.addi %mul3A_63, %add3A_722 : i32
        %get3A_724 = arith.index_cast %add3A_723 : i32 to index
        %get3A_725 = arith.constant 16 : index
        %get3A_726 = tpu.vector_load %arg8[%get3A_724, %get3A_725] {strides = array<i32>} : memref<1664x32xf32, #tpu.memory_space<vmem>>, vector<1x16xf32>,
        %get3A_727 = vector.shape_cast %get3A_726 : vector<1x16xf32> to vector<16xf32>
        %add3A_728 = arith.addf %add3A_714, %get3A_727 : vector<16xf32>
        %add3A_729 = arith.constant 48 : i32
        %add3A_730 = arith.addi %mul3A_63, %add3A_729 : i32
        %get3A_731 = arith.index_cast %add3A_730 : i32 to index
        %get3A_732 = arith.constant 0 : index
        %get3A_733 = tpu.vector_load %arg8[%get3A_731, %get3A_732] {strides = array<i32>} : memref<1664x32xf32, #tpu.memory_space<vmem>>, vector<1x16xf32>,
        %get3A_734 = vector.shape_cast %get3A_733 : vector<1x16xf32> to vector<16xf32>
        %add3A_735 = arith.addf %add3A_721, %get3A_734 : vector<16xf32>
        %add3A_736 = arith.constant 48 : i32
        %add3A_737 = arith.addi %mul3A_63, %add3A_736 : i32
        %get3A_738 = arith.index_cast %add3A_737 : i32 to index
        %get3A_739 = arith.constant 16 : index
        %get3A_740 = tpu.vector_load %arg8[%get3A_738, %get3A_739] {strides = array<i32>} : memref<1664x32xf32, #tpu.memory_space<vmem>>, vector<1x16xf32>,
        %get3A_741 = vector.shape_cast %get3A_740 : vector<1x16xf32> to vector<16xf32>
        %add3A_742 = arith.addf %add3A_728, %get3A_741 : vector<16xf32>
        %add3A_743 = arith.constant 49 : i32
        %add3A_744 = arith.addi %mul3A_63, %add3A_743 : i32
        %get3A_745 = arith.index_cast %add3A_744 : i32 to index
        %get3A_746 = arith.constant 0 : index
        %get3A_747 = tpu.vector_load %arg8[%get3A_745, %get3A_746] {strides = array<i32>} : memref<1664x32xf32, #tpu.memory_space<vmem>>, vector<1x16xf32>,
        %get3A_748 = vector.shape_cast %get3A_747 : vector<1x16xf32> to vector<16xf32>
        %add3A_749 = arith.addf %add3A_735, %get3A_748 : vector<16xf32>
        %add3A_750 = arith.constant 49 : i32
        %add3A_751 = arith.addi %mul3A_63, %add3A_750 : i32
        %get3A_752 = arith.index_cast %add3A_751 : i32 to index
        %get3A_753 = arith.constant 16 : index
        %get3A_754 = tpu.vector_load %arg8[%get3A_752, %get3A_753] {strides = array<i32>} : memref<1664x32xf32, #tpu.memory_space<vmem>>, vector<1x16xf32>,
        %get3A_755 = vector.shape_cast %get3A_754 : vector<1x16xf32> to vector<16xf32>
        %add3A_756 = arith.addf %add3A_742, %get3A_755 : vector<16xf32>
        %mul3A_757 = vector.broadcast %scan3A_9 : f32 to vector<16xf32>
        %mul3A_758 = arith.mulf %add3A_749, %mul3A_757 : vector<16xf32>
        %swap3A = arith.index_cast %scan3A_61 : i32 to index
        %swap3A_759 = arith.constant 0 : index
        %swap3A_760 = tpu.vector_load %arg10[%swap3A, %swap3A_759] {strides = array<i32>} : memref<32x32xf32, #tpu.memory_space<vmem>>, vector<1x16xf32>,
        %swap3A_761 = vector.shape_cast %swap3A_760 : vector<1x16xf32> to vector<16xf32>
        %swap3A_762 = vector.shape_cast %mul3A_758 : vector<16xf32> to vector<1x16xf32>
        tpu.vector_store %arg10[%swap3A, %swap3A_759], %swap3A_762 {strides = array<i32>} : memref<32x32xf32, #tpu.memory_space<vmem>>, vector<1x16xf32>,
        %mul3A_763 = vector.broadcast %scan3A_9 : f32 to vector<16xf32>
        %mul3A_764 = arith.mulf %add3A_756, %mul3A_763 : vector<16xf32>
        %swap3A_765 = arith.index_cast %scan3A_61 : i32 to index
        %swap3A_766 = arith.constant 16 : index
        %swap3A_767 = tpu.vector_load %arg10[%swap3A_765, %swap3A_766] {strides = array<i32>} : memref<32x32xf32, #tpu.memory_space<vmem>>, vector<1x16xf32>,
        %swap3A_768 = vector.shape_cast %swap3A_767 : vector<1x16xf32> to vector<16xf32>
        %swap3A_769 = vector.shape_cast %mul3A_764 : vector<16xf32> to vector<1x16xf32>
        tpu.vector_store %arg10[%swap3A_765, %swap3A_766], %swap3A_769 {strides = array<i32>} : memref<32x32xf32, #tpu.memory_space<vmem>>, vector<1x16xf32>,
      }
      %scan3A_55 = arith.constant 32 : i32
      %mul3A_56 = arith.constant 512 : i32
      %mul3A_57 = arith.muli %add3A, %mul3A_56 : i32
      %mul3A_58 = arith.constant 32 : i32
      %mul3A_59 = arith.muli %add3A_46, %mul3A_58 : i32
      %add3A_60 = arith.addi %mul3A_57, %mul3A_59 : i32
      "tpu.region"() ({
        %run_scoped3A = tpu.sem_alloc : memref<!tpu.dma_semaphore, #tpu.memory_space<semaphore_mem>>
        %dma_start3A_61 = arith.constant 0 : i32
        %dma_start3A_62 = tpu.memref_slice %arg4[%add3A_60, %dma_start3A_61] : memref<16384x32xf32, #tpu.memory_space<hbm>> -> memref<32x32xf32, #tpu.memory_space<hbm>>
        %dma_start3A_63 = arith.constant 0 : i32
        %dma_start3A_64 = tpu.memref_slice %arg4[%add3A_60, %dma_start3A_63] : memref<16384x32xf32, #tpu.memory_space<hbm>> -> memref<32x32xf32, #tpu.memory_space<hbm>>
        tpu.enqueue_dma source(%arg10 : memref<32x32xf32, #tpu.memory_space<vmem>>) target(%dma_start3A_64 : memref<32x32xf32, #tpu.memory_space<hbm>>) target_semaphore(%run_scoped3A : memref<!tpu.dma_semaphore, #tpu.memory_space<semaphore_mem>>)
        %dma_wait3A_65 = arith.constant 0 : i32
        %dma_wait3A_66 = tpu.memref_slice %arg4[%add3A_60, %dma_wait3A_65] : memref<16384x32xf32, #tpu.memory_space<hbm>> -> memref<32x32xf32, #tpu.memory_space<hbm>>
        %dma_wait3A_67 = arith.constant 0 : i32
        %dma_wait3A_68 = tpu.memref_slice %arg4[%add3A_60, %dma_wait3A_67] : memref<16384x32xf32, #tpu.memory_space<hbm>> -> memref<32x32xf32, #tpu.memory_space<hbm>>
        tpu.wait_dma2 semaphore(%run_scoped3A : memref<!tpu.dma_semaphore, #tpu.memory_space<semaphore_mem>>) src(%arg10 : memref<32x32xf32, #tpu.memory_space<vmem>>) dst(%dma_wait3A_68 : memref<32x32xf32, #tpu.memory_space<hbm>>)
        tpu.yield
      }) : () -> ()
    }
    %scan3A_14 = arith.constant 8 : i32
    return
  }
}

</mosaic_0001>

<sc_bundles>
// kernel: _encode.4.cloned.1.call-start
scs
__scs_entry_jumppad:
0x0: {  	(pc) =	sbr.rel $0x88, $3  }
0x1: {  	(tag) =	ssettag $0x0;
	lr =	simm.s32 $0x1  }
0x2: {  	[smem:$0x3F9F] =	sst lr;
	_ =	strace $0xD0000000  }
0x3: {  	_ = 	snop  }
0x4: {  	_ = 	snop  }
0x5: {  	_ = 	snop  }
0x6: {  	_ = 	snop  }
0x7: {  	_ = 	snop  }
__scs_overlays_trampoline_lowered:
0x8: {  	[smem:$0x3FAE] =	sst s0  }
0x9: {  	[smem:$0x3FAF] =	sst s1  }
0xa: {  	[smem:$0x3FB0] =	sst s2  }
0xb: {  	[smem:$0x3FB1] =	sst s3  }
0xc: {  	[smem:$0x3FB2] =	sst s4  }
0xd: {  	[smem:$0x3FB3] =	sst s5  }
0xe: {  	[smem:$0x3FB4] =	sst s6  }
0xf: {  	[smem:$0x3FB5] =	sst s7  }
0x10: {  	[smem:$0x3FB6] =	sst s8  }
0x11: {  	[smem:$0x3FB7] =	sst s9;
	s0 =	simm.s32 @!p0 $0x0  }
0x12: {  	s1 =	sld [smem:$0x3F9D];
	s0 =	simm.s32 @p0 $0x1  }
0x13: {  	[smem:$0x3FB8] =	sst s0;
	s0 =	simm.s32 @!p1 $0x0  }
0x14: {  	s2 =	sld [smem:$0x3F9C];
	s0 =	simm.s32 @p1 $0x1  }
0x15: {  	[smem:$0x3FB9] =	sst s0;
	s0 =	simm.s32 @!p2 $0x0  }
0x16: {  	s3 =	sld [smem:$0x3FDB];
	s0 =	simm.s32 @p2 $0x1  }
0x17: {  	s4 =	simm.s32 $0x1BF5;
	[smem:$0x3FBB] =	sst s0  }
0x18: {  	s0 =	sld [smem:$0x3F9E];
	_ =	swait.ge [sflag:s4], $0x0  }
0x19: {  	s7 =	sld [smem:$0x3F9F]  }
0x1a: {  	s8 =	sadd.s32 $0xFFFFE003, lr  }
0x1b: {  	s9 =	sadd.s32 $0xFFFFFEF7, lr;
	s5 =	simm.s32 $0xFFFFFFFF;
	p2 =	slt.u32 s8, $0xFFFFF086  }
0x1c: {  	p1 =	slt.u32 s9, $0xF7A;
	s5 =	simm.s32 @!p2 $0x0  }
0x1d: {  	s5 =	simm.s32 @p1 $0x1;
	p0 =	seq.s32 s7, s2  }
0x1e: {  	s7 =	smul.u32 @!p0 $0xF7A, s2;
	p2 =	seq.s32 @!p0 s5, $0x0  }
0x1f: {  	s9 =	smul.u32 $0xF7A, s1;
	s8 =	simm.s32 @!p0 $0x1BF5;
	p2 =	por !p2, p0  }
0x20: {  	[sflag:s8] =	ssyncset.s32 @!p0 $0xFFFFF086;
	s6 =	sadd.s32 @!p0 s3, s7;
	s7 =	simm.s32 @!p0 $0x108  }
0x21: {  	s3 =	sadd.s32 s3, s9;
	s6 =	sadd.s32 @!p0 $0x88, s6;
	s7 =	simm.s32 @p2 $0x1082  }
0x22: {  	[simem:s7], [sflag:s8] =	dma.local @!p0 [hbm:s6], $0xF7A  }
0x23: {  	s9 =	sor.u32 $0xD0000000, s2;
	s6 =	simm.s32 $0x108;
	_ =	swait.ge @!p0 [sflag:s8], $0x0  }
0x24: {  	s3 =	sadd.s32 $0x88, s3;
	s6 =	simm.s32 @!p1 $0x1082;
	[sflag:s4] =	ssyncset.s32 $0xFFFFF086  }
0x25: {  	[simem:s6], [sflag:s4] =	dma.local [hbm:s3], $0xF7A  }
0x26: {  	[smem:$0x3F9F] =	sst s1;
	(tag) =	ssettag s2;
	_ =	strace s9  }
0x27: {  	s1 =	sld [smem:$0x3FAF]  }
0x28: {  	s2 =	sld [smem:$0x3FB0]  }
0x29: {  	s4 =	sld [smem:$0x3FB2]  }
0x2a: {  	p0 =	seq.s32 s5, $0x0;
	s5 =	sld [smem:$0x3FB3]  }
0x2b: {  	s6 =	sld [smem:$0x3FB4]  }
0x2c: {  	s7 =	sld [smem:$0x3FB5]  }
0x2d: {  	s3 =	simm.s32 $0x108;
	s8 =	sld [smem:$0x3FB6]  }
0x2e: {  	s3 =	simm.s32 @!p0 $0x1082;
	s9 =	sld [smem:$0x3FB7]  }
0x2f: {  	lr =	sadd.s32 s0, s3;
	s0 =	sld [smem:$0x3FAE]  }
0x30: {  	s3 =	sld [smem:$0x3FB1]  }
0x31: {  	[smem:$0x3FBA] =	sst s10  }
0x32: {  	s10 =	sld [smem:$0x3FB8];
	_ =	sdelay $0x3  }
0x33: {  	p0 =	seq.s32 s10, $0x1;
	s10 =	sld [smem:$0x3FBA];
	_ =	sdelay $0x3  }
0x34: {  	[smem:$0x3FBA] =	sst s10  }
0x35: {  	s10 =	sld [smem:$0x3FB9];
	_ =	sdelay $0x3  }
0x36: {  	p1 =	seq.s32 s10, $0x1;
	s10 =	sld [smem:$0x3FBA];
	_ =	sdelay $0x3  }
0x37: {  	[smem:$0x3FBA] =	sst s10  }
0x38: {  	s10 =	sld [smem:$0x3FBB]  }
0x39: {  	_ = 	snop;
	(pc) =	sbr.ind lr, $3  }
0x3a: {  	_ = 	snop  }
0x3b: {  	_ = 	snop  }
0x3c: {  	p2 =	seq.s32 s10, $0x1;
	s10 =	sld [smem:$0x3FBA]  }
0x3d: {  	_ =	shalt  }
0x3e: {  	_ =	shalt  }
0x3f: {  	_ =	shalt  }
0x40: {  	_ =	shalt  }
0x41: {  	_ =	shalt  }
0x42: {  	_ =	shalt  }
0x43: {  	_ =	shalt  }
0x44: {  	_ =	shalt  }
0x45: {  	_ =	shalt  }
0x46: {  	_ =	shalt  }
0x47: {  	_ =	shalt  }
0x48: {  	_ =	shalt  }
0x49: {  	_ =	shalt  }
0x4a: {  	_ =	shalt  }
0x4b: {  	_ =	shalt  }
0x4c: {  	_ =	shalt  }
0x4d: {  	_ =	shalt  }
0x4e: {  	_ =	shalt  }
0x4f: {  	_ =	shalt  }
0x50: {  	_ =	shalt  }
0x51: {  	_ =	shalt  }
0x52: {  	_ =	shalt  }
0x53: {  	_ =	shalt  }
0x54: {  	_ =	shalt  }
0x55: {  	_ =	shalt  }
0x56: {  	_ =	shalt  }
0x57: {  	_ =	shalt  }
0x58: {  	_ =	shalt  }
0x59: {  	_ =	shalt  }
0x5a: {  	_ =	shalt  }
0x5b: {  	_ =	shalt  }
0x5c: {  	_ =	shalt  }
0x5d: {  	_ =	shalt  }
0x5e: {  	_ =	shalt  }
0x5f: {  	_ =	shalt  }
0x60: {  	_ =	shalt  }
0x61: {  	_ =	shalt  }
0x62: {  	_ =	shalt  }
0x63: {  	_ =	shalt  }
0x64: {  	_ =	shalt  }
0x65: {  	_ =	shalt  }
0x66: {  	_ =	shalt  }
0x67: {  	_ =	shalt  }
0x68: {  	_ =	shalt  }
0x69: {  	_ =	shalt  }
0x6a: {  	_ =	shalt  }
0x6b: {  	_ =	shalt  }
0x6c: {  	_ =	shalt  }
0x6d: {  	_ =	shalt  }
0x6e: {  	_ =	shalt  }
0x6f: {  	_ =	shalt  }
0x70: {  	_ =	shalt  }
0x71: {  	_ =	shalt  }
0x72: {  	_ =	shalt  }
0x73: {  	_ =	shalt  }
0x74: {  	_ =	shalt  }
0x75: {  	_ =	shalt  }
0x76: {  	_ =	shalt  }
0x77: {  	_ =	shalt  }
0x78: {  	_ =	shalt  }
0x79: {  	_ =	shalt  }
0x7a: {  	_ =	shalt  }
0x7b: {  	_ =	shalt  }
0x7c: {  	_ =	shalt  }
0x7d: {  	_ =	shalt  }
0x7e: {  	_ =	shalt  }
0x7f: {  	_ =	shalt  }
0x80: {  	_ =	shalt  }
0x81: {  	_ =	shalt  }
0x82: {  	_ =	shalt  }
0x83: {  	_ =	shalt  }
0x84: {  	_ =	shalt  }
0x85: {  	_ =	shalt  }
0x86: {  	_ =	shalt  }
0x87: {  	_ =	shalt  }
.Lfunc_end0:
.L_simem_size_0:
called_computation_lowered:
.L_overlay_start_0:
0x88: {  	s2 =	sld [smem:$0x3FD9]  }
0x89: {  	s3 =	sld [smem:$0x3FFE];
	_ =	sdelay $0x1  }
0x8a: {  	s1 =	srdreg.scid  }
0x8b: {  	s0 =	sand.u32 $0x1, s1  }
0x8c: {  	s16 =	sshll.u32 s0, $0xA;
	s2 =	sadd.s32 s3, s2  }
0x8d: {  	s2 =	sadd.s32 s2, s16  }
0x8e: {  	[smem:$0x3FC6] =	sst s2  }
0x8f: {  	_ = 	snop  }
0x90: {  	(tm) =	ssettm $0x1  }
0x91: {  	s17 =	sld [smem:$0x3FFB];
	_ =	sdelay $0x3  }
0x92: {  	_ =	strace s17  }
0x93: {  	s2 =	sld [smem:$0x3FFC];
	_ =	sdelay $0x3  }
0x94: {  	_ =	strace s2  }
0x95: {  	s2 =	sld [smem:$0x3FFD];
	_ =	sdelay $0x3  }
0x96: {  	_ =	strace s2  }
0x97: {  	_ =	strace $0x8FFFFFFF  }
0x98: {  	s18 =	sld [smem:$0x3FDB];
	_ =	sdelay $0x1  }
0x99: {  	s19 =	simm.s32 $_scs_section_size  }
0x9a: {  	s4 =	simm.s32 $_size__tile_overlayer_lowered;
	s5 =	simm.s32 $_tile_overlayer_lowered  }
0x9b: {  	s22 =	simm.s32 $0x1BFF;
	s21 =	sshll.u32 s5, $0x1;
	s2 =	sadd.s32 s19, s18  }
0x9c: {  	s6 =	simm.s32 $0x0;
	s20 =	sshll.u32 s4, $0x1;
	s4 =	sadd.s32 s21, s2  }
0x9d: {  	[timem:s6], [sflag:s22] =	dma.local [hbm:s4], s20  }
0x9e: {  	_ =	swait.ge [sflag:s22], s20  }
0x9f: {  	s3 =	ssub.s32 $0x0, s20;
	[sflag:s22] =	ssyncset.done $0x0  }
0xa0: {  	[sflag:s22] =	ssyncadd.s32 s3;
	_ =	sdelay $0x1  }
0xa1: {  	s23 =	simm.s32 $0x1B8B  }
0xa2: {  	_ =	swait.ge [sflag:s23], $0x1  }
0xa3: {  	[sflag:s23] =	ssyncset.done $0x0  }
0xa4: {  	s25 =	simm.s32 $0x1B8E;
	s24 =	sld [smem:$0x3FFE];
	[sflag:s23] =	ssyncadd.s32 $0xFFFFFFFF  }
0xa5: {  	s26 =	simm.s32 $execute0_lowered;
	[smem:$0x3FD2] =	sst s25  }
0xa6: {  	s4 =	sshll.u32 s26, $0x1;
	_ =	strace $0x80000046;
	[dreg:$0x1] =	wrdreg $0xFFFFFFFF  }
0xa7: {  	s28 =	simm.s32 $_size_execute0_lowered;
	s2 =	sadd.s32 s2, s4;
	[dreg:$0x0] =	wrdreg $0x0  }
0xa8: {  	s4 =	sshll.u32 s28, $0x1;
	[dreg:$0x2] =	wrdreg s2  }
0xa9: {  	[dreg:$0x3] =	wrdreg s4  }
0xaa: {  	[dreg:$0x4] =	wrdreg $0xC0  }
0xab: {  	_ =	task [dreg:s6], $0x5FFFF  }
0xac: {  	[dreg:$0x1] =	wrdreg $0xFFFFFFFF  }
0xad: {  	[dreg:$0x0] =	wrdreg $0x60  }
0xae: {  	[dreg:$0x2] =	wrdreg s24  }
0xaf: {  	[dreg:$0x3] =	wrdreg $0x9  }
0xb0: {  	_ =	task.clear_ibuf [dreg:s6], $0x4FFFF;
	_ =	strace $0x90000046  }
0xb1: {  	s29 =	simm.s32 $0x9;
	_ =	strace $0x80000048  }
0xb2: {  	_ =	swait.ge [sflag:s29], $0x1  }
0xb3: {  	[sflag:s29] =	ssyncadd.s32 $0xFFFFFFFF  }
0xb4: {  	_ =	strace $0x90000048  }
0xb5: {  	_ =	sfence  }
0xb6: {  	s30 =	sld [smem:$0x0];
	_ =	sdelay $0x2  }
0xb7: {  	s31 =	sshll.u32 s1, $0xD;
	s1 =	sshrl.u32 s1, $0x2  }
0xb8: {  	s3 =	sand.u32 $0x4000, s31;
	s1 =	sadd.s32 s1, s30  }
0xb9: {  	s0 =	sor.u32 s3, s0;
	s1 =	sshll.u32 s1, $0x11  }
0xba: {  	s0 =	sor.u32 s1, s0  }
0xbb: {  	s0 =	sadd.s32 $0x8F2B, s0  }
0xbc: {  	[sflag:s0] =	ssyncadd.remote.s32 $0x1  }
0xbd: {  	_ =	sfence.sel $0xFFFF  }
0xbe: {  	[dreg:$0x0] =	wrdreg $0xFFFFFFFF;
	(pc) =	sbr.abs _section_cstart, $3  }
0xbf: {  	[dreg:$0x1] =	wrdreg $0xFFFFFFFF  }
0xc0: {  	_ =	task.clear_ibuf [dreg:s6], $0x2FFFF;
	_ =	strace $0x9FFFFFFF  }
0xc1: {  	(tm) =	ssettm $0x7FFFFFFF  }
tec
execute0_lowered:
.L_overlay_start_1:
0x0: {  	(tag) =	ssettag $0x1  }
0x1: {  	v1 =	vimm.s32 $0x89888786;
	v2 =	vimm.s32 $0x8D8C8B8A;
	vm0 =	vcmask $0x1F10  }
0x2: {  	v3 =	vimm.s32 $0x81803130;
	v4 =	vimm.s32 $0x85848382;
	v5 =	vimm.s32 $0xB1B0AFAE  }
0x3: {  	vm15 =	vcmask $0xF00;
	vm2 =	vcmask $0x1310;
	vm3 =	vcmask $0x1714  }
0x4: {  	vm4 =	vcmask $0x1B18;
	v1 =	vunpack.c.0.s8.s32 v1;
	v2 =	vunpack.c.0.s8.s32 v2  }
0x5: {  	v3 =	vunpack.c.0.s8.s32 v3;
	v4 =	vunpack.c.0.s8.s32 v4;
	v5 =	vunpack.c.0.s8.s32 v5  }
0x6: {  	vm5 =	vcmask $0x1F1C;
	vm1 =	vcmask $0x2320;
	vm12 =	vcmask $0x300  }
0x7: {  	v1 =	vsel vm0, v2, v1;
	v2 =	vsel vm0, v4, v3;
	v3 =	vand.u32 $0xFF, v5  }
0x8: {  	vm13 =	vcmask $0x704;
	v1 =	vcombine.low v2, v1;
	v2 =	vnsel vm15, $0x10B, v3  }
0x9: {  	vm14 =	vcmask $0xB08;
	vm11 =	vcmask $0xF0C;
	v2 =	vsel vm2, $0x100, v2  }
0xa: {  	v14 =	vand.u32 $0xFF, v1;
	v1 =	vsel vm3, $0x101, v2;
	v2 =	vimm.s32 $0x189  }
0xb: {  	vm6 =	vcmask $0x2B28;
	vm7 =	vcmask $0x2F2C;
	v2 =	vsel vm12, $0x12C, v2  }
0xc: {  	vm8 =	vcmask $0x3330;
	vm9 =	vcmask $0x3734;
	v2 =	vsel vm13, $0x12D, v2  }
0xd: {  	vm10 =	vcmask $0x3B38;
	v3 =	vimm.s32 $0x207;
	v2 =	vsel vm14, $0x12E, v2  }
0xe: {  	vm0 =	vcmask $0x2724;
	v3 =	vsel vm12, $0x1AA, v3;
	v2 =	vsel vm11, $0x12F, v2  }
0xf: {  	v3 =	vsel vm13, $0x1AB, v3;
	v1 =	vsel vm4, $0x102, v1;
	v2 =	vsel vm2, $0x130, v2  }
0x10: {  	v3 =	vsel vm14, $0x1AC, v3;
	v1 =	vsel vm5, $0x103, v1;
	v2 =	vsel vm3, $0x131, v2  }
0x11: {  	v3 =	vsel vm11, $0x1AD, v3;
	v1 =	vsel vm1, $0x104, v1;
	v2 =	vsel vm4, $0x180, v2  }
0x12: {  	v3 =	vsel vm2, $0x1AE, v3;
	v1 =	vsel vm0, $0x105, v1;
	v2 =	vsel vm5, $0x181, v2  }
0x13: {  	v3 =	vsel vm3, $0x1AF, v3;
	v1 =	vsel vm6, $0x106, v1;
	v2 =	vsel vm1, $0x182, v2  }
0x14: {  	v3 =	vsel vm4, $0x1B0, v3;
	v1 =	vsel vm7, $0x107, v1;
	v2 =	vsel vm0, $0x183, v2  }
0x15: {  	v3 =	vsel vm5, $0x1B1, v3;
	v1 =	vsel vm8, $0x108, v1;
	v2 =	vsel vm6, $0x184, v2  }
0x16: {  	v3 =	vsel vm1, $0x200, v3;
	v1 =	vsel vm9, $0x109, v1;
	v2 =	vsel vm7, $0x185, v2  }
0x17: {  	v17 =	vsel vm10, $0x10A, v1;
	v1 =	vsel vm8, $0x186, v2;
	v2 =	vsel vm0, $0x201, v3  }
0x18: {  	v1 =	vsel vm9, $0x187, v1;
	v2 =	vsel vm6, $0x202, v2  }
0x19: {  	v20 =	vsel vm10, $0x188, v1;
	v1 =	vsel vm7, $0x203, v2  }
0x1a: {  	v2 =	vimm.s32 $0x285;
	v1 =	vsel vm8, $0x204, v1  }
0x1b: {  	v2 =	vsel vm12, $0x228, v2;
	v1 =	vsel vm9, $0x205, v1  }
0x1c: {  	v23 =	vsel vm10, $0x206, v1;
	v1 =	vsel vm13, $0x229, v2  }
0x1d: {  	v2 =	vimm.s32 $0x303;
	v1 =	vsel vm14, $0x22A, v1  }
0x1e: {  	v3 =	vimm.s32 $0x381;
	v2 =	vsel vm12, $0x2A6, v2;
	v1 =	vsel vm11, $0x22B, v1  }
0x1f: {  	v3 =	vsel vm12, $0x324, v3;
	v2 =	vsel vm13, $0x2A7, v2;
	v1 =	vsel vm2, $0x22C, v1  }
0x20: {  	v3 =	vsel vm13, $0x325, v3;
	v2 =	vsel vm14, $0x2A8, v2;
	v1 =	vsel vm3, $0x22D, v1  }
0x21: {  	v3 =	vsel vm14, $0x326, v3;
	v2 =	vsel vm11, $0x2A9, v2;
	v1 =	vsel vm4, $0x22E, v1  }
0x22: {  	v3 =	vsel vm11, $0x327, v3;
	v2 =	vsel vm2, $0x2AA, v2;
	v1 =	vsel vm5, $0x22F, v1  }
0x23: {  	v3 =	vsel vm2, $0x328, v3;
	v2 =	vsel vm3, $0x2AB, v2;
	v1 =	vsel vm1, $0x230, v1  }
0x24: {  	v3 =	vsel vm3, $0x329, v3;
	v2 =	vsel vm4, $0x2AC, v2;
	v1 =	vsel vm0, $0x231, v1  }
0x25: {  	v3 =	vsel vm4, $0x32A, v3;
	v2 =	vsel vm5, $0x2AD, v2;
	v1 =	vsel vm6, $0x280, v1  }
0x26: {  	v3 =	vsel vm5, $0x32B, v3;
	v2 =	vsel vm1, $0x2AE, v2;
	v1 =	vsel vm7, $0x281, v1  }
0x27: {  	v3 =	vsel vm1, $0x32C, v3;
	v2 =	vsel vm0, $0x2AF, v2;
	v1 =	vsel vm8, $0x282, v1  }
0x28: {  	v3 =	vsel vm0, $0x32D, v3;
	v2 =	vsel vm6, $0x2B0, v2;
	v1 =	vsel vm9, $0x283, v1  }
0x29: {  	v26 =	vsel vm10, $0x284, v1;
	v1 =	vsel vm7, $0x2B1, v2;
	v2 =	vsel vm6, $0x32E, v3  }
0x2a: {  	v1 =	vsel vm8, $0x300, v1;
	v2 =	vsel vm7, $0x32F, v2  }
0x2b: {  	v1 =	vsel vm9, $0x301, v1;
	v2 =	vsel vm8, $0x330, v2  }
0x2c: {  	v29 =	vsel vm10, $0x302, v1;
	v1 =	vsel vm9, $0x331, v2  }
0x2d: {  	v32 =	vsel vm10, $0x380, v1;
	v1 =	vimm.s32 $0x48D  }
0x2e: {  	v1 =	vsel vm12, $0x430, v1  }
0x2f: {  	v1 =	vsel vm13, $0x431, v1  }
0x30: {  	v2 =	vimm.s32 $0x50B;
	v1 =	vsel vm14, $0x480, v1  }
0x31: {  	v2 =	vsel vm12, $0x4AE, v2;
	v1 =	vsel vm11, $0x481, v1  }
0x32: {  	v3 =	vimm.s32 $0x589;
	v2 =	vsel vm13, $0x4AF, v2;
	v1 =	vsel vm2, $0x482, v1  }
0x33: {  	v3 =	vsel vm12, $0x52C, v3;
	v2 =	vsel vm14, $0x4B0, v2;
	v1 =	vsel vm3, $0x483, v1  }
0x34: {  	v3 =	vsel vm13, $0x52D, v3;
	v2 =	vsel vm11, $0x4B1, v2;
	v1 =	vsel vm4, $0x484, v1  }
0x35: {  	v3 =	vsel vm14, $0x52E, v3;
	v2 =	vsel vm2, $0x500, v2;
	v1 =	vsel vm5, $0x485, v1  }
0x36: {  	v3 =	vsel vm11, $0x52F, v3;
	v2 =	vsel vm3, $0x501, v2;
	v1 =	vsel vm1, $0x486, v1  }
0x37: {  	v3 =	vsel vm2, $0x530, v3;
	v2 =	vsel vm4, $0x502, v2;
	v1 =	vsel vm0, $0x487, v1  }
0x38: {  	v3 =	vsel vm3, $0x531, v3;
	v2 =	vsel vm5, $0x503, v2;
	v1 =	vsel vm6, $0x488, v1  }
0x39: {  	v3 =	vsel vm4, $0x580, v3;
	v2 =	vsel vm1, $0x504, v2;
	v1 =	vsel vm7, $0x489, v1  }
0x3a: {  	v3 =	vsel vm5, $0x581, v3;
	v2 =	vsel vm0, $0x505, v2;
	v1 =	vsel vm8, $0x48A, v1  }
0x3b: {  	v3 =	vsel vm1, $0x582, v3;
	v2 =	vsel vm6, $0x506, v2;
	v1 =	vsel vm9, $0x48B, v1  }
0x3c: {  	v39 =	vsel vm10, $0x48C, v1;
	v1 =	vsel vm7, $0x507, v2;
	v2 =	vsel vm0, $0x583, v3  }
0x3d: {  	v1 =	vsel vm8, $0x508, v1;
	v2 =	vsel vm6, $0x584, v2  }
0x3e: {  	v1 =	vsel vm9, $0x509, v1;
	v2 =	vsel vm7, $0x585, v2  }
0x3f: {  	v42 =	vsel vm10, $0x50A, v1;
	v1 =	vsel vm8, $0x586, v2;
	v2 =	vimm.s32 $0x607  }
0x40: {  	v1 =	vsel vm9, $0x587, v1;
	v2 =	vsel vm12, $0x5AA, v2  }
0x41: {  	v0 =	vlaneseq.u32;
	v45 =	vsel vm10, $0x588, v1;
	v1 =	vsel vm13, $0x5AB, v2  }
0x42: {  	v12 =	vor.u32 $0x10, v0;
	v2 =	vimm.s32 $0x685;
	v1 =	vsel vm14, $0x5AC, v1  }
0x43: {  	v13 =	vor.u32 $0x20, v0;
	v2 =	vsel vm12, $0x628, v2;
	v1 =	vsel vm11, $0x5AD, v1  }
0x44: {  	v3 =	vimm.s32 $0x703;
	v2 =	vsel vm13, $0x629, v2;
	v1 =	vsel vm2, $0x5AE, v1  }
0x45: {  	v3 =	vsel vm12, $0x6A6, v3;
	v2 =	vsel vm14, $0x62A, v2;
	v1 =	vsel vm3, $0x5AF, v1  }
0x46: {  	v3 =	vsel vm13, $0x6A7, v3;
	v2 =	vsel vm11, $0x62B, v2;
	v1 =	vsel vm4, $0x5B0, v1  }
0x47: {  	v3 =	vsel vm14, $0x6A8, v3;
	v2 =	vsel vm2, $0x62C, v2;
	v1 =	vsel vm5, $0x5B1, v1  }
0x48: {  	v3 =	vsel vm11, $0x6A9, v3;
	v2 =	vsel vm3, $0x62D, v2;
	v1 =	vsel vm1, $0x600, v1  }
0x49: {  	v3 =	vsel vm2, $0x6AA, v3;
	v2 =	vsel vm4, $0x62E, v2;
	v1 =	vsel vm0, $0x601, v1  }
0x4a: {  	v3 =	vsel vm3, $0x6AB, v3;
	v2 =	vsel vm5, $0x62F, v2;
	v1 =	vsel vm6, $0x602, v1  }
0x4b: {  	v3 =	vsel vm4, $0x6AC, v3;
	v2 =	vsel vm1, $0x630, v2;
	v1 =	vsel vm7, $0x603, v1  }
0x4c: {  	v3 =	vsel vm5, $0x6AD, v3;
	v2 =	vsel vm0, $0x631, v2;
	v1 =	vsel vm8, $0x604, v1  }
0x4d: {  	v3 =	vsel vm1, $0x6AE, v3;
	v2 =	vsel vm6, $0x680, v2;
	v1 =	vsel vm9, $0x605, v1  }
0x4e: {  	v48 =	vsel vm10, $0x606, v1;
	v1 =	vsel vm7, $0x681, v2;
	v2 =	vsel vm0, $0x6AF, v3  }
0x4f: {  	v15 =	vadd.s32 $0x8E, v0;
	v1 =	vsel vm8, $0x682, v1;
	v2 =	vsel vm6, $0x6B0, v2  }
0x50: {  	v16 =	vadd.s32 $0x9E, v0;
	v1 =	vsel vm9, $0x683, v1;
	v2 =	vsel vm7, $0x6B1, v2  }
0x51: {  	v51 =	vsel vm10, $0x684, v1;
	v1 =	vsel vm8, $0x700, v2;
	v2 =	vimm.s32 $0x781  }
0x52: {  	v18 =	vadd.s32 $0x10C, v0;
	v1 =	vsel vm9, $0x701, v1;
	v2 =	vsel vm12, $0x724, v2  }
0x53: {  	v19 =	vadd.s32 $0x11C, v0;
	v54 =	vsel vm10, $0x702, v1;
	v1 =	vsel vm13, $0x725, v2  }
0x54: {  	v21 =	vadd.s32 $0x18A, v0;
	v22 =	vadd.s32 $0x19A, v0;
	v1 =	vsel vm14, $0x726, v1  }
0x55: {  	v24 =	vadd.s32 $0x208, v0;
	v2 =	vimm.s32 $0x88D;
	v1 =	vsel vm11, $0x727, v1  }
0x56: {  	v3 =	vimm.s32 $0x90B;
	v2 =	vsel vm12, $0x830, v2;
	v1 =	vsel vm2, $0x728, v1  }
0x57: {  	v3 =	vsel vm12, $0x8AE, v3;
	v2 =	vsel vm13, $0x831, v2;
	v1 =	vsel vm3, $0x729, v1  }
0x58: {  	v3 =	vsel vm13, $0x8AF, v3;
	v2 =	vsel vm14, $0x880, v2;
	v1 =	vsel vm4, $0x72A, v1  }
0x59: {  	v3 =	vsel vm14, $0x8B0, v3;
	v2 =	vsel vm11, $0x881, v2;
	v1 =	vsel vm5, $0x72B, v1  }
0x5a: {  	v3 =	vsel vm11, $0x8B1, v3;
	v2 =	vsel vm2, $0x882, v2;
	v1 =	vsel vm1, $0x72C, v1  }
0x5b: {  	v3 =	vsel vm2, $0x900, v3;
	v2 =	vsel vm3, $0x883, v2;
	v1 =	vsel vm0, $0x72D, v1  }
0x5c: {  	v3 =	vsel vm3, $0x901, v3;
	v2 =	vsel vm4, $0x884, v2;
	v1 =	vsel vm6, $0x72E, v1  }
0x5d: {  	v3 =	vsel vm4, $0x902, v3;
	v2 =	vsel vm5, $0x885, v2;
	v1 =	vsel vm7, $0x72F, v1  }
0x5e: {  	v3 =	vsel vm5, $0x903, v3;
	v2 =	vsel vm1, $0x886, v2;
	v1 =	vsel vm8, $0x730, v1  }
0x5f: {  	v3 =	vsel vm1, $0x904, v3;
	v2 =	vsel vm0, $0x887, v2;
	v1 =	vsel vm9, $0x731, v1  }
0x60: {  	v3 =	vsel vm0, $0x905, v3;
	v57 =	vsel vm10, $0x780, v1;
	v1 =	vsel vm6, $0x888, v2  }
0x61: {  	v25 =	vadd.s32 $0x218, v0;
	v2 =	vsel vm6, $0x906, v3;
	v1 =	vsel vm7, $0x889, v1  }
0x62: {  	v27 =	vadd.s32 $0x286, v0;
	v2 =	vsel vm7, $0x907, v2;
	v1 =	vsel vm8, $0x88A, v1  }
0x63: {  	v28 =	vadd.s32 $0x296, v0;
	v2 =	vsel vm8, $0x908, v2;
	v1 =	vsel vm9, $0x88B, v1  }
0x64: {  	v2 =	vsel vm9, $0x909, v2;
	v61 =	vsel vm10, $0x88C, v1;
	v1 =	vimm.s32 $0x989  }
0x65: {  	v62 =	vsel vm10, $0x90A, v2;
	v2 =	vimm.s32 $0xA07;
	v1 =	vsel vm12, $0x92C, v1  }
0x66: {  	v3 =	vimm.s32 $0xA85;
	v2 =	vsel vm12, $0x9AA, v2;
	v1 =	vsel vm13, $0x92D, v1  }
0x67: {  	v3 =	vsel vm12, $0xA28, v3;
	v2 =	vsel vm13, $0x9AB, v2;
	v1 =	vsel vm14, $0x92E, v1  }
0x68: {  	v3 =	vsel vm13, $0xA29, v3;
	v2 =	vsel vm14, $0x9AC, v2;
	v1 =	vsel vm11, $0x92F, v1  }
0x69: {  	v3 =	vsel vm14, $0xA2A, v3;
	v2 =	vsel vm11, $0x9AD, v2;
	v1 =	vsel vm2, $0x930, v1  }
0x6a: {  	v3 =	vsel vm11, $0xA2B, v3;
	v2 =	vsel vm2, $0x9AE, v2;
	v1 =	vsel vm3, $0x931, v1  }
0x6b: {  	v3 =	vsel vm2, $0xA2C, v3;
	v2 =	vsel vm3, $0x9AF, v2;
	v1 =	vsel vm4, $0x980, v1  }
0x6c: {  	v3 =	vsel vm3, $0xA2D, v3;
	v2 =	vsel vm4, $0x9B0, v2;
	v1 =	vsel vm5, $0x981, v1  }
0x6d: {  	v3 =	vsel vm4, $0xA2E, v3;
	v2 =	vsel vm5, $0x9B1, v2;
	v1 =	vsel vm1, $0x982, v1  }
0x6e: {  	v3 =	vsel vm5, $0xA2F, v3;
	v2 =	vsel vm1, $0xA00, v2;
	v1 =	vsel vm0, $0x983, v1  }
0x6f: {  	v3 =	vsel vm1, $0xA30, v3;
	v2 =	vsel vm0, $0xA01, v2;
	v1 =	vsel vm6, $0x984, v1  }
0x70: {  	v3 =	vsel vm0, $0xA31, v3;
	v2 =	vsel vm6, $0xA02, v2;
	v1 =	vsel vm7, $0x985, v1  }
0x71: {  	v3 =	vsel vm6, $0xA80, v3;
	v2 =	vsel vm7, $0xA03, v2;
	v1 =	vsel vm8, $0x986, v1  }
0x72: {  	v3 =	vsel vm7, $0xA81, v3;
	v2 =	vsel vm8, $0xA04, v2;
	v1 =	vsel vm9, $0x987, v1  }
0x73: {  	v3 =	vsel vm8, $0xA82, v3;
	v63 =	vsel vm10, $0x988, v1;
	v1 =	vsel vm9, $0xA05, v2  }
0x74: {  	v30 =	vadd.s32 $0x304, v0;
	v2 =	vsel vm9, $0xA83, v3;
	v1 =	vsel vm10, $0xA06, v1  }
0x75: {  	v31 =	vadd.s32 $0x314, v0;
	v33 =	vadd.s32 $0x382, v0;
	[tilespmem:$0x1FF40] =	vst v1;
	v1 =	vsel vm10, $0xA84, v2  }
0x76: {  	v34 =	vadd.s32 $0x392, v0;
	v35 =	vadd.s32 $0x3A2, v0;
	[tilespmem:$0x1FF50] =	vst v1;
	v1 =	vimm.s32 $0xB03  }
0x77: {  	v36 =	vor.u32 $0x400, v0;
	v37 =	vor.u32 $0x410, v0;
	v1 =	vsel vm12, $0xAA6, v1  }
0x78: {  	v38 =	vor.u32 $0x420, v0;
	v2 =	vimm.s32 $0xB81;
	v1 =	vsel vm13, $0xAA7, v1  }
0x79: {  	v3 =	vimm.s32 $0xC8D;
	v2 =	vsel vm12, $0xB24, v2;
	v1 =	vsel vm14, $0xAA8, v1  }
0x7a: {  	v3 =	vsel vm12, $0xC30, v3;
	v2 =	vsel vm13, $0xB25, v2;
	v1 =	vsel vm11, $0xAA9, v1  }
0x7b: {  	v3 =	vsel vm13, $0xC31, v3;
	v2 =	vsel vm14, $0xB26, v2;
	v1 =	vsel vm2, $0xAAA, v1  }
0x7c: {  	v3 =	vsel vm14, $0xC80, v3;
	v2 =	vsel vm11, $0xB27, v2;
	v1 =	vsel vm3, $0xAAB, v1  }
0x7d: {  	v3 =	vsel vm11, $0xC81, v3;
	v2 =	vsel vm2, $0xB28, v2;
	v1 =	vsel vm4, $0xAAC, v1  }
0x7e: {  	v3 =	vsel vm2, $0xC82, v3;
	v2 =	vsel vm3, $0xB29, v2;
	v1 =	vsel vm5, $0xAAD, v1  }
0x7f: {  	v3 =	vsel vm3, $0xC83, v3;
	v2 =	vsel vm4, $0xB2A, v2;
	v1 =	vsel vm1, $0xAAE, v1  }
0x80: {  	v3 =	vsel vm4, $0xC84, v3;
	v2 =	vsel vm5, $0xB2B, v2;
	v1 =	vsel vm0, $0xAAF, v1  }
0x81: {  	v3 =	vsel vm5, $0xC85, v3;
	v2 =	vsel vm1, $0xB2C, v2;
	v1 =	vsel vm6, $0xAB0, v1  }
0x82: {  	v3 =	vsel vm1, $0xC86, v3;
	v2 =	vsel vm0, $0xB2D, v2;
	v1 =	vsel vm7, $0xAB1, v1  }
0x83: {  	v3 =	vsel vm0, $0xC87, v3;
	v2 =	vsel vm6, $0xB2E, v2;
	v1 =	vsel vm8, $0xB00, v1  }
0x84: {  	v3 =	vsel vm6, $0xC88, v3;
	v2 =	vsel vm7, $0xB2F, v2;
	v1 =	vsel vm9, $0xB01, v1  }
0x85: {  	v3 =	vsel vm7, $0xC89, v3;
	v2 =	vsel vm8, $0xB30, v2;
	v1 =	vsel vm10, $0xB02, v1  }
0x86: {  	v40 =	vadd.s32 $0x48E, v0;
	v3 =	vsel vm8, $0xC8A, v3;
	[tilespmem:$0x1FF60] =	vst v1;
	v1 =	vsel vm9, $0xB31, v2  }
0x87: {  	v41 =	vadd.s32 $0x49E, v0;
	v2 =	vsel vm9, $0xC8B, v3;
	v1 =	vsel vm10, $0xB80, v1  }
0x88: {  	v43 =	vadd.s32 $0x50C, v0;
	v44 =	vadd.s32 $0x51C, v0;
	[tilespmem:$0x1FF70] =	vst v1;
	v1 =	vsel vm10, $0xC8C, v2  }
0x89: {  	v46 =	vadd.s32 $0x58A, v0;
	v47 =	vadd.s32 $0x59A, v0;
	[tilespmem:$0x1FF80] =	vst v1;
	v1 =	vimm.s32 $0xD0B  }
0x8a: {  	v49 =	vadd.s32 $0x608, v0;
	v50 =	vadd.s32 $0x618, v0;
	v1 =	vsel vm12, $0xCAE, v1  }
0x8b: {  	v52 =	vadd.s32 $0x686, v0;
	v2 =	vimm.s32 $0xD89;
	v1 =	vsel vm13, $0xCAF, v1  }
0x8c: {  	v3 =	vimm.s32 $0xE07;
	v2 =	vsel vm12, $0xD2C, v2;
	v1 =	vsel vm14, $0xCB0, v1  }
0x8d: {  	v3 =	vsel vm12, $0xDAA, v3;
	v2 =	vsel vm13, $0xD2D, v2;
	v1 =	vsel vm11, $0xCB1, v1  }
0x8e: {  	v3 =	vsel vm13, $0xDAB, v3;
	v2 =	vsel vm14, $0xD2E, v2;
	v1 =	vsel vm2, $0xD00, v1  }
0x8f: {  	v3 =	vsel vm14, $0xDAC, v3;
	v2 =	vsel vm11, $0xD2F, v2;
	v1 =	vsel vm3, $0xD01, v1  }
0x90: {  	v3 =	vsel vm11, $0xDAD, v3;
	v2 =	vsel vm2, $0xD30, v2;
	v1 =	vsel vm4, $0xD02, v1  }
0x91: {  	v3 =	vsel vm2, $0xDAE, v3;
	v2 =	vsel vm3, $0xD31, v2;
	v1 =	vsel vm5, $0xD03, v1  }
0x92: {  	v3 =	vsel vm3, $0xDAF, v3;
	v2 =	vsel vm4, $0xD80, v2;
	v1 =	vsel vm1, $0xD04, v1  }
0x93: {  	v3 =	vsel vm4, $0xDB0, v3;
	v2 =	vsel vm5, $0xD81, v2;
	v1 =	vsel vm0, $0xD05, v1  }
0x94: {  	v3 =	vsel vm5, $0xDB1, v3;
	v2 =	vsel vm1, $0xD82, v2;
	v1 =	vsel vm6, $0xD06, v1  }
0x95: {  	v3 =	vsel vm1, $0xE00, v3;
	v2 =	vsel vm0, $0xD83, v2;
	v1 =	vsel vm7, $0xD07, v1  }
0x96: {  	v3 =	vsel vm0, $0xE01, v3;
	v2 =	vsel vm6, $0xD84, v2;
	v1 =	vsel vm8, $0xD08, v1  }
0x97: {  	v3 =	vsel vm6, $0xE02, v3;
	v2 =	vsel vm7, $0xD85, v2;
	v1 =	vsel vm9, $0xD09, v1  }
0x98: {  	v3 =	vsel vm7, $0xE03, v3;
	v2 =	vsel vm8, $0xD86, v2;
	v1 =	vsel vm10, $0xD0A, v1  }
0x99: {  	v53 =	vadd.s32 $0x696, v0;
	v3 =	vsel vm8, $0xE04, v3;
	[tilespmem:$0x1FF90] =	vst v1;
	v1 =	vsel vm9, $0xD87, v2  }
0x9a: {  	v55 =	vadd.s32 $0x704, v0;
	v2 =	vsel vm9, $0xE05, v3;
	v1 =	vsel vm10, $0xD88, v1  }
0x9b: {  	v56 =	vadd.s32 $0x714, v0;
	v58 =	vadd.s32 $0x782, v0;
	[tilespmem:$0x1FFA0] =	vst v1;
	v1 =	vsel vm10, $0xE06, v2  }
0x9c: {  	v59 =	vadd.s32 $0x792, v0;
	v60 =	vadd.s32 $0x7A2, v0;
	[tilespmem:$0x1FFB0] =	vst v1;
	v1 =	vimm.s32 $0xE85  }
0x9d: {  	v6 =	vadd.s32 $0x88E, v0;
	v7 =	vadd.s32 $0x89E, v0;
	v1 =	vsel vm12, $0xE28, v1  }
0x9e: {  	v3 =	vimm.s32 $0xF81;
	v2 =	vimm.s32 $0xF03;
	v1 =	vsel vm13, $0xE29, v1  }
0x9f: {  	v3 =	vsel vm12, $0xF24, v3;
	v2 =	vsel vm12, $0xEA6, v2;
	v1 =	vsel vm14, $0xE2A, v1  }
0xa0: {  	v3 =	vsel vm13, $0xF25, v3;
	v2 =	vsel vm13, $0xEA7, v2;
	v1 =	vsel vm11, $0xE2B, v1  }
0xa1: {  	v3 =	vsel vm14, $0xF26, v3;
	v2 =	vsel vm14, $0xEA8, v2;
	v1 =	vsel vm2, $0xE2C, v1  }
0xa2: {  	v3 =	vsel vm11, $0xF27, v3;
	v2 =	vsel vm11, $0xEA9, v2;
	v1 =	vsel vm3, $0xE2D, v1  }
0xa3: {  	v3 =	vsel vm2, $0xF28, v3;
	v2 =	vsel vm2, $0xEAA, v2;
	v1 =	vsel vm4, $0xE2E, v1  }
0xa4: {  	v3 =	vsel vm3, $0xF29, v3;
	v2 =	vsel vm3, $0xEAB, v2;
	v1 =	vsel vm5, $0xE2F, v1  }
0xa5: {  	v3 =	vsel vm4, $0xF2A, v3;
	v2 =	vsel vm4, $0xEAC, v2;
	v1 =	vsel vm1, $0xE30, v1  }
0xa6: {  	v3 =	vsel vm5, $0xF2B, v3;
	v2 =	vsel vm5, $0xEAD, v2;
	v1 =	vsel vm0, $0xE31, v1  }
0xa7: {  	s3 =	rddreg [dreg:$0x0];
	v3 =	vsel vm1, $0xF2C, v3;
	v2 =	vsel vm1, $0xEAE, v2;
	v1 =	vsel vm6, $0xE80, v1  }
0xa8: {  	s0 =	rddreg [dreg:$0x1];
	s1 =	simm.s32 $0x0;
	s2 =	stileid.u32;
	v3 =	vsel vm0, $0xF2D, v3;
	v2 =	vsel vm0, $0xEAF, v2;
	v1 =	vsel vm7, $0xE81, v1  }
0xa9: {  	s4 =	srdreg.scid;
	[smem:$0x7FF] =	sst s1;
	s5 =	sshll.u32 s2, $0xE;
	v3 =	vsel vm6, $0xF2E, v3;
	v2 =	vsel vm6, $0xEB0, v2;
	v1 =	vsel vm8, $0xE82, v1  }
0xaa: {  	s6 =	smul.u32 $0x1A00, s2;
	s4 =	sand.u32 $0x1, s4;
	s5 =	sadd.s32 s5, s3;
	v3 =	vsel vm7, $0xF2F, v3;
	v2 =	vsel vm7, $0xEB1, v2;
	v1 =	vsel vm9, $0xE83, v1  }
0xab: {  	s7 =	ssub.s32 $0x2, s4;
	s8 =	smul.u32 $0xD00, s4;
	s4 =	sshll.u32 s4, $0xD;
	v3 =	vsel vm8, $0xF30, v3;
	v2 =	vsel vm8, $0xF00, v2;
	v1 =	vsel vm10, $0xE84, v1  }
0xac: {  	s3 =	sadd.s32 s6, s3;
	s30 =	sshrl.u32 s7, $0x1;
	_ =	strace $0x80000047;
	[tilespmem:$0x1FFC0] =	vst v1;
	v1 =	vsel vm9, $0xF01, v2;
	v2 =	vsel vm9, $0xF31, v3;
	v3 =	vadd.s32 $0xA08, v0  }
0xad: {  	v8 =	vadd.s32 $0x90C, v0;
	v9 =	vadd.s32 $0x91C, v0;
	s4 =	sadd.s32 s4, s5;
	s6 =	ssub.s32 s7, s30;
	s31 =	sadd.s32 s8, s3;
	v1 =	vsel vm10, $0xF02, v1;
	[tilespmem:$0x1FFF0] =	vst v3  }
0xae: {  	v10 =	vadd.s32 $0x98A, v0;
	v4 =	vor.u32 $0x810, v0;
	s4 =	sadd.s32 $0x800, s4;
	s7 =	simm.s32 $0x1000;
	s8 =	simm.s32 $0x0;
	[tilespmem:$0x1FFD0] =	vst v1;
	v1 =	vsel vm10, $0xF80, v2  }
0xaf: {  	v5 =	vor.u32 $0x820, v0;
	s3 =	smax.u32 s6, $0x1;
	s5 =	sadd.s32 $0x40800, s31;
	s6 =	simm.s32 $0x1;
	v2 =	vadd.s32 $0x99A, v0;
	[tilespmem:$0x1FFE0] =	vst v1;
	v1 =	vor.u32 $0x800, v0  }
.LBB2_1:
0xb0: {  	s9 =	smov.u32 s4;
	s10 =	simm.s32 $0x0  }
.LBB2_2:
0xb1: {  	[tilespmem:s1], [sflag:$0x1] =	stream.linear.gather [hbm4b:s9+s1], $0x1000, $0x38;
	[tilespmem:$0x1680] =	vst v63  }
0xb2: {  	_ =	swait.ge [sflag:s6], $0x1000  }
0xb3: {  	[sflag:s6] =	ssyncset.done $0x0  }
0xb4: {  	[sflag:s6] =	ssyncadd.s32 $0xFFFFF000  }
0xb5: {  	v11 =	vld.idx.msk [tilespmem:v0+s1+$0x0], $0xffff;
	_ =	sdelay $0x4  }
0xb6: {  	[tilespmem:$0x1000] =	vst v11  }
0xb7: {  	v11 =	vld.idx.msk [tilespmem:v12+s1+$0x0], $0xffff;
	_ =	sdelay $0x4  }
0xb8: {  	[tilespmem:$0x1010] =	vst v11  }
0xb9: {  	v11 =	vld.idx.msk [tilespmem:v13+s1+$0x0], $0xffff;
	_ =	sdelay $0x4  }
0xba: {  	[tilespmem:$0x1020] =	vst v11  }
0xbb: {  	v11 =	vld.idx.msk [tilespmem:v14+s1+$0x0], $0xffff;
	_ =	sdelay $0x4  }
0xbc: {  	[tilespmem:$0x1030] =	vst v11  }
0xbd: {  	v11 =	vld.idx.msk [tilespmem:v15+s1+$0x0], $0xffff;
	_ =	sdelay $0x4  }
0xbe: {  	[tilespmem:$0x1040] =	vst v11  }
0xbf: {  	v11 =	vld.idx.msk [tilespmem:v16+s1+$0x0], $0xffff;
	_ =	sdelay $0x4  }
0xc0: {  	[tilespmem:$0x1050] =	vst v11  }
0xc1: {  	v11 =	vld.idx.msk [tilespmem:v17+s1+$0x0], $0xffff;
	_ =	sdelay $0x4  }
0xc2: {  	[tilespmem:$0x1060] =	vst v11  }
0xc3: {  	v11 =	vld.idx.msk [tilespmem:v18+s1+$0x0], $0xffff;
	_ =	sdelay $0x4  }
0xc4: {  	[tilespmem:$0x1070] =	vst v11  }
0xc5: {  	v11 =	vld.idx.msk [tilespmem:v19+s1+$0x0], $0xffff;
	_ =	sdelay $0x4  }
0xc6: {  	[tilespmem:$0x1080] =	vst v11  }
0xc7: {  	v11 =	vld.idx.msk [tilespmem:v20+s1+$0x0], $0xffff;
	_ =	sdelay $0x4  }
0xc8: {  	[tilespmem:$0x1090] =	vst v11  }
0xc9: {  	v11 =	vld.idx.msk [tilespmem:v21+s1+$0x0], $0xffff;
	_ =	sdelay $0x4  }
0xca: {  	[tilespmem:$0x10A0] =	vst v11  }
0xcb: {  	v11 =	vld.idx.msk [tilespmem:v22+s1+$0x0], $0xffff;
	_ =	sdelay $0x4  }
0xcc: {  	[tilespmem:$0x10B0] =	vst v11  }
0xcd: {  	v11 =	vld.idx.msk [tilespmem:v23+s1+$0x0], $0xffff;
	_ =	sdelay $0x4  }
0xce: {  	[tilespmem:$0x10C0] =	vst v11  }
0xcf: {  	v11 =	vld.idx.msk [tilespmem:v24+s1+$0x0], $0xffff;
	_ =	sdelay $0x4  }
0xd0: {  	[tilespmem:$0x10D0] =	vst v11  }
0xd1: {  	v11 =	vld.idx.msk [tilespmem:v25+s1+$0x0], $0xffff;
	_ =	sdelay $0x4  }
0xd2: {  	[tilespmem:$0x10E0] =	vst v11  }
0xd3: {  	v11 =	vld.idx.msk [tilespmem:v26+s1+$0x0], $0xffff;
	_ =	sdelay $0x4  }
0xd4: {  	[tilespmem:$0x10F0] =	vst v11  }
0xd5: {  	v11 =	vld.idx.msk [tilespmem:v27+s1+$0x0], $0xffff;
	_ =	sdelay $0x4  }
0xd6: {  	[tilespmem:$0x1100] =	vst v11  }
0xd7: {  	v11 =	vld.idx.msk [tilespmem:v28+s1+$0x0], $0xffff;
	_ =	sdelay $0x4  }
0xd8: {  	[tilespmem:$0x1110] =	vst v11  }
0xd9: {  	v11 =	vld.idx.msk [tilespmem:v29+s1+$0x0], $0xffff;
	_ =	sdelay $0x4  }
0xda: {  	[tilespmem:$0x1120] =	vst v11  }
0xdb: {  	v11 =	vld.idx.msk [tilespmem:v30+s1+$0x0], $0xffff;
	_ =	sdelay $0x4  }
0xdc: {  	[tilespmem:$0x1130] =	vst v11  }
0xdd: {  	v11 =	vld.idx.msk [tilespmem:v31+s1+$0x0], $0xffff;
	_ =	sdelay $0x4  }
0xde: {  	[tilespmem:$0x1140] =	vst v11  }
0xdf: {  	v11 =	vld.idx.msk [tilespmem:v32+s1+$0x0], $0xffff;
	_ =	sdelay $0x4  }
0xe0: {  	[tilespmem:$0x1150] =	vst v11  }
0xe1: {  	v11 =	vld.idx.msk [tilespmem:v33+s1+$0x0], $0xffff;
	_ =	sdelay $0x4  }
0xe2: {  	[tilespmem:$0x1160] =	vst v11  }
0xe3: {  	v11 =	vld.idx.msk [tilespmem:v34+s1+$0x0], $0xffff;
	_ =	sdelay $0x4  }
0xe4: {  	[tilespmem:$0x1170] =	vst v11  }
0xe5: {  	v11 =	vld.idx.msk [tilespmem:v35+s1+$0x0], $0xffff;
	_ =	sdelay $0x4  }
0xe6: {  	[tilespmem:$0x1180] =	vst v11  }
0xe7: {  	v11 =	vld.idx.msk [tilespmem:v36+s1+$0x0], $0xffff;
	_ =	sdelay $0x4  }
0xe8: {  	[tilespmem:$0x1190] =	vst v11  }
0xe9: {  	v11 =	vld.idx.msk [tilespmem:v37+s1+$0x0], $0xffff;
	_ =	sdelay $0x4  }
0xea: {  	[tilespmem:$0x11A0] =	vst v11  }
0xeb: {  	v11 =	vld.idx.msk [tilespmem:v38+s1+$0x0], $0xffff;
	_ =	sdelay $0x4  }
0xec: {  	[tilespmem:$0x11B0] =	vst v11  }
0xed: {  	v11 =	vld.idx.msk [tilespmem:v39+s1+$0x0], $0xffff;
	_ =	sdelay $0x4  }
0xee: {  	[tilespmem:$0x11C0] =	vst v11  }
0xef: {  	v11 =	vld.idx.msk [tilespmem:v40+s1+$0x0], $0xffff;
	_ =	sdelay $0x4  }
0xf0: {  	[tilespmem:$0x11D0] =	vst v11  }
0xf1: {  	v11 =	vld.idx.msk [tilespmem:v41+s1+$0x0], $0xffff;
	_ =	sdelay $0x4  }
0xf2: {  	[tilespmem:$0x11E0] =	vst v11  }
0xf3: {  	v11 =	vld.idx.msk [tilespmem:v42+s1+$0x0], $0xffff;
	_ =	sdelay $0x4  }
0xf4: {  	[tilespmem:$0x11F0] =	vst v11  }
0xf5: {  	v11 =	vld.idx.msk [tilespmem:v43+s1+$0x0], $0xffff;
	_ =	sdelay $0x4  }
0xf6: {  	[tilespmem:$0x1200] =	vst v11  }
0xf7: {  	v11 =	vld.idx.msk [tilespmem:v44+s1+$0x0], $0xffff;
	_ =	sdelay $0x4  }
0xf8: {  	[tilespmem:$0x1210] =	vst v11  }
0xf9: {  	v11 =	vld.idx.msk [tilespmem:v45+s1+$0x0], $0xffff;
	_ =	sdelay $0x4  }
0xfa: {  	[tilespmem:$0x1220] =	vst v11  }
0xfb: {  	v11 =	vld.idx.msk [tilespmem:v46+s1+$0x0], $0xffff;
	_ =	sdelay $0x4  }
0xfc: {  	[tilespmem:$0x1230] =	vst v11  }
0xfd: {  	v11 =	vld.idx.msk [tilespmem:v47+s1+$0x0], $0xffff;
	_ =	sdelay $0x4  }
0xfe: {  	[tilespmem:$0x1240] =	vst v11  }
0xff: {  	v11 =	vld.idx.msk [tilespmem:v48+s1+$0x0], $0xffff;
	_ =	sdelay $0x4  }
0x100: {  	[tilespmem:$0x1250] =	vst v11  }
0x101: {  	v11 =	vld.idx.msk [tilespmem:v49+s1+$0x0], $0xffff;
	_ =	sdelay $0x4  }
0x102: {  	[tilespmem:$0x1260] =	vst v11  }
0x103: {  	v11 =	vld.idx.msk [tilespmem:v50+s1+$0x0], $0xffff;
	_ =	sdelay $0x4  }
0x104: {  	[tilespmem:$0x1270] =	vst v11  }
0x105: {  	v11 =	vld.idx.msk [tilespmem:v51+s1+$0x0], $0xffff;
	_ =	sdelay $0x4  }
0x106: {  	[tilespmem:$0x1280] =	vst v11  }
0x107: {  	v11 =	vld.idx.msk [tilespmem:v52+s1+$0x0], $0xffff;
	_ =	sdelay $0x4  }
0x108: {  	[tilespmem:$0x1290] =	vst v11  }
0x109: {  	v11 =	vld.idx.msk [tilespmem:v53+s1+$0x0], $0xffff;
	_ =	sdelay $0x4  }
0x10a: {  	[tilespmem:$0x12A0] =	vst v11  }
0x10b: {  	v11 =	vld.idx.msk [tilespmem:v54+s1+$0x0], $0xffff;
	_ =	sdelay $0x4  }
0x10c: {  	[tilespmem:$0x12B0] =	vst v11  }
0x10d: {  	v11 =	vld.idx.msk [tilespmem:v55+s1+$0x0], $0xffff;
	_ =	sdelay $0x4  }
0x10e: {  	[tilespmem:$0x12C0] =	vst v11  }
0x10f: {  	v11 =	vld.idx.msk [tilespmem:v56+s1+$0x0], $0xffff;
	_ =	sdelay $0x4  }
0x110: {  	[tilespmem:$0x12D0] =	vst v11  }
0x111: {  	v11 =	vld.idx.msk [tilespmem:v57+s1+$0x0], $0xffff;
	_ =	sdelay $0x4  }
0x112: {  	[tilespmem:$0x12E0] =	vst v11  }
0x113: {  	v11 =	vld.idx.msk [tilespmem:v58+s1+$0x0], $0xffff;
	_ =	sdelay $0x4  }
0x114: {  	[tilespmem:$0x12F0] =	vst v11  }
0x115: {  	v11 =	vld.idx.msk [tilespmem:v59+s1+$0x0], $0xffff;
	_ =	sdelay $0x4  }
0x116: {  	[tilespmem:$0x1300] =	vst v11  }
0x117: {  	v11 =	vld.idx.msk [tilespmem:v60+s1+$0x0], $0xffff;
	_ =	sdelay $0x4  }
0x118: {  	[tilespmem:$0x1310] =	vst v11  }
0x119: {  	v11 =	vld.idx.msk [tilespmem:v1+s1+$0x0], $0xffff;
	_ =	sdelay $0x4  }
0x11a: {  	[tilespmem:$0x1320] =	vst v11  }
0x11b: {  	v11 =	vld.idx.msk [tilespmem:v4+s1+$0x0], $0xffff;
	_ =	sdelay $0x4  }
0x11c: {  	[tilespmem:$0x1330] =	vst v11  }
0x11d: {  	v11 =	vld.idx.msk [tilespmem:v5+s1+$0x0], $0xffff;
	_ =	sdelay $0x4  }
0x11e: {  	[tilespmem:$0x1340] =	vst v11  }
0x11f: {  	v11 =	vld.idx.msk [tilespmem:v61+s1+$0x0], $0xffff;
	_ =	sdelay $0x4  }
0x120: {  	[tilespmem:$0x1350] =	vst v11  }
0x121: {  	v11 =	vld.idx.msk [tilespmem:v6+s1+$0x0], $0xffff;
	_ =	sdelay $0x4  }
0x122: {  	[tilespmem:$0x1360] =	vst v11  }
0x123: {  	v11 =	vld.idx.msk [tilespmem:v7+s1+$0x0], $0xffff;
	_ =	sdelay $0x4  }
0x124: {  	[tilespmem:$0x1370] =	vst v11  }
0x125: {  	v11 =	vld.idx.msk [tilespmem:v62+s1+$0x0], $0xffff;
	_ =	sdelay $0x4  }
0x126: {  	[tilespmem:$0x1380] =	vst v11  }
0x127: {  	v11 =	vld.idx.msk [tilespmem:v8+s1+$0x0], $0xffff;
	_ =	sdelay $0x4  }
0x128: {  	[tilespmem:$0x1390] =	vst v11  }
0x129: {  	v11 =	vld.idx.msk [tilespmem:v9+s1+$0x0], $0xffff;
	_ =	sdelay $0x4  }
0x12a: {  	[tilespmem:$0x13A0] =	vst v11  }
0x12b: {  	v11 =	vld.idx.msk [tilespmem:v63+s1+$0x0], $0xffff;
	_ =	sdelay $0x4  }
0x12c: {  	[tilespmem:$0x13B0] =	vst v11  }
0x12d: {  	v11 =	vld.idx.msk [tilespmem:v10+s1+$0x0], $0xffff;
	_ =	sdelay $0x4  }
0x12e: {  	[tilespmem:$0x13C0] =	vst v11  }
0x12f: {  	v11 =	vld.idx.msk [tilespmem:v2+s1+$0x0], $0xffff;
	_ =	sdelay $0x4  }
0x130: {  	[tilespmem:$0x13D0] =	vst v11;
	v11 =	vld [tilespmem:$0x1FF40];
	_ =	sdelay $0x7  }
0x131: {  	v11 =	vld.idx.msk [tilespmem:v11+s1+$0x0], $0xffff;
	_ =	sdelay $0x4  }
0x132: {  	[tilespmem:$0x13E0] =	vst v11  }
0x133: {  	v11 =	vld.idx.msk [tilespmem:v3+s1+$0x0], $0xffff;
	v3 =	vmov v2;
	v2 =	vmov v10  }
0x134: {  	v10 =	vmovc v9;
	v9 =	vmovc v8;
	v8 =	vmov v7;
	v7 =	vmov v6;
	v6 =	vmov v5  }
0x135: {  	v5 =	vmovc v4;
	v4 =	vmovc v1;
	v1 =	vmov v63;
	v63 =	vmov v62;
	v62 =	vmov v61  }
0x136: {  	v61 =	vmovc v60;
	v60 =	vmovc v59;
	v59 =	vmov v58;
	v58 =	vmov v57;
	v57 =	vmov v56  }
0x137: {  	v56 =	vmovc v55;
	v55 =	vmovc v54;
	v54 =	vmov v53;
	v53 =	vmov v52;
	v52 =	vmov v51  }
0x138: {  	v51 =	vmovc v50;
	v50 =	vmovc v49;
	v49 =	vmov v48;
	v48 =	vmov v47;
	v47 =	vmov v46  }
0x139: {  	v46 =	vmovc v45;
	v45 =	vmovc v44;
	v44 =	vmov v43;
	v43 =	vmov v42;
	v42 =	vmov v41  }
0x13a: {  	v41 =	vmovc v40;
	v40 =	vmovc v39;
	v39 =	vmov v38;
	v38 =	vmov v37;
	v37 =	vmov v36  }
0x13b: {  	v36 =	vmovc v35;
	v35 =	vmovc v34;
	v34 =	vmov v33;
	v33 =	vmov v32;
	v32 =	vmov v31  }
0x13c: {  	v31 =	vmovc v30;
	v30 =	vmovc v29;
	v29 =	vmov v28;
	v28 =	vmov v27;
	v27 =	vmov v26  }
0x13d: {  	v26 =	vmovc v25;
	v25 =	vmovc v24;
	v24 =	vmov v23;
	v23 =	vmov v22;
	v22 =	vmov v21  }
0x13e: {  	v21 =	vmovc v20;
	v20 =	vmovc v19;
	v19 =	vmov v18;
	v18 =	vmov v17;
	v17 =	vmov v16  }
0x13f: {  	v16 =	vmovc v15;
	v15 =	vmovc v14;
	v14 =	vmov v13;
	v13 =	vmov v12;
	v12 =	vadd.s32 $0xA18, v0;
	_ =	sdelay $0x3  }
0x140: {  	[tilespmem:$0x13F0] =	vst v11  }
0x141: {  	v11 =	vld.idx.msk [tilespmem:v12+s1+$0x0], $0xffff;
	_ =	sdelay $0x4  }
0x142: {  	[tilespmem:$0x1400] =	vst v11;
	v11 =	vld [tilespmem:$0x1FF50];
	_ =	sdelay $0x7  }
0x143: {  	v11 =	vld.idx.msk [tilespmem:v11+s1+$0x0], $0xffff  }
0x144: {  	v12 =	vadd.s32 $0xA86, v0;
	_ =	sdelay $0x3  }
0x145: {  	[tilespmem:$0x1410] =	vst v11  }
0x146: {  	v11 =	vld.idx.msk [tilespmem:v12+s1+$0x0], $0xffff  }
0x147: {  	v12 =	vadd.s32 $0xA96, v0;
	_ =	sdelay $0x3  }
0x148: {  	[tilespmem:$0x1420] =	vst v11  }
0x149: {  	v11 =	vld.idx.msk [tilespmem:v12+s1+$0x0], $0xffff;
	_ =	sdelay $0x4  }
0x14a: {  	[tilespmem:$0x1430] =	vst v11;
	v11 =	vld [tilespmem:$0x1FF60];
	_ =	sdelay $0x7  }
0x14b: {  	v11 =	vld.idx.msk [tilespmem:v11+s1+$0x0], $0xffff  }
0x14c: {  	v12 =	vadd.s32 $0xB04, v0;
	_ =	sdelay $0x3  }
0x14d: {  	[tilespmem:$0x1440] =	vst v11  }
0x14e: {  	v11 =	vld.idx.msk [tilespmem:v12+s1+$0x0], $0xffff  }
0x14f: {  	v12 =	vadd.s32 $0xB14, v0;
	_ =	sdelay $0x3  }
0x150: {  	[tilespmem:$0x1450] =	vst v11  }
0x151: {  	v11 =	vld.idx.msk [tilespmem:v12+s1+$0x0], $0xffff;
	_ =	sdelay $0x4  }
0x152: {  	[tilespmem:$0x1460] =	vst v11;
	v11 =	vld [tilespmem:$0x1FF70];
	_ =	sdelay $0x7  }
0x153: {  	v11 =	vld.idx.msk [tilespmem:v11+s1+$0x0], $0xffff  }
0x154: {  	v12 =	vadd.s32 $0xB82, v0;
	_ =	sdelay $0x3  }
0x155: {  	[tilespmem:$0x1470] =	vst v11  }
0x156: {  	v11 =	vld.idx.msk [tilespmem:v12+s1+$0x0], $0xffff  }
0x157: {  	v12 =	vadd.s32 $0xB92, v0;
	_ =	sdelay $0x3  }
0x158: {  	[tilespmem:$0x1480] =	vst v11  }
0x159: {  	v11 =	vld.idx.msk [tilespmem:v12+s1+$0x0], $0xffff  }
0x15a: {  	v12 =	vadd.s32 $0xBA2, v0;
	_ =	sdelay $0x3  }
0x15b: {  	[tilespmem:$0x1490] =	vst v11  }
0x15c: {  	v11 =	vld.idx.msk [tilespmem:v12+s1+$0x0], $0xffff  }
0x15d: {  	v12 =	vor.u32 $0xC00, v0;
	_ =	sdelay $0x3  }
0x15e: {  	[tilespmem:$0x14A0] =	vst v11  }
0x15f: {  	v11 =	vld.idx.msk [tilespmem:v12+s1+$0x0], $0xffff  }
0x160: {  	v12 =	vor.u32 $0xC10, v0;
	_ =	sdelay $0x3  }
0x161: {  	[tilespmem:$0x14B0] =	vst v11  }
0x162: {  	v11 =	vld.idx.msk [tilespmem:v12+s1+$0x0], $0xffff  }
0x163: {  	v12 =	vor.u32 $0xC20, v0;
	_ =	sdelay $0x3  }
0x164: {  	[tilespmem:$0x14C0] =	vst v11  }
0x165: {  	v11 =	vld.idx.msk [tilespmem:v12+s1+$0x0], $0xffff;
	_ =	sdelay $0x4  }
0x166: {  	[tilespmem:$0x14D0] =	vst v11;
	v11 =	vld [tilespmem:$0x1FF80];
	_ =	sdelay $0x7  }
0x167: {  	v11 =	vld.idx.msk [tilespmem:v11+s1+$0x0], $0xffff  }
0x168: {  	v12 =	vadd.s32 $0xC8E, v0;
	_ =	sdelay $0x3  }
0x169: {  	[tilespmem:$0x14E0] =	vst v11  }
0x16a: {  	v11 =	vld.idx.msk [tilespmem:v12+s1+$0x0], $0xffff  }
0x16b: {  	v12 =	vadd.s32 $0xC9E, v0;
	_ =	sdelay $0x3  }
0x16c: {  	[tilespmem:$0x14F0] =	vst v11  }
0x16d: {  	v11 =	vld.idx.msk [tilespmem:v12+s1+$0x0], $0xffff;
	_ =	sdelay $0x4  }
0x16e: {  	[tilespmem:$0x1500] =	vst v11;
	v11 =	vld [tilespmem:$0x1FF90];
	_ =	sdelay $0x7  }
0x16f: {  	v11 =	vld.idx.msk [tilespmem:v11+s1+$0x0], $0xffff  }
0x170: {  	v12 =	vadd.s32 $0xD0C, v0;
	_ =	sdelay $0x3  }
0x171: {  	[tilespmem:$0x1510] =	vst v11  }
0x172: {  	v11 =	vld.idx.msk [tilespmem:v12+s1+$0x0], $0xffff  }
0x173: {  	v12 =	vadd.s32 $0xD1C, v0;
	_ =	sdelay $0x3  }
0x174: {  	[tilespmem:$0x1520] =	vst v11  }
0x175: {  	v11 =	vld.idx.msk [tilespmem:v12+s1+$0x0], $0xffff;
	_ =	sdelay $0x4  }
0x176: {  	[tilespmem:$0x1530] =	vst v11;
	v11 =	vld [tilespmem:$0x1FFA0];
	_ =	sdelay $0x7  }
0x177: {  	v11 =	vld.idx.msk [tilespmem:v11+s1+$0x0], $0xffff  }
0x178: {  	v12 =	vadd.s32 $0xD8A, v0;
	_ =	sdelay $0x3  }
0x179: {  	[tilespmem:$0x1540] =	vst v11  }
0x17a: {  	v11 =	vld.idx.msk [tilespmem:v12+s1+$0x0], $0xffff  }
0x17b: {  	v12 =	vadd.s32 $0xD9A, v0;
	_ =	sdelay $0x3  }
0x17c: {  	[tilespmem:$0x1550] =	vst v11  }
0x17d: {  	v11 =	vld.idx.msk [tilespmem:v12+s1+$0x0], $0xffff;
	_ =	sdelay $0x4  }
0x17e: {  	[tilespmem:$0x1560] =	vst v11;
	v11 =	vld [tilespmem:$0x1FFB0];
	_ =	sdelay $0x7  }
0x17f: {  	v11 =	vld.idx.msk [tilespmem:v11+s1+$0x0], $0xffff  }
0x180: {  	v12 =	vadd.s32 $0xE08, v0;
	_ =	sdelay $0x3  }
0x181: {  	[tilespmem:$0x1570] =	vst v11  }
0x182: {  	v11 =	vld.idx.msk [tilespmem:v12+s1+$0x0], $0xffff  }
0x183: {  	v12 =	vadd.s32 $0xE18, v0;
	_ =	sdelay $0x3  }
0x184: {  	[tilespmem:$0x1580] =	vst v11  }
0x185: {  	v11 =	vld.idx.msk [tilespmem:v12+s1+$0x0], $0xffff;
	_ =	sdelay $0x4  }
0x186: {  	[tilespmem:$0x1590] =	vst v11;
	v11 =	vld [tilespmem:$0x1FFC0];
	_ =	sdelay $0x7  }
0x187: {  	v11 =	vld.idx.msk [tilespmem:v11+s1+$0x0], $0xffff  }
0x188: {  	v12 =	vadd.s32 $0xE86, v0;
	_ =	sdelay $0x3  }
0x189: {  	[tilespmem:$0x15A0] =	vst v11  }
0x18a: {  	v11 =	vld.idx.msk [tilespmem:v12+s1+$0x0], $0xffff  }
0x18b: {  	v12 =	vadd.s32 $0xE96, v0;
	_ =	sdelay $0x3  }
0x18c: {  	[tilespmem:$0x15B0] =	vst v11  }
0x18d: {  	v11 =	vld.idx.msk [tilespmem:v12+s1+$0x0], $0xffff;
	_ =	sdelay $0x4  }
0x18e: {  	[tilespmem:$0x15C0] =	vst v11;
	v11 =	vld [tilespmem:$0x1FFD0];
	_ =	sdelay $0x7  }
0x18f: {  	v11 =	vld.idx.msk [tilespmem:v11+s1+$0x0], $0xffff  }
0x190: {  	v12 =	vadd.s32 $0xF04, v0;
	_ =	sdelay $0x3  }
0x191: {  	[tilespmem:$0x15D0] =	vst v11  }
0x192: {  	v11 =	vld.idx.msk [tilespmem:v12+s1+$0x0], $0xffff  }
0x193: {  	v12 =	vadd.s32 $0xF14, v0;
	_ =	sdelay $0x3  }
0x194: {  	[tilespmem:$0x15E0] =	vst v11  }
0x195: {  	v11 =	vld.idx.msk [tilespmem:v12+s1+$0x0], $0xffff;
	_ =	sdelay $0x4  }
0x196: {  	[tilespmem:$0x15F0] =	vst v11;
	v11 =	vld [tilespmem:$0x1FFE0];
	_ =	sdelay $0x7  }
0x197: {  	v11 =	vld.idx.msk [tilespmem:v11+s1+$0x0], $0xffff  }
0x198: {  	v12 =	vadd.s32 $0xF82, v0;
	_ =	sdelay $0x3  }
0x199: {  	[tilespmem:$0x1600] =	vst v11  }
0x19a: {  	v11 =	vld.idx.msk [tilespmem:v12+s1+$0x0], $0xffff  }
0x19b: {  	v12 =	vadd.s32 $0xF92, v0;
	_ =	sdelay $0x3  }
0x19c: {  	[tilespmem:$0x1610] =	vst v11  }
0x19d: {  	v11 =	vld.idx.msk [tilespmem:v12+s1+$0x0], $0xffff  }
0x19e: {  	v12 =	vadd.s32 $0xFA2, v0;
	_ =	sdelay $0x3  }
0x19f: {  	[tilespmem:$0x1620] =	vst v11  }
0x1a0: {  	v11 =	vld.idx.msk [tilespmem:v12+s1+$0x0], $0xffff;
	v12 =	vmovc v13;
	v13 =	vmovc v14;
	v14 =	vmov v15;
	v15 =	vmov v16;
	v16 =	vmov v17  }
0x1a1: {  	v17 =	vmovc v18;
	v18 =	vmovc v19;
	v19 =	vmov v20;
	v20 =	vmov v21;
	v21 =	vmov v22  }
0x1a2: {  	v22 =	vmovc v23;
	v23 =	vmovc v24;
	v24 =	vmov v25;
	v25 =	vmov v26;
	v26 =	vmov v27  }
0x1a3: {  	v27 =	vmovc v28;
	v28 =	vmovc v29;
	v29 =	vmov v30;
	v30 =	vmov v31;
	v31 =	vmov v32  }
0x1a4: {  	v32 =	vmovc v33;
	v33 =	vmovc v34;
	v34 =	vmov v35;
	v35 =	vmov v36;
	v36 =	vmov v37  }
0x1a5: {  	v37 =	vmovc v38;
	v38 =	vmovc v39;
	v39 =	vmov v40;
	v40 =	vmov v41;
	v41 =	vmov v42  }
0x1a6: {  	v42 =	vmovc v43;
	v43 =	vmovc v44;
	v44 =	vmov v45;
	v45 =	vmov v46;
	[tilespmem:$0x1630] =	vst v11;
	v11 =	vor.u32 $0x640, v0  }
0x1a7: {  	v46 =	vmovc v47;
	v47 =	vmovc v48;
	v48 =	vmov v49;
	v49 =	vmov v50;
	[tilespmem:$0x1640] =	vst v11;
	v11 =	vor.u32 $0x650, v0  }
0x1a8: {  	v50 =	vmovc v51;
	v51 =	vmovc v52;
	v52 =	vmov v53;
	v53 =	vmov v54;
	[tilespmem:$0x1650] =	vst v11;
	v11 =	vor.u32 $0x660, v0  }
0x1a9: {  	p0 =	sne.s32 s10, $0xC30;
	v54 =	vmovc v55;
	v55 =	vmovc v56;
	v56 =	vmov v57;
	v57 =	vmov v58;
	[tilespmem:$0x1660] =	vst v11;
	v11 =	vor.u32 $0x670, v0  }
.Ltmp0:
0x1aa: {  	s11 =	sadd.s32 s10, s5;
	v58 =	vmovc v59;
	v59 =	vmovc v60;
	v60 =	vmov v61;
	v61 =	vmov v62;
	v62 =	vmov v63;
	[tilespmem:$0x1670] =	vst v11;
	(pc) =	sbr.rel @p0 .LBB2_2-.Ltmp0, $4  }
0x1ab: {  	v63 =	vmovc v1;
	v1 =	vmovc v4;
	v4 =	vmov v5;
	v5 =	vmov v6;
	v6 =	vmov v7;
	[hbm4b:s11+s1] =	stream.linear.scatter [tilespmem:s7], [sflag:$0x1], $0x680, $0x38;
	[tilespmem:$0x1680] =	vst v63  }
0x1ac: {  	v7 =	vmovc v8;
	v8 =	vmovc v9;
	v9 =	vmov v10;
	v10 =	vmov v2;
	v2 =	vmov v3;
	v3 =	vld [tilespmem:$0x1FFF0];
	_ =	swait.ge [sflag:s6], $0x680  }
0x1ad: {  	[sflag:s6] =	ssyncset.done $0x0  }
0x1ae: {  	s9 =	sadd.s32 $0x200, s9;
	s10 =	sadd.s32 $0xD0, s10;
	[sflag:s6] =	ssyncadd.s32 $0xFFFFF980  }
0x1af: {  	s8 =	sadd.s32 $0x1, s8  }
0x1b0: {  	p0 =	sne.s32 s8, s3  }
.Ltmp1:
0x1b1: {  	_ = 	snop;
	(pc) =	sbr.rel @p0 .LBB2_1-.Ltmp1, $1  }
0x1b2: {  	_ =	sdelay $0x3  }
0x1b3: {  	_ =	sfence.sel $0x180000  }
0x1b4: {  	[bflag:$0x0] =	sbarrier.arrive $0xFFFF  }
0x1b5: {  	p0 =	sne.s32 s2, $0x0;
	_ =	strace $0x90000047  }
0x1b6: {  	s0 =	sadd.s32 @!p0 $0x100000, s0;
	[bflag:$0x2] =	sbarrier.arrive $0xFFFF  }
0x1b7: {  	[sflag:s0] =	ssyncadd.tile.s32 @!p0 $0x1;
	_ =	shalt  }
.Lfunc_end2:
_tile_overlayer_lowered:
.L_overlay_start_2:
0x1b8: {  	(tag) =	ssettag $0x2  }
0x1b9: {  	s0 =	rddreg [dreg:$0x0];
	s2 =	stileid.u32  }
0x1ba: {  	s1 =	rddreg [dreg:$0x1];
	p0 =	sne.s32 s2, $0x0  }
0x1bb: {  	s3 =	rddreg [dreg:$0x2];
	[bflag:$0x3] =	sbarrier.arrive $0xFFFF;
	s2 =	simm.s32 @!p0 $0x1C01  }
0x1bc: {  	[timem:s3], [sflag:s2] =	dma.local @!p0 [hbm:s0], s1  }
0x1bd: {  	s0 =	simm.s32 @!p0 $0x1  }
0x1be: {  	_ =	swait.ge @!p0 [sflag:s0], s1  }
0x1bf: {  	s1 =	ssub.s32 @!p0 $0x0, s1;
	[sflag:s0] =	ssyncset.done @!p0 $0x0  }
0x1c0: {  	[sflag:s0] =	ssyncadd.s32 @!p0 s1  }
0x1c1: {  	[bflag:$0x3] =	sbarrier.arrive $0xFFFF  }
0x1c2: {  	_ =	shalt  }

// kernel: _encode.7.cloned.1.call-start
scs
__scs_entry_jumppad:
0x0: {  	(pc) =	sbr.rel $0x88, $3  }
0x1: {  	(tag) =	ssettag $0x0;
	lr =	simm.s32 $0x1  }
0x2: {  	[smem:$0x3F9F] =	sst lr;
	_ =	strace $0xD0000000  }
0x3: {  	_ = 	snop  }
0x4: {  	_ = 	snop  }
0x5: {  	_ = 	snop  }
0x6: {  	_ = 	snop  }
0x7: {  	_ = 	snop  }
__scs_overlays_trampoline_lowered:
0x8: {  	[smem:$0x3FAE] =	sst s0  }
0x9: {  	[smem:$0x3FAF] =	sst s1  }
0xa: {  	[smem:$0x3FB0] =	sst s2  }
0xb: {  	[smem:$0x3FB1] =	sst s3  }
0xc: {  	[smem:$0x3FB2] =	sst s4  }
0xd: {  	[smem:$0x3FB3] =	sst s5  }
0xe: {  	[smem:$0x3FB4] =	sst s6  }
0xf: {  	[smem:$0x3FB5] =	sst s7  }
0x10: {  	[smem:$0x3FB6] =	sst s8  }
0x11: {  	[smem:$0x3FB7] =	sst s9;
	s0 =	simm.s32 @!p0 $0x0  }
0x12: {  	s1 =	sld [smem:$0x3F9D];
	s0 =	simm.s32 @p0 $0x1  }
0x13: {  	[smem:$0x3FB8] =	sst s0;
	s0 =	simm.s32 @!p1 $0x0  }
0x14: {  	s2 =	sld [smem:$0x3F9C];
	s0 =	simm.s32 @p1 $0x1  }
0x15: {  	[smem:$0x3FB9] =	sst s0;
	s0 =	simm.s32 @!p2 $0x0  }
0x16: {  	s3 =	sld [smem:$0x3FDB];
	s0 =	simm.s32 @p2 $0x1  }
0x17: {  	s4 =	simm.s32 $0x1BF5;
	[smem:$0x3FBB] =	sst s0  }
0x18: {  	s0 =	sld [smem:$0x3F9E];
	_ =	swait.ge [sflag:s4], $0x0  }
0x19: {  	s7 =	sld [smem:$0x3F9F]  }
0x1a: {  	s8 =	sadd.s32 $0xFFFFE003, lr  }
0x1b: {  	s9 =	sadd.s32 $0xFFFFFEF7, lr;
	s5 =	simm.s32 $0xFFFFFFFF;
	p2 =	slt.u32 s8, $0xFFFFF086  }
0x1c: {  	p1 =	slt.u32 s9, $0xF7A;
	s5 =	simm.s32 @!p2 $0x0  }
0x1d: {  	s5 =	simm.s32 @p1 $0x1;
	p0 =	seq.s32 s7, s2  }
0x1e: {  	s7 =	smul.u32 @!p0 $0xF7A, s2;
	p2 =	seq.s32 @!p0 s5, $0x0  }
0x1f: {  	s9 =	smul.u32 $0xF7A, s1;
	s8 =	simm.s32 @!p0 $0x1BF5;
	p2 =	por !p2, p0  }
0x20: {  	[sflag:s8] =	ssyncset.s32 @!p0 $0xFFFFF086;
	s6 =	sadd.s32 @!p0 s3, s7;
	s7 =	simm.s32 @!p0 $0x108  }
0x21: {  	s3 =	sadd.s32 s3, s9;
	s6 =	sadd.s32 @!p0 $0x88, s6;
	s7 =	simm.s32 @p2 $0x1082  }
0x22: {  	[simem:s7], [sflag:s8] =	dma.local @!p0 [hbm:s6], $0xF7A  }
0x23: {  	s9 =	sor.u32 $0xD0000000, s2;
	s6 =	simm.s32 $0x108;
	_ =	swait.ge @!p0 [sflag:s8], $0x0  }
0x24: {  	s3 =	sadd.s32 $0x88, s3;
	s6 =	simm.s32 @!p1 $0x1082;
	[sflag:s4] =	ssyncset.s32 $0xFFFFF086  }
0x25: {  	[simem:s6], [sflag:s4] =	dma.local [hbm:s3], $0xF7A  }
0x26: {  	[smem:$0x3F9F] =	sst s1;
	(tag) =	ssettag s2;
	_ =	strace s9  }
0x27: {  	s1 =	sld [smem:$0x3FAF]  }
0x28: {  	s2 =	sld [smem:$0x3FB0]  }
0x29: {  	s4 =	sld [smem:$0x3FB2]  }
0x2a: {  	p0 =	seq.s32 s5, $0x0;
	s5 =	sld [smem:$0x3FB3]  }
0x2b: {  	s6 =	sld [smem:$0x3FB4]  }
0x2c: {  	s7 =	sld [smem:$0x3FB5]  }
0x2d: {  	s3 =	simm.s32 $0x108;
	s8 =	sld [smem:$0x3FB6]  }
0x2e: {  	s3 =	simm.s32 @!p0 $0x1082;
	s9 =	sld [smem:$0x3FB7]  }
0x2f: {  	lr =	sadd.s32 s0, s3;
	s0 =	sld [smem:$0x3FAE]  }
0x30: {  	s3 =	sld [smem:$0x3FB1]  }
0x31: {  	[smem:$0x3FBA] =	sst s10  }
0x32: {  	s10 =	sld [smem:$0x3FB8];
	_ =	sdelay $0x3  }
0x33: {  	p0 =	seq.s32 s10, $0x1;
	s10 =	sld [smem:$0x3FBA];
	_ =	sdelay $0x3  }
0x34: {  	[smem:$0x3FBA] =	sst s10  }
0x35: {  	s10 =	sld [smem:$0x3FB9];
	_ =	sdelay $0x3  }
0x36: {  	p1 =	seq.s32 s10, $0x1;
	s10 =	sld [smem:$0x3FBA];
	_ =	sdelay $0x3  }
0x37: {  	[smem:$0x3FBA] =	sst s10  }
0x38: {  	s10 =	sld [smem:$0x3FBB]  }
0x39: {  	_ = 	snop;
	(pc) =	sbr.ind lr, $3  }
0x3a: {  	_ = 	snop  }
0x3b: {  	_ = 	snop  }
0x3c: {  	p2 =	seq.s32 s10, $0x1;
	s10 =	sld [smem:$0x3FBA]  }
0x3d: {  	_ =	shalt  }
0x3e: {  	_ =	shalt  }
0x3f: {  	_ =	shalt  }
0x40: {  	_ =	shalt  }
0x41: {  	_ =	shalt  }
0x42: {  	_ =	shalt  }
0x43: {  	_ =	shalt  }
0x44: {  	_ =	shalt  }
0x45: {  	_ =	shalt  }
0x46: {  	_ =	shalt  }
0x47: {  	_ =	shalt  }
0x48: {  	_ =	shalt  }
0x49: {  	_ =	shalt  }
0x4a: {  	_ =	shalt  }
0x4b: {  	_ =	shalt  }
0x4c: {  	_ =	shalt  }
0x4d: {  	_ =	shalt  }
0x4e: {  	_ =	shalt  }
0x4f: {  	_ =	shalt  }
0x50: {  	_ =	shalt  }
0x51: {  	_ =	shalt  }
0x52: {  	_ =	shalt  }
0x53: {  	_ =	shalt  }
0x54: {  	_ =	shalt  }
0x55: {  	_ =	shalt  }
0x56: {  	_ =	shalt  }
0x57: {  	_ =	shalt  }
0x58: {  	_ =	shalt  }
0x59: {  	_ =	shalt  }
0x5a: {  	_ =	shalt  }
0x5b: {  	_ =	shalt  }
0x5c: {  	_ =	shalt  }
0x5d: {  	_ =	shalt  }
0x5e: {  	_ =	shalt  }
0x5f: {  	_ =	shalt  }
0x60: {  	_ =	shalt  }
0x61: {  	_ =	shalt  }
0x62: {  	_ =	shalt  }
0x63: {  	_ =	shalt  }
0x64: {  	_ =	shalt  }
0x65: {  	_ =	shalt  }
0x66: {  	_ =	shalt  }
0x67: {  	_ =	shalt  }
0x68: {  	_ =	shalt  }
0x69: {  	_ =	shalt  }
0x6a: {  	_ =	shalt  }
0x6b: {  	_ =	shalt  }
0x6c: {  	_ =	shalt  }
0x6d: {  	_ =	shalt  }
0x6e: {  	_ =	shalt  }
0x6f: {  	_ =	shalt  }
0x70: {  	_ =	shalt  }
0x71: {  	_ =	shalt  }
0x72: {  	_ =	shalt  }
0x73: {  	_ =	shalt  }
0x74: {  	_ =	shalt  }
0x75: {  	_ =	shalt  }
0x76: {  	_ =	shalt  }
0x77: {  	_ =	shalt  }
0x78: {  	_ =	shalt  }
0x79: {  	_ =	shalt  }
0x7a: {  	_ =	shalt  }
0x7b: {  	_ =	shalt  }
0x7c: {  	_ =	shalt  }
0x7d: {  	_ =	shalt  }
0x7e: {  	_ =	shalt  }
0x7f: {  	_ =	shalt  }
0x80: {  	_ =	shalt  }
0x81: {  	_ =	shalt  }
0x82: {  	_ =	shalt  }
0x83: {  	_ =	shalt  }
0x84: {  	_ =	shalt  }
0x85: {  	_ =	shalt  }
0x86: {  	_ =	shalt  }
0x87: {  	_ =	shalt  }
.Lfunc_end0:
.L_simem_size_0:
called_computation.1_lowered:
.L_overlay_start_0:
0x88: {  	s2 =	sld [smem:$0x3FD9]  }
0x89: {  	s3 =	sld [smem:$0x3FFE];
	_ =	sdelay $0x1  }
0x8a: {  	s1 =	srdreg.scid  }
0x8b: {  	s0 =	sand.u32 $0x1, s1  }
0x8c: {  	s17 =	sshll.u32 s0, $0xA;
	s2 =	sadd.s32 s3, s2  }
0x8d: {  	s2 =	sadd.s32 s2, s17  }
0x8e: {  	[smem:$0x3FC6] =	sst s2  }
0x8f: {  	_ = 	snop  }
0x90: {  	s2 =	sld [smem:$0x3FD0];
	(tm) =	ssettm $0x1  }
0x91: {  	s18 =	sld [smem:$0x3FFB];
	_ =	sdelay $0x3  }
0x92: {  	_ =	strace s18  }
0x93: {  	s3 =	sld [smem:$0x3FFC];
	_ =	sdelay $0x3  }
0x94: {  	_ =	strace s3  }
0x95: {  	s3 =	sld [smem:$0x3FFD];
	_ =	sdelay $0x3  }
0x96: {  	_ =	strace s3  }
0x97: {  	_ =	strace $0x8FFFFFFF  }
0x98: {  	s19 =	sld [smem:$0x3FDB];
	_ =	sdelay $0x1  }
0x99: {  	s4 =	simm.s32 $_scs_section_size  }
0x9a: {  	s5 =	simm.s32 $_size__tile_overlayer_lowered;
	s6 =	simm.s32 $_tile_overlayer_lowered  }
0x9b: {  	s22 =	simm.s32 $0x1BFF;
	s21 =	sshll.u32 s6, $0x1;
	s3 =	sadd.s32 s4, s19  }
0x9c: {  	s7 =	simm.s32 $0x0;
	s20 =	sshll.u32 s5, $0x1;
	s5 =	sadd.s32 s21, s3  }
0x9d: {  	[timem:s7], [sflag:s22] =	dma.local [hbm:s5], s20  }
0x9e: {  	_ =	swait.ge [sflag:s22], s20  }
0x9f: {  	s4 =	ssub.s32 $0x0, s20;
	[sflag:s22] =	ssyncset.done $0x0  }
0xa0: {  	[sflag:s22] =	ssyncadd.s32 s4;
	_ =	sdelay $0x1  }
0xa1: {  	s23 =	simm.s32 $0x1B8B  }
0xa2: {  	_ =	swait.ge [sflag:s23], $0x1  }
0xa3: {  	[sflag:s23] =	ssyncset.done $0x0  }
0xa4: {  	s25 =	simm.s32 $0x1B8E;
	s24 =	sld [smem:$0x3FFE];
	[sflag:s23] =	ssyncadd.s32 $0xFFFFFFFF  }
0xa5: {  	s26 =	simm.s32 $execute0_lowered;
	[smem:$0x3FD2] =	sst s25  }
0xa6: {  	s5 =	sshll.u32 s26, $0x1;
	_ =	strace $0x80000049;
	[dreg:$0x1] =	wrdreg $0xFFFFFFFF  }
0xa7: {  	s28 =	simm.s32 $_size_execute0_lowered;
	s3 =	sadd.s32 s3, s5;
	[dreg:$0x0] =	wrdreg $0x0  }
0xa8: {  	s5 =	sshll.u32 s28, $0x1;
	[dreg:$0x2] =	wrdreg s3  }
0xa9: {  	[dreg:$0x3] =	wrdreg s5  }
0xaa: {  	[dreg:$0x4] =	wrdreg $0xC0  }
0xab: {  	_ =	task [dreg:s7], $0x5FFFF  }
0xac: {  	[dreg:$0x1] =	wrdreg $0xFFFFFFFF  }
0xad: {  	[dreg:$0x0] =	wrdreg $0x60  }
0xae: {  	[dreg:$0x2] =	wrdreg s24  }
0xaf: {  	[dreg:$0x3] =	wrdreg s2  }
0xb0: {  	[dreg:$0x4] =	wrdreg $0x9  }
0xb1: {  	_ =	task.clear_ibuf [dreg:s7], $0x5FFFF;
	_ =	strace $0x90000049  }
0xb2: {  	s29 =	simm.s32 $0x9;
	_ =	strace $0x8000004B  }
0xb3: {  	_ =	swait.ge [sflag:s29], $0x1  }
0xb4: {  	[sflag:s29] =	ssyncadd.s32 $0xFFFFFFFF  }
0xb5: {  	_ =	strace $0x9000004B  }
0xb6: {  	_ =	sfence  }
0xb7: {  	s30 =	sld [smem:$0x0];
	_ =	sdelay $0x2  }
0xb8: {  	s31 =	sshll.u32 s1, $0xD;
	s1 =	sshrl.u32 s1, $0x2  }
0xb9: {  	s3 =	sand.u32 $0x4000, s31;
	s1 =	sadd.s32 s1, s30  }
0xba: {  	s0 =	sor.u32 s3, s0;
	s1 =	sshll.u32 s1, $0x11  }
0xbb: {  	s0 =	sor.u32 s1, s0  }
0xbc: {  	s0 =	sadd.s32 $0x8F2B, s0  }
0xbd: {  	[sflag:s0] =	ssyncadd.remote.s32 $0x1  }
0xbe: {  	_ =	sfence.sel $0xFFFF  }
0xbf: {  	[dreg:$0x0] =	wrdreg $0xFFFFFFFF;
	(pc) =	sbr.abs _section_cstart, $3  }
0xc0: {  	[dreg:$0x1] =	wrdreg $0xFFFFFFFF  }
0xc1: {  	_ =	task.clear_ibuf [dreg:s7], $0x2FFFF;
	_ =	strace $0x9FFFFFFF  }
0xc2: {  	(tm) =	ssettm $0x7FFFFFFF  }
0xc3: {  	_ =	shalt  }
tec
execute0_lowered:
.L_overlay_start_1:
0x0: {  	(tag) =	ssettag $0x1  }
0x1: {  	s4 =	rddreg [dreg:$0x0]  }
0x2: {  	s7 =	rddreg [dreg:$0x1]  }
0x3: {  	s0 =	rddreg [dreg:$0x2]  }
0x4: {  	s3 =	srdreg.scid;
	s1 =	stileid.u32  }
0x5: {  	s2 =	simm.s32 $0x0;
	s11 =	simm.s32 $0x680;
	s12 =	simm.s32 $0xD00  }
0x6: {  	s13 =	simm.s32 $0xDD00;
	s14 =	simm.s32 $0x1;
	s15 =	simm.s32 $0x1AD00  }
0x7: {  	s16 =	simm.s32 $0x2;
	s17 =	simm.s32 $0x1B100;
	s18 =	simm.s32 $0x0  }
0x8: {  	s3 =	sand.u32 $0x1, s3;
	s5 =	sshll.u32 s1, $0x1;
	[smem:$0x7FF] =	sst s2  }
0x9: {  	s6 =	ssub.s32 $0x2, s3;
	s8 =	sor.u32 s3, s5;
	_ =	strace $0x8000004A  }
0xa: {  	s3 =	sadd.s32 $0x40800, s4;
	s31 =	sshrl.u32 s6, $0x1;
	s9 =	smul.u32 $0xD00, s8  }
0xb: {  	s10 =	ssub.s32 s6, s31;
	s6 =	sshll.u32 s8, $0x4;
	s8 =	sshll.u32 s8, $0xB  }
0xc: {  	s4 =	sadd.s32 $0xF9CC00, s4;
	s5 =	sadd.s32 s3, s9;
	s7 =	sadd.s32 s7, s8  }
0xd: {  	s8 =	sor.u32 $0x2, s6;
	s9 =	smax.u32 s10, $0x1;
	s10 =	simm.s32 $0x3  }
.LBB2_1:
0xe: {  	[tilespmem:s2], [sflag:$0x3] =	stream.linear.gather [hbm4b:s5+s2], $0x680, $0x38;
	[tilespmem:$0x1B500] =	vst v63  }
0xf: {  	_ =	swait.ge [sflag:s10], $0x680  }
0x10: {  	[sflag:s10] =	ssyncset.done $0x0  }
0x11: {  	s20 =	simm.s32 $0x0;
	[sflag:s10] =	ssyncadd.s32 $0xFFFFF980  }
0x12: {  	[tilespmem:s12], [sflag:$0x1] =	stream.indirect.gather [hbm4b:s4+s11], $0x20, s2, s11, $0xb8;
	[tilespmem:$0x1B500] =	vst v63  }
.LBB2_2:
0x13: {  	s19 =	sshllo.u32 s20, $0x1  }
0x14: {  	s21 =	sadd.s32 s6, s19  }
0x15: {  	s21 =	smul.u32 $0xD0, s21;
	_ =	sdelay $0x1  }
0x16: {  	s22 =	simm.s32 $0x0;
	s21 =	sadd.s32 s3, s21  }
0x17: {  	[tilespmem:s11], [sflag:$0x3] =	stream.linear.gather [hbm4b:s21+s22], $0x680, $0x38;
	[tilespmem:$0x1B500] =	vst v63  }
0x18: {  	_ =	swait.ge [sflag:s10], $0x680  }
0x19: {  	[sflag:s10] =	ssyncset.done $0x0  }
0x1a: {  	[sflag:s10] =	ssyncadd.s32 $0xFFFFF980  }
0x1b: {  	[tilespmem:s13], [sflag:$0x2] =	stream.indirect.gather [hbm4b:s4+s11], $0x20, s11, s11, $0xb8;
	[tilespmem:$0x1B500] =	vst v63  }
0x1c: {  	_ =	swait.ge [sflag:s14], $0xD000  }
0x1d: {  	[sflag:s14] =	ssyncset.done $0x0  }
0x1e: {  	s21 =	simm.s32 $0x1020;
	[sflag:s14] =	ssyncadd.s32 $0xFFFF3000  }
0x1f: {  	v0 =	vld [tilespmem:s21+$0xFFFFFD00]  }
0x20: {  	v1 =	vld [tilespmem:s21+$0xFFFFFD10]  }
0x21: {  	v2 =	vld [tilespmem:s21+$0xFFFFFCE0]  }
0x22: {  	v3 =	vld [tilespmem:s21+$0xFFFFFCF0]  }
0x23: {  	v4 =	vld [tilespmem:s21+$0xFFFFFD20]  }
0x24: {  	v5 =	vld [tilespmem:s21+$0xFFFFFD30]  }
0x25: {  	v6 =	vld [tilespmem:s21+$0xFFFFFD40]  }
0x26: {  	v7 =	vld [tilespmem:s21+$0xFFFFFD60];
	v0 =	vadd.f32 v0, v2  }
0x27: {  	v2 =	vld [tilespmem:s21+$0xFFFFFD50]  }
0x28: {  	v59 =	vld [tilespmem:s21+$0xFFFFFD80];
	v1 =	vadd.f32 v1, v3;
	v0 =	vadd.f32 v4, v0  }
0x29: {  	v3 =	vld [tilespmem:s21+$0xFFFFFD70]  }
0x2a: {  	v60 =	vld [tilespmem:s21+$0xFFFFFD90];
	v1 =	vadd.f32 v5, v1;
	v0 =	vadd.f32 v6, v0  }
0x2b: {  	v61 =	vld [tilespmem:s21+$0xFFFFFDA0]  }
0x2c: {  	v62 =	vld [tilespmem:s21+$0xFFFFFDC0];
	v1 =	vadd.f32 v2, v1;
	v0 =	vadd.f32 v7, v0  }
0x2d: {  	v2 =	vld [tilespmem:s21+$0xFFFFFDB0]  }
0x2e: {  	v63 =	vld [tilespmem:s21+$0xFFFFFDE0];
	v1 =	vadd.f32 v3, v1;
	v0 =	vadd.f32 v59, v0  }
0x2f: {  	v3 =	vld [tilespmem:s21+$0xFFFFFDD0]  }
0x30: {  	v9 =	vld [tilespmem:s21+$0xFFFFFDF0];
	v1 =	vadd.f32 v60, v1;
	v0 =	vadd.f32 v61, v0  }
0x31: {  	v10 =	vld [tilespmem:s21+$0xFFFFFE00]  }
0x32: {  	v11 =	vld [tilespmem:s21+$0xFFFFFE20];
	v1 =	vadd.f32 v2, v1;
	v0 =	vadd.f32 v62, v0  }
0x33: {  	v2 =	vld [tilespmem:s21+$0xFFFFFE10]  }
0x34: {  	v12 =	vld [tilespmem:s21+$0xFFFFFE40];
	v1 =	vadd.f32 v3, v1;
	v0 =	vadd.f32 v63, v0  }
0x35: {  	v3 =	vld [tilespmem:s21+$0xFFFFFE30]  }
0x36: {  	v13 =	vld [tilespmem:s21+$0xFFFFFE50];
	v1 =	vadd.f32 v9, v1;
	v0 =	vadd.f32 v10, v0  }
0x37: {  	v14 =	vld [tilespmem:s21+$0xFFFFFE60]  }
0x38: {  	v15 =	vld [tilespmem:s21+$0xFFFFFE80];
	v1 =	vadd.f32 v2, v1;
	v0 =	vadd.f32 v11, v0  }
0x39: {  	v2 =	vld [tilespmem:s21+$0xFFFFFE70]  }
0x3a: {  	v16 =	vld [tilespmem:s21+$0xFFFFFEA0];
	v1 =	vadd.f32 v3, v1;
	v0 =	vadd.f32 v12, v0  }
0x3b: {  	v3 =	vld [tilespmem:s21+$0xFFFFFE90]  }
0x3c: {  	v17 =	vld [tilespmem:s21+$0xFFFFFEB0];
	v1 =	vadd.f32 v13, v1;
	v0 =	vadd.f32 v14, v0  }
0x3d: {  	v18 =	vld [tilespmem:s21+$0xFFFFFEC0]  }
0x3e: {  	v19 =	vld [tilespmem:s21+$0xFFFFFEE0];
	v1 =	vadd.f32 v2, v1;
	v0 =	vadd.f32 v15, v0  }
0x3f: {  	v2 =	vld [tilespmem:s21+$0xFFFFFED0]  }
0x40: {  	v20 =	vld [tilespmem:s21+$0xFFFFFF00];
	v1 =	vadd.f32 v3, v1;
	v0 =	vadd.f32 v16, v0  }
0x41: {  	v3 =	vld [tilespmem:s21+$0xFFFFFEF0]  }
0x42: {  	v21 =	vld [tilespmem:s21+$0xFFFFFF10];
	v1 =	vadd.f32 v17, v1;
	v0 =	vadd.f32 v18, v0  }
0x43: {  	v22 =	vld [tilespmem:s21+$0xFFFFFF20]  }
0x44: {  	v23 =	vld [tilespmem:s21+$0xFFFFFF40];
	v1 =	vadd.f32 v2, v1;
	v0 =	vadd.f32 v19, v0  }
0x45: {  	v2 =	vld [tilespmem:s21+$0xFFFFFF30]  }
0x46: {  	v24 =	vld [tilespmem:s21+$0xFFFFFF60];
	v1 =	vadd.f32 v3, v1;
	v0 =	vadd.f32 v20, v0  }
0x47: {  	v3 =	vld [tilespmem:s21+$0xFFFFFF50]  }
0x48: {  	v25 =	vld [tilespmem:s21+$0xFFFFFF70];
	v1 =	vadd.f32 v21, v1;
	v0 =	vadd.f32 v22, v0  }
0x49: {  	v26 =	vld [tilespmem:s21+$0xFFFFFF80]  }
0x4a: {  	v27 =	vld [tilespmem:s21+$0xFFFFFFA0];
	v1 =	vadd.f32 v2, v1;
	v0 =	vadd.f32 v23, v0  }
0x4b: {  	v2 =	vld [tilespmem:s21+$0xFFFFFF90]  }
0x4c: {  	v28 =	vld [tilespmem:s21+$0xFFFFFFC0];
	v1 =	vadd.f32 v3, v1;
	v0 =	vadd.f32 v24, v0  }
0x4d: {  	v3 =	vld [tilespmem:s21+$0xFFFFFFB0]  }
0x4e: {  	v29 =	vld [tilespmem:s21+$0xFFFFFFD0];
	v1 =	vadd.f32 v25, v1;
	v0 =	vadd.f32 v26, v0  }
0x4f: {  	v30 =	vld [tilespmem:s21+$0xFFFFFFE0]  }
0x50: {  	v31 =	vld [tilespmem:s21+$0x0];
	v1 =	vadd.f32 v2, v1;
	v0 =	vadd.f32 v27, v0  }
0x51: {  	v2 =	vld [tilespmem:s21+$0xFFFFFFF0]  }
0x52: {  	v32 =	vld [tilespmem:s21+$0x20];
	v1 =	vadd.f32 v3, v1;
	v0 =	vadd.f32 v28, v0  }
0x53: {  	v3 =	vld [tilespmem:s21+$0x10]  }
0x54: {  	v33 =	vld [tilespmem:s21+$0x30];
	v1 =	vadd.f32 v29, v1;
	v0 =	vadd.f32 v30, v0  }
0x55: {  	v34 =	vld [tilespmem:s21+$0x40]  }
0x56: {  	v35 =	vld [tilespmem:s21+$0x60];
	v1 =	vadd.f32 v2, v1;
	v0 =	vadd.f32 v31, v0  }
0x57: {  	v2 =	vld [tilespmem:s21+$0x50]  }
0x58: {  	v36 =	vld [tilespmem:s21+$0x80];
	v1 =	vadd.f32 v3, v1;
	v0 =	vadd.f32 v32, v0  }
0x59: {  	v3 =	vld [tilespmem:s21+$0x70]  }
0x5a: {  	v37 =	vld [tilespmem:s21+$0x90];
	v1 =	vadd.f32 v33, v1;
	v0 =	vadd.f32 v34, v0  }
0x5b: {  	v38 =	vld [tilespmem:s21+$0xA0]  }
0x5c: {  	v39 =	vld [tilespmem:s21+$0xC0];
	v1 =	vadd.f32 v2, v1;
	v0 =	vadd.f32 v35, v0  }
0x5d: {  	v2 =	vld [tilespmem:s21+$0xB0]  }
0x5e: {  	v40 =	vld [tilespmem:s21+$0xE0];
	v1 =	vadd.f32 v3, v1;
	v0 =	vadd.f32 v36, v0  }
0x5f: {  	v3 =	vld [tilespmem:s21+$0xD0]  }
0x60: {  	v41 =	vld [tilespmem:s21+$0xF0];
	v1 =	vadd.f32 v37, v1;
	v0 =	vadd.f32 v38, v0  }
0x61: {  	v42 =	vld [tilespmem:s21+$0x100]  }
0x62: {  	v43 =	vld [tilespmem:s21+$0x120];
	v1 =	vadd.f32 v2, v1;
	v0 =	vadd.f32 v39, v0  }
0x63: {  	v2 =	vld [tilespmem:s21+$0x110]  }
0x64: {  	v44 =	vld [tilespmem:s21+$0x140];
	v1 =	vadd.f32 v3, v1;
	v0 =	vadd.f32 v40, v0  }
0x65: {  	v3 =	vld [tilespmem:s21+$0x130]  }
0x66: {  	v45 =	vld [tilespmem:s21+$0x150];
	v1 =	vadd.f32 v41, v1;
	v0 =	vadd.f32 v42, v0  }
0x67: {  	v46 =	vld [tilespmem:s21+$0x160]  }
0x68: {  	v47 =	vld [tilespmem:s21+$0x180];
	v1 =	vadd.f32 v2, v1;
	v0 =	vadd.f32 v43, v0  }
0x69: {  	v2 =	vld [tilespmem:s21+$0x170]  }
0x6a: {  	v48 =	vld [tilespmem:s21+$0x1A0];
	v1 =	vadd.f32 v3, v1;
	v0 =	vadd.f32 v44, v0  }
0x6b: {  	v3 =	vld [tilespmem:s21+$0x190]  }
0x6c: {  	v49 =	vld [tilespmem:s21+$0x1B0];
	v1 =	vadd.f32 v45, v1;
	v0 =	vadd.f32 v46, v0  }
0x6d: {  	v50 =	vld [tilespmem:s21+$0x1C0]  }
0x6e: {  	v51 =	vld [tilespmem:s21+$0x1E0];
	v1 =	vadd.f32 v2, v1;
	v0 =	vadd.f32 v47, v0  }
0x6f: {  	v2 =	vld [tilespmem:s21+$0x1D0]  }
0x70: {  	v52 =	vld [tilespmem:s21+$0x200];
	v1 =	vadd.f32 v3, v1;
	v0 =	vadd.f32 v48, v0  }
0x71: {  	v3 =	vld [tilespmem:s21+$0x1F0]  }
0x72: {  	v53 =	vld [tilespmem:s21+$0x210];
	v1 =	vadd.f32 v49, v1;
	v0 =	vadd.f32 v50, v0  }
0x73: {  	v54 =	vld [tilespmem:s21+$0x220]  }
0x74: {  	v55 =	vld [tilespmem:s21+$0x240];
	v1 =	vadd.f32 v2, v1;
	v0 =	vadd.f32 v51, v0  }
0x75: {  	v2 =	vld [tilespmem:s21+$0x230]  }
0x76: {  	v56 =	vld [tilespmem:s21+$0x260];
	v1 =	vadd.f32 v3, v1;
	v0 =	vadd.f32 v52, v0  }
0x77: {  	v3 =	vld [tilespmem:s21+$0x250]  }
0x78: {  	v57 =	vld [tilespmem:s21+$0x270];
	v1 =	vadd.f32 v53, v1;
	v0 =	vadd.f32 v54, v0  }
0x79: {  	v58 =	vld [tilespmem:s21+$0x280]  }
0x7a: {  	v59 =	vld [tilespmem:s21+$0x2A0];
	v1 =	vadd.f32 v2, v1;
	v0 =	vadd.f32 v55, v0  }
0x7b: {  	v2 =	vld [tilespmem:s21+$0x290]  }
0x7c: {  	v60 =	vld [tilespmem:s21+$0x2C0];
	v1 =	vadd.f32 v3, v1;
	v0 =	vadd.f32 v56, v0  }
0x7d: {  	v3 =	vld [tilespmem:s21+$0x2B0]  }
0x7e: {  	v61 =	vld [tilespmem:s21+$0x2D0];
	v1 =	vadd.f32 v57, v1;
	v0 =	vadd.f32 v58, v0  }
0x7f: {  	v62 =	vld [tilespmem:s21+$0x2E0]  }
0x80: {  	v63 =	vld [tilespmem:s21+$0x300];
	v1 =	vadd.f32 v2, v1;
	v0 =	vadd.f32 v59, v0  }
0x81: {  	v2 =	vld [tilespmem:s21+$0x2F0]  }
0x82: {  	v1 =	vadd.f32 v3, v1;
	v0 =	vadd.f32 v60, v0  }
0x83: {  	v3 =	vld [tilespmem:s21+$0x310]  }
0x84: {  	v1 =	vadd.f32 v61, v1;
	v0 =	vadd.f32 v62, v0;
	_ =	sdelay $0x1  }
0x85: {  	v1 =	vadd.f32 v2, v1;
	v0 =	vadd.f32 v63, v0;
	_ =	sdelay $0x1  }
0x86: {  	v1 =	vadd.f32 v3, v1;
	v2 =	vmul.f32 $1.999999960e-02, v0  }
0x87: {  	s24 =	simm.s32 $0x0  }
0x88: {  	s23 =	simm.s32 $0x80;
	s22 =	sshll.u32 s20, $0x1;
	v0 =	vmul.f32 $1.999999960e-02, v1;
	[tilespmem:s24+$0x1AD00] =	vst v2  }
.LBB2_3:
0x89: {  	p0 =	sne.s32 s23, $0xF80  }
0x8a: {  	[tilespmem:s24+$0x1AD10] =	vst v0;
	s21 =	sadd.s32 $0x640, s21;
	s24 =	smov.u32 s23;
	s23 =	sadd.s32 $0x80, s23  }
0x8b: {  	v0 =	vld [tilespmem:s21+$0xFFFFFD00]  }
0x8c: {  	v1 =	vld [tilespmem:s21+$0xFFFFFD10]  }
0x8d: {  	v2 =	vld [tilespmem:s21+$0xFFFFFCE0]  }
0x8e: {  	v3 =	vld [tilespmem:s21+$0xFFFFFCF0]  }
0x8f: {  	v4 =	vld [tilespmem:s21+$0xFFFFFD20]  }
0x90: {  	v5 =	vld [tilespmem:s21+$0xFFFFFD30]  }
0x91: {  	v6 =	vld [tilespmem:s21+$0xFFFFFD40]  }
0x92: {  	v0 =	vadd.f32 v0, v2;
	v2 =	vld [tilespmem:s21+$0xFFFFFD50]  }
0x93: {  	v1 =	vadd.f32 v1, v3;
	v3 =	vld [tilespmem:s21+$0xFFFFFD60]  }
0x94: {  	v0 =	vadd.f32 v4, v0;
	v4 =	vld [tilespmem:s21+$0xFFFFFD70]  }
0x95: {  	v1 =	vadd.f32 v5, v1;
	v5 =	vld [tilespmem:s21+$0xFFFFFD80]  }
0x96: {  	v0 =	vadd.f32 v6, v0;
	v6 =	vld [tilespmem:s21+$0xFFFFFD90]  }
0x97: {  	v1 =	vadd.f32 v2, v1;
	v2 =	vld [tilespmem:s21+$0xFFFFFDA0]  }
0x98: {  	v0 =	vadd.f32 v3, v0;
	v3 =	vld [tilespmem:s21+$0xFFFFFDB0]  }
0x99: {  	v1 =	vadd.f32 v4, v1;
	v4 =	vld [tilespmem:s21+$0xFFFFFDC0]  }
0x9a: {  	v0 =	vadd.f32 v5, v0;
	v5 =	vld [tilespmem:s21+$0xFFFFFDD0]  }
0x9b: {  	v1 =	vadd.f32 v6, v1;
	v6 =	vld [tilespmem:s21+$0xFFFFFDE0]  }
0x9c: {  	v0 =	vadd.f32 v2, v0;
	v2 =	vld [tilespmem:s21+$0xFFFFFDF0]  }
0x9d: {  	v1 =	vadd.f32 v3, v1;
	v3 =	vld [tilespmem:s21+$0xFFFFFE00]  }
0x9e: {  	v0 =	vadd.f32 v4, v0;
	v4 =	vld [tilespmem:s21+$0xFFFFFE10]  }
0x9f: {  	v1 =	vadd.f32 v5, v1;
	v5 =	vld [tilespmem:s21+$0xFFFFFE20]  }
0xa0: {  	v0 =	vadd.f32 v6, v0;
	v6 =	vld [tilespmem:s21+$0xFFFFFE30]  }
0xa1: {  	v1 =	vadd.f32 v2, v1;
	v2 =	vld [tilespmem:s21+$0xFFFFFE40]  }
0xa2: {  	v0 =	vadd.f32 v3, v0;
	v3 =	vld [tilespmem:s21+$0xFFFFFE50]  }
0xa3: {  	v1 =	vadd.f32 v4, v1;
	v4 =	vld [tilespmem:s21+$0xFFFFFE60]  }
0xa4: {  	v0 =	vadd.f32 v5, v0;
	v5 =	vld [tilespmem:s21+$0xFFFFFE70]  }
0xa5: {  	v1 =	vadd.f32 v6, v1;
	v6 =	vld [tilespmem:s21+$0xFFFFFE80]  }
0xa6: {  	v0 =	vadd.f32 v2, v0;
	v2 =	vld [tilespmem:s21+$0xFFFFFE90]  }
0xa7: {  	v1 =	vadd.f32 v3, v1;
	v3 =	vld [tilespmem:s21+$0xFFFFFEA0]  }
0xa8: {  	v0 =	vadd.f32 v4, v0;
	v4 =	vld [tilespmem:s21+$0xFFFFFEB0]  }
0xa9: {  	v1 =	vadd.f32 v5, v1;
	v5 =	vld [tilespmem:s21+$0xFFFFFEC0]  }
0xaa: {  	v0 =	vadd.f32 v6, v0;
	v6 =	vld [tilespmem:s21+$0xFFFFFED0]  }
0xab: {  	v1 =	vadd.f32 v2, v1;
	v2 =	vld [tilespmem:s21+$0xFFFFFEE0]  }
0xac: {  	v0 =	vadd.f32 v3, v0;
	v3 =	vld [tilespmem:s21+$0xFFFFFEF0]  }
0xad: {  	v1 =	vadd.f32 v4, v1;
	v4 =	vld [tilespmem:s21+$0xFFFFFF00]  }
0xae: {  	v0 =	vadd.f32 v5, v0;
	v5 =	vld [tilespmem:s21+$0xFFFFFF10]  }
0xaf: {  	v1 =	vadd.f32 v6, v1;
	v6 =	vld [tilespmem:s21+$0xFFFFFF20]  }
0xb0: {  	v0 =	vadd.f32 v2, v0;
	v2 =	vld [tilespmem:s21+$0xFFFFFF30]  }
0xb1: {  	v1 =	vadd.f32 v3, v1;
	v3 =	vld [tilespmem:s21+$0xFFFFFF40]  }
0xb2: {  	v0 =	vadd.f32 v4, v0;
	v4 =	vld [tilespmem:s21+$0xFFFFFF50]  }
0xb3: {  	v1 =	vadd.f32 v5, v1;
	v5 =	vld [tilespmem:s21+$0xFFFFFF60]  }
0xb4: {  	v0 =	vadd.f32 v6, v0;
	v6 =	vld [tilespmem:s21+$0xFFFFFF70]  }
0xb5: {  	v1 =	vadd.f32 v2, v1;
	v2 =	vld [tilespmem:s21+$0xFFFFFF80]  }
0xb6: {  	v0 =	vadd.f32 v3, v0;
	v3 =	vld [tilespmem:s21+$0xFFFFFF90]  }
0xb7: {  	v1 =	vadd.f32 v4, v1;
	v4 =	vld [tilespmem:s21+$0xFFFFFFA0]  }
0xb8: {  	v0 =	vadd.f32 v5, v0;
	v5 =	vld [tilespmem:s21+$0xFFFFFFB0]  }
0xb9: {  	v1 =	vadd.f32 v6, v1;
	v6 =	vld [tilespmem:s21+$0xFFFFFFC0]  }
0xba: {  	v0 =	vadd.f32 v2, v0;
	v2 =	vld [tilespmem:s21+$0xFFFFFFD0]  }
0xbb: {  	v1 =	vadd.f32 v3, v1;
	v3 =	vld [tilespmem:s21+$0xFFFFFFE0]  }
0xbc: {  	v0 =	vadd.f32 v4, v0;
	v4 =	vld [tilespmem:s21+$0xFFFFFFF0]  }
0xbd: {  	v1 =	vadd.f32 v5, v1;
	v5 =	vld [tilespmem:s21+$0x0]  }
0xbe: {  	v0 =	vadd.f32 v6, v0;
	v6 =	vld [tilespmem:s21+$0x10]  }
0xbf: {  	v1 =	vadd.f32 v2, v1;
	v2 =	vld [tilespmem:s21+$0x20]  }
0xc0: {  	v0 =	vadd.f32 v3, v0;
	v3 =	vld [tilespmem:s21+$0x30]  }
0xc1: {  	v1 =	vadd.f32 v4, v1;
	v4 =	vld [tilespmem:s21+$0x40]  }
0xc2: {  	v0 =	vadd.f32 v5, v0;
	v5 =	vld [tilespmem:s21+$0x50]  }
0xc3: {  	v1 =	vadd.f32 v6, v1;
	v6 =	vld [tilespmem:s21+$0x60]  }
0xc4: {  	v0 =	vadd.f32 v2, v0;
	v2 =	vld [tilespmem:s21+$0x70]  }
0xc5: {  	v1 =	vadd.f32 v3, v1;
	v3 =	vld [tilespmem:s21+$0x80]  }
0xc6: {  	v0 =	vadd.f32 v4, v0;
	v4 =	vld [tilespmem:s21+$0x90]  }
0xc7: {  	v1 =	vadd.f32 v5, v1;
	v5 =	vld [tilespmem:s21+$0xA0]  }
0xc8: {  	v0 =	vadd.f32 v6, v0;
	v6 =	vld [tilespmem:s21+$0xB0]  }
0xc9: {  	v1 =	vadd.f32 v2, v1;
	v2 =	vld [tilespmem:s21+$0xC0]  }
0xca: {  	v0 =	vadd.f32 v3, v0;
	v3 =	vld [tilespmem:s21+$0xD0]  }
0xcb: {  	v1 =	vadd.f32 v4, v1;
	v4 =	vld [tilespmem:s21+$0xE0]  }
0xcc: {  	v0 =	vadd.f32 v5, v0;
	v5 =	vld [tilespmem:s21+$0xF0]  }
0xcd: {  	v1 =	vadd.f32 v6, v1;
	v6 =	vld [tilespmem:s21+$0x100]  }
0xce: {  	v0 =	vadd.f32 v2, v0;
	v2 =	vld [tilespmem:s21+$0x110]  }
0xcf: {  	v1 =	vadd.f32 v3, v1;
	v3 =	vld [tilespmem:s21+$0x120]  }
0xd0: {  	v0 =	vadd.f32 v4, v0;
	v4 =	vld [tilespmem:s21+$0x130]  }
0xd1: {  	v1 =	vadd.f32 v5, v1;
	v5 =	vld [tilespmem:s21+$0x140]  }
0xd2: {  	v0 =	vadd.f32 v6, v0;
	v6 =	vld [tilespmem:s21+$0x150]  }
0xd3: {  	v1 =	vadd.f32 v2, v1;
	v2 =	vld [tilespmem:s21+$0x160]  }
0xd4: {  	v0 =	vadd.f32 v3, v0;
	v3 =	vld [tilespmem:s21+$0x170]  }
0xd5: {  	v1 =	vadd.f32 v4, v1;
	v4 =	vld [tilespmem:s21+$0x180]  }
0xd6: {  	v0 =	vadd.f32 v5, v0;
	v5 =	vld [tilespmem:s21+$0x190]  }
0xd7: {  	v1 =	vadd.f32 v6, v1;
	v6 =	vld [tilespmem:s21+$0x1A0]  }
0xd8: {  	v0 =	vadd.f32 v2, v0;
	v2 =	vld [tilespmem:s21+$0x1B0]  }
0xd9: {  	v1 =	vadd.f32 v3, v1;
	v3 =	vld [tilespmem:s21+$0x1C0]  }
0xda: {  	v0 =	vadd.f32 v4, v0;
	v4 =	vld [tilespmem:s21+$0x1D0]  }
0xdb: {  	v1 =	vadd.f32 v5, v1;
	v5 =	vld [tilespmem:s21+$0x1E0]  }
0xdc: {  	v0 =	vadd.f32 v6, v0;
	v6 =	vld [tilespmem:s21+$0x1F0]  }
0xdd: {  	v1 =	vadd.f32 v2, v1;
	v2 =	vld [tilespmem:s21+$0x200]  }
0xde: {  	v0 =	vadd.f32 v3, v0;
	v3 =	vld [tilespmem:s21+$0x210]  }
0xdf: {  	v1 =	vadd.f32 v4, v1;
	v4 =	vld [tilespmem:s21+$0x220]  }
0xe0: {  	v0 =	vadd.f32 v5, v0;
	v5 =	vld [tilespmem:s21+$0x230]  }
0xe1: {  	v1 =	vadd.f32 v6, v1;
	v6 =	vld [tilespmem:s21+$0x240]  }
0xe2: {  	v0 =	vadd.f32 v2, v0;
	v2 =	vld [tilespmem:s21+$0x250]  }
0xe3: {  	v1 =	vadd.f32 v3, v1;
	v3 =	vld [tilespmem:s21+$0x260]  }
0xe4: {  	v0 =	vadd.f32 v4, v0;
	v4 =	vld [tilespmem:s21+$0x270]  }
0xe5: {  	v1 =	vadd.f32 v5, v1;
	v5 =	vld [tilespmem:s21+$0x280]  }
0xe6: {  	v0 =	vadd.f32 v6, v0;
	v6 =	vld [tilespmem:s21+$0x290]  }
0xe7: {  	v1 =	vadd.f32 v2, v1;
	v2 =	vld [tilespmem:s21+$0x2A0]  }
0xe8: {  	v0 =	vadd.f32 v3, v0;
	v3 =	vld [tilespmem:s21+$0x2B0]  }
0xe9: {  	v1 =	vadd.f32 v4, v1;
	v4 =	vld [tilespmem:s21+$0x2C0]  }
0xea: {  	v0 =	vadd.f32 v5, v0;
	v5 =	vld [tilespmem:s21+$0x2D0]  }
0xeb: {  	v1 =	vadd.f32 v6, v1;
	v6 =	vld [tilespmem:s21+$0x2E0]  }
0xec: {  	v0 =	vadd.f32 v2, v0;
	v2 =	vld [tilespmem:s21+$0x2F0]  }
0xed: {  	v1 =	vadd.f32 v3, v1;
	v3 =	vld [tilespmem:s21+$0x300]  }
0xee: {  	v0 =	vadd.f32 v4, v0;
	v4 =	vld [tilespmem:s21+$0x310]  }
0xef: {  	v1 =	vadd.f32 v5, v1  }
0xf0: {  	v0 =	vadd.f32 v6, v0  }
0xf1: {  	v1 =	vadd.f32 v2, v1  }
.Ltmp0:
0xf2: {  	v0 =	vadd.f32 v3, v0;
	(pc) =	sbr.rel @p0 .LBB2_3-.Ltmp0, $4  }
0xf3: {  	v1 =	vadd.f32 v4, v1  }
0xf4: {  	v2 =	vmul.f32 $1.999999960e-02, v0  }
0xf5: {  	s24 =	sshra.s32 s24, $0x2;
	v0 =	vmul.f32 $1.999999960e-02, v1  }
0xf6: {  	[tilespmem:s24+$0x1AD00] =	vst v2  }
0xf7: {  	s21 =	sshll.u32 s20, $0x8  }
0xf8: {  	[tilespmem:s24+$0x1AD10] =	vst v0;
	p0 =	seq.s32 s20, $0x7;
	s21 =	sadd.s32 s21, s7  }
0xf9: {  	[hbm4b:s21+s2] =	stream.linear.scatter [tilespmem:s15], [sflag:$0x3], $0x400, $0x38;
	[tilespmem:$0x1B500] =	vst v63  }
0xfa: {  	s21 =	sadd.s32 @!p0 s22, s8  }
0xfb: {  	_ =	swait.ge [sflag:s10], $0x400;
	s21 =	smul.u32 @!p0 $0xD0, s21  }
0xfc: {  	[sflag:s10] =	ssyncset.done $0x0  }
0xfd: {  	s22 =	simm.s32 @!p0 $0x0;
	[sflag:s10] =	ssyncadd.s32 $0xFFFFFC00;
	s21 =	sadd.s32 @!p0 s3, s21  }
0xfe: {  	[tilespmem:s22], [sflag:$0x3] =	stream.linear.gather @!p0 [hbm4b:s21+s22], $0x680, $0x38;
	[tilespmem:$0x1B500] =	vst v63  }
0xff: {  	s21 =	simm.s32 @!p0 $0x3  }
0x100: {  	_ =	swait.ge @!p0 [sflag:s21], $0x680  }
0x101: {  	[sflag:s21] =	ssyncset.done @!p0 $0x0  }
0x102: {  	s23 =	simm.s32 @!p0 $0xD00;
	[sflag:s21] =	ssyncadd.s32 @!p0 $0xFFFFF980;
	s21 =	simm.s32 @!p0 $0x680  }
0x103: {  	[tilespmem:s23], [sflag:$0x1] =	stream.indirect.gather @!p0 [hbm4b:s4+s21], $0x20, s22, s21, $0xb8;
	[tilespmem:$0x1B500] =	vst v63  }
0x104: {  	_ =	swait.ge [sflag:s16], $0xD000  }
0x105: {  	[sflag:s16] =	ssyncset.done $0x0  }
0x106: {  	s21 =	simm.s32 $0xE020;
	[sflag:s16] =	ssyncadd.s32 $0xFFFF3000  }
0x107: {  	v0 =	vld [tilespmem:s21+$0xFFFFFD00]  }
0x108: {  	v1 =	vld [tilespmem:s21+$0xFFFFFD10]  }
0x109: {  	v2 =	vld [tilespmem:s21+$0xFFFFFCE0]  }
0x10a: {  	v3 =	vld [tilespmem:s21+$0xFFFFFCF0]  }
0x10b: {  	v4 =	vld [tilespmem:s21+$0xFFFFFD20]  }
0x10c: {  	v5 =	vld [tilespmem:s21+$0xFFFFFD30]  }
0x10d: {  	v6 =	vld [tilespmem:s21+$0xFFFFFD40]  }
0x10e: {  	v7 =	vld [tilespmem:s21+$0xFFFFFD60];
	v0 =	vadd.f32 v0, v2  }
0x10f: {  	v2 =	vld [tilespmem:s21+$0xFFFFFD50]  }
0x110: {  	v59 =	vld [tilespmem:s21+$0xFFFFFD80];
	v1 =	vadd.f32 v1, v3;
	v0 =	vadd.f32 v4, v0  }
0x111: {  	v3 =	vld [tilespmem:s21+$0xFFFFFD70]  }
0x112: {  	v60 =	vld [tilespmem:s21+$0xFFFFFD90];
	v1 =	vadd.f32 v5, v1;
	v0 =	vadd.f32 v6, v0  }
0x113: {  	v61 =	vld [tilespmem:s21+$0xFFFFFDA0]  }
0x114: {  	v62 =	vld [tilespmem:s21+$0xFFFFFDC0];
	v1 =	vadd.f32 v2, v1;
	v0 =	vadd.f32 v7, v0  }
0x115: {  	v2 =	vld [tilespmem:s21+$0xFFFFFDB0]  }
0x116: {  	v63 =	vld [tilespmem:s21+$0xFFFFFDE0];
	v1 =	vadd.f32 v3, v1;
	v0 =	vadd.f32 v59, v0  }
0x117: {  	v3 =	vld [tilespmem:s21+$0xFFFFFDD0]  }
0x118: {  	v9 =	vld [tilespmem:s21+$0xFFFFFDF0];
	v1 =	vadd.f32 v60, v1;
	v0 =	vadd.f32 v61, v0  }
0x119: {  	v10 =	vld [tilespmem:s21+$0xFFFFFE00]  }
0x11a: {  	v11 =	vld [tilespmem:s21+$0xFFFFFE20];
	v1 =	vadd.f32 v2, v1;
	v0 =	vadd.f32 v62, v0  }
0x11b: {  	v2 =	vld [tilespmem:s21+$0xFFFFFE10]  }
0x11c: {  	v12 =	vld [tilespmem:s21+$0xFFFFFE40];
	v1 =	vadd.f32 v3, v1;
	v0 =	vadd.f32 v63, v0  }
0x11d: {  	v3 =	vld [tilespmem:s21+$0xFFFFFE30]  }
0x11e: {  	v13 =	vld [tilespmem:s21+$0xFFFFFE50];
	v1 =	vadd.f32 v9, v1;
	v0 =	vadd.f32 v10, v0  }
0x11f: {  	v14 =	vld [tilespmem:s21+$0xFFFFFE60]  }
0x120: {  	v15 =	vld [tilespmem:s21+$0xFFFFFE80];
	v1 =	vadd.f32 v2, v1;
	v0 =	vadd.f32 v11, v0  }
0x121: {  	v2 =	vld [tilespmem:s21+$0xFFFFFE70]  }
0x122: {  	v16 =	vld [tilespmem:s21+$0xFFFFFEA0];
	v1 =	vadd.f32 v3, v1;
	v0 =	vadd.f32 v12, v0  }
0x123: {  	v3 =	vld [tilespmem:s21+$0xFFFFFE90]  }
0x124: {  	v17 =	vld [tilespmem:s21+$0xFFFFFEB0];
	v1 =	vadd.f32 v13, v1;
	v0 =	vadd.f32 v14, v0  }
0x125: {  	v18 =	vld [tilespmem:s21+$0xFFFFFEC0]  }
0x126: {  	v19 =	vld [tilespmem:s21+$0xFFFFFEE0];
	v1 =	vadd.f32 v2, v1;
	v0 =	vadd.f32 v15, v0  }
0x127: {  	v2 =	vld [tilespmem:s21+$0xFFFFFED0]  }
0x128: {  	v20 =	vld [tilespmem:s21+$0xFFFFFF00];
	v1 =	vadd.f32 v3, v1;
	v0 =	vadd.f32 v16, v0  }
0x129: {  	v3 =	vld [tilespmem:s21+$0xFFFFFEF0]  }
0x12a: {  	v21 =	vld [tilespmem:s21+$0xFFFFFF10];
	v1 =	vadd.f32 v17, v1;
	v0 =	vadd.f32 v18, v0  }
0x12b: {  	v22 =	vld [tilespmem:s21+$0xFFFFFF20]  }
0x12c: {  	v23 =	vld [tilespmem:s21+$0xFFFFFF40];
	v1 =	vadd.f32 v2, v1;
	v0 =	vadd.f32 v19, v0  }
0x12d: {  	v2 =	vld [tilespmem:s21+$0xFFFFFF30]  }
0x12e: {  	v24 =	vld [tilespmem:s21+$0xFFFFFF60];
	v1 =	vadd.f32 v3, v1;
	v0 =	vadd.f32 v20, v0  }
0x12f: {  	v3 =	vld [tilespmem:s21+$0xFFFFFF50]  }
0x130: {  	v25 =	vld [tilespmem:s21+$0xFFFFFF70];
	v1 =	vadd.f32 v21, v1;
	v0 =	vadd.f32 v22, v0  }
0x131: {  	v26 =	vld [tilespmem:s21+$0xFFFFFF80]  }
0x132: {  	v27 =	vld [tilespmem:s21+$0xFFFFFFA0];
	v1 =	vadd.f32 v2, v1;
	v0 =	vadd.f32 v23, v0  }
0x133: {  	v2 =	vld [tilespmem:s21+$0xFFFFFF90]  }
0x134: {  	v28 =	vld [tilespmem:s21+$0xFFFFFFC0];
	v1 =	vadd.f32 v3, v1;
	v0 =	vadd.f32 v24, v0  }
0x135: {  	v3 =	vld [tilespmem:s21+$0xFFFFFFB0]  }
0x136: {  	v29 =	vld [tilespmem:s21+$0xFFFFFFD0];
	v1 =	vadd.f32 v25, v1;
	v0 =	vadd.f32 v26, v0  }
0x137: {  	v30 =	vld [tilespmem:s21+$0xFFFFFFE0]  }
0x138: {  	v31 =	vld [tilespmem:s21+$0x0];
	v1 =	vadd.f32 v2, v1;
	v0 =	vadd.f32 v27, v0  }
0x139: {  	v2 =	vld [tilespmem:s21+$0xFFFFFFF0]  }
0x13a: {  	v32 =	vld [tilespmem:s21+$0x20];
	v1 =	vadd.f32 v3, v1;
	v0 =	vadd.f32 v28, v0  }
0x13b: {  	v3 =	vld [tilespmem:s21+$0x10]  }
0x13c: {  	v33 =	vld [tilespmem:s21+$0x30];
	v1 =	vadd.f32 v29, v1;
	v0 =	vadd.f32 v30, v0  }
0x13d: {  	v34 =	vld [tilespmem:s21+$0x40]  }
0x13e: {  	v35 =	vld [tilespmem:s21+$0x60];
	v1 =	vadd.f32 v2, v1;
	v0 =	vadd.f32 v31, v0  }
0x13f: {  	v2 =	vld [tilespmem:s21+$0x50]  }
0x140: {  	v36 =	vld [tilespmem:s21+$0x80];
	v1 =	vadd.f32 v3, v1;
	v0 =	vadd.f32 v32, v0  }
0x141: {  	v3 =	vld [tilespmem:s21+$0x70]  }
0x142: {  	v37 =	vld [tilespmem:s21+$0x90];
	v1 =	vadd.f32 v33, v1;
	v0 =	vadd.f32 v34, v0  }
0x143: {  	v38 =	vld [tilespmem:s21+$0xA0]  }
0x144: {  	v39 =	vld [tilespmem:s21+$0xC0];
	v1 =	vadd.f32 v2, v1;
	v0 =	vadd.f32 v35, v0  }
0x145: {  	v2 =	vld [tilespmem:s21+$0xB0]  }
0x146: {  	v40 =	vld [tilespmem:s21+$0xE0];
	v1 =	vadd.f32 v3, v1;
	v0 =	vadd.f32 v36, v0  }
0x147: {  	v3 =	vld [tilespmem:s21+$0xD0]  }
0x148: {  	v41 =	vld [tilespmem:s21+$0xF0];
	v1 =	vadd.f32 v37, v1;
	v0 =	vadd.f32 v38, v0  }
0x149: {  	v42 =	vld [tilespmem:s21+$0x100]  }
0x14a: {  	v43 =	vld [tilespmem:s21+$0x120];
	v1 =	vadd.f32 v2, v1;
	v0 =	vadd.f32 v39, v0  }
0x14b: {  	v2 =	vld [tilespmem:s21+$0x110]  }
0x14c: {  	v44 =	vld [tilespmem:s21+$0x140];
	v1 =	vadd.f32 v3, v1;
	v0 =	vadd.f32 v40, v0  }
0x14d: {  	v3 =	vld [tilespmem:s21+$0x130]  }
0x14e: {  	v45 =	vld [tilespmem:s21+$0x150];
	v1 =	vadd.f32 v41, v1;
	v0 =	vadd.f32 v42, v0  }
0x14f: {  	v46 =	vld [tilespmem:s21+$0x160]  }
0x150: {  	v47 =	vld [tilespmem:s21+$0x180];
	v1 =	vadd.f32 v2, v1;
	v0 =	vadd.f32 v43, v0  }
0x151: {  	v2 =	vld [tilespmem:s21+$0x170]  }
0x152: {  	v48 =	vld [tilespmem:s21+$0x1A0];
	v1 =	vadd.f32 v3, v1;
	v0 =	vadd.f32 v44, v0  }
0x153: {  	v3 =	vld [tilespmem:s21+$0x190]  }
0x154: {  	v49 =	vld [tilespmem:s21+$0x1B0];
	v1 =	vadd.f32 v45, v1;
	v0 =	vadd.f32 v46, v0  }
0x155: {  	v50 =	vld [tilespmem:s21+$0x1C0]  }
0x156: {  	v51 =	vld [tilespmem:s21+$0x1E0];
	v1 =	vadd.f32 v2, v1;
	v0 =	vadd.f32 v47, v0  }
0x157: {  	v2 =	vld [tilespmem:s21+$0x1D0]  }
0x158: {  	v52 =	vld [tilespmem:s21+$0x200];
	v1 =	vadd.f32 v3, v1;
	v0 =	vadd.f32 v48, v0  }
0x159: {  	v3 =	vld [tilespmem:s21+$0x1F0]  }
0x15a: {  	v53 =	vld [tilespmem:s21+$0x210];
	v1 =	vadd.f32 v49, v1;
	v0 =	vadd.f32 v50, v0  }
0x15b: {  	v54 =	vld [tilespmem:s21+$0x220]  }
0x15c: {  	v55 =	vld [tilespmem:s21+$0x240];
	v1 =	vadd.f32 v2, v1;
	v0 =	vadd.f32 v51, v0  }
0x15d: {  	v2 =	vld [tilespmem:s21+$0x230]  }
0x15e: {  	v56 =	vld [tilespmem:s21+$0x260];
	v1 =	vadd.f32 v3, v1;
	v0 =	vadd.f32 v52, v0  }
0x15f: {  	v3 =	vld [tilespmem:s21+$0x250]  }
0x160: {  	v57 =	vld [tilespmem:s21+$0x270];
	v1 =	vadd.f32 v53, v1;
	v0 =	vadd.f32 v54, v0  }
0x161: {  	v58 =	vld [tilespmem:s21+$0x280]  }
0x162: {  	v59 =	vld [tilespmem:s21+$0x2A0];
	v1 =	vadd.f32 v2, v1;
	v0 =	vadd.f32 v55, v0  }
0x163: {  	v2 =	vld [tilespmem:s21+$0x290]  }
0x164: {  	v60 =	vld [tilespmem:s21+$0x2C0];
	v1 =	vadd.f32 v3, v1;
	v0 =	vadd.f32 v56, v0  }
0x165: {  	v3 =	vld [tilespmem:s21+$0x2B0]  }
0x166: {  	v61 =	vld [tilespmem:s21+$0x2D0];
	v1 =	vadd.f32 v57, v1;
	v0 =	vadd.f32 v58, v0  }
0x167: {  	v62 =	vld [tilespmem:s21+$0x2E0]  }
0x168: {  	v63 =	vld [tilespmem:s21+$0x300];
	v1 =	vadd.f32 v2, v1;
	v0 =	vadd.f32 v59, v0  }
0x169: {  	v2 =	vld [tilespmem:s21+$0x2F0]  }
0x16a: {  	v1 =	vadd.f32 v3, v1;
	v0 =	vadd.f32 v60, v0  }
0x16b: {  	v3 =	vld [tilespmem:s21+$0x310]  }
0x16c: {  	v1 =	vadd.f32 v61, v1;
	v0 =	vadd.f32 v62, v0;
	_ =	sdelay $0x1  }
0x16d: {  	v1 =	vadd.f32 v2, v1;
	v0 =	vadd.f32 v63, v0;
	_ =	sdelay $0x1  }
0x16e: {  	v1 =	vadd.f32 v3, v1;
	v2 =	vmul.f32 $1.999999960e-02, v0  }
0x16f: {  	s23 =	simm.s32 $0x0  }
0x170: {  	s20 =	sadd.s32 $0x1, s20;
	s22 =	simm.s32 $0x80;
	v0 =	vmul.f32 $1.999999960e-02, v1;
	[tilespmem:s23+$0x1B100] =	vst v2  }
.LBB2_5:
0x171: {  	p0 =	sne.s32 s22, $0xF80  }
0x172: {  	[tilespmem:s23+$0x1B110] =	vst v0;
	s21 =	sadd.s32 $0x640, s21;
	s23 =	smov.u32 s22;
	s22 =	sadd.s32 $0x80, s22  }
0x173: {  	v0 =	vld [tilespmem:s21+$0xFFFFFD00]  }
0x174: {  	v1 =	vld [tilespmem:s21+$0xFFFFFD10]  }
0x175: {  	v2 =	vld [tilespmem:s21+$0xFFFFFCE0]  }
0x176: {  	v3 =	vld [tilespmem:s21+$0xFFFFFCF0]  }
0x177: {  	v4 =	vld [tilespmem:s21+$0xFFFFFD20]  }
0x178: {  	v5 =	vld [tilespmem:s21+$0xFFFFFD30]  }
0x179: {  	v6 =	vld [tilespmem:s21+$0xFFFFFD40]  }
0x17a: {  	v0 =	vadd.f32 v0, v2;
	v2 =	vld [tilespmem:s21+$0xFFFFFD50]  }
0x17b: {  	v1 =	vadd.f32 v1, v3;
	v3 =	vld [tilespmem:s21+$0xFFFFFD60]  }
0x17c: {  	v0 =	vadd.f32 v4, v0;
	v4 =	vld [tilespmem:s21+$0xFFFFFD70]  }
0x17d: {  	v1 =	vadd.f32 v5, v1;
	v5 =	vld [tilespmem:s21+$0xFFFFFD80]  }
0x17e: {  	v0 =	vadd.f32 v6, v0;
	v6 =	vld [tilespmem:s21+$0xFFFFFD90]  }
0x17f: {  	v1 =	vadd.f32 v2, v1;
	v2 =	vld [tilespmem:s21+$0xFFFFFDA0]  }
0x180: {  	v0 =	vadd.f32 v3, v0;
	v3 =	vld [tilespmem:s21+$0xFFFFFDB0]  }
0x181: {  	v1 =	vadd.f32 v4, v1;
	v4 =	vld [tilespmem:s21+$0xFFFFFDC0]  }
0x182: {  	v0 =	vadd.f32 v5, v0;
	v5 =	vld [tilespmem:s21+$0xFFFFFDD0]  }
0x183: {  	v1 =	vadd.f32 v6, v1;
	v6 =	vld [tilespmem:s21+$0xFFFFFDE0]  }
0x184: {  	v0 =	vadd.f32 v2, v0;
	v2 =	vld [tilespmem:s21+$0xFFFFFDF0]  }
0x185: {  	v1 =	vadd.f32 v3, v1;
	v3 =	vld [tilespmem:s21+$0xFFFFFE00]  }
0x186: {  	v0 =	vadd.f32 v4, v0;
	v4 =	vld [tilespmem:s21+$0xFFFFFE10]  }
0x187: {  	v1 =	vadd.f32 v5, v1;
	v5 =	vld [tilespmem:s21+$0xFFFFFE20]  }
0x188: {  	v0 =	vadd.f32 v6, v0;
	v6 =	vld [tilespmem:s21+$0xFFFFFE30]  }
0x189: {  	v1 =	vadd.f32 v2, v1;
	v2 =	vld [tilespmem:s21+$0xFFFFFE40]  }
0x18a: {  	v0 =	vadd.f32 v3, v0;
	v3 =	vld [tilespmem:s21+$0xFFFFFE50]  }
0x18b: {  	v1 =	vadd.f32 v4, v1;
	v4 =	vld [tilespmem:s21+$0xFFFFFE60]  }
0x18c: {  	v0 =	vadd.f32 v5, v0;
	v5 =	vld [tilespmem:s21+$0xFFFFFE70]  }
0x18d: {  	v1 =	vadd.f32 v6, v1;
	v6 =	vld [tilespmem:s21+$0xFFFFFE80]  }
0x18e: {  	v0 =	vadd.f32 v2, v0;
	v2 =	vld [tilespmem:s21+$0xFFFFFE90]  }
0x18f: {  	v1 =	vadd.f32 v3, v1;
	v3 =	vld [tilespmem:s21+$0xFFFFFEA0]  }
0x190: {  	v0 =	vadd.f32 v4, v0;
	v4 =	vld [tilespmem:s21+$0xFFFFFEB0]  }
0x191: {  	v1 =	vadd.f32 v5, v1;
	v5 =	vld [tilespmem:s21+$0xFFFFFEC0]  }
0x192: {  	v0 =	vadd.f32 v6, v0;
	v6 =	vld [tilespmem:s21+$0xFFFFFED0]  }
0x193: {  	v1 =	vadd.f32 v2, v1;
	v2 =	vld [tilespmem:s21+$0xFFFFFEE0]  }
0x194: {  	v0 =	vadd.f32 v3, v0;
	v3 =	vld [tilespmem:s21+$0xFFFFFEF0]  }
0x195: {  	v1 =	vadd.f32 v4, v1;
	v4 =	vld [tilespmem:s21+$0xFFFFFF00]  }
0x196: {  	v0 =	vadd.f32 v5, v0;
	v5 =	vld [tilespmem:s21+$0xFFFFFF10]  }
0x197: {  	v1 =	vadd.f32 v6, v1;
	v6 =	vld [tilespmem:s21+$0xFFFFFF20]  }
0x198: {  	v0 =	vadd.f32 v2, v0;
	v2 =	vld [tilespmem:s21+$0xFFFFFF30]  }
0x199: {  	v1 =	vadd.f32 v3, v1;
	v3 =	vld [tilespmem:s21+$0xFFFFFF40]  }
0x19a: {  	v0 =	vadd.f32 v4, v0;
	v4 =	vld [tilespmem:s21+$0xFFFFFF50]  }
0x19b: {  	v1 =	vadd.f32 v5, v1;
	v5 =	vld [tilespmem:s21+$0xFFFFFF60]  }
0x19c: {  	v0 =	vadd.f32 v6, v0;
	v6 =	vld [tilespmem:s21+$0xFFFFFF70]  }
0x19d: {  	v1 =	vadd.f32 v2, v1;
	v2 =	vld [tilespmem:s21+$0xFFFFFF80]  }
0x19e: {  	v0 =	vadd.f32 v3, v0;
	v3 =	vld [tilespmem:s21+$0xFFFFFF90]  }
0x19f: {  	v1 =	vadd.f32 v4, v1;
	v4 =	vld [tilespmem:s21+$0xFFFFFFA0]  }
0x1a0: {  	v0 =	vadd.f32 v5, v0;
	v5 =	vld [tilespmem:s21+$0xFFFFFFB0]  }
0x1a1: {  	v1 =	vadd.f32 v6, v1;
	v6 =	vld [tilespmem:s21+$0xFFFFFFC0]  }
0x1a2: {  	v0 =	vadd.f32 v2, v0;
	v2 =	vld [tilespmem:s21+$0xFFFFFFD0]  }
0x1a3: {  	v1 =	vadd.f32 v3, v1;
	v3 =	vld [tilespmem:s21+$0xFFFFFFE0]  }
0x1a4: {  	v0 =	vadd.f32 v4, v0;
	v4 =	vld [tilespmem:s21+$0xFFFFFFF0]  }
0x1a5: {  	v1 =	vadd.f32 v5, v1;
	v5 =	vld [tilespmem:s21+$0x0]  }
0x1a6: {  	v0 =	vadd.f32 v6, v0;
	v6 =	vld [tilespmem:s21+$0x10]  }
0x1a7: {  	v1 =	vadd.f32 v2, v1;
	v2 =	vld [tilespmem:s21+$0x20]  }
0x1a8: {  	v0 =	vadd.f32 v3, v0;
	v3 =	vld [tilespmem:s21+$0x30]  }
0x1a9: {  	v1 =	vadd.f32 v4, v1;
	v4 =	vld [tilespmem:s21+$0x40]  }
0x1aa: {  	v0 =	vadd.f32 v5, v0;
	v5 =	vld [tilespmem:s21+$0x50]  }
0x1ab: {  	v1 =	vadd.f32 v6, v1;
	v6 =	vld [tilespmem:s21+$0x60]  }
0x1ac: {  	v0 =	vadd.f32 v2, v0;
	v2 =	vld [tilespmem:s21+$0x70]  }
0x1ad: {  	v1 =	vadd.f32 v3, v1;
	v3 =	vld [tilespmem:s21+$0x80]  }
0x1ae: {  	v0 =	vadd.f32 v4, v0;
	v4 =	vld [tilespmem:s21+$0x90]  }
0x1af: {  	v1 =	vadd.f32 v5, v1;
	v5 =	vld [tilespmem:s21+$0xA0]  }
0x1b0: {  	v0 =	vadd.f32 v6, v0;
	v6 =	vld [tilespmem:s21+$0xB0]  }
0x1b1: {  	v1 =	vadd.f32 v2, v1;
	v2 =	vld [tilespmem:s21+$0xC0]  }
0x1b2: {  	v0 =	vadd.f32 v3, v0;
	v3 =	vld [tilespmem:s21+$0xD0]  }
0x1b3: {  	v1 =	vadd.f32 v4, v1;
	v4 =	vld [tilespmem:s21+$0xE0]  }
0x1b4: {  	v0 =	vadd.f32 v5, v0;
	v5 =	vld [tilespmem:s21+$0xF0]  }
0x1b5: {  	v1 =	vadd.f32 v6, v1;
	v6 =	vld [tilespmem:s21+$0x100]  }
0x1b6: {  	v0 =	vadd.f32 v2, v0;
	v2 =	vld [tilespmem:s21+$0x110]  }
0x1b7: {  	v1 =	vadd.f32 v3, v1;
	v3 =	vld [tilespmem:s21+$0x120]  }
0x1b8: {  	v0 =	vadd.f32 v4, v0;
	v4 =	vld [tilespmem:s21+$0x130]  }
0x1b9: {  	v1 =	vadd.f32 v5, v1;
	v5 =	vld [tilespmem:s21+$0x140]  }
0x1ba: {  	v0 =	vadd.f32 v6, v0;
	v6 =	vld [tilespmem:s21+$0x150]  }
0x1bb: {  	v1 =	vadd.f32 v2, v1;
	v2 =	vld [tilespmem:s21+$0x160]  }
0x1bc: {  	v0 =	vadd.f32 v3, v0;
	v3 =	vld [tilespmem:s21+$0x170]  }
0x1bd: {  	v1 =	vadd.f32 v4, v1;
	v4 =	vld [tilespmem:s21+$0x180]  }
0x1be: {  	v0 =	vadd.f32 v5, v0;
	v5 =	vld [tilespmem:s21+$0x190]  }
0x1bf: {  	v1 =	vadd.f32 v6, v1;
	v6 =	vld [tilespmem:s21+$0x1A0]  }
0x1c0: {  	v0 =	vadd.f32 v2, v0;
	v2 =	vld [tilespmem:s21+$0x1B0]  }
0x1c1: {  	v1 =	vadd.f32 v3, v1;
	v3 =	vld [tilespmem:s21+$0x1C0]  }
0x1c2: {  	v0 =	vadd.f32 v4, v0;
	v4 =	vld [tilespmem:s21+$0x1D0]  }
0x1c3: {  	v1 =	vadd.f32 v5, v1;
	v5 =	vld [tilespmem:s21+$0x1E0]  }
0x1c4: {  	v0 =	vadd.f32 v6, v0;
	v6 =	vld [tilespmem:s21+$0x1F0]  }
0x1c5: {  	v1 =	vadd.f32 v2, v1;
	v2 =	vld [tilespmem:s21+$0x200]  }
0x1c6: {  	v0 =	vadd.f32 v3, v0;
	v3 =	vld [tilespmem:s21+$0x210]  }
0x1c7: {  	v1 =	vadd.f32 v4, v1;
	v4 =	vld [tilespmem:s21+$0x220]  }
0x1c8: {  	v0 =	vadd.f32 v5, v0;
	v5 =	vld [tilespmem:s21+$0x230]  }
0x1c9: {  	v1 =	vadd.f32 v6, v1;
	v6 =	vld [tilespmem:s21+$0x240]  }
0x1ca: {  	v0 =	vadd.f32 v2, v0;
	v2 =	vld [tilespmem:s21+$0x250]  }
0x1cb: {  	v1 =	vadd.f32 v3, v1;
	v3 =	vld [tilespmem:s21+$0x260]  }
0x1cc: {  	v0 =	vadd.f32 v4, v0;
	v4 =	vld [tilespmem:s21+$0x270]  }
0x1cd: {  	v1 =	vadd.f32 v5, v1;
	v5 =	vld [tilespmem:s21+$0x280]  }
0x1ce: {  	v0 =	vadd.f32 v6, v0;
	v6 =	vld [tilespmem:s21+$0x290]  }
0x1cf: {  	v1 =	vadd.f32 v2, v1;
	v2 =	vld [tilespmem:s21+$0x2A0]  }
0x1d0: {  	v0 =	vadd.f32 v3, v0;
	v3 =	vld [tilespmem:s21+$0x2B0]  }
0x1d1: {  	v1 =	vadd.f32 v4, v1;
	v4 =	vld [tilespmem:s21+$0x2C0]  }
0x1d2: {  	v0 =	vadd.f32 v5, v0;
	v5 =	vld [tilespmem:s21+$0x2D0]  }
0x1d3: {  	v1 =	vadd.f32 v6, v1;
	v6 =	vld [tilespmem:s21+$0x2E0]  }
0x1d4: {  	v0 =	vadd.f32 v2, v0;
	v2 =	vld [tilespmem:s21+$0x2F0]  }
0x1d5: {  	v1 =	vadd.f32 v3, v1;
	v3 =	vld [tilespmem:s21+$0x300]  }
0x1d6: {  	v0 =	vadd.f32 v4, v0;
	v4 =	vld [tilespmem:s21+$0x310]  }
0x1d7: {  	v1 =	vadd.f32 v5, v1  }
0x1d8: {  	v0 =	vadd.f32 v6, v0  }
0x1d9: {  	v1 =	vadd.f32 v2, v1  }
.Ltmp1:
0x1da: {  	v0 =	vadd.f32 v3, v0;
	(pc) =	sbr.rel @p0 .LBB2_5-.Ltmp1, $4  }
0x1db: {  	v1 =	vadd.f32 v4, v1  }
0x1dc: {  	v2 =	vmul.f32 $1.999999960e-02, v0  }
0x1dd: {  	s23 =	sshra.s32 s23, $0x2;
	v0 =	vmul.f32 $1.999999960e-02, v1  }
0x1de: {  	[tilespmem:s23+$0x1B100] =	vst v2  }
0x1df: {  	s19 =	sshll.u32 s19, $0x7;
	p0 =	sne.s32 s20, $0x8  }
.Ltmp2:
0x1e0: {  	[tilespmem:s23+$0x1B110] =	vst v0;
	s19 =	sadd.s32 s19, s7;
	(pc) =	sbr.rel @p0 .LBB2_2-.Ltmp2, $4  }
0x1e1: {  	[hbm4b:s19+s2] =	stream.linear.scatter [tilespmem:s17], [sflag:$0x3], $0x400, $0x38;
	[tilespmem:$0x1B500] =	vst v63  }
0x1e2: {  	_ =	swait.ge [sflag:s10], $0x400  }
0x1e3: {  	[sflag:s10] =	ssyncset.done $0x0  }
0x1e4: {  	[sflag:s10] =	ssyncadd.s32 $0xFFFFFC00  }
0x1e5: {  	s18 =	sadd.s32 $0x1, s18  }
0x1e6: {  	p0 =	sne.s32 s18, s9  }
.Ltmp3:
0x1e7: {  	_ = 	snop;
	(pc) =	sbr.rel @p0 .LBB2_1-.Ltmp3, $1  }
0x1e8: {  	_ =	sdelay $0x3  }
0x1e9: {  	_ =	sfence.sel $0x180000  }
0x1ea: {  	[bflag:$0x0] =	sbarrier.arrive $0xFFFF  }
0x1eb: {  	p0 =	sne.s32 s1, $0x0;
	_ =	strace $0x9000004A  }
0x1ec: {  	s0 =	sadd.s32 @!p0 $0x100000, s0;
	[bflag:$0x2] =	sbarrier.arrive $0xFFFF  }
0x1ed: {  	[sflag:s0] =	ssyncadd.tile.s32 @!p0 $0x1;
	_ =	shalt  }
.Lfunc_end2:
_tile_overlayer_lowered:
.L_overlay_start_2:
0x1ee: {  	(tag) =	ssettag $0x2  }
0x1ef: {  	s0 =	rddreg [dreg:$0x0];
	s2 =	stileid.u32  }
0x1f0: {  	s1 =	rddreg [dreg:$0x1];
	p0 =	sne.s32 s2, $0x0  }
0x1f1: {  	s3 =	rddreg [dreg:$0x2];
	[bflag:$0x3] =	sbarrier.arrive $0xFFFF;
	s2 =	simm.s32 @!p0 $0x1C03  }
0x1f2: {  	[timem:s3], [sflag:s2] =	dma.local @!p0 [hbm:s0], s1  }
0x1f3: {  	s0 =	simm.s32 @!p0 $0x3  }
0x1f4: {  	_ =	swait.ge @!p0 [sflag:s0], s1  }
0x1f5: {  	s1 =	ssub.s32 @!p0 $0x0, s1;
	[sflag:s0] =	ssyncset.done @!p0 $0x0  }
0x1f6: {  	[sflag:s0] =	ssyncadd.s32 @!p0 s1  }
0x1f7: {  	[bflag:$0x3] =	sbarrier.arrive $0xFFFF  }
0x1f8: {  	_ =	shalt  }

</sc_bundles>
